<compile_context>
chip_gen: v7x
topology: tpu7x:2x2x1
jax: 0.10.2.dev20260603
libtpu: 0.0.44.dev20260713+nightly
codegen_flags: <defaults>
</compile_context>

<pallas_src>
import functools

import jax
import jax.numpy as jnp
from jax import lax
from jax.experimental import pallas as pl
from jax.experimental.pallas import tpu as pltpu
from jax.experimental.pallas import tpu_sc as plsc

B = 128
V = 100000
K = 64
NEG = -1e30

NW = 32
RPW = B // NW
CH = 50000
NCHUNK = V // CH
G = 25
GROUPS = CH // (16 * G)
DEPTH = 65
FCAP = 448


def _s(v, i):
    return lax.squeeze(lax.slice_in_dim(v, i, i + 1), (0,))


def _iota():
    return lax.iota(jnp.int32, 16)


def _f16(x):
    return jnp.full((16,), x, jnp.float32)


def _i16(x):
    return jnp.full((16,), x, jnp.int32)


def _sc_body(logits_hbm, scal_hbm, g_hbm, norm_hbm, nid_hbm,
             scal_v, g_v, chunk_v, fifo_v, fifo_p, bufv, bufi,
             tmp_f, tmp_i, norm_st, nid_st, dma_sem0, dma_sem1):
    wid = lax.axis_index("s") * 2 + lax.axis_index("c")
    wbase = wid * (RPW * V)
    pltpu.sync_copy(scal_hbm.at[wid], scal_v)
    pltpu.sync_copy(g_hbm.at[wid], g_v)
    pltpu.async_copy(logits_hbm.at[pl.ds(wbase, CH)],
                     chunk_v.at[pl.ds(0, CH)], dma_sem0)

    def _popcnt(m):
        return _s(plsc.all_reduce_population_count(m), 0)

    def _vsum_f(x):
        for kk in (8, 4, 2, 1):
            tmp_f[...] = x
            x = x + plsc.load_gather(tmp_f, [_iota() ^ kk])
        return x

    def _vsum_i(x):
        for kk in (8, 4, 2, 1):
            tmp_i[...] = x
            x = x + plsc.load_gather(tmp_i, [_iota() ^ kk])
        return x

    def _prefix_f(x):
        for kk in (1, 2, 4, 8):
            tmp_f[...] = x
            sh = plsc.load_gather(
                tmp_f, [jnp.maximum(_iota() - kk, _i16(0))])
            x = x + jnp.where(_iota() >= _i16(kk), sh, _f16(0.0))
        return x

    def _minlane(x):
        sk, _sv = plsc.sort_key_val(x, _iota(), descending=False)
        return _s(sk, 0)

    def _maxlane(x):
        sk, _sv = plsc.sort_key_val(x, _iota(), descending=True)
        return _s(sk, 0)

    def bubble16(cv, cp):
        def bb(blk, s):
            cv, cp = s
            for u in range(8):
                j = blk * 8 + u
                bv = bufv[j]
                bi = bufi[j]
                m = cv > bv
                bufv[j] = jnp.where(m, cv, bv)
                bufi[j] = jnp.where(m, cp, bi)
                cv = jnp.where(m, bv, cv)
                cp = jnp.where(m, bi, cp)
            return (cv, cp)
        lax.fori_loop(0, K // 8, bb, (cv, cp))

    def row_body(r, nid_vec):
        row = wid * RPW + r

        def initb(j, c):
            bufv[j] = _f16(NEG)
            bufi[j] = _i16(0)
            return c
        lax.fori_loop(0, DEPTH, initb, 0)

        def chunk_body(c, carry, cb, sem_cur, sem_nxt):
            cnt, theta = carry
            seg = r * NCHUNK + c
            pltpu.make_async_copy(
                logits_hbm.at[pl.ds(wbase, CH)],
                chunk_v.at[pl.ds(cb * CH, CH)], sem_cur).wait()
            nxt = seg + 1

            @pl.when(nxt < RPW * NCHUNK)
            def _prefetch():
                pltpu.async_copy(
                    logits_hbm.at[pl.ds(wbase + nxt * CH, CH)],
                    chunk_v.at[pl.ds(((cb + 1) % 2) * CH, CH)], sem_nxt)

            def group_body(gi, carry):
                cnt, theta = carry
                base = gi * (16 * G)
                tvec = _f16(theta)
                vs = [chunk_v[pl.ds(cb * CH + base + 16 * j, 16)]
                      for j in range(G)]
                gm = vs[0]
                for v in vs[1:]:
                    gm = jnp.maximum(gm, v)
                any_hit = _popcnt(gm >= tvec) > 0

                def trig(carry):
                    cnt, theta = carry
                    tv = _f16(theta)
                    cnt2 = cnt
                    for j in range(G):
                        m = vs[j] >= tv
                        plsc.store_compressed(
                            fifo_v.at[pl.ds(cnt2, 16)], vs[j], mask=m)
                        pos = _iota() + (c * CH + base + j * 16)
                        plsc.store_compressed(
                            fifo_p.at[pl.ds(cnt2, 16)], pos, mask=m)
                        cnt2 = cnt2 + _popcnt(m)

                    def dcond(s):
                        rd, th = s
                        return rd + 16 <= cnt2

                    def dbody(s):
                        rd, th = s
                        cv = fifo_v[pl.ds(rd, 16)]
                        cp = fifo_p[pl.ds(rd, 16)]
                        bubble16(cv, cp)
                        return (rd + 16, _minlane(bufv[3]))

                    rd, theta2 = lax.while_loop(
                        dcond, dbody, (jnp.int32(0), theta))
                    n = cnt2 - rd
                    mres = _iota() < _i16(n)
                    rv = plsc.load_expanded(
                        fifo_v.at[pl.ds(rd, 16)], mask=mres)
                    rp = plsc.load_expanded(
                        fifo_p.at[pl.ds(rd, 16)], mask=mres)
                    plsc.store_compressed(
                        fifo_v.at[pl.ds(0, 16)], rv, mask=mres)
                    plsc.store_compressed(
                        fifo_p.at[pl.ds(0, 16)], rp, mask=mres)
                    return (n, theta2)

                return lax.cond(any_hit, trig, lambda carry: carry,
                                (cnt, theta))

            return lax.fori_loop(0, GROUPS, group_body, (cnt, theta))

        carry0 = (jnp.int32(0), jnp.float32(NEG))
        carry0 = chunk_body(0, carry0, 0, dma_sem0, dma_sem1)
        cnt, theta = chunk_body(1, carry0, 1, dma_sem1, dma_sem0)

        mres = _iota() < _i16(cnt)
        cv = plsc.load_expanded(fifo_v.at[pl.ds(0, 16)], mask=mres)
        cp = plsc.load_expanded(fifo_p.at[pl.ds(0, 16)], mask=mres)
        bubble16(jnp.where(mres, cv, _f16(NEG)),
                 jnp.where(mres, cp, _i16(0)))

        def ext_body(k, carry):
            dv, ov, oi = carry
            W = plsc.load_gather(bufv, [dv, _iota()])
            Wi = plsc.load_gather(bufi, [dv, _iota()])
            packed = Wi * 16 + _iota()
            sv, sp = plsc.sort_key_val(W, packed, descending=True)
            p0 = _s(sp, 0)
            v0 = _f16(_s(sv, 0))
            tok = _i16(lax.shift_right_logical(p0, 4))
            l0 = _i16(lax.rem(p0, 16))
            dv = jnp.minimum(
                dv + jnp.where(_iota() == l0, _i16(1), _i16(0)),
                _i16(DEPTH - 1))
            ov = [jnp.where(_iota() == _i16(k - 16 * j), v0, ov[j])
                  for j in range(4)]
            oi = [jnp.where(_iota() == _i16(k - 16 * j), tok, oi[j])
                  for j in range(4)]
            return (dv, ov, oi)

        _, xs, ids = lax.fori_loop(
            0, K, ext_body,
            (_i16(0), [_f16(NEG)] * 4, [_i16(0)] * 4))

        tv_ = plsc.load_gather(scal_v, [_i16(r)])
        tkv = plsc.load_gather(scal_v, [_i16(RPW + r)])
        tpv = plsc.load_gather(scal_v, [_i16(2 * RPW + r)])
        mpv = plsc.load_gather(scal_v, [_i16(3 * RPW + r)])
        inv_t = _f16(1.0) / tv_
        pos = [_iota() + 16 * j for j in range(4)]
        posf = [p.astype(jnp.float32) for p in pos]
        km = [pf < tkv for pf in posf]
        masked = [jnp.where(km[j], xs[j] * inv_t, _f16(NEG))
                  for j in range(4)]
        m0v = _f16(_s(masked[0], 0))
        e = [jnp.exp(masked[j] - m0v) for j in range(4)]
        z = _vsum_f(e[0] + e[1] + e[2] + e[3])
        invz = _f16(1.0) / z
        pr = [e[j] * invz for j in range(4)]
        carry = _f16(0.0)
        excl = []
        for j in range(4):
            incl = _prefix_f(pr[j])
            excl.append(incl - pr[j] + carry)
            carry = carry + _f16(_s(incl, 15))
        pm = [excl[j] < tpv for j in range(4)]
        thr = mpv * _f16(_s(pr[0], 0))
        mm = [pr[j] >= thr for j in range(4)]
        fin = [(km[j] & pm[j] & mm[j]) | (pos[j] == _i16(0))
               for j in range(4)]
        mpr = [jnp.where(fin[j], pr[j], _f16(0.0)) for j in range(4)]
        zn = _vsum_f(mpr[0] + mpr[1] + mpr[2] + mpr[3])
        invzn = _f16(1.0) / zn
        for j in range(4):
            norm_st[pl.ds(r * K + 16 * j, 16)] = mpr[j] * invzn
        gs = [g_v[pl.ds(r * K + 16 * j, 16)] for j in range(4)]
        sc = [jnp.where(fin[j], masked[j] + gs[j], _f16(NEG))
              for j in range(4)]
        sv = jnp.maximum(jnp.maximum(sc[0], sc[1]),
                         jnp.maximum(sc[2], sc[3]))
        bms = _f16(_maxlane(sv))
        ch = [jnp.where(sc[j] == bms, pos[j], _i16(K)) for j in range(4)]
        cv2 = jnp.minimum(jnp.minimum(ch[0], ch[1]),
                          jnp.minimum(ch[2], ch[3]))
        sk, _sv2 = plsc.sort_key_val(cv2, _iota(), descending=False)
        choice = _i16(_s(sk, 0))
        nsel = [jnp.where(pos[j] == choice, ids[j], _i16(0))
                for j in range(4)]
        nid_spl = _vsum_i(nsel[0] + nsel[1] + nsel[2] + nsel[3])
        return jnp.where(_iota() == _i16(r), nid_spl, nid_vec)

    nid_vec_out = lax.fori_loop(0, RPW, row_body, _i16(0))
    nid_st[...] = nid_vec_out
    pltpu.sync_copy(norm_st, norm_hbm.at[pl.ds(wid * RPW * K, RPW * K)])
    pltpu.sync_copy(nid_st, nid_hbm.at[wid])


@functools.partial(jax.jit, static_argnums=())
def _sc_call(logits1d, scal, g):
    mesh = plsc.VectorSubcoreMesh(core_axis_name="c", subcore_axis_name="s")
    f = pl.kernel(
        _sc_body,
        mesh=mesh,
        compiler_params=pltpu.CompilerParams(needs_layout_passes=False),
        out_type=(
            jax.ShapeDtypeStruct((B * K,), jnp.float32),
            jax.ShapeDtypeStruct((NW, 16), jnp.int32),
        ),
        scratch_types=[
            pltpu.VMEM((16,), jnp.float32),
            pltpu.VMEM((RPW * K,), jnp.float32),
            pltpu.VMEM((2 * CH,), jnp.float32),
            pltpu.VMEM((FCAP,), jnp.float32),
            pltpu.VMEM((FCAP,), jnp.int32),
            pltpu.VMEM((DEPTH, 16), jnp.float32),
            pltpu.VMEM((DEPTH, 16), jnp.int32),
            pltpu.VMEM((16,), jnp.float32),
            pltpu.VMEM((16,), jnp.int32),
            pltpu.VMEM((RPW * K,), jnp.float32),
            pltpu.VMEM((16,), jnp.int32),
            pltpu.SemaphoreType.DMA,
            pltpu.SemaphoreType.DMA,
        ],
    )
    return f(logits1d, scal, g)


def kernel(logits, temperature, top_k, top_p, min_p):
    logits1d = logits.reshape(B * V)
    scal = jnp.concatenate(
        [temperature.reshape(NW, RPW),
         top_k.astype(jnp.float32).reshape(NW, RPW),
         top_p.reshape(NW, RPW),
         min_p.reshape(NW, RPW)], axis=1)
    g = jax.random.gumbel(
        jax.random.key(42), (B, K), jnp.float32).reshape(NW, RPW * K)
    norm1d, nid2 = _sc_call(logits1d, scal, g)
    return nid2[:, :RPW].reshape(B), norm1d.reshape(B, K)

# --- scband reference (transcript-rebuilt; emitter-appended) ---
"""Pipeline reference for scband-sampler-31971736551494 (READ-ONLY COPY).

The authoritative reference and input builder live on the scoring server;
editing this copy changes nothing except your own understanding.
"""

import jax, jax.numpy as jnp
import numpy as np

B = 128
V = 100000
MAX_TOP_K = 64
NEG = -1e30


def setup_inputs(seed: int = 0) -> dict:
    key = jax.random.key(seed)
    k1, k2, k3, k4, k5 = jax.random.split(key, 5)
    logits = jax.random.normal(k1, (B, V), dtype=jnp.float32)
    temperature = 0.5 + jax.random.uniform(k2, (B,), dtype=jnp.float32)
    top_k = jax.random.randint(k3, (B,), 1, MAX_TOP_K + 1, dtype=jnp.int32)
    top_p = 0.5 + 0.5 * jax.random.uniform(k4, (B,), dtype=jnp.float32)
    min_p = 0.1 * jax.random.uniform(k5, (B,), dtype=jnp.float32)
    return {"logits": logits, "temperature": temperature, "top_k": top_k, "top_p": top_p, "min_p": min_p}


def _sample_from_logit(logits, temperature, top_k, top_p, min_p, max_top_k):
    # temperature scaling
    s = logits / temperature[:, None]
    # per-row top max_top_k candidates (sorted descending)
    vals, idx = jax.lax.top_k(s, max_top_k)
    pos = jnp.arange(max_top_k, dtype=jnp.int32)[None, :]
    # per-request top_k mask
    k_mask = pos < top_k[:, None]
    masked = jnp.where(k_mask, vals, NEG)
    probs = jax.nn.softmax(masked, axis=-1)
    # top_p (nucleus) mask: keep token if cumulative prob before it < top_p
    cum = jnp.cumsum(probs, axis=-1)
    p_mask = (cum - probs) < top_p[:, None]
    # min_p mask: keep token if prob >= min_p * max_prob
    max_prob = probs[:, :1]
    m_mask = probs >= (min_p[:, None] * max_prob)
    final_mask = k_mask & p_mask & m_mask
    final_mask = final_mask.at[:, 0].set(True)  # always keep argmax token
    masked_probs = jnp.where(final_mask, probs, 0.0)
    norm = masked_probs / jnp.sum(masked_probs, axis=-1, keepdims=True)
    # deterministic gumbel-max sampling over the masked candidate set
    gkey = jax.random.key(42)
    g = jax.random.gumbel(gkey, norm.shape, dtype=norm.dtype)
    safe = jnp.where(final_mask, norm, 1e-30)
    logp = jnp.log(safe) + jnp.where(final_mask, 0.0, NEG)
    choice = jnp.argmax(logp + g, axis=-1)
    next_ids = jnp.take_along_axis(idx, choice[:, None], axis=1)[:, 0]
    return next_ids, norm


def reference(logits, temperature, top_k, top_p, min_p):
    next_ids, norm = _sample_from_logit(logits, temperature, top_k, top_p, min_p, MAX_TOP_K)
    return next_ids, norm

if __name__ == "__main__":
    import jax
    _d = setup_inputs()
    print(jax.jit(kernel)(*tuple(_d.values())))

</pallas_src>

<mosaic_0001>
#map = affine_map<(d0, d1) -> (0)>
#map1 = affine_map<(d0, d1) -> (0, 0)>
module attributes {stable_mosaic.version = 14 : i64} {
  func.func @_sc_body(%arg0: i32, %arg1: i32, %arg2: memref<12800000xf32, #tpu.memory_space<hbm>>, %arg3: memref<32x16xf32, #tpu.memory_space<hbm>>, %arg4: memref<32x256xf32, #tpu.memory_space<hbm>>, %arg5: memref<8192xf32, #tpu.memory_space<hbm>>, %arg6: memref<32x16xi32, #tpu.memory_space<hbm>>, %arg7: memref<16xf32, #tpu.memory_space<vmem>>, %arg8: memref<256xf32, #tpu.memory_space<vmem>>, %arg9: memref<100000xf32, #tpu.memory_space<vmem>>, %arg10: memref<448xf32, #tpu.memory_space<vmem>>, %arg11: memref<448xi32, #tpu.memory_space<vmem>>, %arg12: memref<65x16xf32, #tpu.memory_space<vmem>>, %arg13: memref<65x16xi32, #tpu.memory_space<vmem>>, %arg14: memref<16xf32, #tpu.memory_space<vmem>>, %arg15: memref<16xi32, #tpu.memory_space<vmem>>, %arg16: memref<256xf32, #tpu.memory_space<vmem>>, %arg17: memref<16xi32, #tpu.memory_space<vmem>>, %arg18: memref<!tpu.dma_semaphore, #tpu.memory_space<semaphore_mem>>, %arg19: memref<!tpu.dma_semaphore, #tpu.memory_space<semaphore_mem>>) attributes {dimension_semantics = [#tpu.dimension_semantics<core_parallel>, #tpu.dimension_semantics<subcore_parallel>], iteration_bounds = array<i64: 2, 16>, scalar_prefetch = 0 : i64, scratch_operands = 13 : i64, tpu.core_type = #tpu.core_type<sc_vector_subcore>, window_params = [{transform_indices = #map}, {transform_indices = #map1}, {transform_indices = #map1}, {transform_indices = #map}, {transform_indices = #map1}]} {
    %mul3A = arith.constant 2 : i32
    %mul3A_0 = arith.muli %arg1, %mul3A : i32
    %add3A = arith.addi %mul3A_0, %arg0 : i32
    %mul3A_1 = arith.constant 400000 : i32
    %mul3A_2 = arith.muli %add3A, %mul3A_1 : i32
    "tpu.region"() ({
      %run_scoped3A = tpu.sem_alloc : memref<!tpu.dma_semaphore, #tpu.memory_space<semaphore_mem>>
      %dma_start3A_19 = arith.constant 0 : i32
      %dma_start3A_20 = tpu.memref_slice %arg3[%add3A, %dma_start3A_19] : memref<32x16xf32, #tpu.memory_space<hbm>> -> memref<1x16xf32, #tpu.memory_space<hbm>>
      %dma_start3A_21 = tpu.memref_squeeze %dma_start3A_20 : memref<1x16xf32, #tpu.memory_space<hbm>> -> memref<16xf32, #tpu.memory_space<hbm>>
      %dma_start3A_22 = arith.constant 0 : i32
      %dma_start3A_23 = tpu.memref_slice %arg3[%add3A, %dma_start3A_22] : memref<32x16xf32, #tpu.memory_space<hbm>> -> memref<1x16xf32, #tpu.memory_space<hbm>>
      %dma_start3A_24 = tpu.memref_squeeze %dma_start3A_23 : memref<1x16xf32, #tpu.memory_space<hbm>> -> memref<16xf32, #tpu.memory_space<hbm>>
      tpu.enqueue_dma source(%dma_start3A_24 : memref<16xf32, #tpu.memory_space<hbm>>) target(%arg7 : memref<16xf32, #tpu.memory_space<vmem>>) target_semaphore(%run_scoped3A : memref<!tpu.dma_semaphore, #tpu.memory_space<semaphore_mem>>)
      %dma_wait3A = arith.constant 0 : i32
      %dma_wait3A_25 = tpu.memref_slice %arg3[%add3A, %dma_wait3A] : memref<32x16xf32, #tpu.memory_space<hbm>> -> memref<1x16xf32, #tpu.memory_space<hbm>>
      %dma_wait3A_26 = tpu.memref_squeeze %dma_wait3A_25 : memref<1x16xf32, #tpu.memory_space<hbm>> -> memref<16xf32, #tpu.memory_space<hbm>>
      %dma_wait3A_27 = arith.constant 0 : i32
      %dma_wait3A_28 = tpu.memref_slice %arg3[%add3A, %dma_wait3A_27] : memref<32x16xf32, #tpu.memory_space<hbm>> -> memref<1x16xf32, #tpu.memory_space<hbm>>
      %dma_wait3A_29 = tpu.memref_squeeze %dma_wait3A_28 : memref<1x16xf32, #tpu.memory_space<hbm>> -> memref<16xf32, #tpu.memory_space<hbm>>
      tpu.wait_dma2 semaphore(%run_scoped3A : memref<!tpu.dma_semaphore, #tpu.memory_space<semaphore_mem>>) src(%dma_wait3A_29 : memref<16xf32, #tpu.memory_space<hbm>>) dst(%arg7 : memref<16xf32, #tpu.memory_space<vmem>>)
      tpu.yield
    }) : () -> ()
    "tpu.region"() ({
      %run_scoped3A = tpu.sem_alloc : memref<!tpu.dma_semaphore, #tpu.memory_space<semaphore_mem>>
      %dma_start3A_19 = arith.constant 0 : i32
      %dma_start3A_20 = tpu.memref_slice %arg4[%add3A, %dma_start3A_19] : memref<32x256xf32, #tpu.memory_space<hbm>> -> memref<1x256xf32, #tpu.memory_space<hbm>>
      %dma_start3A_21 = tpu.memref_squeeze %dma_start3A_20 : memref<1x256xf32, #tpu.memory_space<hbm>> -> memref<256xf32, #tpu.memory_space<hbm>>
      %dma_start3A_22 = arith.constant 0 : i32
      %dma_start3A_23 = tpu.memref_slice %arg4[%add3A, %dma_start3A_22] : memref<32x256xf32, #tpu.memory_space<hbm>> -> memref<1x256xf32, #tpu.memory_space<hbm>>
      %dma_start3A_24 = tpu.memref_squeeze %dma_start3A_23 : memref<1x256xf32, #tpu.memory_space<hbm>> -> memref<256xf32, #tpu.memory_space<hbm>>
      tpu.enqueue_dma source(%dma_start3A_24 : memref<256xf32, #tpu.memory_space<hbm>>) target(%arg8 : memref<256xf32, #tpu.memory_space<vmem>>) target_semaphore(%run_scoped3A : memref<!tpu.dma_semaphore, #tpu.memory_space<semaphore_mem>>)
      %dma_wait3A = arith.constant 0 : i32
      %dma_wait3A_25 = tpu.memref_slice %arg4[%add3A, %dma_wait3A] : memref<32x256xf32, #tpu.memory_space<hbm>> -> memref<1x256xf32, #tpu.memory_space<hbm>>
      %dma_wait3A_26 = tpu.memref_squeeze %dma_wait3A_25 : memref<1x256xf32, #tpu.memory_space<hbm>> -> memref<256xf32, #tpu.memory_space<hbm>>
      %dma_wait3A_27 = arith.constant 0 : i32
      %dma_wait3A_28 = tpu.memref_slice %arg4[%add3A, %dma_wait3A_27] : memref<32x256xf32, #tpu.memory_space<hbm>> -> memref<1x256xf32, #tpu.memory_space<hbm>>
      %dma_wait3A_29 = tpu.memref_squeeze %dma_wait3A_28 : memref<1x256xf32, #tpu.memory_space<hbm>> -> memref<256xf32, #tpu.memory_space<hbm>>
      tpu.wait_dma2 semaphore(%run_scoped3A : memref<!tpu.dma_semaphore, #tpu.memory_space<semaphore_mem>>) src(%dma_wait3A_29 : memref<256xf32, #tpu.memory_space<hbm>>) dst(%arg8 : memref<256xf32, #tpu.memory_space<vmem>>)
      tpu.yield
    }) : () -> ()
    %dma_start3A = arith.constant 0 : i32
    %dma_start3A_3 = tpu.memref_slice %arg9[%dma_start3A] : memref<100000xf32, #tpu.memory_space<vmem>> -> memref<50000xf32, #tpu.memory_space<vmem>>
    %dma_start3A_4 = tpu.memref_slice %arg2[%mul3A_2] : memref<12800000xf32, #tpu.memory_space<hbm>> -> memref<50000xf32, #tpu.memory_space<hbm>>
    %dma_start3A_5 = arith.constant 0 : i32
    %dma_start3A_6 = tpu.memref_slice %arg9[%dma_start3A_5] : memref<100000xf32, #tpu.memory_space<vmem>> -> memref<50000xf32, #tpu.memory_space<vmem>>
    %dma_start3A_7 = tpu.memref_slice %arg2[%mul3A_2] : memref<12800000xf32, #tpu.memory_space<hbm>> -> memref<50000xf32, #tpu.memory_space<hbm>>
    tpu.enqueue_dma source(%dma_start3A_7 : memref<50000xf32, #tpu.memory_space<hbm>>) target(%dma_start3A_6 : memref<50000xf32, #tpu.memory_space<vmem>>) target_semaphore(%arg18 : memref<!tpu.dma_semaphore, #tpu.memory_space<semaphore_mem>>)
    %broadcast_in_dim3A = arith.constant 0 : i32
    %broadcast_in_dim3A_8 = vector.broadcast %broadcast_in_dim3A : i32 to vector<16xi32>
    %scan3A = arith.constant 0 : i32
    %scan3A_9 = arith.constant 4 : i32
    %scan3A_10 = arith.addi %scan3A, %scan3A_9 : i32
    %scan3A_11 = arith.constant 1 : i32
    %scan3A_12 = scf.for %scan3A_19 = %scan3A to %scan3A_10 step %scan3A_11 iter_args(%scan3A_20 = %broadcast_in_dim3A_8) -> (vector<16xi32>)  : i32 {
      %mul3A_21 = arith.constant 4 : i32
      %mul3A_22 = arith.muli %add3A, %mul3A_21 : i32
      %add3A_23 = arith.addi %mul3A_22, %scan3A_19 : i32
      %scan3A_24 = arith.constant 0 : i32
      %scan3A_25 = arith.constant 0 : i32
      %scan3A_26 = arith.constant 65 : i32
      %scan3A_27 = arith.addi %scan3A_25, %scan3A_26 : i32
      %scan3A_28 = arith.constant 1 : i32
      scf.for %scan3A_762 = %scan3A_25 to %scan3A_27 step %scan3A_28  : i32 {
        %broadcast_in_dim3A_763 = arith.constant -1.000000e+30 : f32
        %broadcast_in_dim3A_764 = vector.broadcast %broadcast_in_dim3A_763 : f32 to vector<16xf32>
        %swap3A_765 = arith.index_cast %scan3A_762 : i32 to index
        %swap3A_766 = arith.constant 0 : index
        %swap3A_767 = tpu.vector_load %arg12[%swap3A_765, %swap3A_766] {strides = array<i32>} : memref<65x16xf32, #tpu.memory_space<vmem>>, vector<16xf32>,
        tpu.vector_store %arg12[%swap3A_765, %swap3A_766], %broadcast_in_dim3A_764 {strides = array<i32>} : memref<65x16xf32, #tpu.memory_space<vmem>>, vector<16xf32>,
        %broadcast_in_dim3A_768 = arith.constant 0 : i32
        %broadcast_in_dim3A_769 = vector.broadcast %broadcast_in_dim3A_768 : i32 to vector<16xi32>
        %swap3A_770 = arith.index_cast %scan3A_762 : i32 to index
        %swap3A_771 = arith.constant 0 : index
        %swap3A_772 = tpu.vector_load %arg13[%swap3A_770, %swap3A_771] {strides = array<i32>} : memref<65x16xi32, #tpu.memory_space<vmem>>, vector<16xi32>,
        tpu.vector_store %arg13[%swap3A_770, %swap3A_771], %broadcast_in_dim3A_769 {strides = array<i32>} : memref<65x16xi32, #tpu.memory_space<vmem>>, vector<16xi32>,
      }
      %scan3A_29 = arith.constant 65 : i32
      %mul3A_30 = arith.constant 2 : i32
      %mul3A_31 = arith.muli %scan3A_19, %mul3A_30 : i32
      %add3A_32 = arith.constant 0 : i32
      %add3A_33 = arith.addi %mul3A_31, %add3A_32 : i32
      %dma_wait3A = arith.constant 0 : i32
      %dma_wait3A_34 = tpu.memref_slice %arg9[%dma_wait3A] : memref<100000xf32, #tpu.memory_space<vmem>> -> memref<50000xf32, #tpu.memory_space<vmem>>
      %dma_wait3A_35 = tpu.memref_slice %arg2[%mul3A_2] : memref<12800000xf32, #tpu.memory_space<hbm>> -> memref<50000xf32, #tpu.memory_space<hbm>>
      %dma_wait3A_36 = arith.constant 0 : i32
      %dma_wait3A_37 = tpu.memref_slice %arg9[%dma_wait3A_36] : memref<100000xf32, #tpu.memory_space<vmem>> -> memref<50000xf32, #tpu.memory_space<vmem>>
      %dma_wait3A_38 = tpu.memref_slice %arg2[%mul3A_2] : memref<12800000xf32, #tpu.memory_space<hbm>> -> memref<50000xf32, #tpu.memory_space<hbm>>
      tpu.wait_dma2 semaphore(%arg18 : memref<!tpu.dma_semaphore, #tpu.memory_space<semaphore_mem>>) src(%dma_wait3A_38 : memref<50000xf32, #tpu.memory_space<hbm>>) dst(%dma_wait3A_37 : memref<50000xf32, #tpu.memory_space<vmem>>)
      %add3A_39 = arith.constant 1 : i32
      %add3A_40 = arith.addi %add3A_33, %add3A_39 : i32
      %lt3A = arith.constant 8 : i32
      %lt3A_41 = arith.cmpi slt, %add3A_40, %lt3A : i32
      %convert_element_type3A = arith.extui %lt3A_41 : i1 to i32
      %cond3A = arith.constant 0 : i32
      %cond3A_42 = arith.cmpi ne, %convert_element_type3A, %cond3A : i32
      scf.if %cond3A_42 {
        %mul3A_762 = arith.constant 50000 : i32
        %mul3A_763 = arith.muli %add3A_40, %mul3A_762 : i32
        %add3A_764 = arith.addi %mul3A_2, %mul3A_763 : i32
        %dma_start3A_765 = arith.constant 50000 : i32
        %dma_start3A_766 = tpu.memref_slice %arg9[%dma_start3A_765] : memref<100000xf32, #tpu.memory_space<vmem>> -> memref<50000xf32, #tpu.memory_space<vmem>>
        %dma_start3A_767 = tpu.memref_slice %arg2[%add3A_764] : memref<12800000xf32, #tpu.memory_space<hbm>> -> memref<50000xf32, #tpu.memory_space<hbm>>
        %dma_start3A_768 = arith.constant 50000 : i32
        %dma_start3A_769 = tpu.memref_slice %arg9[%dma_start3A_768] : memref<100000xf32, #tpu.memory_space<vmem>> -> memref<50000xf32, #tpu.memory_space<vmem>>
        %dma_start3A_770 = tpu.memref_slice %arg2[%add3A_764] : memref<12800000xf32, #tpu.memory_space<hbm>> -> memref<50000xf32, #tpu.memory_space<hbm>>
        tpu.enqueue_dma source(%dma_start3A_770 : memref<50000xf32, #tpu.memory_space<hbm>>) target(%dma_start3A_769 : memref<50000xf32, #tpu.memory_space<vmem>>) target_semaphore(%arg19 : memref<!tpu.dma_semaphore, #tpu.memory_space<semaphore_mem>>)
      } else {
      }
      %scan3A_43 = arith.constant 0 : i32
      %scan3A_44 = arith.constant -1.000000e+30 : f32
      %scan3A_45 = arith.constant 0 : i32
      %scan3A_46 = arith.constant 125 : i32
      %scan3A_47 = arith.addi %scan3A_45, %scan3A_46 : i32
      %scan3A_48 = arith.constant 1 : i32
      %scan3A_49:2 = scf.for %scan3A_762 = %scan3A_45 to %scan3A_47 step %scan3A_48 iter_args(%scan3A_763 = %scan3A_43, %scan3A_764 = %scan3A_44) -> (i32, f32)  : i32 {
        %mul3A_765 = arith.constant 400 : i32
        %mul3A_766 = arith.muli %scan3A_762, %mul3A_765 : i32
        %broadcast_in_dim3A_767 = vector.broadcast %scan3A_764 : f32 to vector<16xf32>
        %add3A_768 = arith.constant 0 : i32
        %add3A_769 = arith.addi %add3A_768, %mul3A_766 : i32
        %add3A_770 = arith.constant 0 : i32
        %add3A_771 = arith.addi %add3A_769, %add3A_770 : i32
        %get3A_772 = arith.index_cast %add3A_771 : i32 to index
        %get3A_773 = tpu.vector_load %arg9[%get3A_772] {strides = array<i32>} : memref<100000xf32, #tpu.memory_space<vmem>>, vector<16xf32>,
        %add3A_774 = arith.constant 0 : i32
        %add3A_775 = arith.addi %add3A_774, %mul3A_766 : i32
        %add3A_776 = arith.constant 16 : i32
        %add3A_777 = arith.addi %add3A_775, %add3A_776 : i32
        %get3A_778 = arith.index_cast %add3A_777 : i32 to index
        %get3A_779 = tpu.vector_load %arg9[%get3A_778] {strides = array<i32>} : memref<100000xf32, #tpu.memory_space<vmem>>, vector<16xf32>,
        %add3A_780 = arith.constant 0 : i32
        %add3A_781 = arith.addi %add3A_780, %mul3A_766 : i32
        %add3A_782 = arith.constant 32 : i32
        %add3A_783 = arith.addi %add3A_781, %add3A_782 : i32
        %get3A_784 = arith.index_cast %add3A_783 : i32 to index
        %get3A_785 = tpu.vector_load %arg9[%get3A_784] {strides = array<i32>} : memref<100000xf32, #tpu.memory_space<vmem>>, vector<16xf32>,
        %add3A_786 = arith.constant 0 : i32
        %add3A_787 = arith.addi %add3A_786, %mul3A_766 : i32
        %add3A_788 = arith.constant 48 : i32
        %add3A_789 = arith.addi %add3A_787, %add3A_788 : i32
        %get3A_790 = arith.index_cast %add3A_789 : i32 to index
        %get3A_791 = tpu.vector_load %arg9[%get3A_790] {strides = array<i32>} : memref<100000xf32, #tpu.memory_space<vmem>>, vector<16xf32>,
        %add3A_792 = arith.constant 0 : i32
        %add3A_793 = arith.addi %add3A_792, %mul3A_766 : i32
        %add3A_794 = arith.constant 64 : i32
        %add3A_795 = arith.addi %add3A_793, %add3A_794 : i32
        %get3A_796 = arith.index_cast %add3A_795 : i32 to index
        %get3A_797 = tpu.vector_load %arg9[%get3A_796] {strides = array<i32>} : memref<100000xf32, #tpu.memory_space<vmem>>, vector<16xf32>,
        %add3A_798 = arith.constant 0 : i32
        %add3A_799 = arith.addi %add3A_798, %mul3A_766 : i32
        %add3A_800 = arith.constant 80 : i32
        %add3A_801 = arith.addi %add3A_799, %add3A_800 : i32
        %get3A_802 = arith.index_cast %add3A_801 : i32 to index
        %get3A_803 = tpu.vector_load %arg9[%get3A_802] {strides = array<i32>} : memref<100000xf32, #tpu.memory_space<vmem>>, vector<16xf32>,
        %add3A_804 = arith.constant 0 : i32
        %add3A_805 = arith.addi %add3A_804, %mul3A_766 : i32
        %add3A_806 = arith.constant 96 : i32
        %add3A_807 = arith.addi %add3A_805, %add3A_806 : i32
        %get3A_808 = arith.index_cast %add3A_807 : i32 to index
        %get3A_809 = tpu.vector_load %arg9[%get3A_808] {strides = array<i32>} : memref<100000xf32, #tpu.memory_space<vmem>>, vector<16xf32>,
        %add3A_810 = arith.constant 0 : i32
        %add3A_811 = arith.addi %add3A_810, %mul3A_766 : i32
        %add3A_812 = arith.constant 112 : i32
        %add3A_813 = arith.addi %add3A_811, %add3A_812 : i32
        %get3A_814 = arith.index_cast %add3A_813 : i32 to index
        %get3A_815 = tpu.vector_load %arg9[%get3A_814] {strides = array<i32>} : memref<100000xf32, #tpu.memory_space<vmem>>, vector<16xf32>,
        %add3A_816 = arith.constant 0 : i32
        %add3A_817 = arith.addi %add3A_816, %mul3A_766 : i32
        %add3A_818 = arith.constant 128 : i32
        %add3A_819 = arith.addi %add3A_817, %add3A_818 : i32
        %get3A_820 = arith.index_cast %add3A_819 : i32 to index
        %get3A_821 = tpu.vector_load %arg9[%get3A_820] {strides = array<i32>} : memref<100000xf32, #tpu.memory_space<vmem>>, vector<16xf32>,
        %add3A_822 = arith.constant 0 : i32
        %add3A_823 = arith.addi %add3A_822, %mul3A_766 : i32
        %add3A_824 = arith.constant 144 : i32
        %add3A_825 = arith.addi %add3A_823, %add3A_824 : i32
        %get3A_826 = arith.index_cast %add3A_825 : i32 to index
        %get3A_827 = tpu.vector_load %arg9[%get3A_826] {strides = array<i32>} : memref<100000xf32, #tpu.memory_space<vmem>>, vector<16xf32>,
        %add3A_828 = arith.constant 0 : i32
        %add3A_829 = arith.addi %add3A_828, %mul3A_766 : i32
        %add3A_830 = arith.constant 160 : i32
        %add3A_831 = arith.addi %add3A_829, %add3A_830 : i32
        %get3A_832 = arith.index_cast %add3A_831 : i32 to index
        %get3A_833 = tpu.vector_load %arg9[%get3A_832] {strides = array<i32>} : memref<100000xf32, #tpu.memory_space<vmem>>, vector<16xf32>,
        %add3A_834 = arith.constant 0 : i32
        %add3A_835 = arith.addi %add3A_834, %mul3A_766 : i32
        %add3A_836 = arith.constant 176 : i32
        %add3A_837 = arith.addi %add3A_835, %add3A_836 : i32
        %get3A_838 = arith.index_cast %add3A_837 : i32 to index
        %get3A_839 = tpu.vector_load %arg9[%get3A_838] {strides = array<i32>} : memref<100000xf32, #tpu.memory_space<vmem>>, vector<16xf32>,
        %add3A_840 = arith.constant 0 : i32
        %add3A_841 = arith.addi %add3A_840, %mul3A_766 : i32
        %add3A_842 = arith.constant 192 : i32
        %add3A_843 = arith.addi %add3A_841, %add3A_842 : i32
        %get3A_844 = arith.index_cast %add3A_843 : i32 to index
        %get3A_845 = tpu.vector_load %arg9[%get3A_844] {strides = array<i32>} : memref<100000xf32, #tpu.memory_space<vmem>>, vector<16xf32>,
        %add3A_846 = arith.constant 0 : i32
        %add3A_847 = arith.addi %add3A_846, %mul3A_766 : i32
        %add3A_848 = arith.constant 208 : i32
        %add3A_849 = arith.addi %add3A_847, %add3A_848 : i32
        %get3A_850 = arith.index_cast %add3A_849 : i32 to index
        %get3A_851 = tpu.vector_load %arg9[%get3A_850] {strides = array<i32>} : memref<100000xf32, #tpu.memory_space<vmem>>, vector<16xf32>,
        %add3A_852 = arith.constant 0 : i32
        %add3A_853 = arith.addi %add3A_852, %mul3A_766 : i32
        %add3A_854 = arith.constant 224 : i32
        %add3A_855 = arith.addi %add3A_853, %add3A_854 : i32
        %get3A_856 = arith.index_cast %add3A_855 : i32 to index
        %get3A_857 = tpu.vector_load %arg9[%get3A_856] {strides = array<i32>} : memref<100000xf32, #tpu.memory_space<vmem>>, vector<16xf32>,
        %add3A_858 = arith.constant 0 : i32
        %add3A_859 = arith.addi %add3A_858, %mul3A_766 : i32
        %add3A_860 = arith.constant 240 : i32
        %add3A_861 = arith.addi %add3A_859, %add3A_860 : i32
        %get3A_862 = arith.index_cast %add3A_861 : i32 to index
        %get3A_863 = tpu.vector_load %arg9[%get3A_862] {strides = array<i32>} : memref<100000xf32, #tpu.memory_space<vmem>>, vector<16xf32>,
        %add3A_864 = arith.constant 0 : i32
        %add3A_865 = arith.addi %add3A_864, %mul3A_766 : i32
        %add3A_866 = arith.constant 256 : i32
        %add3A_867 = arith.addi %add3A_865, %add3A_866 : i32
        %get3A_868 = arith.index_cast %add3A_867 : i32 to index
        %get3A_869 = tpu.vector_load %arg9[%get3A_868] {strides = array<i32>} : memref<100000xf32, #tpu.memory_space<vmem>>, vector<16xf32>,
        %add3A_870 = arith.constant 0 : i32
        %add3A_871 = arith.addi %add3A_870, %mul3A_766 : i32
        %add3A_872 = arith.constant 272 : i32
        %add3A_873 = arith.addi %add3A_871, %add3A_872 : i32
        %get3A_874 = arith.index_cast %add3A_873 : i32 to index
        %get3A_875 = tpu.vector_load %arg9[%get3A_874] {strides = array<i32>} : memref<100000xf32, #tpu.memory_space<vmem>>, vector<16xf32>,
        %add3A_876 = arith.constant 0 : i32
        %add3A_877 = arith.addi %add3A_876, %mul3A_766 : i32
        %add3A_878 = arith.constant 288 : i32
        %add3A_879 = arith.addi %add3A_877, %add3A_878 : i32
        %get3A_880 = arith.index_cast %add3A_879 : i32 to index
        %get3A_881 = tpu.vector_load %arg9[%get3A_880] {strides = array<i32>} : memref<100000xf32, #tpu.memory_space<vmem>>, vector<16xf32>,
        %add3A_882 = arith.constant 0 : i32
        %add3A_883 = arith.addi %add3A_882, %mul3A_766 : i32
        %add3A_884 = arith.constant 304 : i32
        %add3A_885 = arith.addi %add3A_883, %add3A_884 : i32
        %get3A_886 = arith.index_cast %add3A_885 : i32 to index
        %get3A_887 = tpu.vector_load %arg9[%get3A_886] {strides = array<i32>} : memref<100000xf32, #tpu.memory_space<vmem>>, vector<16xf32>,
        %add3A_888 = arith.constant 0 : i32
        %add3A_889 = arith.addi %add3A_888, %mul3A_766 : i32
        %add3A_890 = arith.constant 320 : i32
        %add3A_891 = arith.addi %add3A_889, %add3A_890 : i32
        %get3A_892 = arith.index_cast %add3A_891 : i32 to index
        %get3A_893 = tpu.vector_load %arg9[%get3A_892] {strides = array<i32>} : memref<100000xf32, #tpu.memory_space<vmem>>, vector<16xf32>,
        %add3A_894 = arith.constant 0 : i32
        %add3A_895 = arith.addi %add3A_894, %mul3A_766 : i32
        %add3A_896 = arith.constant 336 : i32
        %add3A_897 = arith.addi %add3A_895, %add3A_896 : i32
        %get3A_898 = arith.index_cast %add3A_897 : i32 to index
        %get3A_899 = tpu.vector_load %arg9[%get3A_898] {strides = array<i32>} : memref<100000xf32, #tpu.memory_space<vmem>>, vector<16xf32>,
        %add3A_900 = arith.constant 0 : i32
        %add3A_901 = arith.addi %add3A_900, %mul3A_766 : i32
        %add3A_902 = arith.constant 352 : i32
        %add3A_903 = arith.addi %add3A_901, %add3A_902 : i32
        %get3A_904 = arith.index_cast %add3A_903 : i32 to index
        %get3A_905 = tpu.vector_load %arg9[%get3A_904] {strides = array<i32>} : memref<100000xf32, #tpu.memory_space<vmem>>, vector<16xf32>,
        %add3A_906 = arith.constant 0 : i32
        %add3A_907 = arith.addi %add3A_906, %mul3A_766 : i32
        %add3A_908 = arith.constant 368 : i32
        %add3A_909 = arith.addi %add3A_907, %add3A_908 : i32
        %get3A_910 = arith.index_cast %add3A_909 : i32 to index
        %get3A_911 = tpu.vector_load %arg9[%get3A_910] {strides = array<i32>} : memref<100000xf32, #tpu.memory_space<vmem>>, vector<16xf32>,
        %add3A_912 = arith.constant 0 : i32
        %add3A_913 = arith.addi %add3A_912, %mul3A_766 : i32
        %add3A_914 = arith.constant 384 : i32
        %add3A_915 = arith.addi %add3A_913, %add3A_914 : i32
        %get3A_916 = arith.index_cast %add3A_915 : i32 to index
        %get3A_917 = tpu.vector_load %arg9[%get3A_916] {strides = array<i32>} : memref<100000xf32, #tpu.memory_space<vmem>>, vector<16xf32>,
        %max3A_918 = arith.maximumf %get3A_773, %get3A_779 : vector<16xf32>
        %max3A_919 = arith.maximumf %max3A_918, %get3A_785 : vector<16xf32>
        %max3A_920 = arith.maximumf %max3A_919, %get3A_791 : vector<16xf32>
        %max3A_921 = arith.maximumf %max3A_920, %get3A_797 : vector<16xf32>
        %max3A_922 = arith.maximumf %max3A_921, %get3A_803 : vector<16xf32>
        %max3A_923 = arith.maximumf %max3A_922, %get3A_809 : vector<16xf32>
        %max3A_924 = arith.maximumf %max3A_923, %get3A_815 : vector<16xf32>
        %max3A_925 = arith.maximumf %max3A_924, %get3A_821 : vector<16xf32>
        %max3A_926 = arith.maximumf %max3A_925, %get3A_827 : vector<16xf32>
        %max3A_927 = arith.maximumf %max3A_926, %get3A_833 : vector<16xf32>
        %max3A_928 = arith.maximumf %max3A_927, %get3A_839 : vector<16xf32>
        %max3A_929 = arith.maximumf %max3A_928, %get3A_845 : vector<16xf32>
        %max3A_930 = arith.maximumf %max3A_929, %get3A_851 : vector<16xf32>
        %max3A_931 = arith.maximumf %max3A_930, %get3A_857 : vector<16xf32>
        %max3A_932 = arith.maximumf %max3A_931, %get3A_863 : vector<16xf32>
        %max3A_933 = arith.maximumf %max3A_932, %get3A_869 : vector<16xf32>
        %max3A_934 = arith.maximumf %max3A_933, %get3A_875 : vector<16xf32>
        %max3A_935 = arith.maximumf %max3A_934, %get3A_881 : vector<16xf32>
        %max3A_936 = arith.maximumf %max3A_935, %get3A_887 : vector<16xf32>
        %max3A_937 = arith.maximumf %max3A_936, %get3A_893 : vector<16xf32>
        %max3A_938 = arith.maximumf %max3A_937, %get3A_899 : vector<16xf32>
        %max3A_939 = arith.maximumf %max3A_938, %get3A_905 : vector<16xf32>
        %max3A_940 = arith.maximumf %max3A_939, %get3A_911 : vector<16xf32>
        %max3A_941 = arith.maximumf %max3A_940, %get3A_917 : vector<16xf32>
        %ge3A_942 = arith.cmpf oge, %max3A_941, %broadcast_in_dim3A_767 : vector<16xf32>
        %all_reduce_population_count3A = tpu.all_reduce %ge3A_942 {dim = 0 : i64, kind = #tpu.reduction_kind<sum>} : vector<16xi1> -> vector<16xi32>
        %slice3A_943 = vector.extract_strided_slice %all_reduce_population_count3A {offsets = [0], sizes = [1], strides = [1]} : vector<16xi32> to vector<1xi32>
        %squeeze3A_944 = vector.extract %slice3A_943[0] : i32 from vector<1xi32>
        %gt3A = arith.constant 0 : i32
        %gt3A_945 = arith.cmpi sgt, %squeeze3A_944, %gt3A : i32
        %convert_element_type3A_946 = arith.extui %gt3A_945 : i1 to i32
        %cond3A_947 = arith.constant 0 : i32
        %cond3A_948 = arith.cmpi ne, %convert_element_type3A_946, %cond3A_947 : i32
        %cond3A_949:2 = scf.if %cond3A_948 -> (i32, f32) {
          %broadcast_in_dim3A_950 = vector.broadcast %scan3A_764 : f32 to vector<16xf32>
          %ge3A_951 = arith.cmpf oge, %get3A_773, %broadcast_in_dim3A_950 : vector<16xf32>
          %swap3A_952 = arith.index_cast %scan3A_763 : i32 to index
          %swap3A_953 = tpu.vector_load %arg10[%swap3A_952] masked %ge3A_951 {strides = array<i32>} : memref<448xf32, #tpu.memory_space<vmem>>, vector<16xf32>, vector<16xi1>
          tpu.vector_store %arg10[%swap3A_952], %get3A_773 masked %ge3A_951 {strides = array<i32>} : memref<448xf32, #tpu.memory_space<vmem>>, vector<16xf32>, vector<16xi1>
          %iota3A_954 = tpu.iota {dimensions = array<i32: 0>} : vector<16xi32>
          %add3A_955 = arith.constant 0 : i32
          %add3A_956 = arith.addi %add3A_955, %mul3A_766 : i32
          %add3A_957 = arith.constant 0 : i32
          %add3A_958 = arith.addi %add3A_956, %add3A_957 : i32
          %add3A_959 = vector.broadcast %add3A_958 : i32 to vector<16xi32>
          %add3A_960 = arith.addi %iota3A_954, %add3A_959 : vector<16xi32>
          %swap3A_961 = arith.index_cast %scan3A_763 : i32 to index
          %swap3A_962 = tpu.vector_load %arg11[%swap3A_961] masked %ge3A_951 {strides = array<i32>} : memref<448xi32, #tpu.memory_space<vmem>>, vector<16xi32>, vector<16xi1>
          tpu.vector_store %arg11[%swap3A_961], %add3A_960 masked %ge3A_951 {strides = array<i32>} : memref<448xi32, #tpu.memory_space<vmem>>, vector<16xi32>, vector<16xi1>
          %all_reduce_population_count3A_963 = tpu.all_reduce %ge3A_951 {dim = 0 : i64, kind = #tpu.reduction_kind<sum>} : vector<16xi1> -> vector<16xi32>
          %slice3A_964 = vector.extract_strided_slice %all_reduce_population_count3A_963 {offsets = [0], sizes = [1], strides = [1]} : vector<16xi32> to vector<1xi32>
          %squeeze3A_965 = vector.extract %slice3A_964[0] : i32 from vector<1xi32>
          %add3A_966 = arith.addi %scan3A_763, %squeeze3A_965 : i32
          %ge3A_967 = arith.cmpf oge, %get3A_779, %broadcast_in_dim3A_950 : vector<16xf32>
          %swap3A_968 = arith.index_cast %add3A_966 : i32 to index
          %swap3A_969 = tpu.vector_load %arg10[%swap3A_968] masked %ge3A_967 {strides = array<i32>} : memref<448xf32, #tpu.memory_space<vmem>>, vector<16xf32>, vector<16xi1>
          tpu.vector_store %arg10[%swap3A_968], %get3A_779 masked %ge3A_967 {strides = array<i32>} : memref<448xf32, #tpu.memory_space<vmem>>, vector<16xf32>, vector<16xi1>
          %iota3A_970 = tpu.iota {dimensions = array<i32: 0>} : vector<16xi32>
          %add3A_971 = arith.constant 0 : i32
          %add3A_972 = arith.addi %add3A_971, %mul3A_766 : i32
          %add3A_973 = arith.constant 16 : i32
          %add3A_974 = arith.addi %add3A_972, %add3A_973 : i32
          %add3A_975 = vector.broadcast %add3A_974 : i32 to vector<16xi32>
          %add3A_976 = arith.addi %iota3A_970, %add3A_975 : vector<16xi32>
          %swap3A_977 = arith.index_cast %add3A_966 : i32 to index
          %swap3A_978 = tpu.vector_load %arg11[%swap3A_977] masked %ge3A_967 {strides = array<i32>} : memref<448xi32, #tpu.memory_space<vmem>>, vector<16xi32>, vector<16xi1>
          tpu.vector_store %arg11[%swap3A_977], %add3A_976 masked %ge3A_967 {strides = array<i32>} : memref<448xi32, #tpu.memory_space<vmem>>, vector<16xi32>, vector<16xi1>
          %all_reduce_population_count3A_979 = tpu.all_reduce %ge3A_967 {dim = 0 : i64, kind = #tpu.reduction_kind<sum>} : vector<16xi1> -> vector<16xi32>
          %slice3A_980 = vector.extract_strided_slice %all_reduce_population_count3A_979 {offsets = [0], sizes = [1], strides = [1]} : vector<16xi32> to vector<1xi32>
          %squeeze3A_981 = vector.extract %slice3A_980[0] : i32 from vector<1xi32>
          %add3A_982 = arith.addi %add3A_966, %squeeze3A_981 : i32
          %ge3A_983 = arith.cmpf oge, %get3A_785, %broadcast_in_dim3A_950 : vector<16xf32>
          %swap3A_984 = arith.index_cast %add3A_982 : i32 to index
          %swap3A_985 = tpu.vector_load %arg10[%swap3A_984] masked %ge3A_983 {strides = array<i32>} : memref<448xf32, #tpu.memory_space<vmem>>, vector<16xf32>, vector<16xi1>
          tpu.vector_store %arg10[%swap3A_984], %get3A_785 masked %ge3A_983 {strides = array<i32>} : memref<448xf32, #tpu.memory_space<vmem>>, vector<16xf32>, vector<16xi1>
          %iota3A_986 = tpu.iota {dimensions = array<i32: 0>} : vector<16xi32>
          %add3A_987 = arith.constant 0 : i32
          %add3A_988 = arith.addi %add3A_987, %mul3A_766 : i32
          %add3A_989 = arith.constant 32 : i32
          %add3A_990 = arith.addi %add3A_988, %add3A_989 : i32
          %add3A_991 = vector.broadcast %add3A_990 : i32 to vector<16xi32>
          %add3A_992 = arith.addi %iota3A_986, %add3A_991 : vector<16xi32>
          %swap3A_993 = arith.index_cast %add3A_982 : i32 to index
          %swap3A_994 = tpu.vector_load %arg11[%swap3A_993] masked %ge3A_983 {strides = array<i32>} : memref<448xi32, #tpu.memory_space<vmem>>, vector<16xi32>, vector<16xi1>
          tpu.vector_store %arg11[%swap3A_993], %add3A_992 masked %ge3A_983 {strides = array<i32>} : memref<448xi32, #tpu.memory_space<vmem>>, vector<16xi32>, vector<16xi1>
          %all_reduce_population_count3A_995 = tpu.all_reduce %ge3A_983 {dim = 0 : i64, kind = #tpu.reduction_kind<sum>} : vector<16xi1> -> vector<16xi32>
          %slice3A_996 = vector.extract_strided_slice %all_reduce_population_count3A_995 {offsets = [0], sizes = [1], strides = [1]} : vector<16xi32> to vector<1xi32>
          %squeeze3A_997 = vector.extract %slice3A_996[0] : i32 from vector<1xi32>
          %add3A_998 = arith.addi %add3A_982, %squeeze3A_997 : i32
          %ge3A_999 = arith.cmpf oge, %get3A_791, %broadcast_in_dim3A_950 : vector<16xf32>
          %swap3A_1000 = arith.index_cast %add3A_998 : i32 to index
          %swap3A_1001 = tpu.vector_load %arg10[%swap3A_1000] masked %ge3A_999 {strides = array<i32>} : memref<448xf32, #tpu.memory_space<vmem>>, vector<16xf32>, vector<16xi1>
          tpu.vector_store %arg10[%swap3A_1000], %get3A_791 masked %ge3A_999 {strides = array<i32>} : memref<448xf32, #tpu.memory_space<vmem>>, vector<16xf32>, vector<16xi1>
          %iota3A_1002 = tpu.iota {dimensions = array<i32: 0>} : vector<16xi32>
          %add3A_1003 = arith.constant 0 : i32
          %add3A_1004 = arith.addi %add3A_1003, %mul3A_766 : i32
          %add3A_1005 = arith.constant 48 : i32
          %add3A_1006 = arith.addi %add3A_1004, %add3A_1005 : i32
          %add3A_1007 = vector.broadcast %add3A_1006 : i32 to vector<16xi32>
          %add3A_1008 = arith.addi %iota3A_1002, %add3A_1007 : vector<16xi32>
          %swap3A_1009 = arith.index_cast %add3A_998 : i32 to index
          %swap3A_1010 = tpu.vector_load %arg11[%swap3A_1009] masked %ge3A_999 {strides = array<i32>} : memref<448xi32, #tpu.memory_space<vmem>>, vector<16xi32>, vector<16xi1>
          tpu.vector_store %arg11[%swap3A_1009], %add3A_1008 masked %ge3A_999 {strides = array<i32>} : memref<448xi32, #tpu.memory_space<vmem>>, vector<16xi32>, vector<16xi1>
          %all_reduce_population_count3A_1011 = tpu.all_reduce %ge3A_999 {dim = 0 : i64, kind = #tpu.reduction_kind<sum>} : vector<16xi1> -> vector<16xi32>
          %slice3A_1012 = vector.extract_strided_slice %all_reduce_population_count3A_1011 {offsets = [0], sizes = [1], strides = [1]} : vector<16xi32> to vector<1xi32>
          %squeeze3A_1013 = vector.extract %slice3A_1012[0] : i32 from vector<1xi32>
          %add3A_1014 = arith.addi %add3A_998, %squeeze3A_1013 : i32
          %ge3A_1015 = arith.cmpf oge, %get3A_797, %broadcast_in_dim3A_950 : vector<16xf32>
          %swap3A_1016 = arith.index_cast %add3A_1014 : i32 to index
          %swap3A_1017 = tpu.vector_load %arg10[%swap3A_1016] masked %ge3A_1015 {strides = array<i32>} : memref<448xf32, #tpu.memory_space<vmem>>, vector<16xf32>, vector<16xi1>
          tpu.vector_store %arg10[%swap3A_1016], %get3A_797 masked %ge3A_1015 {strides = array<i32>} : memref<448xf32, #tpu.memory_space<vmem>>, vector<16xf32>, vector<16xi1>
          %iota3A_1018 = tpu.iota {dimensions = array<i32: 0>} : vector<16xi32>
          %add3A_1019 = arith.constant 0 : i32
          %add3A_1020 = arith.addi %add3A_1019, %mul3A_766 : i32
          %add3A_1021 = arith.constant 64 : i32
          %add3A_1022 = arith.addi %add3A_1020, %add3A_1021 : i32
          %add3A_1023 = vector.broadcast %add3A_1022 : i32 to vector<16xi32>
          %add3A_1024 = arith.addi %iota3A_1018, %add3A_1023 : vector<16xi32>
          %swap3A_1025 = arith.index_cast %add3A_1014 : i32 to index
          %swap3A_1026 = tpu.vector_load %arg11[%swap3A_1025] masked %ge3A_1015 {strides = array<i32>} : memref<448xi32, #tpu.memory_space<vmem>>, vector<16xi32>, vector<16xi1>
          tpu.vector_store %arg11[%swap3A_1025], %add3A_1024 masked %ge3A_1015 {strides = array<i32>} : memref<448xi32, #tpu.memory_space<vmem>>, vector<16xi32>, vector<16xi1>
          %all_reduce_population_count3A_1027 = tpu.all_reduce %ge3A_1015 {dim = 0 : i64, kind = #tpu.reduction_kind<sum>} : vector<16xi1> -> vector<16xi32>
          %slice3A_1028 = vector.extract_strided_slice %all_reduce_population_count3A_1027 {offsets = [0], sizes = [1], strides = [1]} : vector<16xi32> to vector<1xi32>
          %squeeze3A_1029 = vector.extract %slice3A_1028[0] : i32 from vector<1xi32>
          %add3A_1030 = arith.addi %add3A_1014, %squeeze3A_1029 : i32
          %ge3A_1031 = arith.cmpf oge, %get3A_803, %broadcast_in_dim3A_950 : vector<16xf32>
          %swap3A_1032 = arith.index_cast %add3A_1030 : i32 to index
          %swap3A_1033 = tpu.vector_load %arg10[%swap3A_1032] masked %ge3A_1031 {strides = array<i32>} : memref<448xf32, #tpu.memory_space<vmem>>, vector<16xf32>, vector<16xi1>
          tpu.vector_store %arg10[%swap3A_1032], %get3A_803 masked %ge3A_1031 {strides = array<i32>} : memref<448xf32, #tpu.memory_space<vmem>>, vector<16xf32>, vector<16xi1>
          %iota3A_1034 = tpu.iota {dimensions = array<i32: 0>} : vector<16xi32>
          %add3A_1035 = arith.constant 0 : i32
          %add3A_1036 = arith.addi %add3A_1035, %mul3A_766 : i32
          %add3A_1037 = arith.constant 80 : i32
          %add3A_1038 = arith.addi %add3A_1036, %add3A_1037 : i32
          %add3A_1039 = vector.broadcast %add3A_1038 : i32 to vector<16xi32>
          %add3A_1040 = arith.addi %iota3A_1034, %add3A_1039 : vector<16xi32>
          %swap3A_1041 = arith.index_cast %add3A_1030 : i32 to index
          %swap3A_1042 = tpu.vector_load %arg11[%swap3A_1041] masked %ge3A_1031 {strides = array<i32>} : memref<448xi32, #tpu.memory_space<vmem>>, vector<16xi32>, vector<16xi1>
          tpu.vector_store %arg11[%swap3A_1041], %add3A_1040 masked %ge3A_1031 {strides = array<i32>} : memref<448xi32, #tpu.memory_space<vmem>>, vector<16xi32>, vector<16xi1>
          %all_reduce_population_count3A_1043 = tpu.all_reduce %ge3A_1031 {dim = 0 : i64, kind = #tpu.reduction_kind<sum>} : vector<16xi1> -> vector<16xi32>
          %slice3A_1044 = vector.extract_strided_slice %all_reduce_population_count3A_1043 {offsets = [0], sizes = [1], strides = [1]} : vector<16xi32> to vector<1xi32>
          %squeeze3A_1045 = vector.extract %slice3A_1044[0] : i32 from vector<1xi32>
          %add3A_1046 = arith.addi %add3A_1030, %squeeze3A_1045 : i32
          %ge3A_1047 = arith.cmpf oge, %get3A_809, %broadcast_in_dim3A_950 : vector<16xf32>
          %swap3A_1048 = arith.index_cast %add3A_1046 : i32 to index
          %swap3A_1049 = tpu.vector_load %arg10[%swap3A_1048] masked %ge3A_1047 {strides = array<i32>} : memref<448xf32, #tpu.memory_space<vmem>>, vector<16xf32>, vector<16xi1>
          tpu.vector_store %arg10[%swap3A_1048], %get3A_809 masked %ge3A_1047 {strides = array<i32>} : memref<448xf32, #tpu.memory_space<vmem>>, vector<16xf32>, vector<16xi1>
          %iota3A_1050 = tpu.iota {dimensions = array<i32: 0>} : vector<16xi32>
          %add3A_1051 = arith.constant 0 : i32
          %add3A_1052 = arith.addi %add3A_1051, %mul3A_766 : i32
          %add3A_1053 = arith.constant 96 : i32
          %add3A_1054 = arith.addi %add3A_1052, %add3A_1053 : i32
          %add3A_1055 = vector.broadcast %add3A_1054 : i32 to vector<16xi32>
          %add3A_1056 = arith.addi %iota3A_1050, %add3A_1055 : vector<16xi32>
          %swap3A_1057 = arith.index_cast %add3A_1046 : i32 to index
          %swap3A_1058 = tpu.vector_load %arg11[%swap3A_1057] masked %ge3A_1047 {strides = array<i32>} : memref<448xi32, #tpu.memory_space<vmem>>, vector<16xi32>, vector<16xi1>
          tpu.vector_store %arg11[%swap3A_1057], %add3A_1056 masked %ge3A_1047 {strides = array<i32>} : memref<448xi32, #tpu.memory_space<vmem>>, vector<16xi32>, vector<16xi1>
          %all_reduce_population_count3A_1059 = tpu.all_reduce %ge3A_1047 {dim = 0 : i64, kind = #tpu.reduction_kind<sum>} : vector<16xi1> -> vector<16xi32>
          %slice3A_1060 = vector.extract_strided_slice %all_reduce_population_count3A_1059 {offsets = [0], sizes = [1], strides = [1]} : vector<16xi32> to vector<1xi32>
          %squeeze3A_1061 = vector.extract %slice3A_1060[0] : i32 from vector<1xi32>
          %add3A_1062 = arith.addi %add3A_1046, %squeeze3A_1061 : i32
          %ge3A_1063 = arith.cmpf oge, %get3A_815, %broadcast_in_dim3A_950 : vector<16xf32>
          %swap3A_1064 = arith.index_cast %add3A_1062 : i32 to index
          %swap3A_1065 = tpu.vector_load %arg10[%swap3A_1064] masked %ge3A_1063 {strides = array<i32>} : memref<448xf32, #tpu.memory_space<vmem>>, vector<16xf32>, vector<16xi1>
          tpu.vector_store %arg10[%swap3A_1064], %get3A_815 masked %ge3A_1063 {strides = array<i32>} : memref<448xf32, #tpu.memory_space<vmem>>, vector<16xf32>, vector<16xi1>
          %iota3A_1066 = tpu.iota {dimensions = array<i32: 0>} : vector<16xi32>
          %add3A_1067 = arith.constant 0 : i32
          %add3A_1068 = arith.addi %add3A_1067, %mul3A_766 : i32
          %add3A_1069 = arith.constant 112 : i32
          %add3A_1070 = arith.addi %add3A_1068, %add3A_1069 : i32
          %add3A_1071 = vector.broadcast %add3A_1070 : i32 to vector<16xi32>
          %add3A_1072 = arith.addi %iota3A_1066, %add3A_1071 : vector<16xi32>
          %swap3A_1073 = arith.index_cast %add3A_1062 : i32 to index
          %swap3A_1074 = tpu.vector_load %arg11[%swap3A_1073] masked %ge3A_1063 {strides = array<i32>} : memref<448xi32, #tpu.memory_space<vmem>>, vector<16xi32>, vector<16xi1>
          tpu.vector_store %arg11[%swap3A_1073], %add3A_1072 masked %ge3A_1063 {strides = array<i32>} : memref<448xi32, #tpu.memory_space<vmem>>, vector<16xi32>, vector<16xi1>
          %all_reduce_population_count3A_1075 = tpu.all_reduce %ge3A_1063 {dim = 0 : i64, kind = #tpu.reduction_kind<sum>} : vector<16xi1> -> vector<16xi32>
          %slice3A_1076 = vector.extract_strided_slice %all_reduce_population_count3A_1075 {offsets = [0], sizes = [1], strides = [1]} : vector<16xi32> to vector<1xi32>
          %squeeze3A_1077 = vector.extract %slice3A_1076[0] : i32 from vector<1xi32>
          %add3A_1078 = arith.addi %add3A_1062, %squeeze3A_1077 : i32
          %ge3A_1079 = arith.cmpf oge, %get3A_821, %broadcast_in_dim3A_950 : vector<16xf32>
          %swap3A_1080 = arith.index_cast %add3A_1078 : i32 to index
          %swap3A_1081 = tpu.vector_load %arg10[%swap3A_1080] masked %ge3A_1079 {strides = array<i32>} : memref<448xf32, #tpu.memory_space<vmem>>, vector<16xf32>, vector<16xi1>
          tpu.vector_store %arg10[%swap3A_1080], %get3A_821 masked %ge3A_1079 {strides = array<i32>} : memref<448xf32, #tpu.memory_space<vmem>>, vector<16xf32>, vector<16xi1>
          %iota3A_1082 = tpu.iota {dimensions = array<i32: 0>} : vector<16xi32>
          %add3A_1083 = arith.constant 0 : i32
          %add3A_1084 = arith.addi %add3A_1083, %mul3A_766 : i32
          %add3A_1085 = arith.constant 128 : i32
          %add3A_1086 = arith.addi %add3A_1084, %add3A_1085 : i32
          %add3A_1087 = vector.broadcast %add3A_1086 : i32 to vector<16xi32>
          %add3A_1088 = arith.addi %iota3A_1082, %add3A_1087 : vector<16xi32>
          %swap3A_1089 = arith.index_cast %add3A_1078 : i32 to index
          %swap3A_1090 = tpu.vector_load %arg11[%swap3A_1089] masked %ge3A_1079 {strides = array<i32>} : memref<448xi32, #tpu.memory_space<vmem>>, vector<16xi32>, vector<16xi1>
          tpu.vector_store %arg11[%swap3A_1089], %add3A_1088 masked %ge3A_1079 {strides = array<i32>} : memref<448xi32, #tpu.memory_space<vmem>>, vector<16xi32>, vector<16xi1>
          %all_reduce_population_count3A_1091 = tpu.all_reduce %ge3A_1079 {dim = 0 : i64, kind = #tpu.reduction_kind<sum>} : vector<16xi1> -> vector<16xi32>
          %slice3A_1092 = vector.extract_strided_slice %all_reduce_population_count3A_1091 {offsets = [0], sizes = [1], strides = [1]} : vector<16xi32> to vector<1xi32>
          %squeeze3A_1093 = vector.extract %slice3A_1092[0] : i32 from vector<1xi32>
          %add3A_1094 = arith.addi %add3A_1078, %squeeze3A_1093 : i32
          %ge3A_1095 = arith.cmpf oge, %get3A_827, %broadcast_in_dim3A_950 : vector<16xf32>
          %swap3A_1096 = arith.index_cast %add3A_1094 : i32 to index
          %swap3A_1097 = tpu.vector_load %arg10[%swap3A_1096] masked %ge3A_1095 {strides = array<i32>} : memref<448xf32, #tpu.memory_space<vmem>>, vector<16xf32>, vector<16xi1>
          tpu.vector_store %arg10[%swap3A_1096], %get3A_827 masked %ge3A_1095 {strides = array<i32>} : memref<448xf32, #tpu.memory_space<vmem>>, vector<16xf32>, vector<16xi1>
          %iota3A_1098 = tpu.iota {dimensions = array<i32: 0>} : vector<16xi32>
          %add3A_1099 = arith.constant 0 : i32
          %add3A_1100 = arith.addi %add3A_1099, %mul3A_766 : i32
          %add3A_1101 = arith.constant 144 : i32
          %add3A_1102 = arith.addi %add3A_1100, %add3A_1101 : i32
          %add3A_1103 = vector.broadcast %add3A_1102 : i32 to vector<16xi32>
          %add3A_1104 = arith.addi %iota3A_1098, %add3A_1103 : vector<16xi32>
          %swap3A_1105 = arith.index_cast %add3A_1094 : i32 to index
          %swap3A_1106 = tpu.vector_load %arg11[%swap3A_1105] masked %ge3A_1095 {strides = array<i32>} : memref<448xi32, #tpu.memory_space<vmem>>, vector<16xi32>, vector<16xi1>
          tpu.vector_store %arg11[%swap3A_1105], %add3A_1104 masked %ge3A_1095 {strides = array<i32>} : memref<448xi32, #tpu.memory_space<vmem>>, vector<16xi32>, vector<16xi1>
          %all_reduce_population_count3A_1107 = tpu.all_reduce %ge3A_1095 {dim = 0 : i64, kind = #tpu.reduction_kind<sum>} : vector<16xi1> -> vector<16xi32>
          %slice3A_1108 = vector.extract_strided_slice %all_reduce_population_count3A_1107 {offsets = [0], sizes = [1], strides = [1]} : vector<16xi32> to vector<1xi32>
          %squeeze3A_1109 = vector.extract %slice3A_1108[0] : i32 from vector<1xi32>
          %add3A_1110 = arith.addi %add3A_1094, %squeeze3A_1109 : i32
          %ge3A_1111 = arith.cmpf oge, %get3A_833, %broadcast_in_dim3A_950 : vector<16xf32>
          %swap3A_1112 = arith.index_cast %add3A_1110 : i32 to index
          %swap3A_1113 = tpu.vector_load %arg10[%swap3A_1112] masked %ge3A_1111 {strides = array<i32>} : memref<448xf32, #tpu.memory_space<vmem>>, vector<16xf32>, vector<16xi1>
          tpu.vector_store %arg10[%swap3A_1112], %get3A_833 masked %ge3A_1111 {strides = array<i32>} : memref<448xf32, #tpu.memory_space<vmem>>, vector<16xf32>, vector<16xi1>
          %iota3A_1114 = tpu.iota {dimensions = array<i32: 0>} : vector<16xi32>
          %add3A_1115 = arith.constant 0 : i32
          %add3A_1116 = arith.addi %add3A_1115, %mul3A_766 : i32
          %add3A_1117 = arith.constant 160 : i32
          %add3A_1118 = arith.addi %add3A_1116, %add3A_1117 : i32
          %add3A_1119 = vector.broadcast %add3A_1118 : i32 to vector<16xi32>
          %add3A_1120 = arith.addi %iota3A_1114, %add3A_1119 : vector<16xi32>
          %swap3A_1121 = arith.index_cast %add3A_1110 : i32 to index
          %swap3A_1122 = tpu.vector_load %arg11[%swap3A_1121] masked %ge3A_1111 {strides = array<i32>} : memref<448xi32, #tpu.memory_space<vmem>>, vector<16xi32>, vector<16xi1>
          tpu.vector_store %arg11[%swap3A_1121], %add3A_1120 masked %ge3A_1111 {strides = array<i32>} : memref<448xi32, #tpu.memory_space<vmem>>, vector<16xi32>, vector<16xi1>
          %all_reduce_population_count3A_1123 = tpu.all_reduce %ge3A_1111 {dim = 0 : i64, kind = #tpu.reduction_kind<sum>} : vector<16xi1> -> vector<16xi32>
          %slice3A_1124 = vector.extract_strided_slice %all_reduce_population_count3A_1123 {offsets = [0], sizes = [1], strides = [1]} : vector<16xi32> to vector<1xi32>
          %squeeze3A_1125 = vector.extract %slice3A_1124[0] : i32 from vector<1xi32>
          %add3A_1126 = arith.addi %add3A_1110, %squeeze3A_1125 : i32
          %ge3A_1127 = arith.cmpf oge, %get3A_839, %broadcast_in_dim3A_950 : vector<16xf32>
          %swap3A_1128 = arith.index_cast %add3A_1126 : i32 to index
          %swap3A_1129 = tpu.vector_load %arg10[%swap3A_1128] masked %ge3A_1127 {strides = array<i32>} : memref<448xf32, #tpu.memory_space<vmem>>, vector<16xf32>, vector<16xi1>
          tpu.vector_store %arg10[%swap3A_1128], %get3A_839 masked %ge3A_1127 {strides = array<i32>} : memref<448xf32, #tpu.memory_space<vmem>>, vector<16xf32>, vector<16xi1>
          %iota3A_1130 = tpu.iota {dimensions = array<i32: 0>} : vector<16xi32>
          %add3A_1131 = arith.constant 0 : i32
          %add3A_1132 = arith.addi %add3A_1131, %mul3A_766 : i32
          %add3A_1133 = arith.constant 176 : i32
          %add3A_1134 = arith.addi %add3A_1132, %add3A_1133 : i32
          %add3A_1135 = vector.broadcast %add3A_1134 : i32 to vector<16xi32>
          %add3A_1136 = arith.addi %iota3A_1130, %add3A_1135 : vector<16xi32>
          %swap3A_1137 = arith.index_cast %add3A_1126 : i32 to index
          %swap3A_1138 = tpu.vector_load %arg11[%swap3A_1137] masked %ge3A_1127 {strides = array<i32>} : memref<448xi32, #tpu.memory_space<vmem>>, vector<16xi32>, vector<16xi1>
          tpu.vector_store %arg11[%swap3A_1137], %add3A_1136 masked %ge3A_1127 {strides = array<i32>} : memref<448xi32, #tpu.memory_space<vmem>>, vector<16xi32>, vector<16xi1>
          %all_reduce_population_count3A_1139 = tpu.all_reduce %ge3A_1127 {dim = 0 : i64, kind = #tpu.reduction_kind<sum>} : vector<16xi1> -> vector<16xi32>
          %slice3A_1140 = vector.extract_strided_slice %all_reduce_population_count3A_1139 {offsets = [0], sizes = [1], strides = [1]} : vector<16xi32> to vector<1xi32>
          %squeeze3A_1141 = vector.extract %slice3A_1140[0] : i32 from vector<1xi32>
          %add3A_1142 = arith.addi %add3A_1126, %squeeze3A_1141 : i32
          %ge3A_1143 = arith.cmpf oge, %get3A_845, %broadcast_in_dim3A_950 : vector<16xf32>
          %swap3A_1144 = arith.index_cast %add3A_1142 : i32 to index
          %swap3A_1145 = tpu.vector_load %arg10[%swap3A_1144] masked %ge3A_1143 {strides = array<i32>} : memref<448xf32, #tpu.memory_space<vmem>>, vector<16xf32>, vector<16xi1>
          tpu.vector_store %arg10[%swap3A_1144], %get3A_845 masked %ge3A_1143 {strides = array<i32>} : memref<448xf32, #tpu.memory_space<vmem>>, vector<16xf32>, vector<16xi1>
          %iota3A_1146 = tpu.iota {dimensions = array<i32: 0>} : vector<16xi32>
          %add3A_1147 = arith.constant 0 : i32
          %add3A_1148 = arith.addi %add3A_1147, %mul3A_766 : i32
          %add3A_1149 = arith.constant 192 : i32
          %add3A_1150 = arith.addi %add3A_1148, %add3A_1149 : i32
          %add3A_1151 = vector.broadcast %add3A_1150 : i32 to vector<16xi32>
          %add3A_1152 = arith.addi %iota3A_1146, %add3A_1151 : vector<16xi32>
          %swap3A_1153 = arith.index_cast %add3A_1142 : i32 to index
          %swap3A_1154 = tpu.vector_load %arg11[%swap3A_1153] masked %ge3A_1143 {strides = array<i32>} : memref<448xi32, #tpu.memory_space<vmem>>, vector<16xi32>, vector<16xi1>
          tpu.vector_store %arg11[%swap3A_1153], %add3A_1152 masked %ge3A_1143 {strides = array<i32>} : memref<448xi32, #tpu.memory_space<vmem>>, vector<16xi32>, vector<16xi1>
          %all_reduce_population_count3A_1155 = tpu.all_reduce %ge3A_1143 {dim = 0 : i64, kind = #tpu.reduction_kind<sum>} : vector<16xi1> -> vector<16xi32>
          %slice3A_1156 = vector.extract_strided_slice %all_reduce_population_count3A_1155 {offsets = [0], sizes = [1], strides = [1]} : vector<16xi32> to vector<1xi32>
          %squeeze3A_1157 = vector.extract %slice3A_1156[0] : i32 from vector<1xi32>
          %add3A_1158 = arith.addi %add3A_1142, %squeeze3A_1157 : i32
          %ge3A_1159 = arith.cmpf oge, %get3A_851, %broadcast_in_dim3A_950 : vector<16xf32>
          %swap3A_1160 = arith.index_cast %add3A_1158 : i32 to index
          %swap3A_1161 = tpu.vector_load %arg10[%swap3A_1160] masked %ge3A_1159 {strides = array<i32>} : memref<448xf32, #tpu.memory_space<vmem>>, vector<16xf32>, vector<16xi1>
          tpu.vector_store %arg10[%swap3A_1160], %get3A_851 masked %ge3A_1159 {strides = array<i32>} : memref<448xf32, #tpu.memory_space<vmem>>, vector<16xf32>, vector<16xi1>
          %iota3A_1162 = tpu.iota {dimensions = array<i32: 0>} : vector<16xi32>
          %add3A_1163 = arith.constant 0 : i32
          %add3A_1164 = arith.addi %add3A_1163, %mul3A_766 : i32
          %add3A_1165 = arith.constant 208 : i32
          %add3A_1166 = arith.addi %add3A_1164, %add3A_1165 : i32
          %add3A_1167 = vector.broadcast %add3A_1166 : i32 to vector<16xi32>
          %add3A_1168 = arith.addi %iota3A_1162, %add3A_1167 : vector<16xi32>
          %swap3A_1169 = arith.index_cast %add3A_1158 : i32 to index
          %swap3A_1170 = tpu.vector_load %arg11[%swap3A_1169] masked %ge3A_1159 {strides = array<i32>} : memref<448xi32, #tpu.memory_space<vmem>>, vector<16xi32>, vector<16xi1>
          tpu.vector_store %arg11[%swap3A_1169], %add3A_1168 masked %ge3A_1159 {strides = array<i32>} : memref<448xi32, #tpu.memory_space<vmem>>, vector<16xi32>, vector<16xi1>
          %all_reduce_population_count3A_1171 = tpu.all_reduce %ge3A_1159 {dim = 0 : i64, kind = #tpu.reduction_kind<sum>} : vector<16xi1> -> vector<16xi32>
          %slice3A_1172 = vector.extract_strided_slice %all_reduce_population_count3A_1171 {offsets = [0], sizes = [1], strides = [1]} : vector<16xi32> to vector<1xi32>
          %squeeze3A_1173 = vector.extract %slice3A_1172[0] : i32 from vector<1xi32>
          %add3A_1174 = arith.addi %add3A_1158, %squeeze3A_1173 : i32
          %ge3A_1175 = arith.cmpf oge, %get3A_857, %broadcast_in_dim3A_950 : vector<16xf32>
          %swap3A_1176 = arith.index_cast %add3A_1174 : i32 to index
          %swap3A_1177 = tpu.vector_load %arg10[%swap3A_1176] masked %ge3A_1175 {strides = array<i32>} : memref<448xf32, #tpu.memory_space<vmem>>, vector<16xf32>, vector<16xi1>
          tpu.vector_store %arg10[%swap3A_1176], %get3A_857 masked %ge3A_1175 {strides = array<i32>} : memref<448xf32, #tpu.memory_space<vmem>>, vector<16xf32>, vector<16xi1>
          %iota3A_1178 = tpu.iota {dimensions = array<i32: 0>} : vector<16xi32>
          %add3A_1179 = arith.constant 0 : i32
          %add3A_1180 = arith.addi %add3A_1179, %mul3A_766 : i32
          %add3A_1181 = arith.constant 224 : i32
          %add3A_1182 = arith.addi %add3A_1180, %add3A_1181 : i32
          %add3A_1183 = vector.broadcast %add3A_1182 : i32 to vector<16xi32>
          %add3A_1184 = arith.addi %iota3A_1178, %add3A_1183 : vector<16xi32>
          %swap3A_1185 = arith.index_cast %add3A_1174 : i32 to index
          %swap3A_1186 = tpu.vector_load %arg11[%swap3A_1185] masked %ge3A_1175 {strides = array<i32>} : memref<448xi32, #tpu.memory_space<vmem>>, vector<16xi32>, vector<16xi1>
          tpu.vector_store %arg11[%swap3A_1185], %add3A_1184 masked %ge3A_1175 {strides = array<i32>} : memref<448xi32, #tpu.memory_space<vmem>>, vector<16xi32>, vector<16xi1>
          %all_reduce_population_count3A_1187 = tpu.all_reduce %ge3A_1175 {dim = 0 : i64, kind = #tpu.reduction_kind<sum>} : vector<16xi1> -> vector<16xi32>
          %slice3A_1188 = vector.extract_strided_slice %all_reduce_population_count3A_1187 {offsets = [0], sizes = [1], strides = [1]} : vector<16xi32> to vector<1xi32>
          %squeeze3A_1189 = vector.extract %slice3A_1188[0] : i32 from vector<1xi32>
          %add3A_1190 = arith.addi %add3A_1174, %squeeze3A_1189 : i32
          %ge3A_1191 = arith.cmpf oge, %get3A_863, %broadcast_in_dim3A_950 : vector<16xf32>
          %swap3A_1192 = arith.index_cast %add3A_1190 : i32 to index
          %swap3A_1193 = tpu.vector_load %arg10[%swap3A_1192] masked %ge3A_1191 {strides = array<i32>} : memref<448xf32, #tpu.memory_space<vmem>>, vector<16xf32>, vector<16xi1>
          tpu.vector_store %arg10[%swap3A_1192], %get3A_863 masked %ge3A_1191 {strides = array<i32>} : memref<448xf32, #tpu.memory_space<vmem>>, vector<16xf32>, vector<16xi1>
          %iota3A_1194 = tpu.iota {dimensions = array<i32: 0>} : vector<16xi32>
          %add3A_1195 = arith.constant 0 : i32
          %add3A_1196 = arith.addi %add3A_1195, %mul3A_766 : i32
          %add3A_1197 = arith.constant 240 : i32
          %add3A_1198 = arith.addi %add3A_1196, %add3A_1197 : i32
          %add3A_1199 = vector.broadcast %add3A_1198 : i32 to vector<16xi32>
          %add3A_1200 = arith.addi %iota3A_1194, %add3A_1199 : vector<16xi32>
          %swap3A_1201 = arith.index_cast %add3A_1190 : i32 to index
          %swap3A_1202 = tpu.vector_load %arg11[%swap3A_1201] masked %ge3A_1191 {strides = array<i32>} : memref<448xi32, #tpu.memory_space<vmem>>, vector<16xi32>, vector<16xi1>
          tpu.vector_store %arg11[%swap3A_1201], %add3A_1200 masked %ge3A_1191 {strides = array<i32>} : memref<448xi32, #tpu.memory_space<vmem>>, vector<16xi32>, vector<16xi1>
          %all_reduce_population_count3A_1203 = tpu.all_reduce %ge3A_1191 {dim = 0 : i64, kind = #tpu.reduction_kind<sum>} : vector<16xi1> -> vector<16xi32>
          %slice3A_1204 = vector.extract_strided_slice %all_reduce_population_count3A_1203 {offsets = [0], sizes = [1], strides = [1]} : vector<16xi32> to vector<1xi32>
          %squeeze3A_1205 = vector.extract %slice3A_1204[0] : i32 from vector<1xi32>
          %add3A_1206 = arith.addi %add3A_1190, %squeeze3A_1205 : i32
          %ge3A_1207 = arith.cmpf oge, %get3A_869, %broadcast_in_dim3A_950 : vector<16xf32>
          %swap3A_1208 = arith.index_cast %add3A_1206 : i32 to index
          %swap3A_1209 = tpu.vector_load %arg10[%swap3A_1208] masked %ge3A_1207 {strides = array<i32>} : memref<448xf32, #tpu.memory_space<vmem>>, vector<16xf32>, vector<16xi1>
          tpu.vector_store %arg10[%swap3A_1208], %get3A_869 masked %ge3A_1207 {strides = array<i32>} : memref<448xf32, #tpu.memory_space<vmem>>, vector<16xf32>, vector<16xi1>
          %iota3A_1210 = tpu.iota {dimensions = array<i32: 0>} : vector<16xi32>
          %add3A_1211 = arith.constant 0 : i32
          %add3A_1212 = arith.addi %add3A_1211, %mul3A_766 : i32
          %add3A_1213 = arith.constant 256 : i32
          %add3A_1214 = arith.addi %add3A_1212, %add3A_1213 : i32
          %add3A_1215 = vector.broadcast %add3A_1214 : i32 to vector<16xi32>
          %add3A_1216 = arith.addi %iota3A_1210, %add3A_1215 : vector<16xi32>
          %swap3A_1217 = arith.index_cast %add3A_1206 : i32 to index
          %swap3A_1218 = tpu.vector_load %arg11[%swap3A_1217] masked %ge3A_1207 {strides = array<i32>} : memref<448xi32, #tpu.memory_space<vmem>>, vector<16xi32>, vector<16xi1>
          tpu.vector_store %arg11[%swap3A_1217], %add3A_1216 masked %ge3A_1207 {strides = array<i32>} : memref<448xi32, #tpu.memory_space<vmem>>, vector<16xi32>, vector<16xi1>
          %all_reduce_population_count3A_1219 = tpu.all_reduce %ge3A_1207 {dim = 0 : i64, kind = #tpu.reduction_kind<sum>} : vector<16xi1> -> vector<16xi32>
          %slice3A_1220 = vector.extract_strided_slice %all_reduce_population_count3A_1219 {offsets = [0], sizes = [1], strides = [1]} : vector<16xi32> to vector<1xi32>
          %squeeze3A_1221 = vector.extract %slice3A_1220[0] : i32 from vector<1xi32>
          %add3A_1222 = arith.addi %add3A_1206, %squeeze3A_1221 : i32
          %ge3A_1223 = arith.cmpf oge, %get3A_875, %broadcast_in_dim3A_950 : vector<16xf32>
          %swap3A_1224 = arith.index_cast %add3A_1222 : i32 to index
          %swap3A_1225 = tpu.vector_load %arg10[%swap3A_1224] masked %ge3A_1223 {strides = array<i32>} : memref<448xf32, #tpu.memory_space<vmem>>, vector<16xf32>, vector<16xi1>
          tpu.vector_store %arg10[%swap3A_1224], %get3A_875 masked %ge3A_1223 {strides = array<i32>} : memref<448xf32, #tpu.memory_space<vmem>>, vector<16xf32>, vector<16xi1>
          %iota3A_1226 = tpu.iota {dimensions = array<i32: 0>} : vector<16xi32>
          %add3A_1227 = arith.constant 0 : i32
          %add3A_1228 = arith.addi %add3A_1227, %mul3A_766 : i32
          %add3A_1229 = arith.constant 272 : i32
          %add3A_1230 = arith.addi %add3A_1228, %add3A_1229 : i32
          %add3A_1231 = vector.broadcast %add3A_1230 : i32 to vector<16xi32>
          %add3A_1232 = arith.addi %iota3A_1226, %add3A_1231 : vector<16xi32>
          %swap3A_1233 = arith.index_cast %add3A_1222 : i32 to index
          %swap3A_1234 = tpu.vector_load %arg11[%swap3A_1233] masked %ge3A_1223 {strides = array<i32>} : memref<448xi32, #tpu.memory_space<vmem>>, vector<16xi32>, vector<16xi1>
          tpu.vector_store %arg11[%swap3A_1233], %add3A_1232 masked %ge3A_1223 {strides = array<i32>} : memref<448xi32, #tpu.memory_space<vmem>>, vector<16xi32>, vector<16xi1>
          %all_reduce_population_count3A_1235 = tpu.all_reduce %ge3A_1223 {dim = 0 : i64, kind = #tpu.reduction_kind<sum>} : vector<16xi1> -> vector<16xi32>
          %slice3A_1236 = vector.extract_strided_slice %all_reduce_population_count3A_1235 {offsets = [0], sizes = [1], strides = [1]} : vector<16xi32> to vector<1xi32>
          %squeeze3A_1237 = vector.extract %slice3A_1236[0] : i32 from vector<1xi32>
          %add3A_1238 = arith.addi %add3A_1222, %squeeze3A_1237 : i32
          %ge3A_1239 = arith.cmpf oge, %get3A_881, %broadcast_in_dim3A_950 : vector<16xf32>
          %swap3A_1240 = arith.index_cast %add3A_1238 : i32 to index
          %swap3A_1241 = tpu.vector_load %arg10[%swap3A_1240] masked %ge3A_1239 {strides = array<i32>} : memref<448xf32, #tpu.memory_space<vmem>>, vector<16xf32>, vector<16xi1>
          tpu.vector_store %arg10[%swap3A_1240], %get3A_881 masked %ge3A_1239 {strides = array<i32>} : memref<448xf32, #tpu.memory_space<vmem>>, vector<16xf32>, vector<16xi1>
          %iota3A_1242 = tpu.iota {dimensions = array<i32: 0>} : vector<16xi32>
          %add3A_1243 = arith.constant 0 : i32
          %add3A_1244 = arith.addi %add3A_1243, %mul3A_766 : i32
          %add3A_1245 = arith.constant 288 : i32
          %add3A_1246 = arith.addi %add3A_1244, %add3A_1245 : i32
          %add3A_1247 = vector.broadcast %add3A_1246 : i32 to vector<16xi32>
          %add3A_1248 = arith.addi %iota3A_1242, %add3A_1247 : vector<16xi32>
          %swap3A_1249 = arith.index_cast %add3A_1238 : i32 to index
          %swap3A_1250 = tpu.vector_load %arg11[%swap3A_1249] masked %ge3A_1239 {strides = array<i32>} : memref<448xi32, #tpu.memory_space<vmem>>, vector<16xi32>, vector<16xi1>
          tpu.vector_store %arg11[%swap3A_1249], %add3A_1248 masked %ge3A_1239 {strides = array<i32>} : memref<448xi32, #tpu.memory_space<vmem>>, vector<16xi32>, vector<16xi1>
          %all_reduce_population_count3A_1251 = tpu.all_reduce %ge3A_1239 {dim = 0 : i64, kind = #tpu.reduction_kind<sum>} : vector<16xi1> -> vector<16xi32>
          %slice3A_1252 = vector.extract_strided_slice %all_reduce_population_count3A_1251 {offsets = [0], sizes = [1], strides = [1]} : vector<16xi32> to vector<1xi32>
          %squeeze3A_1253 = vector.extract %slice3A_1252[0] : i32 from vector<1xi32>
          %add3A_1254 = arith.addi %add3A_1238, %squeeze3A_1253 : i32
          %ge3A_1255 = arith.cmpf oge, %get3A_887, %broadcast_in_dim3A_950 : vector<16xf32>
          %swap3A_1256 = arith.index_cast %add3A_1254 : i32 to index
          %swap3A_1257 = tpu.vector_load %arg10[%swap3A_1256] masked %ge3A_1255 {strides = array<i32>} : memref<448xf32, #tpu.memory_space<vmem>>, vector<16xf32>, vector<16xi1>
          tpu.vector_store %arg10[%swap3A_1256], %get3A_887 masked %ge3A_1255 {strides = array<i32>} : memref<448xf32, #tpu.memory_space<vmem>>, vector<16xf32>, vector<16xi1>
          %iota3A_1258 = tpu.iota {dimensions = array<i32: 0>} : vector<16xi32>
          %add3A_1259 = arith.constant 0 : i32
          %add3A_1260 = arith.addi %add3A_1259, %mul3A_766 : i32
          %add3A_1261 = arith.constant 304 : i32
          %add3A_1262 = arith.addi %add3A_1260, %add3A_1261 : i32
          %add3A_1263 = vector.broadcast %add3A_1262 : i32 to vector<16xi32>
          %add3A_1264 = arith.addi %iota3A_1258, %add3A_1263 : vector<16xi32>
          %swap3A_1265 = arith.index_cast %add3A_1254 : i32 to index
          %swap3A_1266 = tpu.vector_load %arg11[%swap3A_1265] masked %ge3A_1255 {strides = array<i32>} : memref<448xi32, #tpu.memory_space<vmem>>, vector<16xi32>, vector<16xi1>
          tpu.vector_store %arg11[%swap3A_1265], %add3A_1264 masked %ge3A_1255 {strides = array<i32>} : memref<448xi32, #tpu.memory_space<vmem>>, vector<16xi32>, vector<16xi1>
          %all_reduce_population_count3A_1267 = tpu.all_reduce %ge3A_1255 {dim = 0 : i64, kind = #tpu.reduction_kind<sum>} : vector<16xi1> -> vector<16xi32>
          %slice3A_1268 = vector.extract_strided_slice %all_reduce_population_count3A_1267 {offsets = [0], sizes = [1], strides = [1]} : vector<16xi32> to vector<1xi32>
          %squeeze3A_1269 = vector.extract %slice3A_1268[0] : i32 from vector<1xi32>
          %add3A_1270 = arith.addi %add3A_1254, %squeeze3A_1269 : i32
          %ge3A_1271 = arith.cmpf oge, %get3A_893, %broadcast_in_dim3A_950 : vector<16xf32>
          %swap3A_1272 = arith.index_cast %add3A_1270 : i32 to index
          %swap3A_1273 = tpu.vector_load %arg10[%swap3A_1272] masked %ge3A_1271 {strides = array<i32>} : memref<448xf32, #tpu.memory_space<vmem>>, vector<16xf32>, vector<16xi1>
          tpu.vector_store %arg10[%swap3A_1272], %get3A_893 masked %ge3A_1271 {strides = array<i32>} : memref<448xf32, #tpu.memory_space<vmem>>, vector<16xf32>, vector<16xi1>
          %iota3A_1274 = tpu.iota {dimensions = array<i32: 0>} : vector<16xi32>
          %add3A_1275 = arith.constant 0 : i32
          %add3A_1276 = arith.addi %add3A_1275, %mul3A_766 : i32
          %add3A_1277 = arith.constant 320 : i32
          %add3A_1278 = arith.addi %add3A_1276, %add3A_1277 : i32
          %add3A_1279 = vector.broadcast %add3A_1278 : i32 to vector<16xi32>
          %add3A_1280 = arith.addi %iota3A_1274, %add3A_1279 : vector<16xi32>
          %swap3A_1281 = arith.index_cast %add3A_1270 : i32 to index
          %swap3A_1282 = tpu.vector_load %arg11[%swap3A_1281] masked %ge3A_1271 {strides = array<i32>} : memref<448xi32, #tpu.memory_space<vmem>>, vector<16xi32>, vector<16xi1>
          tpu.vector_store %arg11[%swap3A_1281], %add3A_1280 masked %ge3A_1271 {strides = array<i32>} : memref<448xi32, #tpu.memory_space<vmem>>, vector<16xi32>, vector<16xi1>
          %all_reduce_population_count3A_1283 = tpu.all_reduce %ge3A_1271 {dim = 0 : i64, kind = #tpu.reduction_kind<sum>} : vector<16xi1> -> vector<16xi32>
          %slice3A_1284 = vector.extract_strided_slice %all_reduce_population_count3A_1283 {offsets = [0], sizes = [1], strides = [1]} : vector<16xi32> to vector<1xi32>
          %squeeze3A_1285 = vector.extract %slice3A_1284[0] : i32 from vector<1xi32>
          %add3A_1286 = arith.addi %add3A_1270, %squeeze3A_1285 : i32
          %ge3A_1287 = arith.cmpf oge, %get3A_899, %broadcast_in_dim3A_950 : vector<16xf32>
          %swap3A_1288 = arith.index_cast %add3A_1286 : i32 to index
          %swap3A_1289 = tpu.vector_load %arg10[%swap3A_1288] masked %ge3A_1287 {strides = array<i32>} : memref<448xf32, #tpu.memory_space<vmem>>, vector<16xf32>, vector<16xi1>
          tpu.vector_store %arg10[%swap3A_1288], %get3A_899 masked %ge3A_1287 {strides = array<i32>} : memref<448xf32, #tpu.memory_space<vmem>>, vector<16xf32>, vector<16xi1>
          %iota3A_1290 = tpu.iota {dimensions = array<i32: 0>} : vector<16xi32>
          %add3A_1291 = arith.constant 0 : i32
          %add3A_1292 = arith.addi %add3A_1291, %mul3A_766 : i32
          %add3A_1293 = arith.constant 336 : i32
          %add3A_1294 = arith.addi %add3A_1292, %add3A_1293 : i32
          %add3A_1295 = vector.broadcast %add3A_1294 : i32 to vector<16xi32>
          %add3A_1296 = arith.addi %iota3A_1290, %add3A_1295 : vector<16xi32>
          %swap3A_1297 = arith.index_cast %add3A_1286 : i32 to index
          %swap3A_1298 = tpu.vector_load %arg11[%swap3A_1297] masked %ge3A_1287 {strides = array<i32>} : memref<448xi32, #tpu.memory_space<vmem>>, vector<16xi32>, vector<16xi1>
          tpu.vector_store %arg11[%swap3A_1297], %add3A_1296 masked %ge3A_1287 {strides = array<i32>} : memref<448xi32, #tpu.memory_space<vmem>>, vector<16xi32>, vector<16xi1>
          %all_reduce_population_count3A_1299 = tpu.all_reduce %ge3A_1287 {dim = 0 : i64, kind = #tpu.reduction_kind<sum>} : vector<16xi1> -> vector<16xi32>
          %slice3A_1300 = vector.extract_strided_slice %all_reduce_population_count3A_1299 {offsets = [0], sizes = [1], strides = [1]} : vector<16xi32> to vector<1xi32>
          %squeeze3A_1301 = vector.extract %slice3A_1300[0] : i32 from vector<1xi32>
          %add3A_1302 = arith.addi %add3A_1286, %squeeze3A_1301 : i32
          %ge3A_1303 = arith.cmpf oge, %get3A_905, %broadcast_in_dim3A_950 : vector<16xf32>
          %swap3A_1304 = arith.index_cast %add3A_1302 : i32 to index
          %swap3A_1305 = tpu.vector_load %arg10[%swap3A_1304] masked %ge3A_1303 {strides = array<i32>} : memref<448xf32, #tpu.memory_space<vmem>>, vector<16xf32>, vector<16xi1>
          tpu.vector_store %arg10[%swap3A_1304], %get3A_905 masked %ge3A_1303 {strides = array<i32>} : memref<448xf32, #tpu.memory_space<vmem>>, vector<16xf32>, vector<16xi1>
          %iota3A_1306 = tpu.iota {dimensions = array<i32: 0>} : vector<16xi32>
          %add3A_1307 = arith.constant 0 : i32
          %add3A_1308 = arith.addi %add3A_1307, %mul3A_766 : i32
          %add3A_1309 = arith.constant 352 : i32
          %add3A_1310 = arith.addi %add3A_1308, %add3A_1309 : i32
          %add3A_1311 = vector.broadcast %add3A_1310 : i32 to vector<16xi32>
          %add3A_1312 = arith.addi %iota3A_1306, %add3A_1311 : vector<16xi32>
          %swap3A_1313 = arith.index_cast %add3A_1302 : i32 to index
          %swap3A_1314 = tpu.vector_load %arg11[%swap3A_1313] masked %ge3A_1303 {strides = array<i32>} : memref<448xi32, #tpu.memory_space<vmem>>, vector<16xi32>, vector<16xi1>
          tpu.vector_store %arg11[%swap3A_1313], %add3A_1312 masked %ge3A_1303 {strides = array<i32>} : memref<448xi32, #tpu.memory_space<vmem>>, vector<16xi32>, vector<16xi1>
          %all_reduce_population_count3A_1315 = tpu.all_reduce %ge3A_1303 {dim = 0 : i64, kind = #tpu.reduction_kind<sum>} : vector<16xi1> -> vector<16xi32>
          %slice3A_1316 = vector.extract_strided_slice %all_reduce_population_count3A_1315 {offsets = [0], sizes = [1], strides = [1]} : vector<16xi32> to vector<1xi32>
          %squeeze3A_1317 = vector.extract %slice3A_1316[0] : i32 from vector<1xi32>
          %add3A_1318 = arith.addi %add3A_1302, %squeeze3A_1317 : i32
          %ge3A_1319 = arith.cmpf oge, %get3A_911, %broadcast_in_dim3A_950 : vector<16xf32>
          %swap3A_1320 = arith.index_cast %add3A_1318 : i32 to index
          %swap3A_1321 = tpu.vector_load %arg10[%swap3A_1320] masked %ge3A_1319 {strides = array<i32>} : memref<448xf32, #tpu.memory_space<vmem>>, vector<16xf32>, vector<16xi1>
          tpu.vector_store %arg10[%swap3A_1320], %get3A_911 masked %ge3A_1319 {strides = array<i32>} : memref<448xf32, #tpu.memory_space<vmem>>, vector<16xf32>, vector<16xi1>
          %iota3A_1322 = tpu.iota {dimensions = array<i32: 0>} : vector<16xi32>
          %add3A_1323 = arith.constant 0 : i32
          %add3A_1324 = arith.addi %add3A_1323, %mul3A_766 : i32
          %add3A_1325 = arith.constant 368 : i32
          %add3A_1326 = arith.addi %add3A_1324, %add3A_1325 : i32
          %add3A_1327 = vector.broadcast %add3A_1326 : i32 to vector<16xi32>
          %add3A_1328 = arith.addi %iota3A_1322, %add3A_1327 : vector<16xi32>
          %swap3A_1329 = arith.index_cast %add3A_1318 : i32 to index
          %swap3A_1330 = tpu.vector_load %arg11[%swap3A_1329] masked %ge3A_1319 {strides = array<i32>} : memref<448xi32, #tpu.memory_space<vmem>>, vector<16xi32>, vector<16xi1>
          tpu.vector_store %arg11[%swap3A_1329], %add3A_1328 masked %ge3A_1319 {strides = array<i32>} : memref<448xi32, #tpu.memory_space<vmem>>, vector<16xi32>, vector<16xi1>
          %all_reduce_population_count3A_1331 = tpu.all_reduce %ge3A_1319 {dim = 0 : i64, kind = #tpu.reduction_kind<sum>} : vector<16xi1> -> vector<16xi32>
          %slice3A_1332 = vector.extract_strided_slice %all_reduce_population_count3A_1331 {offsets = [0], sizes = [1], strides = [1]} : vector<16xi32> to vector<1xi32>
          %squeeze3A_1333 = vector.extract %slice3A_1332[0] : i32 from vector<1xi32>
          %add3A_1334 = arith.addi %add3A_1318, %squeeze3A_1333 : i32
          %ge3A_1335 = arith.cmpf oge, %get3A_917, %broadcast_in_dim3A_950 : vector<16xf32>
          %swap3A_1336 = arith.index_cast %add3A_1334 : i32 to index
          %swap3A_1337 = tpu.vector_load %arg10[%swap3A_1336] masked %ge3A_1335 {strides = array<i32>} : memref<448xf32, #tpu.memory_space<vmem>>, vector<16xf32>, vector<16xi1>
          tpu.vector_store %arg10[%swap3A_1336], %get3A_917 masked %ge3A_1335 {strides = array<i32>} : memref<448xf32, #tpu.memory_space<vmem>>, vector<16xf32>, vector<16xi1>
          %iota3A_1338 = tpu.iota {dimensions = array<i32: 0>} : vector<16xi32>
          %add3A_1339 = arith.constant 0 : i32
          %add3A_1340 = arith.addi %add3A_1339, %mul3A_766 : i32
          %add3A_1341 = arith.constant 384 : i32
          %add3A_1342 = arith.addi %add3A_1340, %add3A_1341 : i32
          %add3A_1343 = vector.broadcast %add3A_1342 : i32 to vector<16xi32>
          %add3A_1344 = arith.addi %iota3A_1338, %add3A_1343 : vector<16xi32>
          %swap3A_1345 = arith.index_cast %add3A_1334 : i32 to index
          %swap3A_1346 = tpu.vector_load %arg11[%swap3A_1345] masked %ge3A_1335 {strides = array<i32>} : memref<448xi32, #tpu.memory_space<vmem>>, vector<16xi32>, vector<16xi1>
          tpu.vector_store %arg11[%swap3A_1345], %add3A_1344 masked %ge3A_1335 {strides = array<i32>} : memref<448xi32, #tpu.memory_space<vmem>>, vector<16xi32>, vector<16xi1>
          %all_reduce_population_count3A_1347 = tpu.all_reduce %ge3A_1335 {dim = 0 : i64, kind = #tpu.reduction_kind<sum>} : vector<16xi1> -> vector<16xi32>
          %slice3A_1348 = vector.extract_strided_slice %all_reduce_population_count3A_1347 {offsets = [0], sizes = [1], strides = [1]} : vector<16xi32> to vector<1xi32>
          %squeeze3A_1349 = vector.extract %slice3A_1348[0] : i32 from vector<1xi32>
          %add3A_1350 = arith.addi %add3A_1334, %squeeze3A_1349 : i32
          %while3A = arith.constant 0 : i32
          %while3A_1351:2 = scf.while (%while3A_1364 = %while3A, %while3A_1365 = %scan3A_764) : (i32, f32) -> (i32, f32) {
            %add3A_1366 = arith.constant 16 : i32
            %add3A_1367 = arith.addi %while3A_1364, %add3A_1366 : i32
            %le3A = arith.cmpi sle, %add3A_1367, %add3A_1350 : i32
            scf.condition(%le3A) %while3A_1364, %while3A_1365 : i32, f32
          } do {
          ^bb0(%while3A_1364: i32, %while3A_1365: f32):
            %get3A_1366 = arith.index_cast %while3A_1364 : i32 to index
            %get3A_1367 = tpu.vector_load %arg10[%get3A_1366] {strides = array<i32>} : memref<448xf32, #tpu.memory_space<vmem>>, vector<16xf32>,
            %get3A_1368 = arith.index_cast %while3A_1364 : i32 to index
            %get3A_1369 = tpu.vector_load %arg11[%get3A_1368] {strides = array<i32>} : memref<448xi32, #tpu.memory_space<vmem>>, vector<16xi32>,
            %scan3A_1370 = arith.constant 0 : i32
            %scan3A_1371 = arith.constant 8 : i32
            %scan3A_1372 = arith.addi %scan3A_1370, %scan3A_1371 : i32
            %scan3A_1373 = arith.constant 1 : i32
            %scan3A_1374:2 = scf.for %scan3A_1389 = %scan3A_1370 to %scan3A_1372 step %scan3A_1373 iter_args(%scan3A_1390 = %get3A_1367, %scan3A_1391 = %get3A_1369) -> (vector<16xf32>, vector<16xi32>)  : i32 {
              %mul3A_1392 = arith.constant 8 : i32
              %mul3A_1393 = arith.muli %scan3A_1389, %mul3A_1392 : i32
              %add3A_1394 = arith.constant 0 : i32
              %add3A_1395 = arith.addi %mul3A_1393, %add3A_1394 : i32
              %get3A_1396 = arith.index_cast %add3A_1395 : i32 to index
              %get3A_1397 = arith.constant 0 : index
              %get3A_1398 = tpu.vector_load %arg12[%get3A_1396, %get3A_1397] {strides = array<i32>} : memref<65x16xf32, #tpu.memory_space<vmem>>, vector<16xf32>,
              %get3A_1399 = arith.index_cast %add3A_1395 : i32 to index
              %get3A_1400 = arith.constant 0 : index
              %get3A_1401 = tpu.vector_load %arg13[%get3A_1399, %get3A_1400] {strides = array<i32>} : memref<65x16xi32, #tpu.memory_space<vmem>>, vector<16xi32>,
              %gt3A_1402 = arith.cmpf ogt, %scan3A_1390, %get3A_1398 : vector<16xf32>
              %select_n3A_1403 = arith.select %gt3A_1402, %scan3A_1390, %get3A_1398 : vector<16xi1>, vector<16xf32>
              %swap3A_1404 = arith.index_cast %add3A_1395 : i32 to index
              %swap3A_1405 = arith.constant 0 : index
              %swap3A_1406 = tpu.vector_load %arg12[%swap3A_1404, %swap3A_1405] {strides = array<i32>} : memref<65x16xf32, #tpu.memory_space<vmem>>, vector<16xf32>,
              tpu.vector_store %arg12[%swap3A_1404, %swap3A_1405], %select_n3A_1403 {strides = array<i32>} : memref<65x16xf32, #tpu.memory_space<vmem>>, vector<16xf32>,
              %select_n3A_1407 = arith.select %gt3A_1402, %scan3A_1391, %get3A_1401 : vector<16xi1>, vector<16xi32>
              %swap3A_1408 = arith.index_cast %add3A_1395 : i32 to index
              %swap3A_1409 = arith.constant 0 : index
              %swap3A_1410 = tpu.vector_load %arg13[%swap3A_1408, %swap3A_1409] {strides = array<i32>} : memref<65x16xi32, #tpu.memory_space<vmem>>, vector<16xi32>,
              tpu.vector_store %arg13[%swap3A_1408, %swap3A_1409], %select_n3A_1407 {strides = array<i32>} : memref<65x16xi32, #tpu.memory_space<vmem>>, vector<16xi32>,
              %select_n3A_1411 = arith.select %gt3A_1402, %get3A_1398, %scan3A_1390 : vector<16xi1>, vector<16xf32>
              %select_n3A_1412 = arith.select %gt3A_1402, %get3A_1401, %scan3A_1391 : vector<16xi1>, vector<16xi32>
              %mul3A_1413 = arith.constant 8 : i32
              %mul3A_1414 = arith.muli %scan3A_1389, %mul3A_1413 : i32
              %add3A_1415 = arith.constant 1 : i32
              %add3A_1416 = arith.addi %mul3A_1414, %add3A_1415 : i32
              %get3A_1417 = arith.index_cast %add3A_1416 : i32 to index
              %get3A_1418 = arith.constant 0 : index
              %get3A_1419 = tpu.vector_load %arg12[%get3A_1417, %get3A_1418] {strides = array<i32>} : memref<65x16xf32, #tpu.memory_space<vmem>>, vector<16xf32>,
              %get3A_1420 = arith.index_cast %add3A_1416 : i32 to index
              %get3A_1421 = arith.constant 0 : index
              %get3A_1422 = tpu.vector_load %arg13[%get3A_1420, %get3A_1421] {strides = array<i32>} : memref<65x16xi32, #tpu.memory_space<vmem>>, vector<16xi32>,
              %gt3A_1423 = arith.cmpf ogt, %select_n3A_1411, %get3A_1419 : vector<16xf32>
              %select_n3A_1424 = arith.select %gt3A_1423, %select_n3A_1411, %get3A_1419 : vector<16xi1>, vector<16xf32>
              %swap3A_1425 = arith.index_cast %add3A_1416 : i32 to index
              %swap3A_1426 = arith.constant 0 : index
              %swap3A_1427 = tpu.vector_load %arg12[%swap3A_1425, %swap3A_1426] {strides = array<i32>} : memref<65x16xf32, #tpu.memory_space<vmem>>, vector<16xf32>,
              tpu.vector_store %arg12[%swap3A_1425, %swap3A_1426], %select_n3A_1424 {strides = array<i32>} : memref<65x16xf32, #tpu.memory_space<vmem>>, vector<16xf32>,
              %select_n3A_1428 = arith.select %gt3A_1423, %select_n3A_1412, %get3A_1422 : vector<16xi1>, vector<16xi32>
              %swap3A_1429 = arith.index_cast %add3A_1416 : i32 to index
              %swap3A_1430 = arith.constant 0 : index
              %swap3A_1431 = tpu.vector_load %arg13[%swap3A_1429, %swap3A_1430] {strides = array<i32>} : memref<65x16xi32, #tpu.memory_space<vmem>>, vector<16xi32>,
              tpu.vector_store %arg13[%swap3A_1429, %swap3A_1430], %select_n3A_1428 {strides = array<i32>} : memref<65x16xi32, #tpu.memory_space<vmem>>, vector<16xi32>,
              %select_n3A_1432 = arith.select %gt3A_1423, %get3A_1419, %select_n3A_1411 : vector<16xi1>, vector<16xf32>
              %select_n3A_1433 = arith.select %gt3A_1423, %get3A_1422, %select_n3A_1412 : vector<16xi1>, vector<16xi32>
              %mul3A_1434 = arith.constant 8 : i32
              %mul3A_1435 = arith.muli %scan3A_1389, %mul3A_1434 : i32
              %add3A_1436 = arith.constant 2 : i32
              %add3A_1437 = arith.addi %mul3A_1435, %add3A_1436 : i32
              %get3A_1438 = arith.index_cast %add3A_1437 : i32 to index
              %get3A_1439 = arith.constant 0 : index
              %get3A_1440 = tpu.vector_load %arg12[%get3A_1438, %get3A_1439] {strides = array<i32>} : memref<65x16xf32, #tpu.memory_space<vmem>>, vector<16xf32>,
              %get3A_1441 = arith.index_cast %add3A_1437 : i32 to index
              %get3A_1442 = arith.constant 0 : index
              %get3A_1443 = tpu.vector_load %arg13[%get3A_1441, %get3A_1442] {strides = array<i32>} : memref<65x16xi32, #tpu.memory_space<vmem>>, vector<16xi32>,
              %gt3A_1444 = arith.cmpf ogt, %select_n3A_1432, %get3A_1440 : vector<16xf32>
              %select_n3A_1445 = arith.select %gt3A_1444, %select_n3A_1432, %get3A_1440 : vector<16xi1>, vector<16xf32>
              %swap3A_1446 = arith.index_cast %add3A_1437 : i32 to index
              %swap3A_1447 = arith.constant 0 : index
              %swap3A_1448 = tpu.vector_load %arg12[%swap3A_1446, %swap3A_1447] {strides = array<i32>} : memref<65x16xf32, #tpu.memory_space<vmem>>, vector<16xf32>,
              tpu.vector_store %arg12[%swap3A_1446, %swap3A_1447], %select_n3A_1445 {strides = array<i32>} : memref<65x16xf32, #tpu.memory_space<vmem>>, vector<16xf32>,
              %select_n3A_1449 = arith.select %gt3A_1444, %select_n3A_1433, %get3A_1443 : vector<16xi1>, vector<16xi32>
              %swap3A_1450 = arith.index_cast %add3A_1437 : i32 to index
              %swap3A_1451 = arith.constant 0 : index
              %swap3A_1452 = tpu.vector_load %arg13[%swap3A_1450, %swap3A_1451] {strides = array<i32>} : memref<65x16xi32, #tpu.memory_space<vmem>>, vector<16xi32>,
              tpu.vector_store %arg13[%swap3A_1450, %swap3A_1451], %select_n3A_1449 {strides = array<i32>} : memref<65x16xi32, #tpu.memory_space<vmem>>, vector<16xi32>,
              %select_n3A_1453 = arith.select %gt3A_1444, %get3A_1440, %select_n3A_1432 : vector<16xi1>, vector<16xf32>
              %select_n3A_1454 = arith.select %gt3A_1444, %get3A_1443, %select_n3A_1433 : vector<16xi1>, vector<16xi32>
              %mul3A_1455 = arith.constant 8 : i32
              %mul3A_1456 = arith.muli %scan3A_1389, %mul3A_1455 : i32
              %add3A_1457 = arith.constant 3 : i32
              %add3A_1458 = arith.addi %mul3A_1456, %add3A_1457 : i32
              %get3A_1459 = arith.index_cast %add3A_1458 : i32 to index
              %get3A_1460 = arith.constant 0 : index
              %get3A_1461 = tpu.vector_load %arg12[%get3A_1459, %get3A_1460] {strides = array<i32>} : memref<65x16xf32, #tpu.memory_space<vmem>>, vector<16xf32>,
              %get3A_1462 = arith.index_cast %add3A_1458 : i32 to index
              %get3A_1463 = arith.constant 0 : index
              %get3A_1464 = tpu.vector_load %arg13[%get3A_1462, %get3A_1463] {strides = array<i32>} : memref<65x16xi32, #tpu.memory_space<vmem>>, vector<16xi32>,
              %gt3A_1465 = arith.cmpf ogt, %select_n3A_1453, %get3A_1461 : vector<16xf32>
              %select_n3A_1466 = arith.select %gt3A_1465, %select_n3A_1453, %get3A_1461 : vector<16xi1>, vector<16xf32>
              %swap3A_1467 = arith.index_cast %add3A_1458 : i32 to index
              %swap3A_1468 = arith.constant 0 : index
              %swap3A_1469 = tpu.vector_load %arg12[%swap3A_1467, %swap3A_1468] {strides = array<i32>} : memref<65x16xf32, #tpu.memory_space<vmem>>, vector<16xf32>,
              tpu.vector_store %arg12[%swap3A_1467, %swap3A_1468], %select_n3A_1466 {strides = array<i32>} : memref<65x16xf32, #tpu.memory_space<vmem>>, vector<16xf32>,
              %select_n3A_1470 = arith.select %gt3A_1465, %select_n3A_1454, %get3A_1464 : vector<16xi1>, vector<16xi32>
              %swap3A_1471 = arith.index_cast %add3A_1458 : i32 to index
              %swap3A_1472 = arith.constant 0 : index
              %swap3A_1473 = tpu.vector_load %arg13[%swap3A_1471, %swap3A_1472] {strides = array<i32>} : memref<65x16xi32, #tpu.memory_space<vmem>>, vector<16xi32>,
              tpu.vector_store %arg13[%swap3A_1471, %swap3A_1472], %select_n3A_1470 {strides = array<i32>} : memref<65x16xi32, #tpu.memory_space<vmem>>, vector<16xi32>,
              %select_n3A_1474 = arith.select %gt3A_1465, %get3A_1461, %select_n3A_1453 : vector<16xi1>, vector<16xf32>
              %select_n3A_1475 = arith.select %gt3A_1465, %get3A_1464, %select_n3A_1454 : vector<16xi1>, vector<16xi32>
              %mul3A_1476 = arith.constant 8 : i32
              %mul3A_1477 = arith.muli %scan3A_1389, %mul3A_1476 : i32
              %add3A_1478 = arith.constant 4 : i32
              %add3A_1479 = arith.addi %mul3A_1477, %add3A_1478 : i32
              %get3A_1480 = arith.index_cast %add3A_1479 : i32 to index
              %get3A_1481 = arith.constant 0 : index
              %get3A_1482 = tpu.vector_load %arg12[%get3A_1480, %get3A_1481] {strides = array<i32>} : memref<65x16xf32, #tpu.memory_space<vmem>>, vector<16xf32>,
              %get3A_1483 = arith.index_cast %add3A_1479 : i32 to index
              %get3A_1484 = arith.constant 0 : index
              %get3A_1485 = tpu.vector_load %arg13[%get3A_1483, %get3A_1484] {strides = array<i32>} : memref<65x16xi32, #tpu.memory_space<vmem>>, vector<16xi32>,
              %gt3A_1486 = arith.cmpf ogt, %select_n3A_1474, %get3A_1482 : vector<16xf32>
              %select_n3A_1487 = arith.select %gt3A_1486, %select_n3A_1474, %get3A_1482 : vector<16xi1>, vector<16xf32>
              %swap3A_1488 = arith.index_cast %add3A_1479 : i32 to index
              %swap3A_1489 = arith.constant 0 : index
              %swap3A_1490 = tpu.vector_load %arg12[%swap3A_1488, %swap3A_1489] {strides = array<i32>} : memref<65x16xf32, #tpu.memory_space<vmem>>, vector<16xf32>,
              tpu.vector_store %arg12[%swap3A_1488, %swap3A_1489], %select_n3A_1487 {strides = array<i32>} : memref<65x16xf32, #tpu.memory_space<vmem>>, vector<16xf32>,
              %select_n3A_1491 = arith.select %gt3A_1486, %select_n3A_1475, %get3A_1485 : vector<16xi1>, vector<16xi32>
              %swap3A_1492 = arith.index_cast %add3A_1479 : i32 to index
              %swap3A_1493 = arith.constant 0 : index
              %swap3A_1494 = tpu.vector_load %arg13[%swap3A_1492, %swap3A_1493] {strides = array<i32>} : memref<65x16xi32, #tpu.memory_space<vmem>>, vector<16xi32>,
              tpu.vector_store %arg13[%swap3A_1492, %swap3A_1493], %select_n3A_1491 {strides = array<i32>} : memref<65x16xi32, #tpu.memory_space<vmem>>, vector<16xi32>,
              %select_n3A_1495 = arith.select %gt3A_1486, %get3A_1482, %select_n3A_1474 : vector<16xi1>, vector<16xf32>
              %select_n3A_1496 = arith.select %gt3A_1486, %get3A_1485, %select_n3A_1475 : vector<16xi1>, vector<16xi32>
              %mul3A_1497 = arith.constant 8 : i32
              %mul3A_1498 = arith.muli %scan3A_1389, %mul3A_1497 : i32
              %add3A_1499 = arith.constant 5 : i32
              %add3A_1500 = arith.addi %mul3A_1498, %add3A_1499 : i32
              %get3A_1501 = arith.index_cast %add3A_1500 : i32 to index
              %get3A_1502 = arith.constant 0 : index
              %get3A_1503 = tpu.vector_load %arg12[%get3A_1501, %get3A_1502] {strides = array<i32>} : memref<65x16xf32, #tpu.memory_space<vmem>>, vector<16xf32>,
              %get3A_1504 = arith.index_cast %add3A_1500 : i32 to index
              %get3A_1505 = arith.constant 0 : index
              %get3A_1506 = tpu.vector_load %arg13[%get3A_1504, %get3A_1505] {strides = array<i32>} : memref<65x16xi32, #tpu.memory_space<vmem>>, vector<16xi32>,
              %gt3A_1507 = arith.cmpf ogt, %select_n3A_1495, %get3A_1503 : vector<16xf32>
              %select_n3A_1508 = arith.select %gt3A_1507, %select_n3A_1495, %get3A_1503 : vector<16xi1>, vector<16xf32>
              %swap3A_1509 = arith.index_cast %add3A_1500 : i32 to index
              %swap3A_1510 = arith.constant 0 : index
              %swap3A_1511 = tpu.vector_load %arg12[%swap3A_1509, %swap3A_1510] {strides = array<i32>} : memref<65x16xf32, #tpu.memory_space<vmem>>, vector<16xf32>,
              tpu.vector_store %arg12[%swap3A_1509, %swap3A_1510], %select_n3A_1508 {strides = array<i32>} : memref<65x16xf32, #tpu.memory_space<vmem>>, vector<16xf32>,
              %select_n3A_1512 = arith.select %gt3A_1507, %select_n3A_1496, %get3A_1506 : vector<16xi1>, vector<16xi32>
              %swap3A_1513 = arith.index_cast %add3A_1500 : i32 to index
              %swap3A_1514 = arith.constant 0 : index
              %swap3A_1515 = tpu.vector_load %arg13[%swap3A_1513, %swap3A_1514] {strides = array<i32>} : memref<65x16xi32, #tpu.memory_space<vmem>>, vector<16xi32>,
              tpu.vector_store %arg13[%swap3A_1513, %swap3A_1514], %select_n3A_1512 {strides = array<i32>} : memref<65x16xi32, #tpu.memory_space<vmem>>, vector<16xi32>,
              %select_n3A_1516 = arith.select %gt3A_1507, %get3A_1503, %select_n3A_1495 : vector<16xi1>, vector<16xf32>
              %select_n3A_1517 = arith.select %gt3A_1507, %get3A_1506, %select_n3A_1496 : vector<16xi1>, vector<16xi32>
              %mul3A_1518 = arith.constant 8 : i32
              %mul3A_1519 = arith.muli %scan3A_1389, %mul3A_1518 : i32
              %add3A_1520 = arith.constant 6 : i32
              %add3A_1521 = arith.addi %mul3A_1519, %add3A_1520 : i32
              %get3A_1522 = arith.index_cast %add3A_1521 : i32 to index
              %get3A_1523 = arith.constant 0 : index
              %get3A_1524 = tpu.vector_load %arg12[%get3A_1522, %get3A_1523] {strides = array<i32>} : memref<65x16xf32, #tpu.memory_space<vmem>>, vector<16xf32>,
              %get3A_1525 = arith.index_cast %add3A_1521 : i32 to index
              %get3A_1526 = arith.constant 0 : index
              %get3A_1527 = tpu.vector_load %arg13[%get3A_1525, %get3A_1526] {strides = array<i32>} : memref<65x16xi32, #tpu.memory_space<vmem>>, vector<16xi32>,
              %gt3A_1528 = arith.cmpf ogt, %select_n3A_1516, %get3A_1524 : vector<16xf32>
              %select_n3A_1529 = arith.select %gt3A_1528, %select_n3A_1516, %get3A_1524 : vector<16xi1>, vector<16xf32>
              %swap3A_1530 = arith.index_cast %add3A_1521 : i32 to index
              %swap3A_1531 = arith.constant 0 : index
              %swap3A_1532 = tpu.vector_load %arg12[%swap3A_1530, %swap3A_1531] {strides = array<i32>} : memref<65x16xf32, #tpu.memory_space<vmem>>, vector<16xf32>,
              tpu.vector_store %arg12[%swap3A_1530, %swap3A_1531], %select_n3A_1529 {strides = array<i32>} : memref<65x16xf32, #tpu.memory_space<vmem>>, vector<16xf32>,
              %select_n3A_1533 = arith.select %gt3A_1528, %select_n3A_1517, %get3A_1527 : vector<16xi1>, vector<16xi32>
              %swap3A_1534 = arith.index_cast %add3A_1521 : i32 to index
              %swap3A_1535 = arith.constant 0 : index
              %swap3A_1536 = tpu.vector_load %arg13[%swap3A_1534, %swap3A_1535] {strides = array<i32>} : memref<65x16xi32, #tpu.memory_space<vmem>>, vector<16xi32>,
              tpu.vector_store %arg13[%swap3A_1534, %swap3A_1535], %select_n3A_1533 {strides = array<i32>} : memref<65x16xi32, #tpu.memory_space<vmem>>, vector<16xi32>,
              %select_n3A_1537 = arith.select %gt3A_1528, %get3A_1524, %select_n3A_1516 : vector<16xi1>, vector<16xf32>
              %select_n3A_1538 = arith.select %gt3A_1528, %get3A_1527, %select_n3A_1517 : vector<16xi1>, vector<16xi32>
              %mul3A_1539 = arith.constant 8 : i32
              %mul3A_1540 = arith.muli %scan3A_1389, %mul3A_1539 : i32
              %add3A_1541 = arith.constant 7 : i32
              %add3A_1542 = arith.addi %mul3A_1540, %add3A_1541 : i32
              %get3A_1543 = arith.index_cast %add3A_1542 : i32 to index
              %get3A_1544 = arith.constant 0 : index
              %get3A_1545 = tpu.vector_load %arg12[%get3A_1543, %get3A_1544] {strides = array<i32>} : memref<65x16xf32, #tpu.memory_space<vmem>>, vector<16xf32>,
              %get3A_1546 = arith.index_cast %add3A_1542 : i32 to index
              %get3A_1547 = arith.constant 0 : index
              %get3A_1548 = tpu.vector_load %arg13[%get3A_1546, %get3A_1547] {strides = array<i32>} : memref<65x16xi32, #tpu.memory_space<vmem>>, vector<16xi32>,
              %gt3A_1549 = arith.cmpf ogt, %select_n3A_1537, %get3A_1545 : vector<16xf32>
              %select_n3A_1550 = arith.select %gt3A_1549, %select_n3A_1537, %get3A_1545 : vector<16xi1>, vector<16xf32>
              %swap3A_1551 = arith.index_cast %add3A_1542 : i32 to index
              %swap3A_1552 = arith.constant 0 : index
              %swap3A_1553 = tpu.vector_load %arg12[%swap3A_1551, %swap3A_1552] {strides = array<i32>} : memref<65x16xf32, #tpu.memory_space<vmem>>, vector<16xf32>,
              tpu.vector_store %arg12[%swap3A_1551, %swap3A_1552], %select_n3A_1550 {strides = array<i32>} : memref<65x16xf32, #tpu.memory_space<vmem>>, vector<16xf32>,
              %select_n3A_1554 = arith.select %gt3A_1549, %select_n3A_1538, %get3A_1548 : vector<16xi1>, vector<16xi32>
              %swap3A_1555 = arith.index_cast %add3A_1542 : i32 to index
              %swap3A_1556 = arith.constant 0 : index
              %swap3A_1557 = tpu.vector_load %arg13[%swap3A_1555, %swap3A_1556] {strides = array<i32>} : memref<65x16xi32, #tpu.memory_space<vmem>>, vector<16xi32>,
              tpu.vector_store %arg13[%swap3A_1555, %swap3A_1556], %select_n3A_1554 {strides = array<i32>} : memref<65x16xi32, #tpu.memory_space<vmem>>, vector<16xi32>,
              %select_n3A_1558 = arith.select %gt3A_1549, %get3A_1545, %select_n3A_1537 : vector<16xi1>, vector<16xf32>
              %select_n3A_1559 = arith.select %gt3A_1549, %get3A_1548, %select_n3A_1538 : vector<16xi1>, vector<16xi32>
              scf.yield %select_n3A_1558, %select_n3A_1559 : vector<16xf32>, vector<16xi32>
            }
            %scan3A_1375 = arith.constant 8 : i32
            %add3A_1376 = arith.constant 16 : i32
            %add3A_1377 = arith.addi %while3A_1364, %add3A_1376 : i32
            %get3A_1378 = arith.constant 3 : i32
            %get3A_1379 = arith.index_cast %get3A_1378 : i32 to index
            %get3A_1380 = arith.constant 0 : index
            %get3A_1381 = tpu.vector_load %arg12[%get3A_1379, %get3A_1380] {strides = array<i32>} : memref<65x16xf32, #tpu.memory_space<vmem>>, vector<16xf32>,
            %iota3A_1382 = tpu.iota {dimensions = array<i32: 0>} : vector<16xi32>
            %masked_sort3A_1383 = arith.constant dense<true> : vector<16xi1>
            %masked_sort3A_1384, %masked_sort3A_1385, %masked_sort3A_1386 = tpu.sort %get3A_1381, %iota3A_1382 masked %masked_sort3A_1383 : (vector<16xf32>, vector<16xi32>, vector<16xi1>) -> (vector<16xi1>, vector<16xf32>, vector<16xi32>)
            %slice3A_1387 = vector.extract_strided_slice %masked_sort3A_1385 {offsets = [0], sizes = [1], strides = [1]} : vector<16xf32> to vector<1xf32>
            %squeeze3A_1388 = vector.extract %slice3A_1387[0] : f32 from vector<1xf32>
            scf.yield %add3A_1377, %squeeze3A_1388 : i32, f32
          }
          %sub3A_1352 = arith.subi %add3A_1350, %while3A_1351#0 : i32
          %iota3A_1353 = tpu.iota {dimensions = array<i32: 0>} : vector<16xi32>
          %broadcast_in_dim3A_1354 = vector.broadcast %sub3A_1352 : i32 to vector<16xi32>
          %lt3A_1355 = arith.cmpi slt, %iota3A_1353, %broadcast_in_dim3A_1354 : vector<16xi32>
          %load3A_1356 = arith.index_cast %while3A_1351#0 : i32 to index
          %load3A_1357 = tpu.vector_load %arg10[%load3A_1356] masked %lt3A_1355 {strides = array<i32>} : memref<448xf32, #tpu.memory_space<vmem>>, vector<16xf32>, vector<16xi1>
          %load3A_1358 = arith.index_cast %while3A_1351#0 : i32 to index
          %load3A_1359 = tpu.vector_load %arg11[%load3A_1358] masked %lt3A_1355 {strides = array<i32>} : memref<448xi32, #tpu.memory_space<vmem>>, vector<16xi32>, vector<16xi1>
          %swap3A_1360 = arith.constant 0 : index
          %swap3A_1361 = tpu.vector_load %arg10[%swap3A_1360] masked %lt3A_1355 {strides = array<i32>} : memref<448xf32, #tpu.memory_space<vmem>>, vector<16xf32>, vector<16xi1>
          tpu.vector_store %arg10[%swap3A_1360], %load3A_1357 masked %lt3A_1355 {strides = array<i32>} : memref<448xf32, #tpu.memory_space<vmem>>, vector<16xf32>, vector<16xi1>
          %swap3A_1362 = arith.constant 0 : index
          %swap3A_1363 = tpu.vector_load %arg11[%swap3A_1362] masked %lt3A_1355 {strides = array<i32>} : memref<448xi32, #tpu.memory_space<vmem>>, vector<16xi32>, vector<16xi1>
          tpu.vector_store %arg11[%swap3A_1362], %load3A_1359 masked %lt3A_1355 {strides = array<i32>} : memref<448xi32, #tpu.memory_space<vmem>>, vector<16xi32>, vector<16xi1>
          scf.yield %sub3A_1352, %while3A_1351#1 : i32, f32
        } else {
          scf.yield %scan3A_763, %scan3A_764 : i32, f32
        }
        scf.yield %cond3A_949#0, %cond3A_949#1 : i32, f32
      }
      %scan3A_50 = arith.constant 125 : i32
      %mul3A_51 = arith.constant 2 : i32
      %mul3A_52 = arith.muli %scan3A_19, %mul3A_51 : i32
      %add3A_53 = arith.constant 1 : i32
      %add3A_54 = arith.addi %mul3A_52, %add3A_53 : i32
      %dma_wait3A_55 = arith.constant 50000 : i32
      %dma_wait3A_56 = tpu.memref_slice %arg9[%dma_wait3A_55] : memref<100000xf32, #tpu.memory_space<vmem>> -> memref<50000xf32, #tpu.memory_space<vmem>>
      %dma_wait3A_57 = tpu.memref_slice %arg2[%mul3A_2] : memref<12800000xf32, #tpu.memory_space<hbm>> -> memref<50000xf32, #tpu.memory_space<hbm>>
      %dma_wait3A_58 = arith.constant 50000 : i32
      %dma_wait3A_59 = tpu.memref_slice %arg9[%dma_wait3A_58] : memref<100000xf32, #tpu.memory_space<vmem>> -> memref<50000xf32, #tpu.memory_space<vmem>>
      %dma_wait3A_60 = tpu.memref_slice %arg2[%mul3A_2] : memref<12800000xf32, #tpu.memory_space<hbm>> -> memref<50000xf32, #tpu.memory_space<hbm>>
      tpu.wait_dma2 semaphore(%arg19 : memref<!tpu.dma_semaphore, #tpu.memory_space<semaphore_mem>>) src(%dma_wait3A_60 : memref<50000xf32, #tpu.memory_space<hbm>>) dst(%dma_wait3A_59 : memref<50000xf32, #tpu.memory_space<vmem>>)
      %add3A_61 = arith.constant 1 : i32
      %add3A_62 = arith.addi %add3A_54, %add3A_61 : i32
      %lt3A_63 = arith.constant 8 : i32
      %lt3A_64 = arith.cmpi slt, %add3A_62, %lt3A_63 : i32
      %convert_element_type3A_65 = arith.extui %lt3A_64 : i1 to i32
      %cond3A_66 = arith.constant 0 : i32
      %cond3A_67 = arith.cmpi ne, %convert_element_type3A_65, %cond3A_66 : i32
      scf.if %cond3A_67 {
        %mul3A_762 = arith.constant 50000 : i32
        %mul3A_763 = arith.muli %add3A_62, %mul3A_762 : i32
        %add3A_764 = arith.addi %mul3A_2, %mul3A_763 : i32
        %dma_start3A_765 = arith.constant 0 : i32
        %dma_start3A_766 = tpu.memref_slice %arg9[%dma_start3A_765] : memref<100000xf32, #tpu.memory_space<vmem>> -> memref<50000xf32, #tpu.memory_space<vmem>>
        %dma_start3A_767 = tpu.memref_slice %arg2[%add3A_764] : memref<12800000xf32, #tpu.memory_space<hbm>> -> memref<50000xf32, #tpu.memory_space<hbm>>
        %dma_start3A_768 = arith.constant 0 : i32
        %dma_start3A_769 = tpu.memref_slice %arg9[%dma_start3A_768] : memref<100000xf32, #tpu.memory_space<vmem>> -> memref<50000xf32, #tpu.memory_space<vmem>>
        %dma_start3A_770 = tpu.memref_slice %arg2[%add3A_764] : memref<12800000xf32, #tpu.memory_space<hbm>> -> memref<50000xf32, #tpu.memory_space<hbm>>
        tpu.enqueue_dma source(%dma_start3A_770 : memref<50000xf32, #tpu.memory_space<hbm>>) target(%dma_start3A_769 : memref<50000xf32, #tpu.memory_space<vmem>>) target_semaphore(%arg18 : memref<!tpu.dma_semaphore, #tpu.memory_space<semaphore_mem>>)
      } else {
      }
      %scan3A_68 = arith.constant 0 : i32
      %scan3A_69 = arith.constant 125 : i32
      %scan3A_70 = arith.addi %scan3A_68, %scan3A_69 : i32
      %scan3A_71 = arith.constant 1 : i32
      %scan3A_72:2 = scf.for %scan3A_762 = %scan3A_68 to %scan3A_70 step %scan3A_71 iter_args(%scan3A_763 = %scan3A_49#0, %scan3A_764 = %scan3A_49#1) -> (i32, f32)  : i32 {
        %mul3A_765 = arith.constant 400 : i32
        %mul3A_766 = arith.muli %scan3A_762, %mul3A_765 : i32
        %broadcast_in_dim3A_767 = vector.broadcast %scan3A_764 : f32 to vector<16xf32>
        %add3A_768 = arith.constant 50000 : i32
        %add3A_769 = arith.addi %add3A_768, %mul3A_766 : i32
        %add3A_770 = arith.constant 0 : i32
        %add3A_771 = arith.addi %add3A_769, %add3A_770 : i32
        %get3A_772 = arith.index_cast %add3A_771 : i32 to index
        %get3A_773 = tpu.vector_load %arg9[%get3A_772] {strides = array<i32>} : memref<100000xf32, #tpu.memory_space<vmem>>, vector<16xf32>,
        %add3A_774 = arith.constant 50000 : i32
        %add3A_775 = arith.addi %add3A_774, %mul3A_766 : i32
        %add3A_776 = arith.constant 16 : i32
        %add3A_777 = arith.addi %add3A_775, %add3A_776 : i32
        %get3A_778 = arith.index_cast %add3A_777 : i32 to index
        %get3A_779 = tpu.vector_load %arg9[%get3A_778] {strides = array<i32>} : memref<100000xf32, #tpu.memory_space<vmem>>, vector<16xf32>,
        %add3A_780 = arith.constant 50000 : i32
        %add3A_781 = arith.addi %add3A_780, %mul3A_766 : i32
        %add3A_782 = arith.constant 32 : i32
        %add3A_783 = arith.addi %add3A_781, %add3A_782 : i32
        %get3A_784 = arith.index_cast %add3A_783 : i32 to index
        %get3A_785 = tpu.vector_load %arg9[%get3A_784] {strides = array<i32>} : memref<100000xf32, #tpu.memory_space<vmem>>, vector<16xf32>,
        %add3A_786 = arith.constant 50000 : i32
        %add3A_787 = arith.addi %add3A_786, %mul3A_766 : i32
        %add3A_788 = arith.constant 48 : i32
        %add3A_789 = arith.addi %add3A_787, %add3A_788 : i32
        %get3A_790 = arith.index_cast %add3A_789 : i32 to index
        %get3A_791 = tpu.vector_load %arg9[%get3A_790] {strides = array<i32>} : memref<100000xf32, #tpu.memory_space<vmem>>, vector<16xf32>,
        %add3A_792 = arith.constant 50000 : i32
        %add3A_793 = arith.addi %add3A_792, %mul3A_766 : i32
        %add3A_794 = arith.constant 64 : i32
        %add3A_795 = arith.addi %add3A_793, %add3A_794 : i32
        %get3A_796 = arith.index_cast %add3A_795 : i32 to index
        %get3A_797 = tpu.vector_load %arg9[%get3A_796] {strides = array<i32>} : memref<100000xf32, #tpu.memory_space<vmem>>, vector<16xf32>,
        %add3A_798 = arith.constant 50000 : i32
        %add3A_799 = arith.addi %add3A_798, %mul3A_766 : i32
        %add3A_800 = arith.constant 80 : i32
        %add3A_801 = arith.addi %add3A_799, %add3A_800 : i32
        %get3A_802 = arith.index_cast %add3A_801 : i32 to index
        %get3A_803 = tpu.vector_load %arg9[%get3A_802] {strides = array<i32>} : memref<100000xf32, #tpu.memory_space<vmem>>, vector<16xf32>,
        %add3A_804 = arith.constant 50000 : i32
        %add3A_805 = arith.addi %add3A_804, %mul3A_766 : i32
        %add3A_806 = arith.constant 96 : i32
        %add3A_807 = arith.addi %add3A_805, %add3A_806 : i32
        %get3A_808 = arith.index_cast %add3A_807 : i32 to index
        %get3A_809 = tpu.vector_load %arg9[%get3A_808] {strides = array<i32>} : memref<100000xf32, #tpu.memory_space<vmem>>, vector<16xf32>,
        %add3A_810 = arith.constant 50000 : i32
        %add3A_811 = arith.addi %add3A_810, %mul3A_766 : i32
        %add3A_812 = arith.constant 112 : i32
        %add3A_813 = arith.addi %add3A_811, %add3A_812 : i32
        %get3A_814 = arith.index_cast %add3A_813 : i32 to index
        %get3A_815 = tpu.vector_load %arg9[%get3A_814] {strides = array<i32>} : memref<100000xf32, #tpu.memory_space<vmem>>, vector<16xf32>,
        %add3A_816 = arith.constant 50000 : i32
        %add3A_817 = arith.addi %add3A_816, %mul3A_766 : i32
        %add3A_818 = arith.constant 128 : i32
        %add3A_819 = arith.addi %add3A_817, %add3A_818 : i32
        %get3A_820 = arith.index_cast %add3A_819 : i32 to index
        %get3A_821 = tpu.vector_load %arg9[%get3A_820] {strides = array<i32>} : memref<100000xf32, #tpu.memory_space<vmem>>, vector<16xf32>,
        %add3A_822 = arith.constant 50000 : i32
        %add3A_823 = arith.addi %add3A_822, %mul3A_766 : i32
        %add3A_824 = arith.constant 144 : i32
        %add3A_825 = arith.addi %add3A_823, %add3A_824 : i32
        %get3A_826 = arith.index_cast %add3A_825 : i32 to index
        %get3A_827 = tpu.vector_load %arg9[%get3A_826] {strides = array<i32>} : memref<100000xf32, #tpu.memory_space<vmem>>, vector<16xf32>,
        %add3A_828 = arith.constant 50000 : i32
        %add3A_829 = arith.addi %add3A_828, %mul3A_766 : i32
        %add3A_830 = arith.constant 160 : i32
        %add3A_831 = arith.addi %add3A_829, %add3A_830 : i32
        %get3A_832 = arith.index_cast %add3A_831 : i32 to index
        %get3A_833 = tpu.vector_load %arg9[%get3A_832] {strides = array<i32>} : memref<100000xf32, #tpu.memory_space<vmem>>, vector<16xf32>,
        %add3A_834 = arith.constant 50000 : i32
        %add3A_835 = arith.addi %add3A_834, %mul3A_766 : i32
        %add3A_836 = arith.constant 176 : i32
        %add3A_837 = arith.addi %add3A_835, %add3A_836 : i32
        %get3A_838 = arith.index_cast %add3A_837 : i32 to index
        %get3A_839 = tpu.vector_load %arg9[%get3A_838] {strides = array<i32>} : memref<100000xf32, #tpu.memory_space<vmem>>, vector<16xf32>,
        %add3A_840 = arith.constant 50000 : i32
        %add3A_841 = arith.addi %add3A_840, %mul3A_766 : i32
        %add3A_842 = arith.constant 192 : i32
        %add3A_843 = arith.addi %add3A_841, %add3A_842 : i32
        %get3A_844 = arith.index_cast %add3A_843 : i32 to index
        %get3A_845 = tpu.vector_load %arg9[%get3A_844] {strides = array<i32>} : memref<100000xf32, #tpu.memory_space<vmem>>, vector<16xf32>,
        %add3A_846 = arith.constant 50000 : i32
        %add3A_847 = arith.addi %add3A_846, %mul3A_766 : i32
        %add3A_848 = arith.constant 208 : i32
        %add3A_849 = arith.addi %add3A_847, %add3A_848 : i32
        %get3A_850 = arith.index_cast %add3A_849 : i32 to index
        %get3A_851 = tpu.vector_load %arg9[%get3A_850] {strides = array<i32>} : memref<100000xf32, #tpu.memory_space<vmem>>, vector<16xf32>,
        %add3A_852 = arith.constant 50000 : i32
        %add3A_853 = arith.addi %add3A_852, %mul3A_766 : i32
        %add3A_854 = arith.constant 224 : i32
        %add3A_855 = arith.addi %add3A_853, %add3A_854 : i32
        %get3A_856 = arith.index_cast %add3A_855 : i32 to index
        %get3A_857 = tpu.vector_load %arg9[%get3A_856] {strides = array<i32>} : memref<100000xf32, #tpu.memory_space<vmem>>, vector<16xf32>,
        %add3A_858 = arith.constant 50000 : i32
        %add3A_859 = arith.addi %add3A_858, %mul3A_766 : i32
        %add3A_860 = arith.constant 240 : i32
        %add3A_861 = arith.addi %add3A_859, %add3A_860 : i32
        %get3A_862 = arith.index_cast %add3A_861 : i32 to index
        %get3A_863 = tpu.vector_load %arg9[%get3A_862] {strides = array<i32>} : memref<100000xf32, #tpu.memory_space<vmem>>, vector<16xf32>,
        %add3A_864 = arith.constant 50000 : i32
        %add3A_865 = arith.addi %add3A_864, %mul3A_766 : i32
        %add3A_866 = arith.constant 256 : i32
        %add3A_867 = arith.addi %add3A_865, %add3A_866 : i32
        %get3A_868 = arith.index_cast %add3A_867 : i32 to index
        %get3A_869 = tpu.vector_load %arg9[%get3A_868] {strides = array<i32>} : memref<100000xf32, #tpu.memory_space<vmem>>, vector<16xf32>,
        %add3A_870 = arith.constant 50000 : i32
        %add3A_871 = arith.addi %add3A_870, %mul3A_766 : i32
        %add3A_872 = arith.constant 272 : i32
        %add3A_873 = arith.addi %add3A_871, %add3A_872 : i32
        %get3A_874 = arith.index_cast %add3A_873 : i32 to index
        %get3A_875 = tpu.vector_load %arg9[%get3A_874] {strides = array<i32>} : memref<100000xf32, #tpu.memory_space<vmem>>, vector<16xf32>,
        %add3A_876 = arith.constant 50000 : i32
        %add3A_877 = arith.addi %add3A_876, %mul3A_766 : i32
        %add3A_878 = arith.constant 288 : i32
        %add3A_879 = arith.addi %add3A_877, %add3A_878 : i32
        %get3A_880 = arith.index_cast %add3A_879 : i32 to index
        %get3A_881 = tpu.vector_load %arg9[%get3A_880] {strides = array<i32>} : memref<100000xf32, #tpu.memory_space<vmem>>, vector<16xf32>,
        %add3A_882 = arith.constant 50000 : i32
        %add3A_883 = arith.addi %add3A_882, %mul3A_766 : i32
        %add3A_884 = arith.constant 304 : i32
        %add3A_885 = arith.addi %add3A_883, %add3A_884 : i32
        %get3A_886 = arith.index_cast %add3A_885 : i32 to index
        %get3A_887 = tpu.vector_load %arg9[%get3A_886] {strides = array<i32>} : memref<100000xf32, #tpu.memory_space<vmem>>, vector<16xf32>,
        %add3A_888 = arith.constant 50000 : i32
        %add3A_889 = arith.addi %add3A_888, %mul3A_766 : i32
        %add3A_890 = arith.constant 320 : i32
        %add3A_891 = arith.addi %add3A_889, %add3A_890 : i32
        %get3A_892 = arith.index_cast %add3A_891 : i32 to index
        %get3A_893 = tpu.vector_load %arg9[%get3A_892] {strides = array<i32>} : memref<100000xf32, #tpu.memory_space<vmem>>, vector<16xf32>,
        %add3A_894 = arith.constant 50000 : i32
        %add3A_895 = arith.addi %add3A_894, %mul3A_766 : i32
        %add3A_896 = arith.constant 336 : i32
        %add3A_897 = arith.addi %add3A_895, %add3A_896 : i32
        %get3A_898 = arith.index_cast %add3A_897 : i32 to index
        %get3A_899 = tpu.vector_load %arg9[%get3A_898] {strides = array<i32>} : memref<100000xf32, #tpu.memory_space<vmem>>, vector<16xf32>,
        %add3A_900 = arith.constant 50000 : i32
        %add3A_901 = arith.addi %add3A_900, %mul3A_766 : i32
        %add3A_902 = arith.constant 352 : i32
        %add3A_903 = arith.addi %add3A_901, %add3A_902 : i32
        %get3A_904 = arith.index_cast %add3A_903 : i32 to index
        %get3A_905 = tpu.vector_load %arg9[%get3A_904] {strides = array<i32>} : memref<100000xf32, #tpu.memory_space<vmem>>, vector<16xf32>,
        %add3A_906 = arith.constant 50000 : i32
        %add3A_907 = arith.addi %add3A_906, %mul3A_766 : i32
        %add3A_908 = arith.constant 368 : i32
        %add3A_909 = arith.addi %add3A_907, %add3A_908 : i32
        %get3A_910 = arith.index_cast %add3A_909 : i32 to index
        %get3A_911 = tpu.vector_load %arg9[%get3A_910] {strides = array<i32>} : memref<100000xf32, #tpu.memory_space<vmem>>, vector<16xf32>,
        %add3A_912 = arith.constant 50000 : i32
        %add3A_913 = arith.addi %add3A_912, %mul3A_766 : i32
        %add3A_914 = arith.constant 384 : i32
        %add3A_915 = arith.addi %add3A_913, %add3A_914 : i32
        %get3A_916 = arith.index_cast %add3A_915 : i32 to index
        %get3A_917 = tpu.vector_load %arg9[%get3A_916] {strides = array<i32>} : memref<100000xf32, #tpu.memory_space<vmem>>, vector<16xf32>,
        %max3A_918 = arith.maximumf %get3A_773, %get3A_779 : vector<16xf32>
        %max3A_919 = arith.maximumf %max3A_918, %get3A_785 : vector<16xf32>
        %max3A_920 = arith.maximumf %max3A_919, %get3A_791 : vector<16xf32>
        %max3A_921 = arith.maximumf %max3A_920, %get3A_797 : vector<16xf32>
        %max3A_922 = arith.maximumf %max3A_921, %get3A_803 : vector<16xf32>
        %max3A_923 = arith.maximumf %max3A_922, %get3A_809 : vector<16xf32>
        %max3A_924 = arith.maximumf %max3A_923, %get3A_815 : vector<16xf32>
        %max3A_925 = arith.maximumf %max3A_924, %get3A_821 : vector<16xf32>
        %max3A_926 = arith.maximumf %max3A_925, %get3A_827 : vector<16xf32>
        %max3A_927 = arith.maximumf %max3A_926, %get3A_833 : vector<16xf32>
        %max3A_928 = arith.maximumf %max3A_927, %get3A_839 : vector<16xf32>
        %max3A_929 = arith.maximumf %max3A_928, %get3A_845 : vector<16xf32>
        %max3A_930 = arith.maximumf %max3A_929, %get3A_851 : vector<16xf32>
        %max3A_931 = arith.maximumf %max3A_930, %get3A_857 : vector<16xf32>
        %max3A_932 = arith.maximumf %max3A_931, %get3A_863 : vector<16xf32>
        %max3A_933 = arith.maximumf %max3A_932, %get3A_869 : vector<16xf32>
        %max3A_934 = arith.maximumf %max3A_933, %get3A_875 : vector<16xf32>
        %max3A_935 = arith.maximumf %max3A_934, %get3A_881 : vector<16xf32>
        %max3A_936 = arith.maximumf %max3A_935, %get3A_887 : vector<16xf32>
        %max3A_937 = arith.maximumf %max3A_936, %get3A_893 : vector<16xf32>
        %max3A_938 = arith.maximumf %max3A_937, %get3A_899 : vector<16xf32>
        %max3A_939 = arith.maximumf %max3A_938, %get3A_905 : vector<16xf32>
        %max3A_940 = arith.maximumf %max3A_939, %get3A_911 : vector<16xf32>
        %max3A_941 = arith.maximumf %max3A_940, %get3A_917 : vector<16xf32>
        %ge3A_942 = arith.cmpf oge, %max3A_941, %broadcast_in_dim3A_767 : vector<16xf32>
        %all_reduce_population_count3A = tpu.all_reduce %ge3A_942 {dim = 0 : i64, kind = #tpu.reduction_kind<sum>} : vector<16xi1> -> vector<16xi32>
        %slice3A_943 = vector.extract_strided_slice %all_reduce_population_count3A {offsets = [0], sizes = [1], strides = [1]} : vector<16xi32> to vector<1xi32>
        %squeeze3A_944 = vector.extract %slice3A_943[0] : i32 from vector<1xi32>
        %gt3A = arith.constant 0 : i32
        %gt3A_945 = arith.cmpi sgt, %squeeze3A_944, %gt3A : i32
        %convert_element_type3A_946 = arith.extui %gt3A_945 : i1 to i32
        %cond3A_947 = arith.constant 0 : i32
        %cond3A_948 = arith.cmpi ne, %convert_element_type3A_946, %cond3A_947 : i32
        %cond3A_949:2 = scf.if %cond3A_948 -> (i32, f32) {
          %broadcast_in_dim3A_950 = vector.broadcast %scan3A_764 : f32 to vector<16xf32>
          %ge3A_951 = arith.cmpf oge, %get3A_773, %broadcast_in_dim3A_950 : vector<16xf32>
          %swap3A_952 = arith.index_cast %scan3A_763 : i32 to index
          %swap3A_953 = tpu.vector_load %arg10[%swap3A_952] masked %ge3A_951 {strides = array<i32>} : memref<448xf32, #tpu.memory_space<vmem>>, vector<16xf32>, vector<16xi1>
          tpu.vector_store %arg10[%swap3A_952], %get3A_773 masked %ge3A_951 {strides = array<i32>} : memref<448xf32, #tpu.memory_space<vmem>>, vector<16xf32>, vector<16xi1>
          %iota3A_954 = tpu.iota {dimensions = array<i32: 0>} : vector<16xi32>
          %add3A_955 = arith.constant 50000 : i32
          %add3A_956 = arith.addi %add3A_955, %mul3A_766 : i32
          %add3A_957 = arith.constant 0 : i32
          %add3A_958 = arith.addi %add3A_956, %add3A_957 : i32
          %add3A_959 = vector.broadcast %add3A_958 : i32 to vector<16xi32>
          %add3A_960 = arith.addi %iota3A_954, %add3A_959 : vector<16xi32>
          %swap3A_961 = arith.index_cast %scan3A_763 : i32 to index
          %swap3A_962 = tpu.vector_load %arg11[%swap3A_961] masked %ge3A_951 {strides = array<i32>} : memref<448xi32, #tpu.memory_space<vmem>>, vector<16xi32>, vector<16xi1>
          tpu.vector_store %arg11[%swap3A_961], %add3A_960 masked %ge3A_951 {strides = array<i32>} : memref<448xi32, #tpu.memory_space<vmem>>, vector<16xi32>, vector<16xi1>
          %all_reduce_population_count3A_963 = tpu.all_reduce %ge3A_951 {dim = 0 : i64, kind = #tpu.reduction_kind<sum>} : vector<16xi1> -> vector<16xi32>
          %slice3A_964 = vector.extract_strided_slice %all_reduce_population_count3A_963 {offsets = [0], sizes = [1], strides = [1]} : vector<16xi32> to vector<1xi32>
          %squeeze3A_965 = vector.extract %slice3A_964[0] : i32 from vector<1xi32>
          %add3A_966 = arith.addi %scan3A_763, %squeeze3A_965 : i32
          %ge3A_967 = arith.cmpf oge, %get3A_779, %broadcast_in_dim3A_950 : vector<16xf32>
          %swap3A_968 = arith.index_cast %add3A_966 : i32 to index
          %swap3A_969 = tpu.vector_load %arg10[%swap3A_968] masked %ge3A_967 {strides = array<i32>} : memref<448xf32, #tpu.memory_space<vmem>>, vector<16xf32>, vector<16xi1>
          tpu.vector_store %arg10[%swap3A_968], %get3A_779 masked %ge3A_967 {strides = array<i32>} : memref<448xf32, #tpu.memory_space<vmem>>, vector<16xf32>, vector<16xi1>
          %iota3A_970 = tpu.iota {dimensions = array<i32: 0>} : vector<16xi32>
          %add3A_971 = arith.constant 50000 : i32
          %add3A_972 = arith.addi %add3A_971, %mul3A_766 : i32
          %add3A_973 = arith.constant 16 : i32
          %add3A_974 = arith.addi %add3A_972, %add3A_973 : i32
          %add3A_975 = vector.broadcast %add3A_974 : i32 to vector<16xi32>
          %add3A_976 = arith.addi %iota3A_970, %add3A_975 : vector<16xi32>
          %swap3A_977 = arith.index_cast %add3A_966 : i32 to index
          %swap3A_978 = tpu.vector_load %arg11[%swap3A_977] masked %ge3A_967 {strides = array<i32>} : memref<448xi32, #tpu.memory_space<vmem>>, vector<16xi32>, vector<16xi1>
          tpu.vector_store %arg11[%swap3A_977], %add3A_976 masked %ge3A_967 {strides = array<i32>} : memref<448xi32, #tpu.memory_space<vmem>>, vector<16xi32>, vector<16xi1>
          %all_reduce_population_count3A_979 = tpu.all_reduce %ge3A_967 {dim = 0 : i64, kind = #tpu.reduction_kind<sum>} : vector<16xi1> -> vector<16xi32>
          %slice3A_980 = vector.extract_strided_slice %all_reduce_population_count3A_979 {offsets = [0], sizes = [1], strides = [1]} : vector<16xi32> to vector<1xi32>
          %squeeze3A_981 = vector.extract %slice3A_980[0] : i32 from vector<1xi32>
          %add3A_982 = arith.addi %add3A_966, %squeeze3A_981 : i32
          %ge3A_983 = arith.cmpf oge, %get3A_785, %broadcast_in_dim3A_950 : vector<16xf32>
          %swap3A_984 = arith.index_cast %add3A_982 : i32 to index
          %swap3A_985 = tpu.vector_load %arg10[%swap3A_984] masked %ge3A_983 {strides = array<i32>} : memref<448xf32, #tpu.memory_space<vmem>>, vector<16xf32>, vector<16xi1>
          tpu.vector_store %arg10[%swap3A_984], %get3A_785 masked %ge3A_983 {strides = array<i32>} : memref<448xf32, #tpu.memory_space<vmem>>, vector<16xf32>, vector<16xi1>
          %iota3A_986 = tpu.iota {dimensions = array<i32: 0>} : vector<16xi32>
          %add3A_987 = arith.constant 50000 : i32
          %add3A_988 = arith.addi %add3A_987, %mul3A_766 : i32
          %add3A_989 = arith.constant 32 : i32
          %add3A_990 = arith.addi %add3A_988, %add3A_989 : i32
          %add3A_991 = vector.broadcast %add3A_990 : i32 to vector<16xi32>
          %add3A_992 = arith.addi %iota3A_986, %add3A_991 : vector<16xi32>
          %swap3A_993 = arith.index_cast %add3A_982 : i32 to index
          %swap3A_994 = tpu.vector_load %arg11[%swap3A_993] masked %ge3A_983 {strides = array<i32>} : memref<448xi32, #tpu.memory_space<vmem>>, vector<16xi32>, vector<16xi1>
          tpu.vector_store %arg11[%swap3A_993], %add3A_992 masked %ge3A_983 {strides = array<i32>} : memref<448xi32, #tpu.memory_space<vmem>>, vector<16xi32>, vector<16xi1>
          %all_reduce_population_count3A_995 = tpu.all_reduce %ge3A_983 {dim = 0 : i64, kind = #tpu.reduction_kind<sum>} : vector<16xi1> -> vector<16xi32>
          %slice3A_996 = vector.extract_strided_slice %all_reduce_population_count3A_995 {offsets = [0], sizes = [1], strides = [1]} : vector<16xi32> to vector<1xi32>
          %squeeze3A_997 = vector.extract %slice3A_996[0] : i32 from vector<1xi32>
          %add3A_998 = arith.addi %add3A_982, %squeeze3A_997 : i32
          %ge3A_999 = arith.cmpf oge, %get3A_791, %broadcast_in_dim3A_950 : vector<16xf32>
          %swap3A_1000 = arith.index_cast %add3A_998 : i32 to index
          %swap3A_1001 = tpu.vector_load %arg10[%swap3A_1000] masked %ge3A_999 {strides = array<i32>} : memref<448xf32, #tpu.memory_space<vmem>>, vector<16xf32>, vector<16xi1>
          tpu.vector_store %arg10[%swap3A_1000], %get3A_791 masked %ge3A_999 {strides = array<i32>} : memref<448xf32, #tpu.memory_space<vmem>>, vector<16xf32>, vector<16xi1>
          %iota3A_1002 = tpu.iota {dimensions = array<i32: 0>} : vector<16xi32>
          %add3A_1003 = arith.constant 50000 : i32
          %add3A_1004 = arith.addi %add3A_1003, %mul3A_766 : i32
          %add3A_1005 = arith.constant 48 : i32
          %add3A_1006 = arith.addi %add3A_1004, %add3A_1005 : i32
          %add3A_1007 = vector.broadcast %add3A_1006 : i32 to vector<16xi32>
          %add3A_1008 = arith.addi %iota3A_1002, %add3A_1007 : vector<16xi32>
          %swap3A_1009 = arith.index_cast %add3A_998 : i32 to index
          %swap3A_1010 = tpu.vector_load %arg11[%swap3A_1009] masked %ge3A_999 {strides = array<i32>} : memref<448xi32, #tpu.memory_space<vmem>>, vector<16xi32>, vector<16xi1>
          tpu.vector_store %arg11[%swap3A_1009], %add3A_1008 masked %ge3A_999 {strides = array<i32>} : memref<448xi32, #tpu.memory_space<vmem>>, vector<16xi32>, vector<16xi1>
          %all_reduce_population_count3A_1011 = tpu.all_reduce %ge3A_999 {dim = 0 : i64, kind = #tpu.reduction_kind<sum>} : vector<16xi1> -> vector<16xi32>
          %slice3A_1012 = vector.extract_strided_slice %all_reduce_population_count3A_1011 {offsets = [0], sizes = [1], strides = [1]} : vector<16xi32> to vector<1xi32>
          %squeeze3A_1013 = vector.extract %slice3A_1012[0] : i32 from vector<1xi32>
          %add3A_1014 = arith.addi %add3A_998, %squeeze3A_1013 : i32
          %ge3A_1015 = arith.cmpf oge, %get3A_797, %broadcast_in_dim3A_950 : vector<16xf32>
          %swap3A_1016 = arith.index_cast %add3A_1014 : i32 to index
          %swap3A_1017 = tpu.vector_load %arg10[%swap3A_1016] masked %ge3A_1015 {strides = array<i32>} : memref<448xf32, #tpu.memory_space<vmem>>, vector<16xf32>, vector<16xi1>
          tpu.vector_store %arg10[%swap3A_1016], %get3A_797 masked %ge3A_1015 {strides = array<i32>} : memref<448xf32, #tpu.memory_space<vmem>>, vector<16xf32>, vector<16xi1>
          %iota3A_1018 = tpu.iota {dimensions = array<i32: 0>} : vector<16xi32>
          %add3A_1019 = arith.constant 50000 : i32
          %add3A_1020 = arith.addi %add3A_1019, %mul3A_766 : i32
          %add3A_1021 = arith.constant 64 : i32
          %add3A_1022 = arith.addi %add3A_1020, %add3A_1021 : i32
          %add3A_1023 = vector.broadcast %add3A_1022 : i32 to vector<16xi32>
          %add3A_1024 = arith.addi %iota3A_1018, %add3A_1023 : vector<16xi32>
          %swap3A_1025 = arith.index_cast %add3A_1014 : i32 to index
          %swap3A_1026 = tpu.vector_load %arg11[%swap3A_1025] masked %ge3A_1015 {strides = array<i32>} : memref<448xi32, #tpu.memory_space<vmem>>, vector<16xi32>, vector<16xi1>
          tpu.vector_store %arg11[%swap3A_1025], %add3A_1024 masked %ge3A_1015 {strides = array<i32>} : memref<448xi32, #tpu.memory_space<vmem>>, vector<16xi32>, vector<16xi1>
          %all_reduce_population_count3A_1027 = tpu.all_reduce %ge3A_1015 {dim = 0 : i64, kind = #tpu.reduction_kind<sum>} : vector<16xi1> -> vector<16xi32>
          %slice3A_1028 = vector.extract_strided_slice %all_reduce_population_count3A_1027 {offsets = [0], sizes = [1], strides = [1]} : vector<16xi32> to vector<1xi32>
          %squeeze3A_1029 = vector.extract %slice3A_1028[0] : i32 from vector<1xi32>
          %add3A_1030 = arith.addi %add3A_1014, %squeeze3A_1029 : i32
          %ge3A_1031 = arith.cmpf oge, %get3A_803, %broadcast_in_dim3A_950 : vector<16xf32>
          %swap3A_1032 = arith.index_cast %add3A_1030 : i32 to index
          %swap3A_1033 = tpu.vector_load %arg10[%swap3A_1032] masked %ge3A_1031 {strides = array<i32>} : memref<448xf32, #tpu.memory_space<vmem>>, vector<16xf32>, vector<16xi1>
          tpu.vector_store %arg10[%swap3A_1032], %get3A_803 masked %ge3A_1031 {strides = array<i32>} : memref<448xf32, #tpu.memory_space<vmem>>, vector<16xf32>, vector<16xi1>
          %iota3A_1034 = tpu.iota {dimensions = array<i32: 0>} : vector<16xi32>
          %add3A_1035 = arith.constant 50000 : i32
          %add3A_1036 = arith.addi %add3A_1035, %mul3A_766 : i32
          %add3A_1037 = arith.constant 80 : i32
          %add3A_1038 = arith.addi %add3A_1036, %add3A_1037 : i32
          %add3A_1039 = vector.broadcast %add3A_1038 : i32 to vector<16xi32>
          %add3A_1040 = arith.addi %iota3A_1034, %add3A_1039 : vector<16xi32>
          %swap3A_1041 = arith.index_cast %add3A_1030 : i32 to index
          %swap3A_1042 = tpu.vector_load %arg11[%swap3A_1041] masked %ge3A_1031 {strides = array<i32>} : memref<448xi32, #tpu.memory_space<vmem>>, vector<16xi32>, vector<16xi1>
          tpu.vector_store %arg11[%swap3A_1041], %add3A_1040 masked %ge3A_1031 {strides = array<i32>} : memref<448xi32, #tpu.memory_space<vmem>>, vector<16xi32>, vector<16xi1>
          %all_reduce_population_count3A_1043 = tpu.all_reduce %ge3A_1031 {dim = 0 : i64, kind = #tpu.reduction_kind<sum>} : vector<16xi1> -> vector<16xi32>
          %slice3A_1044 = vector.extract_strided_slice %all_reduce_population_count3A_1043 {offsets = [0], sizes = [1], strides = [1]} : vector<16xi32> to vector<1xi32>
          %squeeze3A_1045 = vector.extract %slice3A_1044[0] : i32 from vector<1xi32>
          %add3A_1046 = arith.addi %add3A_1030, %squeeze3A_1045 : i32
          %ge3A_1047 = arith.cmpf oge, %get3A_809, %broadcast_in_dim3A_950 : vector<16xf32>
          %swap3A_1048 = arith.index_cast %add3A_1046 : i32 to index
          %swap3A_1049 = tpu.vector_load %arg10[%swap3A_1048] masked %ge3A_1047 {strides = array<i32>} : memref<448xf32, #tpu.memory_space<vmem>>, vector<16xf32>, vector<16xi1>
          tpu.vector_store %arg10[%swap3A_1048], %get3A_809 masked %ge3A_1047 {strides = array<i32>} : memref<448xf32, #tpu.memory_space<vmem>>, vector<16xf32>, vector<16xi1>
          %iota3A_1050 = tpu.iota {dimensions = array<i32: 0>} : vector<16xi32>
          %add3A_1051 = arith.constant 50000 : i32
          %add3A_1052 = arith.addi %add3A_1051, %mul3A_766 : i32
          %add3A_1053 = arith.constant 96 : i32
          %add3A_1054 = arith.addi %add3A_1052, %add3A_1053 : i32
          %add3A_1055 = vector.broadcast %add3A_1054 : i32 to vector<16xi32>
          %add3A_1056 = arith.addi %iota3A_1050, %add3A_1055 : vector<16xi32>
          %swap3A_1057 = arith.index_cast %add3A_1046 : i32 to index
          %swap3A_1058 = tpu.vector_load %arg11[%swap3A_1057] masked %ge3A_1047 {strides = array<i32>} : memref<448xi32, #tpu.memory_space<vmem>>, vector<16xi32>, vector<16xi1>
          tpu.vector_store %arg11[%swap3A_1057], %add3A_1056 masked %ge3A_1047 {strides = array<i32>} : memref<448xi32, #tpu.memory_space<vmem>>, vector<16xi32>, vector<16xi1>
          %all_reduce_population_count3A_1059 = tpu.all_reduce %ge3A_1047 {dim = 0 : i64, kind = #tpu.reduction_kind<sum>} : vector<16xi1> -> vector<16xi32>
          %slice3A_1060 = vector.extract_strided_slice %all_reduce_population_count3A_1059 {offsets = [0], sizes = [1], strides = [1]} : vector<16xi32> to vector<1xi32>
          %squeeze3A_1061 = vector.extract %slice3A_1060[0] : i32 from vector<1xi32>
          %add3A_1062 = arith.addi %add3A_1046, %squeeze3A_1061 : i32
          %ge3A_1063 = arith.cmpf oge, %get3A_815, %broadcast_in_dim3A_950 : vector<16xf32>
          %swap3A_1064 = arith.index_cast %add3A_1062 : i32 to index
          %swap3A_1065 = tpu.vector_load %arg10[%swap3A_1064] masked %ge3A_1063 {strides = array<i32>} : memref<448xf32, #tpu.memory_space<vmem>>, vector<16xf32>, vector<16xi1>
          tpu.vector_store %arg10[%swap3A_1064], %get3A_815 masked %ge3A_1063 {strides = array<i32>} : memref<448xf32, #tpu.memory_space<vmem>>, vector<16xf32>, vector<16xi1>
          %iota3A_1066 = tpu.iota {dimensions = array<i32: 0>} : vector<16xi32>
          %add3A_1067 = arith.constant 50000 : i32
          %add3A_1068 = arith.addi %add3A_1067, %mul3A_766 : i32
          %add3A_1069 = arith.constant 112 : i32
          %add3A_1070 = arith.addi %add3A_1068, %add3A_1069 : i32
          %add3A_1071 = vector.broadcast %add3A_1070 : i32 to vector<16xi32>
          %add3A_1072 = arith.addi %iota3A_1066, %add3A_1071 : vector<16xi32>
          %swap3A_1073 = arith.index_cast %add3A_1062 : i32 to index
          %swap3A_1074 = tpu.vector_load %arg11[%swap3A_1073] masked %ge3A_1063 {strides = array<i32>} : memref<448xi32, #tpu.memory_space<vmem>>, vector<16xi32>, vector<16xi1>
          tpu.vector_store %arg11[%swap3A_1073], %add3A_1072 masked %ge3A_1063 {strides = array<i32>} : memref<448xi32, #tpu.memory_space<vmem>>, vector<16xi32>, vector<16xi1>
          %all_reduce_population_count3A_1075 = tpu.all_reduce %ge3A_1063 {dim = 0 : i64, kind = #tpu.reduction_kind<sum>} : vector<16xi1> -> vector<16xi32>
          %slice3A_1076 = vector.extract_strided_slice %all_reduce_population_count3A_1075 {offsets = [0], sizes = [1], strides = [1]} : vector<16xi32> to vector<1xi32>
          %squeeze3A_1077 = vector.extract %slice3A_1076[0] : i32 from vector<1xi32>
          %add3A_1078 = arith.addi %add3A_1062, %squeeze3A_1077 : i32
          %ge3A_1079 = arith.cmpf oge, %get3A_821, %broadcast_in_dim3A_950 : vector<16xf32>
          %swap3A_1080 = arith.index_cast %add3A_1078 : i32 to index
          %swap3A_1081 = tpu.vector_load %arg10[%swap3A_1080] masked %ge3A_1079 {strides = array<i32>} : memref<448xf32, #tpu.memory_space<vmem>>, vector<16xf32>, vector<16xi1>
          tpu.vector_store %arg10[%swap3A_1080], %get3A_821 masked %ge3A_1079 {strides = array<i32>} : memref<448xf32, #tpu.memory_space<vmem>>, vector<16xf32>, vector<16xi1>
          %iota3A_1082 = tpu.iota {dimensions = array<i32: 0>} : vector<16xi32>
          %add3A_1083 = arith.constant 50000 : i32
          %add3A_1084 = arith.addi %add3A_1083, %mul3A_766 : i32
          %add3A_1085 = arith.constant 128 : i32
          %add3A_1086 = arith.addi %add3A_1084, %add3A_1085 : i32
          %add3A_1087 = vector.broadcast %add3A_1086 : i32 to vector<16xi32>
          %add3A_1088 = arith.addi %iota3A_1082, %add3A_1087 : vector<16xi32>
          %swap3A_1089 = arith.index_cast %add3A_1078 : i32 to index
          %swap3A_1090 = tpu.vector_load %arg11[%swap3A_1089] masked %ge3A_1079 {strides = array<i32>} : memref<448xi32, #tpu.memory_space<vmem>>, vector<16xi32>, vector<16xi1>
          tpu.vector_store %arg11[%swap3A_1089], %add3A_1088 masked %ge3A_1079 {strides = array<i32>} : memref<448xi32, #tpu.memory_space<vmem>>, vector<16xi32>, vector<16xi1>
          %all_reduce_population_count3A_1091 = tpu.all_reduce %ge3A_1079 {dim = 0 : i64, kind = #tpu.reduction_kind<sum>} : vector<16xi1> -> vector<16xi32>
          %slice3A_1092 = vector.extract_strided_slice %all_reduce_population_count3A_1091 {offsets = [0], sizes = [1], strides = [1]} : vector<16xi32> to vector<1xi32>
          %squeeze3A_1093 = vector.extract %slice3A_1092[0] : i32 from vector<1xi32>
          %add3A_1094 = arith.addi %add3A_1078, %squeeze3A_1093 : i32
          %ge3A_1095 = arith.cmpf oge, %get3A_827, %broadcast_in_dim3A_950 : vector<16xf32>
          %swap3A_1096 = arith.index_cast %add3A_1094 : i32 to index
          %swap3A_1097 = tpu.vector_load %arg10[%swap3A_1096] masked %ge3A_1095 {strides = array<i32>} : memref<448xf32, #tpu.memory_space<vmem>>, vector<16xf32>, vector<16xi1>
          tpu.vector_store %arg10[%swap3A_1096], %get3A_827 masked %ge3A_1095 {strides = array<i32>} : memref<448xf32, #tpu.memory_space<vmem>>, vector<16xf32>, vector<16xi1>
          %iota3A_1098 = tpu.iota {dimensions = array<i32: 0>} : vector<16xi32>
          %add3A_1099 = arith.constant 50000 : i32
          %add3A_1100 = arith.addi %add3A_1099, %mul3A_766 : i32
          %add3A_1101 = arith.constant 144 : i32
          %add3A_1102 = arith.addi %add3A_1100, %add3A_1101 : i32
          %add3A_1103 = vector.broadcast %add3A_1102 : i32 to vector<16xi32>
          %add3A_1104 = arith.addi %iota3A_1098, %add3A_1103 : vector<16xi32>
          %swap3A_1105 = arith.index_cast %add3A_1094 : i32 to index
          %swap3A_1106 = tpu.vector_load %arg11[%swap3A_1105] masked %ge3A_1095 {strides = array<i32>} : memref<448xi32, #tpu.memory_space<vmem>>, vector<16xi32>, vector<16xi1>
          tpu.vector_store %arg11[%swap3A_1105], %add3A_1104 masked %ge3A_1095 {strides = array<i32>} : memref<448xi32, #tpu.memory_space<vmem>>, vector<16xi32>, vector<16xi1>
          %all_reduce_population_count3A_1107 = tpu.all_reduce %ge3A_1095 {dim = 0 : i64, kind = #tpu.reduction_kind<sum>} : vector<16xi1> -> vector<16xi32>
          %slice3A_1108 = vector.extract_strided_slice %all_reduce_population_count3A_1107 {offsets = [0], sizes = [1], strides = [1]} : vector<16xi32> to vector<1xi32>
          %squeeze3A_1109 = vector.extract %slice3A_1108[0] : i32 from vector<1xi32>
          %add3A_1110 = arith.addi %add3A_1094, %squeeze3A_1109 : i32
          %ge3A_1111 = arith.cmpf oge, %get3A_833, %broadcast_in_dim3A_950 : vector<16xf32>
          %swap3A_1112 = arith.index_cast %add3A_1110 : i32 to index
          %swap3A_1113 = tpu.vector_load %arg10[%swap3A_1112] masked %ge3A_1111 {strides = array<i32>} : memref<448xf32, #tpu.memory_space<vmem>>, vector<16xf32>, vector<16xi1>
          tpu.vector_store %arg10[%swap3A_1112], %get3A_833 masked %ge3A_1111 {strides = array<i32>} : memref<448xf32, #tpu.memory_space<vmem>>, vector<16xf32>, vector<16xi1>
          %iota3A_1114 = tpu.iota {dimensions = array<i32: 0>} : vector<16xi32>
          %add3A_1115 = arith.constant 50000 : i32
          %add3A_1116 = arith.addi %add3A_1115, %mul3A_766 : i32
          %add3A_1117 = arith.constant 160 : i32
          %add3A_1118 = arith.addi %add3A_1116, %add3A_1117 : i32
          %add3A_1119 = vector.broadcast %add3A_1118 : i32 to vector<16xi32>
          %add3A_1120 = arith.addi %iota3A_1114, %add3A_1119 : vector<16xi32>
          %swap3A_1121 = arith.index_cast %add3A_1110 : i32 to index
          %swap3A_1122 = tpu.vector_load %arg11[%swap3A_1121] masked %ge3A_1111 {strides = array<i32>} : memref<448xi32, #tpu.memory_space<vmem>>, vector<16xi32>, vector<16xi1>
          tpu.vector_store %arg11[%swap3A_1121], %add3A_1120 masked %ge3A_1111 {strides = array<i32>} : memref<448xi32, #tpu.memory_space<vmem>>, vector<16xi32>, vector<16xi1>
          %all_reduce_population_count3A_1123 = tpu.all_reduce %ge3A_1111 {dim = 0 : i64, kind = #tpu.reduction_kind<sum>} : vector<16xi1> -> vector<16xi32>
          %slice3A_1124 = vector.extract_strided_slice %all_reduce_population_count3A_1123 {offsets = [0], sizes = [1], strides = [1]} : vector<16xi32> to vector<1xi32>
          %squeeze3A_1125 = vector.extract %slice3A_1124[0] : i32 from vector<1xi32>
          %add3A_1126 = arith.addi %add3A_1110, %squeeze3A_1125 : i32
          %ge3A_1127 = arith.cmpf oge, %get3A_839, %broadcast_in_dim3A_950 : vector<16xf32>
          %swap3A_1128 = arith.index_cast %add3A_1126 : i32 to index
          %swap3A_1129 = tpu.vector_load %arg10[%swap3A_1128] masked %ge3A_1127 {strides = array<i32>} : memref<448xf32, #tpu.memory_space<vmem>>, vector<16xf32>, vector<16xi1>
          tpu.vector_store %arg10[%swap3A_1128], %get3A_839 masked %ge3A_1127 {strides = array<i32>} : memref<448xf32, #tpu.memory_space<vmem>>, vector<16xf32>, vector<16xi1>
          %iota3A_1130 = tpu.iota {dimensions = array<i32: 0>} : vector<16xi32>
          %add3A_1131 = arith.constant 50000 : i32
          %add3A_1132 = arith.addi %add3A_1131, %mul3A_766 : i32
          %add3A_1133 = arith.constant 176 : i32
          %add3A_1134 = arith.addi %add3A_1132, %add3A_1133 : i32
          %add3A_1135 = vector.broadcast %add3A_1134 : i32 to vector<16xi32>
          %add3A_1136 = arith.addi %iota3A_1130, %add3A_1135 : vector<16xi32>
          %swap3A_1137 = arith.index_cast %add3A_1126 : i32 to index
          %swap3A_1138 = tpu.vector_load %arg11[%swap3A_1137] masked %ge3A_1127 {strides = array<i32>} : memref<448xi32, #tpu.memory_space<vmem>>, vector<16xi32>, vector<16xi1>
          tpu.vector_store %arg11[%swap3A_1137], %add3A_1136 masked %ge3A_1127 {strides = array<i32>} : memref<448xi32, #tpu.memory_space<vmem>>, vector<16xi32>, vector<16xi1>
          %all_reduce_population_count3A_1139 = tpu.all_reduce %ge3A_1127 {dim = 0 : i64, kind = #tpu.reduction_kind<sum>} : vector<16xi1> -> vector<16xi32>
          %slice3A_1140 = vector.extract_strided_slice %all_reduce_population_count3A_1139 {offsets = [0], sizes = [1], strides = [1]} : vector<16xi32> to vector<1xi32>
          %squeeze3A_1141 = vector.extract %slice3A_1140[0] : i32 from vector<1xi32>
          %add3A_1142 = arith.addi %add3A_1126, %squeeze3A_1141 : i32
          %ge3A_1143 = arith.cmpf oge, %get3A_845, %broadcast_in_dim3A_950 : vector<16xf32>
          %swap3A_1144 = arith.index_cast %add3A_1142 : i32 to index
          %swap3A_1145 = tpu.vector_load %arg10[%swap3A_1144] masked %ge3A_1143 {strides = array<i32>} : memref<448xf32, #tpu.memory_space<vmem>>, vector<16xf32>, vector<16xi1>
          tpu.vector_store %arg10[%swap3A_1144], %get3A_845 masked %ge3A_1143 {strides = array<i32>} : memref<448xf32, #tpu.memory_space<vmem>>, vector<16xf32>, vector<16xi1>
          %iota3A_1146 = tpu.iota {dimensions = array<i32: 0>} : vector<16xi32>
          %add3A_1147 = arith.constant 50000 : i32
          %add3A_1148 = arith.addi %add3A_1147, %mul3A_766 : i32
          %add3A_1149 = arith.constant 192 : i32
          %add3A_1150 = arith.addi %add3A_1148, %add3A_1149 : i32
          %add3A_1151 = vector.broadcast %add3A_1150 : i32 to vector<16xi32>
          %add3A_1152 = arith.addi %iota3A_1146, %add3A_1151 : vector<16xi32>
          %swap3A_1153 = arith.index_cast %add3A_1142 : i32 to index
          %swap3A_1154 = tpu.vector_load %arg11[%swap3A_1153] masked %ge3A_1143 {strides = array<i32>} : memref<448xi32, #tpu.memory_space<vmem>>, vector<16xi32>, vector<16xi1>
          tpu.vector_store %arg11[%swap3A_1153], %add3A_1152 masked %ge3A_1143 {strides = array<i32>} : memref<448xi32, #tpu.memory_space<vmem>>, vector<16xi32>, vector<16xi1>
          %all_reduce_population_count3A_1155 = tpu.all_reduce %ge3A_1143 {dim = 0 : i64, kind = #tpu.reduction_kind<sum>} : vector<16xi1> -> vector<16xi32>
          %slice3A_1156 = vector.extract_strided_slice %all_reduce_population_count3A_1155 {offsets = [0], sizes = [1], strides = [1]} : vector<16xi32> to vector<1xi32>
          %squeeze3A_1157 = vector.extract %slice3A_1156[0] : i32 from vector<1xi32>
          %add3A_1158 = arith.addi %add3A_1142, %squeeze3A_1157 : i32
          %ge3A_1159 = arith.cmpf oge, %get3A_851, %broadcast_in_dim3A_950 : vector<16xf32>
          %swap3A_1160 = arith.index_cast %add3A_1158 : i32 to index
          %swap3A_1161 = tpu.vector_load %arg10[%swap3A_1160] masked %ge3A_1159 {strides = array<i32>} : memref<448xf32, #tpu.memory_space<vmem>>, vector<16xf32>, vector<16xi1>
          tpu.vector_store %arg10[%swap3A_1160], %get3A_851 masked %ge3A_1159 {strides = array<i32>} : memref<448xf32, #tpu.memory_space<vmem>>, vector<16xf32>, vector<16xi1>
          %iota3A_1162 = tpu.iota {dimensions = array<i32: 0>} : vector<16xi32>
          %add3A_1163 = arith.constant 50000 : i32
          %add3A_1164 = arith.addi %add3A_1163, %mul3A_766 : i32
          %add3A_1165 = arith.constant 208 : i32
          %add3A_1166 = arith.addi %add3A_1164, %add3A_1165 : i32
          %add3A_1167 = vector.broadcast %add3A_1166 : i32 to vector<16xi32>
          %add3A_1168 = arith.addi %iota3A_1162, %add3A_1167 : vector<16xi32>
          %swap3A_1169 = arith.index_cast %add3A_1158 : i32 to index
          %swap3A_1170 = tpu.vector_load %arg11[%swap3A_1169] masked %ge3A_1159 {strides = array<i32>} : memref<448xi32, #tpu.memory_space<vmem>>, vector<16xi32>, vector<16xi1>
          tpu.vector_store %arg11[%swap3A_1169], %add3A_1168 masked %ge3A_1159 {strides = array<i32>} : memref<448xi32, #tpu.memory_space<vmem>>, vector<16xi32>, vector<16xi1>
          %all_reduce_population_count3A_1171 = tpu.all_reduce %ge3A_1159 {dim = 0 : i64, kind = #tpu.reduction_kind<sum>} : vector<16xi1> -> vector<16xi32>
          %slice3A_1172 = vector.extract_strided_slice %all_reduce_population_count3A_1171 {offsets = [0], sizes = [1], strides = [1]} : vector<16xi32> to vector<1xi32>
          %squeeze3A_1173 = vector.extract %slice3A_1172[0] : i32 from vector<1xi32>
          %add3A_1174 = arith.addi %add3A_1158, %squeeze3A_1173 : i32
          %ge3A_1175 = arith.cmpf oge, %get3A_857, %broadcast_in_dim3A_950 : vector<16xf32>
          %swap3A_1176 = arith.index_cast %add3A_1174 : i32 to index
          %swap3A_1177 = tpu.vector_load %arg10[%swap3A_1176] masked %ge3A_1175 {strides = array<i32>} : memref<448xf32, #tpu.memory_space<vmem>>, vector<16xf32>, vector<16xi1>
          tpu.vector_store %arg10[%swap3A_1176], %get3A_857 masked %ge3A_1175 {strides = array<i32>} : memref<448xf32, #tpu.memory_space<vmem>>, vector<16xf32>, vector<16xi1>
          %iota3A_1178 = tpu.iota {dimensions = array<i32: 0>} : vector<16xi32>
          %add3A_1179 = arith.constant 50000 : i32
          %add3A_1180 = arith.addi %add3A_1179, %mul3A_766 : i32
          %add3A_1181 = arith.constant 224 : i32
          %add3A_1182 = arith.addi %add3A_1180, %add3A_1181 : i32
          %add3A_1183 = vector.broadcast %add3A_1182 : i32 to vector<16xi32>
          %add3A_1184 = arith.addi %iota3A_1178, %add3A_1183 : vector<16xi32>
          %swap3A_1185 = arith.index_cast %add3A_1174 : i32 to index
          %swap3A_1186 = tpu.vector_load %arg11[%swap3A_1185] masked %ge3A_1175 {strides = array<i32>} : memref<448xi32, #tpu.memory_space<vmem>>, vector<16xi32>, vector<16xi1>
          tpu.vector_store %arg11[%swap3A_1185], %add3A_1184 masked %ge3A_1175 {strides = array<i32>} : memref<448xi32, #tpu.memory_space<vmem>>, vector<16xi32>, vector<16xi1>
          %all_reduce_population_count3A_1187 = tpu.all_reduce %ge3A_1175 {dim = 0 : i64, kind = #tpu.reduction_kind<sum>} : vector<16xi1> -> vector<16xi32>
          %slice3A_1188 = vector.extract_strided_slice %all_reduce_population_count3A_1187 {offsets = [0], sizes = [1], strides = [1]} : vector<16xi32> to vector<1xi32>
          %squeeze3A_1189 = vector.extract %slice3A_1188[0] : i32 from vector<1xi32>
          %add3A_1190 = arith.addi %add3A_1174, %squeeze3A_1189 : i32
          %ge3A_1191 = arith.cmpf oge, %get3A_863, %broadcast_in_dim3A_950 : vector<16xf32>
          %swap3A_1192 = arith.index_cast %add3A_1190 : i32 to index
          %swap3A_1193 = tpu.vector_load %arg10[%swap3A_1192] masked %ge3A_1191 {strides = array<i32>} : memref<448xf32, #tpu.memory_space<vmem>>, vector<16xf32>, vector<16xi1>
          tpu.vector_store %arg10[%swap3A_1192], %get3A_863 masked %ge3A_1191 {strides = array<i32>} : memref<448xf32, #tpu.memory_space<vmem>>, vector<16xf32>, vector<16xi1>
          %iota3A_1194 = tpu.iota {dimensions = array<i32: 0>} : vector<16xi32>
          %add3A_1195 = arith.constant 50000 : i32
          %add3A_1196 = arith.addi %add3A_1195, %mul3A_766 : i32
          %add3A_1197 = arith.constant 240 : i32
          %add3A_1198 = arith.addi %add3A_1196, %add3A_1197 : i32
          %add3A_1199 = vector.broadcast %add3A_1198 : i32 to vector<16xi32>
          %add3A_1200 = arith.addi %iota3A_1194, %add3A_1199 : vector<16xi32>
          %swap3A_1201 = arith.index_cast %add3A_1190 : i32 to index
          %swap3A_1202 = tpu.vector_load %arg11[%swap3A_1201] masked %ge3A_1191 {strides = array<i32>} : memref<448xi32, #tpu.memory_space<vmem>>, vector<16xi32>, vector<16xi1>
          tpu.vector_store %arg11[%swap3A_1201], %add3A_1200 masked %ge3A_1191 {strides = array<i32>} : memref<448xi32, #tpu.memory_space<vmem>>, vector<16xi32>, vector<16xi1>
          %all_reduce_population_count3A_1203 = tpu.all_reduce %ge3A_1191 {dim = 0 : i64, kind = #tpu.reduction_kind<sum>} : vector<16xi1> -> vector<16xi32>
          %slice3A_1204 = vector.extract_strided_slice %all_reduce_population_count3A_1203 {offsets = [0], sizes = [1], strides = [1]} : vector<16xi32> to vector<1xi32>
          %squeeze3A_1205 = vector.extract %slice3A_1204[0] : i32 from vector<1xi32>
          %add3A_1206 = arith.addi %add3A_1190, %squeeze3A_1205 : i32
          %ge3A_1207 = arith.cmpf oge, %get3A_869, %broadcast_in_dim3A_950 : vector<16xf32>
          %swap3A_1208 = arith.index_cast %add3A_1206 : i32 to index
          %swap3A_1209 = tpu.vector_load %arg10[%swap3A_1208] masked %ge3A_1207 {strides = array<i32>} : memref<448xf32, #tpu.memory_space<vmem>>, vector<16xf32>, vector<16xi1>
          tpu.vector_store %arg10[%swap3A_1208], %get3A_869 masked %ge3A_1207 {strides = array<i32>} : memref<448xf32, #tpu.memory_space<vmem>>, vector<16xf32>, vector<16xi1>
          %iota3A_1210 = tpu.iota {dimensions = array<i32: 0>} : vector<16xi32>
          %add3A_1211 = arith.constant 50000 : i32
          %add3A_1212 = arith.addi %add3A_1211, %mul3A_766 : i32
          %add3A_1213 = arith.constant 256 : i32
          %add3A_1214 = arith.addi %add3A_1212, %add3A_1213 : i32
          %add3A_1215 = vector.broadcast %add3A_1214 : i32 to vector<16xi32>
          %add3A_1216 = arith.addi %iota3A_1210, %add3A_1215 : vector<16xi32>
          %swap3A_1217 = arith.index_cast %add3A_1206 : i32 to index
          %swap3A_1218 = tpu.vector_load %arg11[%swap3A_1217] masked %ge3A_1207 {strides = array<i32>} : memref<448xi32, #tpu.memory_space<vmem>>, vector<16xi32>, vector<16xi1>
          tpu.vector_store %arg11[%swap3A_1217], %add3A_1216 masked %ge3A_1207 {strides = array<i32>} : memref<448xi32, #tpu.memory_space<vmem>>, vector<16xi32>, vector<16xi1>
          %all_reduce_population_count3A_1219 = tpu.all_reduce %ge3A_1207 {dim = 0 : i64, kind = #tpu.reduction_kind<sum>} : vector<16xi1> -> vector<16xi32>
          %slice3A_1220 = vector.extract_strided_slice %all_reduce_population_count3A_1219 {offsets = [0], sizes = [1], strides = [1]} : vector<16xi32> to vector<1xi32>
          %squeeze3A_1221 = vector.extract %slice3A_1220[0] : i32 from vector<1xi32>
          %add3A_1222 = arith.addi %add3A_1206, %squeeze3A_1221 : i32
          %ge3A_1223 = arith.cmpf oge, %get3A_875, %broadcast_in_dim3A_950 : vector<16xf32>
          %swap3A_1224 = arith.index_cast %add3A_1222 : i32 to index
          %swap3A_1225 = tpu.vector_load %arg10[%swap3A_1224] masked %ge3A_1223 {strides = array<i32>} : memref<448xf32, #tpu.memory_space<vmem>>, vector<16xf32>, vector<16xi1>
          tpu.vector_store %arg10[%swap3A_1224], %get3A_875 masked %ge3A_1223 {strides = array<i32>} : memref<448xf32, #tpu.memory_space<vmem>>, vector<16xf32>, vector<16xi1>
          %iota3A_1226 = tpu.iota {dimensions = array<i32: 0>} : vector<16xi32>
          %add3A_1227 = arith.constant 50000 : i32
          %add3A_1228 = arith.addi %add3A_1227, %mul3A_766 : i32
          %add3A_1229 = arith.constant 272 : i32
          %add3A_1230 = arith.addi %add3A_1228, %add3A_1229 : i32
          %add3A_1231 = vector.broadcast %add3A_1230 : i32 to vector<16xi32>
          %add3A_1232 = arith.addi %iota3A_1226, %add3A_1231 : vector<16xi32>
          %swap3A_1233 = arith.index_cast %add3A_1222 : i32 to index
          %swap3A_1234 = tpu.vector_load %arg11[%swap3A_1233] masked %ge3A_1223 {strides = array<i32>} : memref<448xi32, #tpu.memory_space<vmem>>, vector<16xi32>, vector<16xi1>
          tpu.vector_store %arg11[%swap3A_1233], %add3A_1232 masked %ge3A_1223 {strides = array<i32>} : memref<448xi32, #tpu.memory_space<vmem>>, vector<16xi32>, vector<16xi1>
          %all_reduce_population_count3A_1235 = tpu.all_reduce %ge3A_1223 {dim = 0 : i64, kind = #tpu.reduction_kind<sum>} : vector<16xi1> -> vector<16xi32>
          %slice3A_1236 = vector.extract_strided_slice %all_reduce_population_count3A_1235 {offsets = [0], sizes = [1], strides = [1]} : vector<16xi32> to vector<1xi32>
          %squeeze3A_1237 = vector.extract %slice3A_1236[0] : i32 from vector<1xi32>
          %add3A_1238 = arith.addi %add3A_1222, %squeeze3A_1237 : i32
          %ge3A_1239 = arith.cmpf oge, %get3A_881, %broadcast_in_dim3A_950 : vector<16xf32>
          %swap3A_1240 = arith.index_cast %add3A_1238 : i32 to index
          %swap3A_1241 = tpu.vector_load %arg10[%swap3A_1240] masked %ge3A_1239 {strides = array<i32>} : memref<448xf32, #tpu.memory_space<vmem>>, vector<16xf32>, vector<16xi1>
          tpu.vector_store %arg10[%swap3A_1240], %get3A_881 masked %ge3A_1239 {strides = array<i32>} : memref<448xf32, #tpu.memory_space<vmem>>, vector<16xf32>, vector<16xi1>
          %iota3A_1242 = tpu.iota {dimensions = array<i32: 0>} : vector<16xi32>
          %add3A_1243 = arith.constant 50000 : i32
          %add3A_1244 = arith.addi %add3A_1243, %mul3A_766 : i32
          %add3A_1245 = arith.constant 288 : i32
          %add3A_1246 = arith.addi %add3A_1244, %add3A_1245 : i32
          %add3A_1247 = vector.broadcast %add3A_1246 : i32 to vector<16xi32>
          %add3A_1248 = arith.addi %iota3A_1242, %add3A_1247 : vector<16xi32>
          %swap3A_1249 = arith.index_cast %add3A_1238 : i32 to index
          %swap3A_1250 = tpu.vector_load %arg11[%swap3A_1249] masked %ge3A_1239 {strides = array<i32>} : memref<448xi32, #tpu.memory_space<vmem>>, vector<16xi32>, vector<16xi1>
          tpu.vector_store %arg11[%swap3A_1249], %add3A_1248 masked %ge3A_1239 {strides = array<i32>} : memref<448xi32, #tpu.memory_space<vmem>>, vector<16xi32>, vector<16xi1>
          %all_reduce_population_count3A_1251 = tpu.all_reduce %ge3A_1239 {dim = 0 : i64, kind = #tpu.reduction_kind<sum>} : vector<16xi1> -> vector<16xi32>
          %slice3A_1252 = vector.extract_strided_slice %all_reduce_population_count3A_1251 {offsets = [0], sizes = [1], strides = [1]} : vector<16xi32> to vector<1xi32>
          %squeeze3A_1253 = vector.extract %slice3A_1252[0] : i32 from vector<1xi32>
          %add3A_1254 = arith.addi %add3A_1238, %squeeze3A_1253 : i32
          %ge3A_1255 = arith.cmpf oge, %get3A_887, %broadcast_in_dim3A_950 : vector<16xf32>
          %swap3A_1256 = arith.index_cast %add3A_1254 : i32 to index
          %swap3A_1257 = tpu.vector_load %arg10[%swap3A_1256] masked %ge3A_1255 {strides = array<i32>} : memref<448xf32, #tpu.memory_space<vmem>>, vector<16xf32>, vector<16xi1>
          tpu.vector_store %arg10[%swap3A_1256], %get3A_887 masked %ge3A_1255 {strides = array<i32>} : memref<448xf32, #tpu.memory_space<vmem>>, vector<16xf32>, vector<16xi1>
          %iota3A_1258 = tpu.iota {dimensions = array<i32: 0>} : vector<16xi32>
          %add3A_1259 = arith.constant 50000 : i32
          %add3A_1260 = arith.addi %add3A_1259, %mul3A_766 : i32
          %add3A_1261 = arith.constant 304 : i32
          %add3A_1262 = arith.addi %add3A_1260, %add3A_1261 : i32
          %add3A_1263 = vector.broadcast %add3A_1262 : i32 to vector<16xi32>
          %add3A_1264 = arith.addi %iota3A_1258, %add3A_1263 : vector<16xi32>
          %swap3A_1265 = arith.index_cast %add3A_1254 : i32 to index
          %swap3A_1266 = tpu.vector_load %arg11[%swap3A_1265] masked %ge3A_1255 {strides = array<i32>} : memref<448xi32, #tpu.memory_space<vmem>>, vector<16xi32>, vector<16xi1>
          tpu.vector_store %arg11[%swap3A_1265], %add3A_1264 masked %ge3A_1255 {strides = array<i32>} : memref<448xi32, #tpu.memory_space<vmem>>, vector<16xi32>, vector<16xi1>
          %all_reduce_population_count3A_1267 = tpu.all_reduce %ge3A_1255 {dim = 0 : i64, kind = #tpu.reduction_kind<sum>} : vector<16xi1> -> vector<16xi32>
          %slice3A_1268 = vector.extract_strided_slice %all_reduce_population_count3A_1267 {offsets = [0], sizes = [1], strides = [1]} : vector<16xi32> to vector<1xi32>
          %squeeze3A_1269 = vector.extract %slice3A_1268[0] : i32 from vector<1xi32>
          %add3A_1270 = arith.addi %add3A_1254, %squeeze3A_1269 : i32
          %ge3A_1271 = arith.cmpf oge, %get3A_893, %broadcast_in_dim3A_950 : vector<16xf32>
          %swap3A_1272 = arith.index_cast %add3A_1270 : i32 to index
          %swap3A_1273 = tpu.vector_load %arg10[%swap3A_1272] masked %ge3A_1271 {strides = array<i32>} : memref<448xf32, #tpu.memory_space<vmem>>, vector<16xf32>, vector<16xi1>
          tpu.vector_store %arg10[%swap3A_1272], %get3A_893 masked %ge3A_1271 {strides = array<i32>} : memref<448xf32, #tpu.memory_space<vmem>>, vector<16xf32>, vector<16xi1>
          %iota3A_1274 = tpu.iota {dimensions = array<i32: 0>} : vector<16xi32>
          %add3A_1275 = arith.constant 50000 : i32
          %add3A_1276 = arith.addi %add3A_1275, %mul3A_766 : i32
          %add3A_1277 = arith.constant 320 : i32
          %add3A_1278 = arith.addi %add3A_1276, %add3A_1277 : i32
          %add3A_1279 = vector.broadcast %add3A_1278 : i32 to vector<16xi32>
          %add3A_1280 = arith.addi %iota3A_1274, %add3A_1279 : vector<16xi32>
          %swap3A_1281 = arith.index_cast %add3A_1270 : i32 to index
          %swap3A_1282 = tpu.vector_load %arg11[%swap3A_1281] masked %ge3A_1271 {strides = array<i32>} : memref<448xi32, #tpu.memory_space<vmem>>, vector<16xi32>, vector<16xi1>
          tpu.vector_store %arg11[%swap3A_1281], %add3A_1280 masked %ge3A_1271 {strides = array<i32>} : memref<448xi32, #tpu.memory_space<vmem>>, vector<16xi32>, vector<16xi1>
          %all_reduce_population_count3A_1283 = tpu.all_reduce %ge3A_1271 {dim = 0 : i64, kind = #tpu.reduction_kind<sum>} : vector<16xi1> -> vector<16xi32>
          %slice3A_1284 = vector.extract_strided_slice %all_reduce_population_count3A_1283 {offsets = [0], sizes = [1], strides = [1]} : vector<16xi32> to vector<1xi32>
          %squeeze3A_1285 = vector.extract %slice3A_1284[0] : i32 from vector<1xi32>
          %add3A_1286 = arith.addi %add3A_1270, %squeeze3A_1285 : i32
          %ge3A_1287 = arith.cmpf oge, %get3A_899, %broadcast_in_dim3A_950 : vector<16xf32>
          %swap3A_1288 = arith.index_cast %add3A_1286 : i32 to index
          %swap3A_1289 = tpu.vector_load %arg10[%swap3A_1288] masked %ge3A_1287 {strides = array<i32>} : memref<448xf32, #tpu.memory_space<vmem>>, vector<16xf32>, vector<16xi1>
          tpu.vector_store %arg10[%swap3A_1288], %get3A_899 masked %ge3A_1287 {strides = array<i32>} : memref<448xf32, #tpu.memory_space<vmem>>, vector<16xf32>, vector<16xi1>
          %iota3A_1290 = tpu.iota {dimensions = array<i32: 0>} : vector<16xi32>
          %add3A_1291 = arith.constant 50000 : i32
          %add3A_1292 = arith.addi %add3A_1291, %mul3A_766 : i32
          %add3A_1293 = arith.constant 336 : i32
          %add3A_1294 = arith.addi %add3A_1292, %add3A_1293 : i32
          %add3A_1295 = vector.broadcast %add3A_1294 : i32 to vector<16xi32>
          %add3A_1296 = arith.addi %iota3A_1290, %add3A_1295 : vector<16xi32>
          %swap3A_1297 = arith.index_cast %add3A_1286 : i32 to index
          %swap3A_1298 = tpu.vector_load %arg11[%swap3A_1297] masked %ge3A_1287 {strides = array<i32>} : memref<448xi32, #tpu.memory_space<vmem>>, vector<16xi32>, vector<16xi1>
          tpu.vector_store %arg11[%swap3A_1297], %add3A_1296 masked %ge3A_1287 {strides = array<i32>} : memref<448xi32, #tpu.memory_space<vmem>>, vector<16xi32>, vector<16xi1>
          %all_reduce_population_count3A_1299 = tpu.all_reduce %ge3A_1287 {dim = 0 : i64, kind = #tpu.reduction_kind<sum>} : vector<16xi1> -> vector<16xi32>
          %slice3A_1300 = vector.extract_strided_slice %all_reduce_population_count3A_1299 {offsets = [0], sizes = [1], strides = [1]} : vector<16xi32> to vector<1xi32>
          %squeeze3A_1301 = vector.extract %slice3A_1300[0] : i32 from vector<1xi32>
          %add3A_1302 = arith.addi %add3A_1286, %squeeze3A_1301 : i32
          %ge3A_1303 = arith.cmpf oge, %get3A_905, %broadcast_in_dim3A_950 : vector<16xf32>
          %swap3A_1304 = arith.index_cast %add3A_1302 : i32 to index
          %swap3A_1305 = tpu.vector_load %arg10[%swap3A_1304] masked %ge3A_1303 {strides = array<i32>} : memref<448xf32, #tpu.memory_space<vmem>>, vector<16xf32>, vector<16xi1>
          tpu.vector_store %arg10[%swap3A_1304], %get3A_905 masked %ge3A_1303 {strides = array<i32>} : memref<448xf32, #tpu.memory_space<vmem>>, vector<16xf32>, vector<16xi1>
          %iota3A_1306 = tpu.iota {dimensions = array<i32: 0>} : vector<16xi32>
          %add3A_1307 = arith.constant 50000 : i32
          %add3A_1308 = arith.addi %add3A_1307, %mul3A_766 : i32
          %add3A_1309 = arith.constant 352 : i32
          %add3A_1310 = arith.addi %add3A_1308, %add3A_1309 : i32
          %add3A_1311 = vector.broadcast %add3A_1310 : i32 to vector<16xi32>
          %add3A_1312 = arith.addi %iota3A_1306, %add3A_1311 : vector<16xi32>
          %swap3A_1313 = arith.index_cast %add3A_1302 : i32 to index
          %swap3A_1314 = tpu.vector_load %arg11[%swap3A_1313] masked %ge3A_1303 {strides = array<i32>} : memref<448xi32, #tpu.memory_space<vmem>>, vector<16xi32>, vector<16xi1>
          tpu.vector_store %arg11[%swap3A_1313], %add3A_1312 masked %ge3A_1303 {strides = array<i32>} : memref<448xi32, #tpu.memory_space<vmem>>, vector<16xi32>, vector<16xi1>
          %all_reduce_population_count3A_1315 = tpu.all_reduce %ge3A_1303 {dim = 0 : i64, kind = #tpu.reduction_kind<sum>} : vector<16xi1> -> vector<16xi32>
          %slice3A_1316 = vector.extract_strided_slice %all_reduce_population_count3A_1315 {offsets = [0], sizes = [1], strides = [1]} : vector<16xi32> to vector<1xi32>
          %squeeze3A_1317 = vector.extract %slice3A_1316[0] : i32 from vector<1xi32>
          %add3A_1318 = arith.addi %add3A_1302, %squeeze3A_1317 : i32
          %ge3A_1319 = arith.cmpf oge, %get3A_911, %broadcast_in_dim3A_950 : vector<16xf32>
          %swap3A_1320 = arith.index_cast %add3A_1318 : i32 to index
          %swap3A_1321 = tpu.vector_load %arg10[%swap3A_1320] masked %ge3A_1319 {strides = array<i32>} : memref<448xf32, #tpu.memory_space<vmem>>, vector<16xf32>, vector<16xi1>
          tpu.vector_store %arg10[%swap3A_1320], %get3A_911 masked %ge3A_1319 {strides = array<i32>} : memref<448xf32, #tpu.memory_space<vmem>>, vector<16xf32>, vector<16xi1>
          %iota3A_1322 = tpu.iota {dimensions = array<i32: 0>} : vector<16xi32>
          %add3A_1323 = arith.constant 50000 : i32
          %add3A_1324 = arith.addi %add3A_1323, %mul3A_766 : i32
          %add3A_1325 = arith.constant 368 : i32
          %add3A_1326 = arith.addi %add3A_1324, %add3A_1325 : i32
          %add3A_1327 = vector.broadcast %add3A_1326 : i32 to vector<16xi32>
          %add3A_1328 = arith.addi %iota3A_1322, %add3A_1327 : vector<16xi32>
          %swap3A_1329 = arith.index_cast %add3A_1318 : i32 to index
          %swap3A_1330 = tpu.vector_load %arg11[%swap3A_1329] masked %ge3A_1319 {strides = array<i32>} : memref<448xi32, #tpu.memory_space<vmem>>, vector<16xi32>, vector<16xi1>
          tpu.vector_store %arg11[%swap3A_1329], %add3A_1328 masked %ge3A_1319 {strides = array<i32>} : memref<448xi32, #tpu.memory_space<vmem>>, vector<16xi32>, vector<16xi1>
          %all_reduce_population_count3A_1331 = tpu.all_reduce %ge3A_1319 {dim = 0 : i64, kind = #tpu.reduction_kind<sum>} : vector<16xi1> -> vector<16xi32>
          %slice3A_1332 = vector.extract_strided_slice %all_reduce_population_count3A_1331 {offsets = [0], sizes = [1], strides = [1]} : vector<16xi32> to vector<1xi32>
          %squeeze3A_1333 = vector.extract %slice3A_1332[0] : i32 from vector<1xi32>
          %add3A_1334 = arith.addi %add3A_1318, %squeeze3A_1333 : i32
          %ge3A_1335 = arith.cmpf oge, %get3A_917, %broadcast_in_dim3A_950 : vector<16xf32>
          %swap3A_1336 = arith.index_cast %add3A_1334 : i32 to index
          %swap3A_1337 = tpu.vector_load %arg10[%swap3A_1336] masked %ge3A_1335 {strides = array<i32>} : memref<448xf32, #tpu.memory_space<vmem>>, vector<16xf32>, vector<16xi1>
          tpu.vector_store %arg10[%swap3A_1336], %get3A_917 masked %ge3A_1335 {strides = array<i32>} : memref<448xf32, #tpu.memory_space<vmem>>, vector<16xf32>, vector<16xi1>
          %iota3A_1338 = tpu.iota {dimensions = array<i32: 0>} : vector<16xi32>
          %add3A_1339 = arith.constant 50000 : i32
          %add3A_1340 = arith.addi %add3A_1339, %mul3A_766 : i32
          %add3A_1341 = arith.constant 384 : i32
          %add3A_1342 = arith.addi %add3A_1340, %add3A_1341 : i32
          %add3A_1343 = vector.broadcast %add3A_1342 : i32 to vector<16xi32>
          %add3A_1344 = arith.addi %iota3A_1338, %add3A_1343 : vector<16xi32>
          %swap3A_1345 = arith.index_cast %add3A_1334 : i32 to index
          %swap3A_1346 = tpu.vector_load %arg11[%swap3A_1345] masked %ge3A_1335 {strides = array<i32>} : memref<448xi32, #tpu.memory_space<vmem>>, vector<16xi32>, vector<16xi1>
          tpu.vector_store %arg11[%swap3A_1345], %add3A_1344 masked %ge3A_1335 {strides = array<i32>} : memref<448xi32, #tpu.memory_space<vmem>>, vector<16xi32>, vector<16xi1>
          %all_reduce_population_count3A_1347 = tpu.all_reduce %ge3A_1335 {dim = 0 : i64, kind = #tpu.reduction_kind<sum>} : vector<16xi1> -> vector<16xi32>
          %slice3A_1348 = vector.extract_strided_slice %all_reduce_population_count3A_1347 {offsets = [0], sizes = [1], strides = [1]} : vector<16xi32> to vector<1xi32>
          %squeeze3A_1349 = vector.extract %slice3A_1348[0] : i32 from vector<1xi32>
          %add3A_1350 = arith.addi %add3A_1334, %squeeze3A_1349 : i32
          %while3A = arith.constant 0 : i32
          %while3A_1351:2 = scf.while (%while3A_1364 = %while3A, %while3A_1365 = %scan3A_764) : (i32, f32) -> (i32, f32) {
            %add3A_1366 = arith.constant 16 : i32
            %add3A_1367 = arith.addi %while3A_1364, %add3A_1366 : i32
            %le3A = arith.cmpi sle, %add3A_1367, %add3A_1350 : i32
            scf.condition(%le3A) %while3A_1364, %while3A_1365 : i32, f32
          } do {
          ^bb0(%while3A_1364: i32, %while3A_1365: f32):
            %get3A_1366 = arith.index_cast %while3A_1364 : i32 to index
            %get3A_1367 = tpu.vector_load %arg10[%get3A_1366] {strides = array<i32>} : memref<448xf32, #tpu.memory_space<vmem>>, vector<16xf32>,
            %get3A_1368 = arith.index_cast %while3A_1364 : i32 to index
            %get3A_1369 = tpu.vector_load %arg11[%get3A_1368] {strides = array<i32>} : memref<448xi32, #tpu.memory_space<vmem>>, vector<16xi32>,
            %scan3A_1370 = arith.constant 0 : i32
            %scan3A_1371 = arith.constant 8 : i32
            %scan3A_1372 = arith.addi %scan3A_1370, %scan3A_1371 : i32
            %scan3A_1373 = arith.constant 1 : i32
            %scan3A_1374:2 = scf.for %scan3A_1389 = %scan3A_1370 to %scan3A_1372 step %scan3A_1373 iter_args(%scan3A_1390 = %get3A_1367, %scan3A_1391 = %get3A_1369) -> (vector<16xf32>, vector<16xi32>)  : i32 {
              %mul3A_1392 = arith.constant 8 : i32
              %mul3A_1393 = arith.muli %scan3A_1389, %mul3A_1392 : i32
              %add3A_1394 = arith.constant 0 : i32
              %add3A_1395 = arith.addi %mul3A_1393, %add3A_1394 : i32
              %get3A_1396 = arith.index_cast %add3A_1395 : i32 to index
              %get3A_1397 = arith.constant 0 : index
              %get3A_1398 = tpu.vector_load %arg12[%get3A_1396, %get3A_1397] {strides = array<i32>} : memref<65x16xf32, #tpu.memory_space<vmem>>, vector<16xf32>,
              %get3A_1399 = arith.index_cast %add3A_1395 : i32 to index
              %get3A_1400 = arith.constant 0 : index
              %get3A_1401 = tpu.vector_load %arg13[%get3A_1399, %get3A_1400] {strides = array<i32>} : memref<65x16xi32, #tpu.memory_space<vmem>>, vector<16xi32>,
              %gt3A_1402 = arith.cmpf ogt, %scan3A_1390, %get3A_1398 : vector<16xf32>
              %select_n3A_1403 = arith.select %gt3A_1402, %scan3A_1390, %get3A_1398 : vector<16xi1>, vector<16xf32>
              %swap3A_1404 = arith.index_cast %add3A_1395 : i32 to index
              %swap3A_1405 = arith.constant 0 : index
              %swap3A_1406 = tpu.vector_load %arg12[%swap3A_1404, %swap3A_1405] {strides = array<i32>} : memref<65x16xf32, #tpu.memory_space<vmem>>, vector<16xf32>,
              tpu.vector_store %arg12[%swap3A_1404, %swap3A_1405], %select_n3A_1403 {strides = array<i32>} : memref<65x16xf32, #tpu.memory_space<vmem>>, vector<16xf32>,
              %select_n3A_1407 = arith.select %gt3A_1402, %scan3A_1391, %get3A_1401 : vector<16xi1>, vector<16xi32>
              %swap3A_1408 = arith.index_cast %add3A_1395 : i32 to index
              %swap3A_1409 = arith.constant 0 : index
              %swap3A_1410 = tpu.vector_load %arg13[%swap3A_1408, %swap3A_1409] {strides = array<i32>} : memref<65x16xi32, #tpu.memory_space<vmem>>, vector<16xi32>,
              tpu.vector_store %arg13[%swap3A_1408, %swap3A_1409], %select_n3A_1407 {strides = array<i32>} : memref<65x16xi32, #tpu.memory_space<vmem>>, vector<16xi32>,
              %select_n3A_1411 = arith.select %gt3A_1402, %get3A_1398, %scan3A_1390 : vector<16xi1>, vector<16xf32>
              %select_n3A_1412 = arith.select %gt3A_1402, %get3A_1401, %scan3A_1391 : vector<16xi1>, vector<16xi32>
              %mul3A_1413 = arith.constant 8 : i32
              %mul3A_1414 = arith.muli %scan3A_1389, %mul3A_1413 : i32
              %add3A_1415 = arith.constant 1 : i32
              %add3A_1416 = arith.addi %mul3A_1414, %add3A_1415 : i32
              %get3A_1417 = arith.index_cast %add3A_1416 : i32 to index
              %get3A_1418 = arith.constant 0 : index
              %get3A_1419 = tpu.vector_load %arg12[%get3A_1417, %get3A_1418] {strides = array<i32>} : memref<65x16xf32, #tpu.memory_space<vmem>>, vector<16xf32>,
              %get3A_1420 = arith.index_cast %add3A_1416 : i32 to index
              %get3A_1421 = arith.constant 0 : index
              %get3A_1422 = tpu.vector_load %arg13[%get3A_1420, %get3A_1421] {strides = array<i32>} : memref<65x16xi32, #tpu.memory_space<vmem>>, vector<16xi32>,
              %gt3A_1423 = arith.cmpf ogt, %select_n3A_1411, %get3A_1419 : vector<16xf32>
              %select_n3A_1424 = arith.select %gt3A_1423, %select_n3A_1411, %get3A_1419 : vector<16xi1>, vector<16xf32>
              %swap3A_1425 = arith.index_cast %add3A_1416 : i32 to index
              %swap3A_1426 = arith.constant 0 : index
              %swap3A_1427 = tpu.vector_load %arg12[%swap3A_1425, %swap3A_1426] {strides = array<i32>} : memref<65x16xf32, #tpu.memory_space<vmem>>, vector<16xf32>,
              tpu.vector_store %arg12[%swap3A_1425, %swap3A_1426], %select_n3A_1424 {strides = array<i32>} : memref<65x16xf32, #tpu.memory_space<vmem>>, vector<16xf32>,
              %select_n3A_1428 = arith.select %gt3A_1423, %select_n3A_1412, %get3A_1422 : vector<16xi1>, vector<16xi32>
              %swap3A_1429 = arith.index_cast %add3A_1416 : i32 to index
              %swap3A_1430 = arith.constant 0 : index
              %swap3A_1431 = tpu.vector_load %arg13[%swap3A_1429, %swap3A_1430] {strides = array<i32>} : memref<65x16xi32, #tpu.memory_space<vmem>>, vector<16xi32>,
              tpu.vector_store %arg13[%swap3A_1429, %swap3A_1430], %select_n3A_1428 {strides = array<i32>} : memref<65x16xi32, #tpu.memory_space<vmem>>, vector<16xi32>,
              %select_n3A_1432 = arith.select %gt3A_1423, %get3A_1419, %select_n3A_1411 : vector<16xi1>, vector<16xf32>
              %select_n3A_1433 = arith.select %gt3A_1423, %get3A_1422, %select_n3A_1412 : vector<16xi1>, vector<16xi32>
              %mul3A_1434 = arith.constant 8 : i32
              %mul3A_1435 = arith.muli %scan3A_1389, %mul3A_1434 : i32
              %add3A_1436 = arith.constant 2 : i32
              %add3A_1437 = arith.addi %mul3A_1435, %add3A_1436 : i32
              %get3A_1438 = arith.index_cast %add3A_1437 : i32 to index
              %get3A_1439 = arith.constant 0 : index
              %get3A_1440 = tpu.vector_load %arg12[%get3A_1438, %get3A_1439] {strides = array<i32>} : memref<65x16xf32, #tpu.memory_space<vmem>>, vector<16xf32>,
              %get3A_1441 = arith.index_cast %add3A_1437 : i32 to index
              %get3A_1442 = arith.constant 0 : index
              %get3A_1443 = tpu.vector_load %arg13[%get3A_1441, %get3A_1442] {strides = array<i32>} : memref<65x16xi32, #tpu.memory_space<vmem>>, vector<16xi32>,
              %gt3A_1444 = arith.cmpf ogt, %select_n3A_1432, %get3A_1440 : vector<16xf32>
              %select_n3A_1445 = arith.select %gt3A_1444, %select_n3A_1432, %get3A_1440 : vector<16xi1>, vector<16xf32>
              %swap3A_1446 = arith.index_cast %add3A_1437 : i32 to index
              %swap3A_1447 = arith.constant 0 : index
              %swap3A_1448 = tpu.vector_load %arg12[%swap3A_1446, %swap3A_1447] {strides = array<i32>} : memref<65x16xf32, #tpu.memory_space<vmem>>, vector<16xf32>,
              tpu.vector_store %arg12[%swap3A_1446, %swap3A_1447], %select_n3A_1445 {strides = array<i32>} : memref<65x16xf32, #tpu.memory_space<vmem>>, vector<16xf32>,
              %select_n3A_1449 = arith.select %gt3A_1444, %select_n3A_1433, %get3A_1443 : vector<16xi1>, vector<16xi32>
              %swap3A_1450 = arith.index_cast %add3A_1437 : i32 to index
              %swap3A_1451 = arith.constant 0 : index
              %swap3A_1452 = tpu.vector_load %arg13[%swap3A_1450, %swap3A_1451] {strides = array<i32>} : memref<65x16xi32, #tpu.memory_space<vmem>>, vector<16xi32>,
              tpu.vector_store %arg13[%swap3A_1450, %swap3A_1451], %select_n3A_1449 {strides = array<i32>} : memref<65x16xi32, #tpu.memory_space<vmem>>, vector<16xi32>,
              %select_n3A_1453 = arith.select %gt3A_1444, %get3A_1440, %select_n3A_1432 : vector<16xi1>, vector<16xf32>
              %select_n3A_1454 = arith.select %gt3A_1444, %get3A_1443, %select_n3A_1433 : vector<16xi1>, vector<16xi32>
              %mul3A_1455 = arith.constant 8 : i32
              %mul3A_1456 = arith.muli %scan3A_1389, %mul3A_1455 : i32
              %add3A_1457 = arith.constant 3 : i32
              %add3A_1458 = arith.addi %mul3A_1456, %add3A_1457 : i32
              %get3A_1459 = arith.index_cast %add3A_1458 : i32 to index
              %get3A_1460 = arith.constant 0 : index
              %get3A_1461 = tpu.vector_load %arg12[%get3A_1459, %get3A_1460] {strides = array<i32>} : memref<65x16xf32, #tpu.memory_space<vmem>>, vector<16xf32>,
              %get3A_1462 = arith.index_cast %add3A_1458 : i32 to index
              %get3A_1463 = arith.constant 0 : index
              %get3A_1464 = tpu.vector_load %arg13[%get3A_1462, %get3A_1463] {strides = array<i32>} : memref<65x16xi32, #tpu.memory_space<vmem>>, vector<16xi32>,
              %gt3A_1465 = arith.cmpf ogt, %select_n3A_1453, %get3A_1461 : vector<16xf32>
              %select_n3A_1466 = arith.select %gt3A_1465, %select_n3A_1453, %get3A_1461 : vector<16xi1>, vector<16xf32>
              %swap3A_1467 = arith.index_cast %add3A_1458 : i32 to index
              %swap3A_1468 = arith.constant 0 : index
              %swap3A_1469 = tpu.vector_load %arg12[%swap3A_1467, %swap3A_1468] {strides = array<i32>} : memref<65x16xf32, #tpu.memory_space<vmem>>, vector<16xf32>,
              tpu.vector_store %arg12[%swap3A_1467, %swap3A_1468], %select_n3A_1466 {strides = array<i32>} : memref<65x16xf32, #tpu.memory_space<vmem>>, vector<16xf32>,
              %select_n3A_1470 = arith.select %gt3A_1465, %select_n3A_1454, %get3A_1464 : vector<16xi1>, vector<16xi32>
              %swap3A_1471 = arith.index_cast %add3A_1458 : i32 to index
              %swap3A_1472 = arith.constant 0 : index
              %swap3A_1473 = tpu.vector_load %arg13[%swap3A_1471, %swap3A_1472] {strides = array<i32>} : memref<65x16xi32, #tpu.memory_space<vmem>>, vector<16xi32>,
              tpu.vector_store %arg13[%swap3A_1471, %swap3A_1472], %select_n3A_1470 {strides = array<i32>} : memref<65x16xi32, #tpu.memory_space<vmem>>, vector<16xi32>,
              %select_n3A_1474 = arith.select %gt3A_1465, %get3A_1461, %select_n3A_1453 : vector<16xi1>, vector<16xf32>
              %select_n3A_1475 = arith.select %gt3A_1465, %get3A_1464, %select_n3A_1454 : vector<16xi1>, vector<16xi32>
              %mul3A_1476 = arith.constant 8 : i32
              %mul3A_1477 = arith.muli %scan3A_1389, %mul3A_1476 : i32
              %add3A_1478 = arith.constant 4 : i32
              %add3A_1479 = arith.addi %mul3A_1477, %add3A_1478 : i32
              %get3A_1480 = arith.index_cast %add3A_1479 : i32 to index
              %get3A_1481 = arith.constant 0 : index
              %get3A_1482 = tpu.vector_load %arg12[%get3A_1480, %get3A_1481] {strides = array<i32>} : memref<65x16xf32, #tpu.memory_space<vmem>>, vector<16xf32>,
              %get3A_1483 = arith.index_cast %add3A_1479 : i32 to index
              %get3A_1484 = arith.constant 0 : index
              %get3A_1485 = tpu.vector_load %arg13[%get3A_1483, %get3A_1484] {strides = array<i32>} : memref<65x16xi32, #tpu.memory_space<vmem>>, vector<16xi32>,
              %gt3A_1486 = arith.cmpf ogt, %select_n3A_1474, %get3A_1482 : vector<16xf32>
              %select_n3A_1487 = arith.select %gt3A_1486, %select_n3A_1474, %get3A_1482 : vector<16xi1>, vector<16xf32>
              %swap3A_1488 = arith.index_cast %add3A_1479 : i32 to index
              %swap3A_1489 = arith.constant 0 : index
              %swap3A_1490 = tpu.vector_load %arg12[%swap3A_1488, %swap3A_1489] {strides = array<i32>} : memref<65x16xf32, #tpu.memory_space<vmem>>, vector<16xf32>,
              tpu.vector_store %arg12[%swap3A_1488, %swap3A_1489], %select_n3A_1487 {strides = array<i32>} : memref<65x16xf32, #tpu.memory_space<vmem>>, vector<16xf32>,
              %select_n3A_1491 = arith.select %gt3A_1486, %select_n3A_1475, %get3A_1485 : vector<16xi1>, vector<16xi32>
              %swap3A_1492 = arith.index_cast %add3A_1479 : i32 to index
              %swap3A_1493 = arith.constant 0 : index
              %swap3A_1494 = tpu.vector_load %arg13[%swap3A_1492, %swap3A_1493] {strides = array<i32>} : memref<65x16xi32, #tpu.memory_space<vmem>>, vector<16xi32>,
              tpu.vector_store %arg13[%swap3A_1492, %swap3A_1493], %select_n3A_1491 {strides = array<i32>} : memref<65x16xi32, #tpu.memory_space<vmem>>, vector<16xi32>,
              %select_n3A_1495 = arith.select %gt3A_1486, %get3A_1482, %select_n3A_1474 : vector<16xi1>, vector<16xf32>
              %select_n3A_1496 = arith.select %gt3A_1486, %get3A_1485, %select_n3A_1475 : vector<16xi1>, vector<16xi32>
              %mul3A_1497 = arith.constant 8 : i32
              %mul3A_1498 = arith.muli %scan3A_1389, %mul3A_1497 : i32
              %add3A_1499 = arith.constant 5 : i32
              %add3A_1500 = arith.addi %mul3A_1498, %add3A_1499 : i32
              %get3A_1501 = arith.index_cast %add3A_1500 : i32 to index
              %get3A_1502 = arith.constant 0 : index
              %get3A_1503 = tpu.vector_load %arg12[%get3A_1501, %get3A_1502] {strides = array<i32>} : memref<65x16xf32, #tpu.memory_space<vmem>>, vector<16xf32>,
              %get3A_1504 = arith.index_cast %add3A_1500 : i32 to index
              %get3A_1505 = arith.constant 0 : index
              %get3A_1506 = tpu.vector_load %arg13[%get3A_1504, %get3A_1505] {strides = array<i32>} : memref<65x16xi32, #tpu.memory_space<vmem>>, vector<16xi32>,
              %gt3A_1507 = arith.cmpf ogt, %select_n3A_1495, %get3A_1503 : vector<16xf32>
              %select_n3A_1508 = arith.select %gt3A_1507, %select_n3A_1495, %get3A_1503 : vector<16xi1>, vector<16xf32>
              %swap3A_1509 = arith.index_cast %add3A_1500 : i32 to index
              %swap3A_1510 = arith.constant 0 : index
              %swap3A_1511 = tpu.vector_load %arg12[%swap3A_1509, %swap3A_1510] {strides = array<i32>} : memref<65x16xf32, #tpu.memory_space<vmem>>, vector<16xf32>,
              tpu.vector_store %arg12[%swap3A_1509, %swap3A_1510], %select_n3A_1508 {strides = array<i32>} : memref<65x16xf32, #tpu.memory_space<vmem>>, vector<16xf32>,
              %select_n3A_1512 = arith.select %gt3A_1507, %select_n3A_1496, %get3A_1506 : vector<16xi1>, vector<16xi32>
              %swap3A_1513 = arith.index_cast %add3A_1500 : i32 to index
              %swap3A_1514 = arith.constant 0 : index
              %swap3A_1515 = tpu.vector_load %arg13[%swap3A_1513, %swap3A_1514] {strides = array<i32>} : memref<65x16xi32, #tpu.memory_space<vmem>>, vector<16xi32>,
              tpu.vector_store %arg13[%swap3A_1513, %swap3A_1514], %select_n3A_1512 {strides = array<i32>} : memref<65x16xi32, #tpu.memory_space<vmem>>, vector<16xi32>,
              %select_n3A_1516 = arith.select %gt3A_1507, %get3A_1503, %select_n3A_1495 : vector<16xi1>, vector<16xf32>
              %select_n3A_1517 = arith.select %gt3A_1507, %get3A_1506, %select_n3A_1496 : vector<16xi1>, vector<16xi32>
              %mul3A_1518 = arith.constant 8 : i32
              %mul3A_1519 = arith.muli %scan3A_1389, %mul3A_1518 : i32
              %add3A_1520 = arith.constant 6 : i32
              %add3A_1521 = arith.addi %mul3A_1519, %add3A_1520 : i32
              %get3A_1522 = arith.index_cast %add3A_1521 : i32 to index
              %get3A_1523 = arith.constant 0 : index
              %get3A_1524 = tpu.vector_load %arg12[%get3A_1522, %get3A_1523] {strides = array<i32>} : memref<65x16xf32, #tpu.memory_space<vmem>>, vector<16xf32>,
              %get3A_1525 = arith.index_cast %add3A_1521 : i32 to index
              %get3A_1526 = arith.constant 0 : index
              %get3A_1527 = tpu.vector_load %arg13[%get3A_1525, %get3A_1526] {strides = array<i32>} : memref<65x16xi32, #tpu.memory_space<vmem>>, vector<16xi32>,
              %gt3A_1528 = arith.cmpf ogt, %select_n3A_1516, %get3A_1524 : vector<16xf32>
              %select_n3A_1529 = arith.select %gt3A_1528, %select_n3A_1516, %get3A_1524 : vector<16xi1>, vector<16xf32>
              %swap3A_1530 = arith.index_cast %add3A_1521 : i32 to index
              %swap3A_1531 = arith.constant 0 : index
              %swap3A_1532 = tpu.vector_load %arg12[%swap3A_1530, %swap3A_1531] {strides = array<i32>} : memref<65x16xf32, #tpu.memory_space<vmem>>, vector<16xf32>,
              tpu.vector_store %arg12[%swap3A_1530, %swap3A_1531], %select_n3A_1529 {strides = array<i32>} : memref<65x16xf32, #tpu.memory_space<vmem>>, vector<16xf32>,
              %select_n3A_1533 = arith.select %gt3A_1528, %select_n3A_1517, %get3A_1527 : vector<16xi1>, vector<16xi32>
              %swap3A_1534 = arith.index_cast %add3A_1521 : i32 to index
              %swap3A_1535 = arith.constant 0 : index
              %swap3A_1536 = tpu.vector_load %arg13[%swap3A_1534, %swap3A_1535] {strides = array<i32>} : memref<65x16xi32, #tpu.memory_space<vmem>>, vector<16xi32>,
              tpu.vector_store %arg13[%swap3A_1534, %swap3A_1535], %select_n3A_1533 {strides = array<i32>} : memref<65x16xi32, #tpu.memory_space<vmem>>, vector<16xi32>,
              %select_n3A_1537 = arith.select %gt3A_1528, %get3A_1524, %select_n3A_1516 : vector<16xi1>, vector<16xf32>
              %select_n3A_1538 = arith.select %gt3A_1528, %get3A_1527, %select_n3A_1517 : vector<16xi1>, vector<16xi32>
              %mul3A_1539 = arith.constant 8 : i32
              %mul3A_1540 = arith.muli %scan3A_1389, %mul3A_1539 : i32
              %add3A_1541 = arith.constant 7 : i32
              %add3A_1542 = arith.addi %mul3A_1540, %add3A_1541 : i32
              %get3A_1543 = arith.index_cast %add3A_1542 : i32 to index
              %get3A_1544 = arith.constant 0 : index
              %get3A_1545 = tpu.vector_load %arg12[%get3A_1543, %get3A_1544] {strides = array<i32>} : memref<65x16xf32, #tpu.memory_space<vmem>>, vector<16xf32>,
              %get3A_1546 = arith.index_cast %add3A_1542 : i32 to index
              %get3A_1547 = arith.constant 0 : index
              %get3A_1548 = tpu.vector_load %arg13[%get3A_1546, %get3A_1547] {strides = array<i32>} : memref<65x16xi32, #tpu.memory_space<vmem>>, vector<16xi32>,
              %gt3A_1549 = arith.cmpf ogt, %select_n3A_1537, %get3A_1545 : vector<16xf32>
              %select_n3A_1550 = arith.select %gt3A_1549, %select_n3A_1537, %get3A_1545 : vector<16xi1>, vector<16xf32>
              %swap3A_1551 = arith.index_cast %add3A_1542 : i32 to index
              %swap3A_1552 = arith.constant 0 : index
              %swap3A_1553 = tpu.vector_load %arg12[%swap3A_1551, %swap3A_1552] {strides = array<i32>} : memref<65x16xf32, #tpu.memory_space<vmem>>, vector<16xf32>,
              tpu.vector_store %arg12[%swap3A_1551, %swap3A_1552], %select_n3A_1550 {strides = array<i32>} : memref<65x16xf32, #tpu.memory_space<vmem>>, vector<16xf32>,
              %select_n3A_1554 = arith.select %gt3A_1549, %select_n3A_1538, %get3A_1548 : vector<16xi1>, vector<16xi32>
              %swap3A_1555 = arith.index_cast %add3A_1542 : i32 to index
              %swap3A_1556 = arith.constant 0 : index
              %swap3A_1557 = tpu.vector_load %arg13[%swap3A_1555, %swap3A_1556] {strides = array<i32>} : memref<65x16xi32, #tpu.memory_space<vmem>>, vector<16xi32>,
              tpu.vector_store %arg13[%swap3A_1555, %swap3A_1556], %select_n3A_1554 {strides = array<i32>} : memref<65x16xi32, #tpu.memory_space<vmem>>, vector<16xi32>,
              %select_n3A_1558 = arith.select %gt3A_1549, %get3A_1545, %select_n3A_1537 : vector<16xi1>, vector<16xf32>
              %select_n3A_1559 = arith.select %gt3A_1549, %get3A_1548, %select_n3A_1538 : vector<16xi1>, vector<16xi32>
              scf.yield %select_n3A_1558, %select_n3A_1559 : vector<16xf32>, vector<16xi32>
            }
            %scan3A_1375 = arith.constant 8 : i32
            %add3A_1376 = arith.constant 16 : i32
            %add3A_1377 = arith.addi %while3A_1364, %add3A_1376 : i32
            %get3A_1378 = arith.constant 3 : i32
            %get3A_1379 = arith.index_cast %get3A_1378 : i32 to index
            %get3A_1380 = arith.constant 0 : index
            %get3A_1381 = tpu.vector_load %arg12[%get3A_1379, %get3A_1380] {strides = array<i32>} : memref<65x16xf32, #tpu.memory_space<vmem>>, vector<16xf32>,
            %iota3A_1382 = tpu.iota {dimensions = array<i32: 0>} : vector<16xi32>
            %masked_sort3A_1383 = arith.constant dense<true> : vector<16xi1>
            %masked_sort3A_1384, %masked_sort3A_1385, %masked_sort3A_1386 = tpu.sort %get3A_1381, %iota3A_1382 masked %masked_sort3A_1383 : (vector<16xf32>, vector<16xi32>, vector<16xi1>) -> (vector<16xi1>, vector<16xf32>, vector<16xi32>)
            %slice3A_1387 = vector.extract_strided_slice %masked_sort3A_1385 {offsets = [0], sizes = [1], strides = [1]} : vector<16xf32> to vector<1xf32>
            %squeeze3A_1388 = vector.extract %slice3A_1387[0] : f32 from vector<1xf32>
            scf.yield %add3A_1377, %squeeze3A_1388 : i32, f32
          }
          %sub3A_1352 = arith.subi %add3A_1350, %while3A_1351#0 : i32
          %iota3A_1353 = tpu.iota {dimensions = array<i32: 0>} : vector<16xi32>
          %broadcast_in_dim3A_1354 = vector.broadcast %sub3A_1352 : i32 to vector<16xi32>
          %lt3A_1355 = arith.cmpi slt, %iota3A_1353, %broadcast_in_dim3A_1354 : vector<16xi32>
          %load3A_1356 = arith.index_cast %while3A_1351#0 : i32 to index
          %load3A_1357 = tpu.vector_load %arg10[%load3A_1356] masked %lt3A_1355 {strides = array<i32>} : memref<448xf32, #tpu.memory_space<vmem>>, vector<16xf32>, vector<16xi1>
          %load3A_1358 = arith.index_cast %while3A_1351#0 : i32 to index
          %load3A_1359 = tpu.vector_load %arg11[%load3A_1358] masked %lt3A_1355 {strides = array<i32>} : memref<448xi32, #tpu.memory_space<vmem>>, vector<16xi32>, vector<16xi1>
          %swap3A_1360 = arith.constant 0 : index
          %swap3A_1361 = tpu.vector_load %arg10[%swap3A_1360] masked %lt3A_1355 {strides = array<i32>} : memref<448xf32, #tpu.memory_space<vmem>>, vector<16xf32>, vector<16xi1>
          tpu.vector_store %arg10[%swap3A_1360], %load3A_1357 masked %lt3A_1355 {strides = array<i32>} : memref<448xf32, #tpu.memory_space<vmem>>, vector<16xf32>, vector<16xi1>
          %swap3A_1362 = arith.constant 0 : index
          %swap3A_1363 = tpu.vector_load %arg11[%swap3A_1362] masked %lt3A_1355 {strides = array<i32>} : memref<448xi32, #tpu.memory_space<vmem>>, vector<16xi32>, vector<16xi1>
          tpu.vector_store %arg11[%swap3A_1362], %load3A_1359 masked %lt3A_1355 {strides = array<i32>} : memref<448xi32, #tpu.memory_space<vmem>>, vector<16xi32>, vector<16xi1>
          scf.yield %sub3A_1352, %while3A_1351#1 : i32, f32
        } else {
          scf.yield %scan3A_763, %scan3A_764 : i32, f32
        }
        scf.yield %cond3A_949#0, %cond3A_949#1 : i32, f32
      }
      %scan3A_73 = arith.constant 125 : i32
      %iota3A = tpu.iota {dimensions = array<i32: 0>} : vector<16xi32>
      %broadcast_in_dim3A_74 = vector.broadcast %scan3A_72#0 : i32 to vector<16xi32>
      %lt3A_75 = arith.cmpi slt, %iota3A, %broadcast_in_dim3A_74 : vector<16xi32>
      %load3A = arith.constant 0 : index
      %load3A_76 = tpu.vector_load %arg10[%load3A] masked %lt3A_75 {strides = array<i32>} : memref<448xf32, #tpu.memory_space<vmem>>, vector<16xf32>, vector<16xi1>
      %load3A_77 = arith.constant 0 : index
      %load3A_78 = tpu.vector_load %arg11[%load3A_77] masked %lt3A_75 {strides = array<i32>} : memref<448xi32, #tpu.memory_space<vmem>>, vector<16xi32>, vector<16xi1>
      %broadcast_in_dim3A_79 = arith.constant -1.000000e+30 : f32
      %broadcast_in_dim3A_80 = vector.broadcast %broadcast_in_dim3A_79 : f32 to vector<16xf32>
      %select_n3A = arith.select %lt3A_75, %load3A_76, %broadcast_in_dim3A_80 : vector<16xi1>, vector<16xf32>
      %broadcast_in_dim3A_81 = arith.constant 0 : i32
      %broadcast_in_dim3A_82 = vector.broadcast %broadcast_in_dim3A_81 : i32 to vector<16xi32>
      %select_n3A_83 = arith.select %lt3A_75, %load3A_78, %broadcast_in_dim3A_82 : vector<16xi1>, vector<16xi32>
      %scan3A_84 = arith.constant 0 : i32
      %scan3A_85 = arith.constant 8 : i32
      %scan3A_86 = arith.addi %scan3A_84, %scan3A_85 : i32
      %scan3A_87 = arith.constant 1 : i32
      %scan3A_88:2 = scf.for %scan3A_762 = %scan3A_84 to %scan3A_86 step %scan3A_87 iter_args(%scan3A_763 = %select_n3A, %scan3A_764 = %select_n3A_83) -> (vector<16xf32>, vector<16xi32>)  : i32 {
        %mul3A_765 = arith.constant 8 : i32
        %mul3A_766 = arith.muli %scan3A_762, %mul3A_765 : i32
        %add3A_767 = arith.constant 0 : i32
        %add3A_768 = arith.addi %mul3A_766, %add3A_767 : i32
        %get3A_769 = arith.index_cast %add3A_768 : i32 to index
        %get3A_770 = arith.constant 0 : index
        %get3A_771 = tpu.vector_load %arg12[%get3A_769, %get3A_770] {strides = array<i32>} : memref<65x16xf32, #tpu.memory_space<vmem>>, vector<16xf32>,
        %get3A_772 = arith.index_cast %add3A_768 : i32 to index
        %get3A_773 = arith.constant 0 : index
        %get3A_774 = tpu.vector_load %arg13[%get3A_772, %get3A_773] {strides = array<i32>} : memref<65x16xi32, #tpu.memory_space<vmem>>, vector<16xi32>,
        %gt3A = arith.cmpf ogt, %scan3A_763, %get3A_771 : vector<16xf32>
        %select_n3A_775 = arith.select %gt3A, %scan3A_763, %get3A_771 : vector<16xi1>, vector<16xf32>
        %swap3A_776 = arith.index_cast %add3A_768 : i32 to index
        %swap3A_777 = arith.constant 0 : index
        %swap3A_778 = tpu.vector_load %arg12[%swap3A_776, %swap3A_777] {strides = array<i32>} : memref<65x16xf32, #tpu.memory_space<vmem>>, vector<16xf32>,
        tpu.vector_store %arg12[%swap3A_776, %swap3A_777], %select_n3A_775 {strides = array<i32>} : memref<65x16xf32, #tpu.memory_space<vmem>>, vector<16xf32>,
        %select_n3A_779 = arith.select %gt3A, %scan3A_764, %get3A_774 : vector<16xi1>, vector<16xi32>
        %swap3A_780 = arith.index_cast %add3A_768 : i32 to index
        %swap3A_781 = arith.constant 0 : index
        %swap3A_782 = tpu.vector_load %arg13[%swap3A_780, %swap3A_781] {strides = array<i32>} : memref<65x16xi32, #tpu.memory_space<vmem>>, vector<16xi32>,
        tpu.vector_store %arg13[%swap3A_780, %swap3A_781], %select_n3A_779 {strides = array<i32>} : memref<65x16xi32, #tpu.memory_space<vmem>>, vector<16xi32>,
        %select_n3A_783 = arith.select %gt3A, %get3A_771, %scan3A_763 : vector<16xi1>, vector<16xf32>
        %select_n3A_784 = arith.select %gt3A, %get3A_774, %scan3A_764 : vector<16xi1>, vector<16xi32>
        %mul3A_785 = arith.constant 8 : i32
        %mul3A_786 = arith.muli %scan3A_762, %mul3A_785 : i32
        %add3A_787 = arith.constant 1 : i32
        %add3A_788 = arith.addi %mul3A_786, %add3A_787 : i32
        %get3A_789 = arith.index_cast %add3A_788 : i32 to index
        %get3A_790 = arith.constant 0 : index
        %get3A_791 = tpu.vector_load %arg12[%get3A_789, %get3A_790] {strides = array<i32>} : memref<65x16xf32, #tpu.memory_space<vmem>>, vector<16xf32>,
        %get3A_792 = arith.index_cast %add3A_788 : i32 to index
        %get3A_793 = arith.constant 0 : index
        %get3A_794 = tpu.vector_load %arg13[%get3A_792, %get3A_793] {strides = array<i32>} : memref<65x16xi32, #tpu.memory_space<vmem>>, vector<16xi32>,
        %gt3A_795 = arith.cmpf ogt, %select_n3A_783, %get3A_791 : vector<16xf32>
        %select_n3A_796 = arith.select %gt3A_795, %select_n3A_783, %get3A_791 : vector<16xi1>, vector<16xf32>
        %swap3A_797 = arith.index_cast %add3A_788 : i32 to index
        %swap3A_798 = arith.constant 0 : index
        %swap3A_799 = tpu.vector_load %arg12[%swap3A_797, %swap3A_798] {strides = array<i32>} : memref<65x16xf32, #tpu.memory_space<vmem>>, vector<16xf32>,
        tpu.vector_store %arg12[%swap3A_797, %swap3A_798], %select_n3A_796 {strides = array<i32>} : memref<65x16xf32, #tpu.memory_space<vmem>>, vector<16xf32>,
        %select_n3A_800 = arith.select %gt3A_795, %select_n3A_784, %get3A_794 : vector<16xi1>, vector<16xi32>
        %swap3A_801 = arith.index_cast %add3A_788 : i32 to index
        %swap3A_802 = arith.constant 0 : index
        %swap3A_803 = tpu.vector_load %arg13[%swap3A_801, %swap3A_802] {strides = array<i32>} : memref<65x16xi32, #tpu.memory_space<vmem>>, vector<16xi32>,
        tpu.vector_store %arg13[%swap3A_801, %swap3A_802], %select_n3A_800 {strides = array<i32>} : memref<65x16xi32, #tpu.memory_space<vmem>>, vector<16xi32>,
        %select_n3A_804 = arith.select %gt3A_795, %get3A_791, %select_n3A_783 : vector<16xi1>, vector<16xf32>
        %select_n3A_805 = arith.select %gt3A_795, %get3A_794, %select_n3A_784 : vector<16xi1>, vector<16xi32>
        %mul3A_806 = arith.constant 8 : i32
        %mul3A_807 = arith.muli %scan3A_762, %mul3A_806 : i32
        %add3A_808 = arith.constant 2 : i32
        %add3A_809 = arith.addi %mul3A_807, %add3A_808 : i32
        %get3A_810 = arith.index_cast %add3A_809 : i32 to index
        %get3A_811 = arith.constant 0 : index
        %get3A_812 = tpu.vector_load %arg12[%get3A_810, %get3A_811] {strides = array<i32>} : memref<65x16xf32, #tpu.memory_space<vmem>>, vector<16xf32>,
        %get3A_813 = arith.index_cast %add3A_809 : i32 to index
        %get3A_814 = arith.constant 0 : index
        %get3A_815 = tpu.vector_load %arg13[%get3A_813, %get3A_814] {strides = array<i32>} : memref<65x16xi32, #tpu.memory_space<vmem>>, vector<16xi32>,
        %gt3A_816 = arith.cmpf ogt, %select_n3A_804, %get3A_812 : vector<16xf32>
        %select_n3A_817 = arith.select %gt3A_816, %select_n3A_804, %get3A_812 : vector<16xi1>, vector<16xf32>
        %swap3A_818 = arith.index_cast %add3A_809 : i32 to index
        %swap3A_819 = arith.constant 0 : index
        %swap3A_820 = tpu.vector_load %arg12[%swap3A_818, %swap3A_819] {strides = array<i32>} : memref<65x16xf32, #tpu.memory_space<vmem>>, vector<16xf32>,
        tpu.vector_store %arg12[%swap3A_818, %swap3A_819], %select_n3A_817 {strides = array<i32>} : memref<65x16xf32, #tpu.memory_space<vmem>>, vector<16xf32>,
        %select_n3A_821 = arith.select %gt3A_816, %select_n3A_805, %get3A_815 : vector<16xi1>, vector<16xi32>
        %swap3A_822 = arith.index_cast %add3A_809 : i32 to index
        %swap3A_823 = arith.constant 0 : index
        %swap3A_824 = tpu.vector_load %arg13[%swap3A_822, %swap3A_823] {strides = array<i32>} : memref<65x16xi32, #tpu.memory_space<vmem>>, vector<16xi32>,
        tpu.vector_store %arg13[%swap3A_822, %swap3A_823], %select_n3A_821 {strides = array<i32>} : memref<65x16xi32, #tpu.memory_space<vmem>>, vector<16xi32>,
        %select_n3A_825 = arith.select %gt3A_816, %get3A_812, %select_n3A_804 : vector<16xi1>, vector<16xf32>
        %select_n3A_826 = arith.select %gt3A_816, %get3A_815, %select_n3A_805 : vector<16xi1>, vector<16xi32>
        %mul3A_827 = arith.constant 8 : i32
        %mul3A_828 = arith.muli %scan3A_762, %mul3A_827 : i32
        %add3A_829 = arith.constant 3 : i32
        %add3A_830 = arith.addi %mul3A_828, %add3A_829 : i32
        %get3A_831 = arith.index_cast %add3A_830 : i32 to index
        %get3A_832 = arith.constant 0 : index
        %get3A_833 = tpu.vector_load %arg12[%get3A_831, %get3A_832] {strides = array<i32>} : memref<65x16xf32, #tpu.memory_space<vmem>>, vector<16xf32>,
        %get3A_834 = arith.index_cast %add3A_830 : i32 to index
        %get3A_835 = arith.constant 0 : index
        %get3A_836 = tpu.vector_load %arg13[%get3A_834, %get3A_835] {strides = array<i32>} : memref<65x16xi32, #tpu.memory_space<vmem>>, vector<16xi32>,
        %gt3A_837 = arith.cmpf ogt, %select_n3A_825, %get3A_833 : vector<16xf32>
        %select_n3A_838 = arith.select %gt3A_837, %select_n3A_825, %get3A_833 : vector<16xi1>, vector<16xf32>
        %swap3A_839 = arith.index_cast %add3A_830 : i32 to index
        %swap3A_840 = arith.constant 0 : index
        %swap3A_841 = tpu.vector_load %arg12[%swap3A_839, %swap3A_840] {strides = array<i32>} : memref<65x16xf32, #tpu.memory_space<vmem>>, vector<16xf32>,
        tpu.vector_store %arg12[%swap3A_839, %swap3A_840], %select_n3A_838 {strides = array<i32>} : memref<65x16xf32, #tpu.memory_space<vmem>>, vector<16xf32>,
        %select_n3A_842 = arith.select %gt3A_837, %select_n3A_826, %get3A_836 : vector<16xi1>, vector<16xi32>
        %swap3A_843 = arith.index_cast %add3A_830 : i32 to index
        %swap3A_844 = arith.constant 0 : index
        %swap3A_845 = tpu.vector_load %arg13[%swap3A_843, %swap3A_844] {strides = array<i32>} : memref<65x16xi32, #tpu.memory_space<vmem>>, vector<16xi32>,
        tpu.vector_store %arg13[%swap3A_843, %swap3A_844], %select_n3A_842 {strides = array<i32>} : memref<65x16xi32, #tpu.memory_space<vmem>>, vector<16xi32>,
        %select_n3A_846 = arith.select %gt3A_837, %get3A_833, %select_n3A_825 : vector<16xi1>, vector<16xf32>
        %select_n3A_847 = arith.select %gt3A_837, %get3A_836, %select_n3A_826 : vector<16xi1>, vector<16xi32>
        %mul3A_848 = arith.constant 8 : i32
        %mul3A_849 = arith.muli %scan3A_762, %mul3A_848 : i32
        %add3A_850 = arith.constant 4 : i32
        %add3A_851 = arith.addi %mul3A_849, %add3A_850 : i32
        %get3A_852 = arith.index_cast %add3A_851 : i32 to index
        %get3A_853 = arith.constant 0 : index
        %get3A_854 = tpu.vector_load %arg12[%get3A_852, %get3A_853] {strides = array<i32>} : memref<65x16xf32, #tpu.memory_space<vmem>>, vector<16xf32>,
        %get3A_855 = arith.index_cast %add3A_851 : i32 to index
        %get3A_856 = arith.constant 0 : index
        %get3A_857 = tpu.vector_load %arg13[%get3A_855, %get3A_856] {strides = array<i32>} : memref<65x16xi32, #tpu.memory_space<vmem>>, vector<16xi32>,
        %gt3A_858 = arith.cmpf ogt, %select_n3A_846, %get3A_854 : vector<16xf32>
        %select_n3A_859 = arith.select %gt3A_858, %select_n3A_846, %get3A_854 : vector<16xi1>, vector<16xf32>
        %swap3A_860 = arith.index_cast %add3A_851 : i32 to index
        %swap3A_861 = arith.constant 0 : index
        %swap3A_862 = tpu.vector_load %arg12[%swap3A_860, %swap3A_861] {strides = array<i32>} : memref<65x16xf32, #tpu.memory_space<vmem>>, vector<16xf32>,
        tpu.vector_store %arg12[%swap3A_860, %swap3A_861], %select_n3A_859 {strides = array<i32>} : memref<65x16xf32, #tpu.memory_space<vmem>>, vector<16xf32>,
        %select_n3A_863 = arith.select %gt3A_858, %select_n3A_847, %get3A_857 : vector<16xi1>, vector<16xi32>
        %swap3A_864 = arith.index_cast %add3A_851 : i32 to index
        %swap3A_865 = arith.constant 0 : index
        %swap3A_866 = tpu.vector_load %arg13[%swap3A_864, %swap3A_865] {strides = array<i32>} : memref<65x16xi32, #tpu.memory_space<vmem>>, vector<16xi32>,
        tpu.vector_store %arg13[%swap3A_864, %swap3A_865], %select_n3A_863 {strides = array<i32>} : memref<65x16xi32, #tpu.memory_space<vmem>>, vector<16xi32>,
        %select_n3A_867 = arith.select %gt3A_858, %get3A_854, %select_n3A_846 : vector<16xi1>, vector<16xf32>
        %select_n3A_868 = arith.select %gt3A_858, %get3A_857, %select_n3A_847 : vector<16xi1>, vector<16xi32>
        %mul3A_869 = arith.constant 8 : i32
        %mul3A_870 = arith.muli %scan3A_762, %mul3A_869 : i32
        %add3A_871 = arith.constant 5 : i32
        %add3A_872 = arith.addi %mul3A_870, %add3A_871 : i32
        %get3A_873 = arith.index_cast %add3A_872 : i32 to index
        %get3A_874 = arith.constant 0 : index
        %get3A_875 = tpu.vector_load %arg12[%get3A_873, %get3A_874] {strides = array<i32>} : memref<65x16xf32, #tpu.memory_space<vmem>>, vector<16xf32>,
        %get3A_876 = arith.index_cast %add3A_872 : i32 to index
        %get3A_877 = arith.constant 0 : index
        %get3A_878 = tpu.vector_load %arg13[%get3A_876, %get3A_877] {strides = array<i32>} : memref<65x16xi32, #tpu.memory_space<vmem>>, vector<16xi32>,
        %gt3A_879 = arith.cmpf ogt, %select_n3A_867, %get3A_875 : vector<16xf32>
        %select_n3A_880 = arith.select %gt3A_879, %select_n3A_867, %get3A_875 : vector<16xi1>, vector<16xf32>
        %swap3A_881 = arith.index_cast %add3A_872 : i32 to index
        %swap3A_882 = arith.constant 0 : index
        %swap3A_883 = tpu.vector_load %arg12[%swap3A_881, %swap3A_882] {strides = array<i32>} : memref<65x16xf32, #tpu.memory_space<vmem>>, vector<16xf32>,
        tpu.vector_store %arg12[%swap3A_881, %swap3A_882], %select_n3A_880 {strides = array<i32>} : memref<65x16xf32, #tpu.memory_space<vmem>>, vector<16xf32>,
        %select_n3A_884 = arith.select %gt3A_879, %select_n3A_868, %get3A_878 : vector<16xi1>, vector<16xi32>
        %swap3A_885 = arith.index_cast %add3A_872 : i32 to index
        %swap3A_886 = arith.constant 0 : index
        %swap3A_887 = tpu.vector_load %arg13[%swap3A_885, %swap3A_886] {strides = array<i32>} : memref<65x16xi32, #tpu.memory_space<vmem>>, vector<16xi32>,
        tpu.vector_store %arg13[%swap3A_885, %swap3A_886], %select_n3A_884 {strides = array<i32>} : memref<65x16xi32, #tpu.memory_space<vmem>>, vector<16xi32>,
        %select_n3A_888 = arith.select %gt3A_879, %get3A_875, %select_n3A_867 : vector<16xi1>, vector<16xf32>
        %select_n3A_889 = arith.select %gt3A_879, %get3A_878, %select_n3A_868 : vector<16xi1>, vector<16xi32>
        %mul3A_890 = arith.constant 8 : i32
        %mul3A_891 = arith.muli %scan3A_762, %mul3A_890 : i32
        %add3A_892 = arith.constant 6 : i32
        %add3A_893 = arith.addi %mul3A_891, %add3A_892 : i32
        %get3A_894 = arith.index_cast %add3A_893 : i32 to index
        %get3A_895 = arith.constant 0 : index
        %get3A_896 = tpu.vector_load %arg12[%get3A_894, %get3A_895] {strides = array<i32>} : memref<65x16xf32, #tpu.memory_space<vmem>>, vector<16xf32>,
        %get3A_897 = arith.index_cast %add3A_893 : i32 to index
        %get3A_898 = arith.constant 0 : index
        %get3A_899 = tpu.vector_load %arg13[%get3A_897, %get3A_898] {strides = array<i32>} : memref<65x16xi32, #tpu.memory_space<vmem>>, vector<16xi32>,
        %gt3A_900 = arith.cmpf ogt, %select_n3A_888, %get3A_896 : vector<16xf32>
        %select_n3A_901 = arith.select %gt3A_900, %select_n3A_888, %get3A_896 : vector<16xi1>, vector<16xf32>
        %swap3A_902 = arith.index_cast %add3A_893 : i32 to index
        %swap3A_903 = arith.constant 0 : index
        %swap3A_904 = tpu.vector_load %arg12[%swap3A_902, %swap3A_903] {strides = array<i32>} : memref<65x16xf32, #tpu.memory_space<vmem>>, vector<16xf32>,
        tpu.vector_store %arg12[%swap3A_902, %swap3A_903], %select_n3A_901 {strides = array<i32>} : memref<65x16xf32, #tpu.memory_space<vmem>>, vector<16xf32>,
        %select_n3A_905 = arith.select %gt3A_900, %select_n3A_889, %get3A_899 : vector<16xi1>, vector<16xi32>
        %swap3A_906 = arith.index_cast %add3A_893 : i32 to index
        %swap3A_907 = arith.constant 0 : index
        %swap3A_908 = tpu.vector_load %arg13[%swap3A_906, %swap3A_907] {strides = array<i32>} : memref<65x16xi32, #tpu.memory_space<vmem>>, vector<16xi32>,
        tpu.vector_store %arg13[%swap3A_906, %swap3A_907], %select_n3A_905 {strides = array<i32>} : memref<65x16xi32, #tpu.memory_space<vmem>>, vector<16xi32>,
        %select_n3A_909 = arith.select %gt3A_900, %get3A_896, %select_n3A_888 : vector<16xi1>, vector<16xf32>
        %select_n3A_910 = arith.select %gt3A_900, %get3A_899, %select_n3A_889 : vector<16xi1>, vector<16xi32>
        %mul3A_911 = arith.constant 8 : i32
        %mul3A_912 = arith.muli %scan3A_762, %mul3A_911 : i32
        %add3A_913 = arith.constant 7 : i32
        %add3A_914 = arith.addi %mul3A_912, %add3A_913 : i32
        %get3A_915 = arith.index_cast %add3A_914 : i32 to index
        %get3A_916 = arith.constant 0 : index
        %get3A_917 = tpu.vector_load %arg12[%get3A_915, %get3A_916] {strides = array<i32>} : memref<65x16xf32, #tpu.memory_space<vmem>>, vector<16xf32>,
        %get3A_918 = arith.index_cast %add3A_914 : i32 to index
        %get3A_919 = arith.constant 0 : index
        %get3A_920 = tpu.vector_load %arg13[%get3A_918, %get3A_919] {strides = array<i32>} : memref<65x16xi32, #tpu.memory_space<vmem>>, vector<16xi32>,
        %gt3A_921 = arith.cmpf ogt, %select_n3A_909, %get3A_917 : vector<16xf32>
        %select_n3A_922 = arith.select %gt3A_921, %select_n3A_909, %get3A_917 : vector<16xi1>, vector<16xf32>
        %swap3A_923 = arith.index_cast %add3A_914 : i32 to index
        %swap3A_924 = arith.constant 0 : index
        %swap3A_925 = tpu.vector_load %arg12[%swap3A_923, %swap3A_924] {strides = array<i32>} : memref<65x16xf32, #tpu.memory_space<vmem>>, vector<16xf32>,
        tpu.vector_store %arg12[%swap3A_923, %swap3A_924], %select_n3A_922 {strides = array<i32>} : memref<65x16xf32, #tpu.memory_space<vmem>>, vector<16xf32>,
        %select_n3A_926 = arith.select %gt3A_921, %select_n3A_910, %get3A_920 : vector<16xi1>, vector<16xi32>
        %swap3A_927 = arith.index_cast %add3A_914 : i32 to index
        %swap3A_928 = arith.constant 0 : index
        %swap3A_929 = tpu.vector_load %arg13[%swap3A_927, %swap3A_928] {strides = array<i32>} : memref<65x16xi32, #tpu.memory_space<vmem>>, vector<16xi32>,
        tpu.vector_store %arg13[%swap3A_927, %swap3A_928], %select_n3A_926 {strides = array<i32>} : memref<65x16xi32, #tpu.memory_space<vmem>>, vector<16xi32>,
        %select_n3A_930 = arith.select %gt3A_921, %get3A_917, %select_n3A_909 : vector<16xi1>, vector<16xf32>
        %select_n3A_931 = arith.select %gt3A_921, %get3A_920, %select_n3A_910 : vector<16xi1>, vector<16xi32>
        scf.yield %select_n3A_930, %select_n3A_931 : vector<16xf32>, vector<16xi32>
      }
      %scan3A_89 = arith.constant 8 : i32
      %broadcast_in_dim3A_90 = arith.constant 0 : i32
      %broadcast_in_dim3A_91 = vector.broadcast %broadcast_in_dim3A_90 : i32 to vector<16xi32>
      %broadcast_in_dim3A_92 = arith.constant -1.000000e+30 : f32
      %broadcast_in_dim3A_93 = vector.broadcast %broadcast_in_dim3A_92 : f32 to vector<16xf32>
      %broadcast_in_dim3A_94 = arith.constant 0 : i32
      %broadcast_in_dim3A_95 = vector.broadcast %broadcast_in_dim3A_94 : i32 to vector<16xi32>
      %scan3A_96 = arith.constant 0 : i32
      %scan3A_97 = arith.constant 64 : i32
      %scan3A_98 = arith.addi %scan3A_96, %scan3A_97 : i32
      %scan3A_99 = arith.constant 1 : i32
      %scan3A_100:9 = scf.for %scan3A_762 = %scan3A_96 to %scan3A_98 step %scan3A_99 iter_args(%scan3A_763 = %broadcast_in_dim3A_91, %scan3A_764 = %broadcast_in_dim3A_93, %scan3A_765 = %broadcast_in_dim3A_93, %scan3A_766 = %broadcast_in_dim3A_93, %scan3A_767 = %broadcast_in_dim3A_93, %scan3A_768 = %broadcast_in_dim3A_95, %scan3A_769 = %broadcast_in_dim3A_95, %scan3A_770 = %broadcast_in_dim3A_95, %scan3A_771 = %broadcast_in_dim3A_95) -> (vector<16xi32>, vector<16xf32>, vector<16xf32>, vector<16xf32>, vector<16xf32>, vector<16xi32>, vector<16xi32>, vector<16xi32>, vector<16xi32>)  : i32 {
        %iota3A_772 = tpu.iota {dimensions = array<i32: 0>} : vector<16xi32>
        %gather3A_773 = tpu.vector_load_idx %arg12[%scan3A_763, %iota3A_772] : memref<65x16xf32, #tpu.memory_space<vmem>>[vector<16xi32>, vector<16xi32>], vector<16xf32>,
        %iota3A_774 = tpu.iota {dimensions = array<i32: 0>} : vector<16xi32>
        %gather3A_775 = tpu.vector_load_idx %arg13[%scan3A_763, %iota3A_774] : memref<65x16xi32, #tpu.memory_space<vmem>>[vector<16xi32>, vector<16xi32>], vector<16xi32>,
        %mul3A_776 = arith.constant 16 : i32
        %mul3A_777 = vector.broadcast %mul3A_776 : i32 to vector<16xi32>
        %mul3A_778 = arith.muli %gather3A_775, %mul3A_777 : vector<16xi32>
        %iota3A_779 = tpu.iota {dimensions = array<i32: 0>} : vector<16xi32>
        %add3A_780 = arith.addi %mul3A_778, %iota3A_779 : vector<16xi32>
        %masked_sort3A_781 = arith.constant dense<true> : vector<16xi1>
        %masked_sort3A_782, %masked_sort3A_783, %masked_sort3A_784 = tpu.sort %gather3A_773, %add3A_780 masked %masked_sort3A_781 {descending = true} : (vector<16xf32>, vector<16xi32>, vector<16xi1>) -> (vector<16xi1>, vector<16xf32>, vector<16xi32>)
        %slice3A_785 = vector.extract_strided_slice %masked_sort3A_784 {offsets = [0], sizes = [1], strides = [1]} : vector<16xi32> to vector<1xi32>
        %squeeze3A_786 = vector.extract %slice3A_785[0] : i32 from vector<1xi32>
        %slice3A_787 = vector.extract_strided_slice %masked_sort3A_783 {offsets = [0], sizes = [1], strides = [1]} : vector<16xf32> to vector<1xf32>
        %squeeze3A_788 = vector.extract %slice3A_787[0] : f32 from vector<1xf32>
        %broadcast_in_dim3A_789 = vector.broadcast %squeeze3A_788 : f32 to vector<16xf32>
        %shift_right_logical3A = arith.constant 4 : i32
        %shift_right_logical3A_790 = arith.shrui %squeeze3A_786, %shift_right_logical3A : i32
        %broadcast_in_dim3A_791 = vector.broadcast %shift_right_logical3A_790 : i32 to vector<16xi32>
        %rem3A = arith.constant 16 : i32
        %rem3A_792 = arith.remsi %squeeze3A_786, %rem3A : i32
        %broadcast_in_dim3A_793 = vector.broadcast %rem3A_792 : i32 to vector<16xi32>
        %iota3A_794 = tpu.iota {dimensions = array<i32: 0>} : vector<16xi32>
        %eq3A_795 = arith.cmpi eq, %iota3A_794, %broadcast_in_dim3A_793 : vector<16xi32>
        %broadcast_in_dim3A_796 = arith.constant 1 : i32
        %broadcast_in_dim3A_797 = vector.broadcast %broadcast_in_dim3A_796 : i32 to vector<16xi32>
        %broadcast_in_dim3A_798 = arith.constant 0 : i32
        %broadcast_in_dim3A_799 = vector.broadcast %broadcast_in_dim3A_798 : i32 to vector<16xi32>
        %select_n3A_800 = arith.select %eq3A_795, %broadcast_in_dim3A_797, %broadcast_in_dim3A_799 : vector<16xi1>, vector<16xi32>
        %add3A_801 = arith.addi %scan3A_763, %select_n3A_800 : vector<16xi32>
        %broadcast_in_dim3A_802 = arith.constant 64 : i32
        %broadcast_in_dim3A_803 = vector.broadcast %broadcast_in_dim3A_802 : i32 to vector<16xi32>
        %min3A_804 = arith.minsi %add3A_801, %broadcast_in_dim3A_803 : vector<16xi32>
        %iota3A_805 = tpu.iota {dimensions = array<i32: 0>} : vector<16xi32>
        %sub3A_806 = arith.constant 0 : i32
        %sub3A_807 = arith.subi %scan3A_762, %sub3A_806 : i32
        %broadcast_in_dim3A_808 = vector.broadcast %sub3A_807 : i32 to vector<16xi32>
        %eq3A_809 = arith.cmpi eq, %iota3A_805, %broadcast_in_dim3A_808 : vector<16xi32>
        %select_n3A_810 = arith.select %eq3A_809, %broadcast_in_dim3A_789, %scan3A_764 : vector<16xi1>, vector<16xf32>
        %iota3A_811 = tpu.iota {dimensions = array<i32: 0>} : vector<16xi32>
        %sub3A_812 = arith.constant 16 : i32
        %sub3A_813 = arith.subi %scan3A_762, %sub3A_812 : i32
        %broadcast_in_dim3A_814 = vector.broadcast %sub3A_813 : i32 to vector<16xi32>
        %eq3A_815 = arith.cmpi eq, %iota3A_811, %broadcast_in_dim3A_814 : vector<16xi32>
        %select_n3A_816 = arith.select %eq3A_815, %broadcast_in_dim3A_789, %scan3A_765 : vector<16xi1>, vector<16xf32>
        %iota3A_817 = tpu.iota {dimensions = array<i32: 0>} : vector<16xi32>
        %sub3A_818 = arith.constant 32 : i32
        %sub3A_819 = arith.subi %scan3A_762, %sub3A_818 : i32
        %broadcast_in_dim3A_820 = vector.broadcast %sub3A_819 : i32 to vector<16xi32>
        %eq3A_821 = arith.cmpi eq, %iota3A_817, %broadcast_in_dim3A_820 : vector<16xi32>
        %select_n3A_822 = arith.select %eq3A_821, %broadcast_in_dim3A_789, %scan3A_766 : vector<16xi1>, vector<16xf32>
        %iota3A_823 = tpu.iota {dimensions = array<i32: 0>} : vector<16xi32>
        %sub3A_824 = arith.constant 48 : i32
        %sub3A_825 = arith.subi %scan3A_762, %sub3A_824 : i32
        %broadcast_in_dim3A_826 = vector.broadcast %sub3A_825 : i32 to vector<16xi32>
        %eq3A_827 = arith.cmpi eq, %iota3A_823, %broadcast_in_dim3A_826 : vector<16xi32>
        %select_n3A_828 = arith.select %eq3A_827, %broadcast_in_dim3A_789, %scan3A_767 : vector<16xi1>, vector<16xf32>
        %iota3A_829 = tpu.iota {dimensions = array<i32: 0>} : vector<16xi32>
        %sub3A_830 = arith.constant 0 : i32
        %sub3A_831 = arith.subi %scan3A_762, %sub3A_830 : i32
        %broadcast_in_dim3A_832 = vector.broadcast %sub3A_831 : i32 to vector<16xi32>
        %eq3A_833 = arith.cmpi eq, %iota3A_829, %broadcast_in_dim3A_832 : vector<16xi32>
        %select_n3A_834 = arith.select %eq3A_833, %broadcast_in_dim3A_791, %scan3A_768 : vector<16xi1>, vector<16xi32>
        %iota3A_835 = tpu.iota {dimensions = array<i32: 0>} : vector<16xi32>
        %sub3A_836 = arith.constant 16 : i32
        %sub3A_837 = arith.subi %scan3A_762, %sub3A_836 : i32
        %broadcast_in_dim3A_838 = vector.broadcast %sub3A_837 : i32 to vector<16xi32>
        %eq3A_839 = arith.cmpi eq, %iota3A_835, %broadcast_in_dim3A_838 : vector<16xi32>
        %select_n3A_840 = arith.select %eq3A_839, %broadcast_in_dim3A_791, %scan3A_769 : vector<16xi1>, vector<16xi32>
        %iota3A_841 = tpu.iota {dimensions = array<i32: 0>} : vector<16xi32>
        %sub3A_842 = arith.constant 32 : i32
        %sub3A_843 = arith.subi %scan3A_762, %sub3A_842 : i32
        %broadcast_in_dim3A_844 = vector.broadcast %sub3A_843 : i32 to vector<16xi32>
        %eq3A_845 = arith.cmpi eq, %iota3A_841, %broadcast_in_dim3A_844 : vector<16xi32>
        %select_n3A_846 = arith.select %eq3A_845, %broadcast_in_dim3A_791, %scan3A_770 : vector<16xi1>, vector<16xi32>
        %iota3A_847 = tpu.iota {dimensions = array<i32: 0>} : vector<16xi32>
        %sub3A_848 = arith.constant 48 : i32
        %sub3A_849 = arith.subi %scan3A_762, %sub3A_848 : i32
        %broadcast_in_dim3A_850 = vector.broadcast %sub3A_849 : i32 to vector<16xi32>
        %eq3A_851 = arith.cmpi eq, %iota3A_847, %broadcast_in_dim3A_850 : vector<16xi32>
        %select_n3A_852 = arith.select %eq3A_851, %broadcast_in_dim3A_791, %scan3A_771 : vector<16xi1>, vector<16xi32>
        scf.yield %min3A_804, %select_n3A_810, %select_n3A_816, %select_n3A_822, %select_n3A_828, %select_n3A_834, %select_n3A_840, %select_n3A_846, %select_n3A_852 : vector<16xi32>, vector<16xf32>, vector<16xf32>, vector<16xf32>, vector<16xf32>, vector<16xi32>, vector<16xi32>, vector<16xi32>, vector<16xi32>
      }
      %scan3A_101 = arith.constant 64 : i32
      %broadcast_in_dim3A_102 = vector.broadcast %scan3A_19 : i32 to vector<16xi32>
      %gather3A = tpu.vector_load_idx %arg7[%broadcast_in_dim3A_102] : memref<16xf32, #tpu.memory_space<vmem>>[vector<16xi32>], vector<16xf32>,
      %add3A_103 = arith.constant 4 : i32
      %add3A_104 = arith.addi %add3A_103, %scan3A_19 : i32
      %broadcast_in_dim3A_105 = vector.broadcast %add3A_104 : i32 to vector<16xi32>
      %gather3A_106 = tpu.vector_load_idx %arg7[%broadcast_in_dim3A_105] : memref<16xf32, #tpu.memory_space<vmem>>[vector<16xi32>], vector<16xf32>,
      %add3A_107 = arith.constant 8 : i32
      %add3A_108 = arith.addi %add3A_107, %scan3A_19 : i32
      %broadcast_in_dim3A_109 = vector.broadcast %add3A_108 : i32 to vector<16xi32>
      %gather3A_110 = tpu.vector_load_idx %arg7[%broadcast_in_dim3A_109] : memref<16xf32, #tpu.memory_space<vmem>>[vector<16xi32>], vector<16xf32>,
      %add3A_111 = arith.constant 12 : i32
      %add3A_112 = arith.addi %add3A_111, %scan3A_19 : i32
      %broadcast_in_dim3A_113 = vector.broadcast %add3A_112 : i32 to vector<16xi32>
      %gather3A_114 = tpu.vector_load_idx %arg7[%broadcast_in_dim3A_113] : memref<16xf32, #tpu.memory_space<vmem>>[vector<16xi32>], vector<16xf32>,
      %broadcast_in_dim3A_115 = arith.constant 1.000000e+00 : f32
      %broadcast_in_dim3A_116 = vector.broadcast %broadcast_in_dim3A_115 : f32 to vector<16xf32>
      %div3A = arith.divf %broadcast_in_dim3A_116, %gather3A : vector<16xf32>
      %iota3A_117 = tpu.iota {dimensions = array<i32: 0>} : vector<16xi32>
      %add3A_118 = arith.constant 0 : i32
      %add3A_119 = vector.broadcast %add3A_118 : i32 to vector<16xi32>
      %add3A_120 = arith.addi %iota3A_117, %add3A_119 : vector<16xi32>
      %iota3A_121 = tpu.iota {dimensions = array<i32: 0>} : vector<16xi32>
      %add3A_122 = arith.constant 16 : i32
      %add3A_123 = vector.broadcast %add3A_122 : i32 to vector<16xi32>
      %add3A_124 = arith.addi %iota3A_121, %add3A_123 : vector<16xi32>
      %iota3A_125 = tpu.iota {dimensions = array<i32: 0>} : vector<16xi32>
      %add3A_126 = arith.constant 32 : i32
      %add3A_127 = vector.broadcast %add3A_126 : i32 to vector<16xi32>
      %add3A_128 = arith.addi %iota3A_125, %add3A_127 : vector<16xi32>
      %iota3A_129 = tpu.iota {dimensions = array<i32: 0>} : vector<16xi32>
      %add3A_130 = arith.constant 48 : i32
      %add3A_131 = vector.broadcast %add3A_130 : i32 to vector<16xi32>
      %add3A_132 = arith.addi %iota3A_129, %add3A_131 : vector<16xi32>
      %convert_element_type3A_133 = arith.sitofp %add3A_120 : vector<16xi32> to vector<16xf32>
      %convert_element_type3A_134 = arith.sitofp %add3A_124 : vector<16xi32> to vector<16xf32>
      %convert_element_type3A_135 = arith.sitofp %add3A_128 : vector<16xi32> to vector<16xf32>
      %convert_element_type3A_136 = arith.sitofp %add3A_132 : vector<16xi32> to vector<16xf32>
      %lt3A_137 = arith.cmpf olt, %convert_element_type3A_133, %gather3A_106 : vector<16xf32>
      %lt3A_138 = arith.cmpf olt, %convert_element_type3A_134, %gather3A_106 : vector<16xf32>
      %lt3A_139 = arith.cmpf olt, %convert_element_type3A_135, %gather3A_106 : vector<16xf32>
      %lt3A_140 = arith.cmpf olt, %convert_element_type3A_136, %gather3A_106 : vector<16xf32>
      %mul3A_141 = arith.mulf %scan3A_100#1, %div3A : vector<16xf32>
      %broadcast_in_dim3A_142 = arith.constant -1.000000e+30 : f32
      %broadcast_in_dim3A_143 = vector.broadcast %broadcast_in_dim3A_142 : f32 to vector<16xf32>
      %select_n3A_144 = arith.select %lt3A_137, %mul3A_141, %broadcast_in_dim3A_143 : vector<16xi1>, vector<16xf32>
      %mul3A_145 = arith.mulf %scan3A_100#2, %div3A : vector<16xf32>
      %broadcast_in_dim3A_146 = arith.constant -1.000000e+30 : f32
      %broadcast_in_dim3A_147 = vector.broadcast %broadcast_in_dim3A_146 : f32 to vector<16xf32>
      %select_n3A_148 = arith.select %lt3A_138, %mul3A_145, %broadcast_in_dim3A_147 : vector<16xi1>, vector<16xf32>
      %mul3A_149 = arith.mulf %scan3A_100#3, %div3A : vector<16xf32>
      %broadcast_in_dim3A_150 = arith.constant -1.000000e+30 : f32
      %broadcast_in_dim3A_151 = vector.broadcast %broadcast_in_dim3A_150 : f32 to vector<16xf32>
      %select_n3A_152 = arith.select %lt3A_139, %mul3A_149, %broadcast_in_dim3A_151 : vector<16xi1>, vector<16xf32>
      %mul3A_153 = arith.mulf %scan3A_100#4, %div3A : vector<16xf32>
      %broadcast_in_dim3A_154 = arith.constant -1.000000e+30 : f32
      %broadcast_in_dim3A_155 = vector.broadcast %broadcast_in_dim3A_154 : f32 to vector<16xf32>
      %select_n3A_156 = arith.select %lt3A_140, %mul3A_153, %broadcast_in_dim3A_155 : vector<16xi1>, vector<16xf32>
      %slice3A = vector.extract_strided_slice %select_n3A_144 {offsets = [0], sizes = [1], strides = [1]} : vector<16xf32> to vector<1xf32>
      %squeeze3A = vector.extract %slice3A[0] : f32 from vector<1xf32>
      %broadcast_in_dim3A_157 = vector.broadcast %squeeze3A : f32 to vector<16xf32>
      %sub3A = arith.subf %select_n3A_144, %broadcast_in_dim3A_157 : vector<16xf32>
      %exp3A = math.exp %sub3A : vector<16xf32>
      %sub3A_158 = arith.subf %select_n3A_148, %broadcast_in_dim3A_157 : vector<16xf32>
      %exp3A_159 = math.exp %sub3A_158 : vector<16xf32>
      %sub3A_160 = arith.subf %select_n3A_152, %broadcast_in_dim3A_157 : vector<16xf32>
      %exp3A_161 = math.exp %sub3A_160 : vector<16xf32>
      %sub3A_162 = arith.subf %select_n3A_156, %broadcast_in_dim3A_157 : vector<16xf32>
      %exp3A_163 = math.exp %sub3A_162 : vector<16xf32>
      %add3A_164 = arith.addf %exp3A, %exp3A_159 : vector<16xf32>
      %add3A_165 = arith.addf %add3A_164, %exp3A_161 : vector<16xf32>
      %add3A_166 = arith.addf %add3A_165, %exp3A_163 : vector<16xf32>
      %swap3A_167 = arith.constant 0 : index
      %swap3A_168 = tpu.vector_load %arg14[%swap3A_167] {strides = array<i32>} : memref<16xf32, #tpu.memory_space<vmem>>, vector<16xf32>,
      tpu.vector_store %arg14[%swap3A_167], %add3A_166 {strides = array<i32>} : memref<16xf32, #tpu.memory_space<vmem>>, vector<16xf32>,
      %iota3A_169 = tpu.iota {dimensions = array<i32: 0>} : vector<16xi32>
      %xor3A = arith.constant 8 : i32
      %xor3A_170 = vector.broadcast %xor3A : i32 to vector<16xi32>
      %xor3A_171 = arith.xori %iota3A_169, %xor3A_170 : vector<16xi32>
      %gather3A_172 = tpu.vector_load_idx %arg14[%xor3A_171] : memref<16xf32, #tpu.memory_space<vmem>>[vector<16xi32>], vector<16xf32>,
      %add3A_173 = arith.addf %add3A_166, %gather3A_172 : vector<16xf32>
      %swap3A_174 = arith.constant 0 : index
      %swap3A_175 = tpu.vector_load %arg14[%swap3A_174] {strides = array<i32>} : memref<16xf32, #tpu.memory_space<vmem>>, vector<16xf32>,
      tpu.vector_store %arg14[%swap3A_174], %add3A_173 {strides = array<i32>} : memref<16xf32, #tpu.memory_space<vmem>>, vector<16xf32>,
      %iota3A_176 = tpu.iota {dimensions = array<i32: 0>} : vector<16xi32>
      %xor3A_177 = arith.constant 4 : i32
      %xor3A_178 = vector.broadcast %xor3A_177 : i32 to vector<16xi32>
      %xor3A_179 = arith.xori %iota3A_176, %xor3A_178 : vector<16xi32>
      %gather3A_180 = tpu.vector_load_idx %arg14[%xor3A_179] : memref<16xf32, #tpu.memory_space<vmem>>[vector<16xi32>], vector<16xf32>,
      %add3A_181 = arith.addf %add3A_173, %gather3A_180 : vector<16xf32>
      %swap3A_182 = arith.constant 0 : index
      %swap3A_183 = tpu.vector_load %arg14[%swap3A_182] {strides = array<i32>} : memref<16xf32, #tpu.memory_space<vmem>>, vector<16xf32>,
      tpu.vector_store %arg14[%swap3A_182], %add3A_181 {strides = array<i32>} : memref<16xf32, #tpu.memory_space<vmem>>, vector<16xf32>,
      %iota3A_184 = tpu.iota {dimensions = array<i32: 0>} : vector<16xi32>
      %xor3A_185 = arith.constant 2 : i32
      %xor3A_186 = vector.broadcast %xor3A_185 : i32 to vector<16xi32>
      %xor3A_187 = arith.xori %iota3A_184, %xor3A_186 : vector<16xi32>
      %gather3A_188 = tpu.vector_load_idx %arg14[%xor3A_187] : memref<16xf32, #tpu.memory_space<vmem>>[vector<16xi32>], vector<16xf32>,
      %add3A_189 = arith.addf %add3A_181, %gather3A_188 : vector<16xf32>
      %swap3A_190 = arith.constant 0 : index
      %swap3A_191 = tpu.vector_load %arg14[%swap3A_190] {strides = array<i32>} : memref<16xf32, #tpu.memory_space<vmem>>, vector<16xf32>,
      tpu.vector_store %arg14[%swap3A_190], %add3A_189 {strides = array<i32>} : memref<16xf32, #tpu.memory_space<vmem>>, vector<16xf32>,
      %iota3A_192 = tpu.iota {dimensions = array<i32: 0>} : vector<16xi32>
      %xor3A_193 = arith.constant 1 : i32
      %xor3A_194 = vector.broadcast %xor3A_193 : i32 to vector<16xi32>
      %xor3A_195 = arith.xori %iota3A_192, %xor3A_194 : vector<16xi32>
      %gather3A_196 = tpu.vector_load_idx %arg14[%xor3A_195] : memref<16xf32, #tpu.memory_space<vmem>>[vector<16xi32>], vector<16xf32>,
      %add3A_197 = arith.addf %add3A_189, %gather3A_196 : vector<16xf32>
      %broadcast_in_dim3A_198 = arith.constant 1.000000e+00 : f32
      %broadcast_in_dim3A_199 = vector.broadcast %broadcast_in_dim3A_198 : f32 to vector<16xf32>
      %div3A_200 = arith.divf %broadcast_in_dim3A_199, %add3A_197 : vector<16xf32>
      %mul3A_201 = arith.mulf %exp3A, %div3A_200 : vector<16xf32>
      %mul3A_202 = arith.mulf %exp3A_159, %div3A_200 : vector<16xf32>
      %mul3A_203 = arith.mulf %exp3A_161, %div3A_200 : vector<16xf32>
      %mul3A_204 = arith.mulf %exp3A_163, %div3A_200 : vector<16xf32>
      %broadcast_in_dim3A_205 = arith.constant 0.000000e+00 : f32
      %broadcast_in_dim3A_206 = vector.broadcast %broadcast_in_dim3A_205 : f32 to vector<16xf32>
      %swap3A_207 = arith.constant 0 : index
      %swap3A_208 = tpu.vector_load %arg14[%swap3A_207] {strides = array<i32>} : memref<16xf32, #tpu.memory_space<vmem>>, vector<16xf32>,
      tpu.vector_store %arg14[%swap3A_207], %mul3A_201 {strides = array<i32>} : memref<16xf32, #tpu.memory_space<vmem>>, vector<16xf32>,
      %iota3A_209 = tpu.iota {dimensions = array<i32: 0>} : vector<16xi32>
      %sub3A_210 = arith.constant 1 : i32
      %sub3A_211 = vector.broadcast %sub3A_210 : i32 to vector<16xi32>
      %sub3A_212 = arith.subi %iota3A_209, %sub3A_211 : vector<16xi32>
      %broadcast_in_dim3A_213 = arith.constant 0 : i32
      %broadcast_in_dim3A_214 = vector.broadcast %broadcast_in_dim3A_213 : i32 to vector<16xi32>
      %max3A = arith.maxsi %sub3A_212, %broadcast_in_dim3A_214 : vector<16xi32>
      %gather3A_215 = tpu.vector_load_idx %arg14[%max3A] : memref<16xf32, #tpu.memory_space<vmem>>[vector<16xi32>], vector<16xf32>,
      %iota3A_216 = tpu.iota {dimensions = array<i32: 0>} : vector<16xi32>
      %broadcast_in_dim3A_217 = arith.constant 1 : i32
      %broadcast_in_dim3A_218 = vector.broadcast %broadcast_in_dim3A_217 : i32 to vector<16xi32>
      %ge3A = arith.cmpi sge, %iota3A_216, %broadcast_in_dim3A_218 : vector<16xi32>
      %broadcast_in_dim3A_219 = arith.constant 0.000000e+00 : f32
      %broadcast_in_dim3A_220 = vector.broadcast %broadcast_in_dim3A_219 : f32 to vector<16xf32>
      %select_n3A_221 = arith.select %ge3A, %gather3A_215, %broadcast_in_dim3A_220 : vector<16xi1>, vector<16xf32>
      %add3A_222 = arith.addf %mul3A_201, %select_n3A_221 : vector<16xf32>
      %swap3A_223 = arith.constant 0 : index
      %swap3A_224 = tpu.vector_load %arg14[%swap3A_223] {strides = array<i32>} : memref<16xf32, #tpu.memory_space<vmem>>, vector<16xf32>,
      tpu.vector_store %arg14[%swap3A_223], %add3A_222 {strides = array<i32>} : memref<16xf32, #tpu.memory_space<vmem>>, vector<16xf32>,
      %iota3A_225 = tpu.iota {dimensions = array<i32: 0>} : vector<16xi32>
      %sub3A_226 = arith.constant 2 : i32
      %sub3A_227 = vector.broadcast %sub3A_226 : i32 to vector<16xi32>
      %sub3A_228 = arith.subi %iota3A_225, %sub3A_227 : vector<16xi32>
      %broadcast_in_dim3A_229 = arith.constant 0 : i32
      %broadcast_in_dim3A_230 = vector.broadcast %broadcast_in_dim3A_229 : i32 to vector<16xi32>
      %max3A_231 = arith.maxsi %sub3A_228, %broadcast_in_dim3A_230 : vector<16xi32>
      %gather3A_232 = tpu.vector_load_idx %arg14[%max3A_231] : memref<16xf32, #tpu.memory_space<vmem>>[vector<16xi32>], vector<16xf32>,
      %iota3A_233 = tpu.iota {dimensions = array<i32: 0>} : vector<16xi32>
      %broadcast_in_dim3A_234 = arith.constant 2 : i32
      %broadcast_in_dim3A_235 = vector.broadcast %broadcast_in_dim3A_234 : i32 to vector<16xi32>
      %ge3A_236 = arith.cmpi sge, %iota3A_233, %broadcast_in_dim3A_235 : vector<16xi32>
      %broadcast_in_dim3A_237 = arith.constant 0.000000e+00 : f32
      %broadcast_in_dim3A_238 = vector.broadcast %broadcast_in_dim3A_237 : f32 to vector<16xf32>
      %select_n3A_239 = arith.select %ge3A_236, %gather3A_232, %broadcast_in_dim3A_238 : vector<16xi1>, vector<16xf32>
      %add3A_240 = arith.addf %add3A_222, %select_n3A_239 : vector<16xf32>
      %swap3A_241 = arith.constant 0 : index
      %swap3A_242 = tpu.vector_load %arg14[%swap3A_241] {strides = array<i32>} : memref<16xf32, #tpu.memory_space<vmem>>, vector<16xf32>,
      tpu.vector_store %arg14[%swap3A_241], %add3A_240 {strides = array<i32>} : memref<16xf32, #tpu.memory_space<vmem>>, vector<16xf32>,
      %iota3A_243 = tpu.iota {dimensions = array<i32: 0>} : vector<16xi32>
      %sub3A_244 = arith.constant 4 : i32
      %sub3A_245 = vector.broadcast %sub3A_244 : i32 to vector<16xi32>
      %sub3A_246 = arith.subi %iota3A_243, %sub3A_245 : vector<16xi32>
      %broadcast_in_dim3A_247 = arith.constant 0 : i32
      %broadcast_in_dim3A_248 = vector.broadcast %broadcast_in_dim3A_247 : i32 to vector<16xi32>
      %max3A_249 = arith.maxsi %sub3A_246, %broadcast_in_dim3A_248 : vector<16xi32>
      %gather3A_250 = tpu.vector_load_idx %arg14[%max3A_249] : memref<16xf32, #tpu.memory_space<vmem>>[vector<16xi32>], vector<16xf32>,
      %iota3A_251 = tpu.iota {dimensions = array<i32: 0>} : vector<16xi32>
      %broadcast_in_dim3A_252 = arith.constant 4 : i32
      %broadcast_in_dim3A_253 = vector.broadcast %broadcast_in_dim3A_252 : i32 to vector<16xi32>
      %ge3A_254 = arith.cmpi sge, %iota3A_251, %broadcast_in_dim3A_253 : vector<16xi32>
      %broadcast_in_dim3A_255 = arith.constant 0.000000e+00 : f32
      %broadcast_in_dim3A_256 = vector.broadcast %broadcast_in_dim3A_255 : f32 to vector<16xf32>
      %select_n3A_257 = arith.select %ge3A_254, %gather3A_250, %broadcast_in_dim3A_256 : vector<16xi1>, vector<16xf32>
      %add3A_258 = arith.addf %add3A_240, %select_n3A_257 : vector<16xf32>
      %swap3A_259 = arith.constant 0 : index
      %swap3A_260 = tpu.vector_load %arg14[%swap3A_259] {strides = array<i32>} : memref<16xf32, #tpu.memory_space<vmem>>, vector<16xf32>,
      tpu.vector_store %arg14[%swap3A_259], %add3A_258 {strides = array<i32>} : memref<16xf32, #tpu.memory_space<vmem>>, vector<16xf32>,
      %iota3A_261 = tpu.iota {dimensions = array<i32: 0>} : vector<16xi32>
      %sub3A_262 = arith.constant 8 : i32
      %sub3A_263 = vector.broadcast %sub3A_262 : i32 to vector<16xi32>
      %sub3A_264 = arith.subi %iota3A_261, %sub3A_263 : vector<16xi32>
      %broadcast_in_dim3A_265 = arith.constant 0 : i32
      %broadcast_in_dim3A_266 = vector.broadcast %broadcast_in_dim3A_265 : i32 to vector<16xi32>
      %max3A_267 = arith.maxsi %sub3A_264, %broadcast_in_dim3A_266 : vector<16xi32>
      %gather3A_268 = tpu.vector_load_idx %arg14[%max3A_267] : memref<16xf32, #tpu.memory_space<vmem>>[vector<16xi32>], vector<16xf32>,
      %iota3A_269 = tpu.iota {dimensions = array<i32: 0>} : vector<16xi32>
      %broadcast_in_dim3A_270 = arith.constant 8 : i32
      %broadcast_in_dim3A_271 = vector.broadcast %broadcast_in_dim3A_270 : i32 to vector<16xi32>
      %ge3A_272 = arith.cmpi sge, %iota3A_269, %broadcast_in_dim3A_271 : vector<16xi32>
      %broadcast_in_dim3A_273 = arith.constant 0.000000e+00 : f32
      %broadcast_in_dim3A_274 = vector.broadcast %broadcast_in_dim3A_273 : f32 to vector<16xf32>
      %select_n3A_275 = arith.select %ge3A_272, %gather3A_268, %broadcast_in_dim3A_274 : vector<16xi1>, vector<16xf32>
      %add3A_276 = arith.addf %add3A_258, %select_n3A_275 : vector<16xf32>
      %sub3A_277 = arith.subf %add3A_276, %mul3A_201 : vector<16xf32>
      %add3A_278 = arith.addf %sub3A_277, %broadcast_in_dim3A_206 : vector<16xf32>
      %slice3A_279 = vector.extract_strided_slice %add3A_276 {offsets = [15], sizes = [1], strides = [1]} : vector<16xf32> to vector<1xf32>
      %squeeze3A_280 = vector.extract %slice3A_279[0] : f32 from vector<1xf32>
      %broadcast_in_dim3A_281 = vector.broadcast %squeeze3A_280 : f32 to vector<16xf32>
      %add3A_282 = arith.addf %broadcast_in_dim3A_206, %broadcast_in_dim3A_281 : vector<16xf32>
      %swap3A_283 = arith.constant 0 : index
      %swap3A_284 = tpu.vector_load %arg14[%swap3A_283] {strides = array<i32>} : memref<16xf32, #tpu.memory_space<vmem>>, vector<16xf32>,
      tpu.vector_store %arg14[%swap3A_283], %mul3A_202 {strides = array<i32>} : memref<16xf32, #tpu.memory_space<vmem>>, vector<16xf32>,
      %iota3A_285 = tpu.iota {dimensions = array<i32: 0>} : vector<16xi32>
      %sub3A_286 = arith.constant 1 : i32
      %sub3A_287 = vector.broadcast %sub3A_286 : i32 to vector<16xi32>
      %sub3A_288 = arith.subi %iota3A_285, %sub3A_287 : vector<16xi32>
      %broadcast_in_dim3A_289 = arith.constant 0 : i32
      %broadcast_in_dim3A_290 = vector.broadcast %broadcast_in_dim3A_289 : i32 to vector<16xi32>
      %max3A_291 = arith.maxsi %sub3A_288, %broadcast_in_dim3A_290 : vector<16xi32>
      %gather3A_292 = tpu.vector_load_idx %arg14[%max3A_291] : memref<16xf32, #tpu.memory_space<vmem>>[vector<16xi32>], vector<16xf32>,
      %iota3A_293 = tpu.iota {dimensions = array<i32: 0>} : vector<16xi32>
      %broadcast_in_dim3A_294 = arith.constant 1 : i32
      %broadcast_in_dim3A_295 = vector.broadcast %broadcast_in_dim3A_294 : i32 to vector<16xi32>
      %ge3A_296 = arith.cmpi sge, %iota3A_293, %broadcast_in_dim3A_295 : vector<16xi32>
      %broadcast_in_dim3A_297 = arith.constant 0.000000e+00 : f32
      %broadcast_in_dim3A_298 = vector.broadcast %broadcast_in_dim3A_297 : f32 to vector<16xf32>
      %select_n3A_299 = arith.select %ge3A_296, %gather3A_292, %broadcast_in_dim3A_298 : vector<16xi1>, vector<16xf32>
      %add3A_300 = arith.addf %mul3A_202, %select_n3A_299 : vector<16xf32>
      %swap3A_301 = arith.constant 0 : index
      %swap3A_302 = tpu.vector_load %arg14[%swap3A_301] {strides = array<i32>} : memref<16xf32, #tpu.memory_space<vmem>>, vector<16xf32>,
      tpu.vector_store %arg14[%swap3A_301], %add3A_300 {strides = array<i32>} : memref<16xf32, #tpu.memory_space<vmem>>, vector<16xf32>,
      %iota3A_303 = tpu.iota {dimensions = array<i32: 0>} : vector<16xi32>
      %sub3A_304 = arith.constant 2 : i32
      %sub3A_305 = vector.broadcast %sub3A_304 : i32 to vector<16xi32>
      %sub3A_306 = arith.subi %iota3A_303, %sub3A_305 : vector<16xi32>
      %broadcast_in_dim3A_307 = arith.constant 0 : i32
      %broadcast_in_dim3A_308 = vector.broadcast %broadcast_in_dim3A_307 : i32 to vector<16xi32>
      %max3A_309 = arith.maxsi %sub3A_306, %broadcast_in_dim3A_308 : vector<16xi32>
      %gather3A_310 = tpu.vector_load_idx %arg14[%max3A_309] : memref<16xf32, #tpu.memory_space<vmem>>[vector<16xi32>], vector<16xf32>,
      %iota3A_311 = tpu.iota {dimensions = array<i32: 0>} : vector<16xi32>
      %broadcast_in_dim3A_312 = arith.constant 2 : i32
      %broadcast_in_dim3A_313 = vector.broadcast %broadcast_in_dim3A_312 : i32 to vector<16xi32>
      %ge3A_314 = arith.cmpi sge, %iota3A_311, %broadcast_in_dim3A_313 : vector<16xi32>
      %broadcast_in_dim3A_315 = arith.constant 0.000000e+00 : f32
      %broadcast_in_dim3A_316 = vector.broadcast %broadcast_in_dim3A_315 : f32 to vector<16xf32>
      %select_n3A_317 = arith.select %ge3A_314, %gather3A_310, %broadcast_in_dim3A_316 : vector<16xi1>, vector<16xf32>
      %add3A_318 = arith.addf %add3A_300, %select_n3A_317 : vector<16xf32>
      %swap3A_319 = arith.constant 0 : index
      %swap3A_320 = tpu.vector_load %arg14[%swap3A_319] {strides = array<i32>} : memref<16xf32, #tpu.memory_space<vmem>>, vector<16xf32>,
      tpu.vector_store %arg14[%swap3A_319], %add3A_318 {strides = array<i32>} : memref<16xf32, #tpu.memory_space<vmem>>, vector<16xf32>,
      %iota3A_321 = tpu.iota {dimensions = array<i32: 0>} : vector<16xi32>
      %sub3A_322 = arith.constant 4 : i32
      %sub3A_323 = vector.broadcast %sub3A_322 : i32 to vector<16xi32>
      %sub3A_324 = arith.subi %iota3A_321, %sub3A_323 : vector<16xi32>
      %broadcast_in_dim3A_325 = arith.constant 0 : i32
      %broadcast_in_dim3A_326 = vector.broadcast %broadcast_in_dim3A_325 : i32 to vector<16xi32>
      %max3A_327 = arith.maxsi %sub3A_324, %broadcast_in_dim3A_326 : vector<16xi32>
      %gather3A_328 = tpu.vector_load_idx %arg14[%max3A_327] : memref<16xf32, #tpu.memory_space<vmem>>[vector<16xi32>], vector<16xf32>,
      %iota3A_329 = tpu.iota {dimensions = array<i32: 0>} : vector<16xi32>
      %broadcast_in_dim3A_330 = arith.constant 4 : i32
      %broadcast_in_dim3A_331 = vector.broadcast %broadcast_in_dim3A_330 : i32 to vector<16xi32>
      %ge3A_332 = arith.cmpi sge, %iota3A_329, %broadcast_in_dim3A_331 : vector<16xi32>
      %broadcast_in_dim3A_333 = arith.constant 0.000000e+00 : f32
      %broadcast_in_dim3A_334 = vector.broadcast %broadcast_in_dim3A_333 : f32 to vector<16xf32>
      %select_n3A_335 = arith.select %ge3A_332, %gather3A_328, %broadcast_in_dim3A_334 : vector<16xi1>, vector<16xf32>
      %add3A_336 = arith.addf %add3A_318, %select_n3A_335 : vector<16xf32>
      %swap3A_337 = arith.constant 0 : index
      %swap3A_338 = tpu.vector_load %arg14[%swap3A_337] {strides = array<i32>} : memref<16xf32, #tpu.memory_space<vmem>>, vector<16xf32>,
      tpu.vector_store %arg14[%swap3A_337], %add3A_336 {strides = array<i32>} : memref<16xf32, #tpu.memory_space<vmem>>, vector<16xf32>,
      %iota3A_339 = tpu.iota {dimensions = array<i32: 0>} : vector<16xi32>
      %sub3A_340 = arith.constant 8 : i32
      %sub3A_341 = vector.broadcast %sub3A_340 : i32 to vector<16xi32>
      %sub3A_342 = arith.subi %iota3A_339, %sub3A_341 : vector<16xi32>
      %broadcast_in_dim3A_343 = arith.constant 0 : i32
      %broadcast_in_dim3A_344 = vector.broadcast %broadcast_in_dim3A_343 : i32 to vector<16xi32>
      %max3A_345 = arith.maxsi %sub3A_342, %broadcast_in_dim3A_344 : vector<16xi32>
      %gather3A_346 = tpu.vector_load_idx %arg14[%max3A_345] : memref<16xf32, #tpu.memory_space<vmem>>[vector<16xi32>], vector<16xf32>,
      %iota3A_347 = tpu.iota {dimensions = array<i32: 0>} : vector<16xi32>
      %broadcast_in_dim3A_348 = arith.constant 8 : i32
      %broadcast_in_dim3A_349 = vector.broadcast %broadcast_in_dim3A_348 : i32 to vector<16xi32>
      %ge3A_350 = arith.cmpi sge, %iota3A_347, %broadcast_in_dim3A_349 : vector<16xi32>
      %broadcast_in_dim3A_351 = arith.constant 0.000000e+00 : f32
      %broadcast_in_dim3A_352 = vector.broadcast %broadcast_in_dim3A_351 : f32 to vector<16xf32>
      %select_n3A_353 = arith.select %ge3A_350, %gather3A_346, %broadcast_in_dim3A_352 : vector<16xi1>, vector<16xf32>
      %add3A_354 = arith.addf %add3A_336, %select_n3A_353 : vector<16xf32>
      %sub3A_355 = arith.subf %add3A_354, %mul3A_202 : vector<16xf32>
      %add3A_356 = arith.addf %sub3A_355, %add3A_282 : vector<16xf32>
      %slice3A_357 = vector.extract_strided_slice %add3A_354 {offsets = [15], sizes = [1], strides = [1]} : vector<16xf32> to vector<1xf32>
      %squeeze3A_358 = vector.extract %slice3A_357[0] : f32 from vector<1xf32>
      %broadcast_in_dim3A_359 = vector.broadcast %squeeze3A_358 : f32 to vector<16xf32>
      %add3A_360 = arith.addf %add3A_282, %broadcast_in_dim3A_359 : vector<16xf32>
      %swap3A_361 = arith.constant 0 : index
      %swap3A_362 = tpu.vector_load %arg14[%swap3A_361] {strides = array<i32>} : memref<16xf32, #tpu.memory_space<vmem>>, vector<16xf32>,
      tpu.vector_store %arg14[%swap3A_361], %mul3A_203 {strides = array<i32>} : memref<16xf32, #tpu.memory_space<vmem>>, vector<16xf32>,
      %iota3A_363 = tpu.iota {dimensions = array<i32: 0>} : vector<16xi32>
      %sub3A_364 = arith.constant 1 : i32
      %sub3A_365 = vector.broadcast %sub3A_364 : i32 to vector<16xi32>
      %sub3A_366 = arith.subi %iota3A_363, %sub3A_365 : vector<16xi32>
      %broadcast_in_dim3A_367 = arith.constant 0 : i32
      %broadcast_in_dim3A_368 = vector.broadcast %broadcast_in_dim3A_367 : i32 to vector<16xi32>
      %max3A_369 = arith.maxsi %sub3A_366, %broadcast_in_dim3A_368 : vector<16xi32>
      %gather3A_370 = tpu.vector_load_idx %arg14[%max3A_369] : memref<16xf32, #tpu.memory_space<vmem>>[vector<16xi32>], vector<16xf32>,
      %iota3A_371 = tpu.iota {dimensions = array<i32: 0>} : vector<16xi32>
      %broadcast_in_dim3A_372 = arith.constant 1 : i32
      %broadcast_in_dim3A_373 = vector.broadcast %broadcast_in_dim3A_372 : i32 to vector<16xi32>
      %ge3A_374 = arith.cmpi sge, %iota3A_371, %broadcast_in_dim3A_373 : vector<16xi32>
      %broadcast_in_dim3A_375 = arith.constant 0.000000e+00 : f32
      %broadcast_in_dim3A_376 = vector.broadcast %broadcast_in_dim3A_375 : f32 to vector<16xf32>
      %select_n3A_377 = arith.select %ge3A_374, %gather3A_370, %broadcast_in_dim3A_376 : vector<16xi1>, vector<16xf32>
      %add3A_378 = arith.addf %mul3A_203, %select_n3A_377 : vector<16xf32>
      %swap3A_379 = arith.constant 0 : index
      %swap3A_380 = tpu.vector_load %arg14[%swap3A_379] {strides = array<i32>} : memref<16xf32, #tpu.memory_space<vmem>>, vector<16xf32>,
      tpu.vector_store %arg14[%swap3A_379], %add3A_378 {strides = array<i32>} : memref<16xf32, #tpu.memory_space<vmem>>, vector<16xf32>,
      %iota3A_381 = tpu.iota {dimensions = array<i32: 0>} : vector<16xi32>
      %sub3A_382 = arith.constant 2 : i32
      %sub3A_383 = vector.broadcast %sub3A_382 : i32 to vector<16xi32>
      %sub3A_384 = arith.subi %iota3A_381, %sub3A_383 : vector<16xi32>
      %broadcast_in_dim3A_385 = arith.constant 0 : i32
      %broadcast_in_dim3A_386 = vector.broadcast %broadcast_in_dim3A_385 : i32 to vector<16xi32>
      %max3A_387 = arith.maxsi %sub3A_384, %broadcast_in_dim3A_386 : vector<16xi32>
      %gather3A_388 = tpu.vector_load_idx %arg14[%max3A_387] : memref<16xf32, #tpu.memory_space<vmem>>[vector<16xi32>], vector<16xf32>,
      %iota3A_389 = tpu.iota {dimensions = array<i32: 0>} : vector<16xi32>
      %broadcast_in_dim3A_390 = arith.constant 2 : i32
      %broadcast_in_dim3A_391 = vector.broadcast %broadcast_in_dim3A_390 : i32 to vector<16xi32>
      %ge3A_392 = arith.cmpi sge, %iota3A_389, %broadcast_in_dim3A_391 : vector<16xi32>
      %broadcast_in_dim3A_393 = arith.constant 0.000000e+00 : f32
      %broadcast_in_dim3A_394 = vector.broadcast %broadcast_in_dim3A_393 : f32 to vector<16xf32>
      %select_n3A_395 = arith.select %ge3A_392, %gather3A_388, %broadcast_in_dim3A_394 : vector<16xi1>, vector<16xf32>
      %add3A_396 = arith.addf %add3A_378, %select_n3A_395 : vector<16xf32>
      %swap3A_397 = arith.constant 0 : index
      %swap3A_398 = tpu.vector_load %arg14[%swap3A_397] {strides = array<i32>} : memref<16xf32, #tpu.memory_space<vmem>>, vector<16xf32>,
      tpu.vector_store %arg14[%swap3A_397], %add3A_396 {strides = array<i32>} : memref<16xf32, #tpu.memory_space<vmem>>, vector<16xf32>,
      %iota3A_399 = tpu.iota {dimensions = array<i32: 0>} : vector<16xi32>
      %sub3A_400 = arith.constant 4 : i32
      %sub3A_401 = vector.broadcast %sub3A_400 : i32 to vector<16xi32>
      %sub3A_402 = arith.subi %iota3A_399, %sub3A_401 : vector<16xi32>
      %broadcast_in_dim3A_403 = arith.constant 0 : i32
      %broadcast_in_dim3A_404 = vector.broadcast %broadcast_in_dim3A_403 : i32 to vector<16xi32>
      %max3A_405 = arith.maxsi %sub3A_402, %broadcast_in_dim3A_404 : vector<16xi32>
      %gather3A_406 = tpu.vector_load_idx %arg14[%max3A_405] : memref<16xf32, #tpu.memory_space<vmem>>[vector<16xi32>], vector<16xf32>,
      %iota3A_407 = tpu.iota {dimensions = array<i32: 0>} : vector<16xi32>
      %broadcast_in_dim3A_408 = arith.constant 4 : i32
      %broadcast_in_dim3A_409 = vector.broadcast %broadcast_in_dim3A_408 : i32 to vector<16xi32>
      %ge3A_410 = arith.cmpi sge, %iota3A_407, %broadcast_in_dim3A_409 : vector<16xi32>
      %broadcast_in_dim3A_411 = arith.constant 0.000000e+00 : f32
      %broadcast_in_dim3A_412 = vector.broadcast %broadcast_in_dim3A_411 : f32 to vector<16xf32>
      %select_n3A_413 = arith.select %ge3A_410, %gather3A_406, %broadcast_in_dim3A_412 : vector<16xi1>, vector<16xf32>
      %add3A_414 = arith.addf %add3A_396, %select_n3A_413 : vector<16xf32>
      %swap3A_415 = arith.constant 0 : index
      %swap3A_416 = tpu.vector_load %arg14[%swap3A_415] {strides = array<i32>} : memref<16xf32, #tpu.memory_space<vmem>>, vector<16xf32>,
      tpu.vector_store %arg14[%swap3A_415], %add3A_414 {strides = array<i32>} : memref<16xf32, #tpu.memory_space<vmem>>, vector<16xf32>,
      %iota3A_417 = tpu.iota {dimensions = array<i32: 0>} : vector<16xi32>
      %sub3A_418 = arith.constant 8 : i32
      %sub3A_419 = vector.broadcast %sub3A_418 : i32 to vector<16xi32>
      %sub3A_420 = arith.subi %iota3A_417, %sub3A_419 : vector<16xi32>
      %broadcast_in_dim3A_421 = arith.constant 0 : i32
      %broadcast_in_dim3A_422 = vector.broadcast %broadcast_in_dim3A_421 : i32 to vector<16xi32>
      %max3A_423 = arith.maxsi %sub3A_420, %broadcast_in_dim3A_422 : vector<16xi32>
      %gather3A_424 = tpu.vector_load_idx %arg14[%max3A_423] : memref<16xf32, #tpu.memory_space<vmem>>[vector<16xi32>], vector<16xf32>,
      %iota3A_425 = tpu.iota {dimensions = array<i32: 0>} : vector<16xi32>
      %broadcast_in_dim3A_426 = arith.constant 8 : i32
      %broadcast_in_dim3A_427 = vector.broadcast %broadcast_in_dim3A_426 : i32 to vector<16xi32>
      %ge3A_428 = arith.cmpi sge, %iota3A_425, %broadcast_in_dim3A_427 : vector<16xi32>
      %broadcast_in_dim3A_429 = arith.constant 0.000000e+00 : f32
      %broadcast_in_dim3A_430 = vector.broadcast %broadcast_in_dim3A_429 : f32 to vector<16xf32>
      %select_n3A_431 = arith.select %ge3A_428, %gather3A_424, %broadcast_in_dim3A_430 : vector<16xi1>, vector<16xf32>
      %add3A_432 = arith.addf %add3A_414, %select_n3A_431 : vector<16xf32>
      %sub3A_433 = arith.subf %add3A_432, %mul3A_203 : vector<16xf32>
      %add3A_434 = arith.addf %sub3A_433, %add3A_360 : vector<16xf32>
      %slice3A_435 = vector.extract_strided_slice %add3A_432 {offsets = [15], sizes = [1], strides = [1]} : vector<16xf32> to vector<1xf32>
      %squeeze3A_436 = vector.extract %slice3A_435[0] : f32 from vector<1xf32>
      %broadcast_in_dim3A_437 = vector.broadcast %squeeze3A_436 : f32 to vector<16xf32>
      %add3A_438 = arith.addf %add3A_360, %broadcast_in_dim3A_437 : vector<16xf32>
      %swap3A_439 = arith.constant 0 : index
      %swap3A_440 = tpu.vector_load %arg14[%swap3A_439] {strides = array<i32>} : memref<16xf32, #tpu.memory_space<vmem>>, vector<16xf32>,
      tpu.vector_store %arg14[%swap3A_439], %mul3A_204 {strides = array<i32>} : memref<16xf32, #tpu.memory_space<vmem>>, vector<16xf32>,
      %iota3A_441 = tpu.iota {dimensions = array<i32: 0>} : vector<16xi32>
      %sub3A_442 = arith.constant 1 : i32
      %sub3A_443 = vector.broadcast %sub3A_442 : i32 to vector<16xi32>
      %sub3A_444 = arith.subi %iota3A_441, %sub3A_443 : vector<16xi32>
      %broadcast_in_dim3A_445 = arith.constant 0 : i32
      %broadcast_in_dim3A_446 = vector.broadcast %broadcast_in_dim3A_445 : i32 to vector<16xi32>
      %max3A_447 = arith.maxsi %sub3A_444, %broadcast_in_dim3A_446 : vector<16xi32>
      %gather3A_448 = tpu.vector_load_idx %arg14[%max3A_447] : memref<16xf32, #tpu.memory_space<vmem>>[vector<16xi32>], vector<16xf32>,
      %iota3A_449 = tpu.iota {dimensions = array<i32: 0>} : vector<16xi32>
      %broadcast_in_dim3A_450 = arith.constant 1 : i32
      %broadcast_in_dim3A_451 = vector.broadcast %broadcast_in_dim3A_450 : i32 to vector<16xi32>
      %ge3A_452 = arith.cmpi sge, %iota3A_449, %broadcast_in_dim3A_451 : vector<16xi32>
      %broadcast_in_dim3A_453 = arith.constant 0.000000e+00 : f32
      %broadcast_in_dim3A_454 = vector.broadcast %broadcast_in_dim3A_453 : f32 to vector<16xf32>
      %select_n3A_455 = arith.select %ge3A_452, %gather3A_448, %broadcast_in_dim3A_454 : vector<16xi1>, vector<16xf32>
      %add3A_456 = arith.addf %mul3A_204, %select_n3A_455 : vector<16xf32>
      %swap3A_457 = arith.constant 0 : index
      %swap3A_458 = tpu.vector_load %arg14[%swap3A_457] {strides = array<i32>} : memref<16xf32, #tpu.memory_space<vmem>>, vector<16xf32>,
      tpu.vector_store %arg14[%swap3A_457], %add3A_456 {strides = array<i32>} : memref<16xf32, #tpu.memory_space<vmem>>, vector<16xf32>,
      %iota3A_459 = tpu.iota {dimensions = array<i32: 0>} : vector<16xi32>
      %sub3A_460 = arith.constant 2 : i32
      %sub3A_461 = vector.broadcast %sub3A_460 : i32 to vector<16xi32>
      %sub3A_462 = arith.subi %iota3A_459, %sub3A_461 : vector<16xi32>
      %broadcast_in_dim3A_463 = arith.constant 0 : i32
      %broadcast_in_dim3A_464 = vector.broadcast %broadcast_in_dim3A_463 : i32 to vector<16xi32>
      %max3A_465 = arith.maxsi %sub3A_462, %broadcast_in_dim3A_464 : vector<16xi32>
      %gather3A_466 = tpu.vector_load_idx %arg14[%max3A_465] : memref<16xf32, #tpu.memory_space<vmem>>[vector<16xi32>], vector<16xf32>,
      %iota3A_467 = tpu.iota {dimensions = array<i32: 0>} : vector<16xi32>
      %broadcast_in_dim3A_468 = arith.constant 2 : i32
      %broadcast_in_dim3A_469 = vector.broadcast %broadcast_in_dim3A_468 : i32 to vector<16xi32>
      %ge3A_470 = arith.cmpi sge, %iota3A_467, %broadcast_in_dim3A_469 : vector<16xi32>
      %broadcast_in_dim3A_471 = arith.constant 0.000000e+00 : f32
      %broadcast_in_dim3A_472 = vector.broadcast %broadcast_in_dim3A_471 : f32 to vector<16xf32>
      %select_n3A_473 = arith.select %ge3A_470, %gather3A_466, %broadcast_in_dim3A_472 : vector<16xi1>, vector<16xf32>
      %add3A_474 = arith.addf %add3A_456, %select_n3A_473 : vector<16xf32>
      %swap3A_475 = arith.constant 0 : index
      %swap3A_476 = tpu.vector_load %arg14[%swap3A_475] {strides = array<i32>} : memref<16xf32, #tpu.memory_space<vmem>>, vector<16xf32>,
      tpu.vector_store %arg14[%swap3A_475], %add3A_474 {strides = array<i32>} : memref<16xf32, #tpu.memory_space<vmem>>, vector<16xf32>,
      %iota3A_477 = tpu.iota {dimensions = array<i32: 0>} : vector<16xi32>
      %sub3A_478 = arith.constant 4 : i32
      %sub3A_479 = vector.broadcast %sub3A_478 : i32 to vector<16xi32>
      %sub3A_480 = arith.subi %iota3A_477, %sub3A_479 : vector<16xi32>
      %broadcast_in_dim3A_481 = arith.constant 0 : i32
      %broadcast_in_dim3A_482 = vector.broadcast %broadcast_in_dim3A_481 : i32 to vector<16xi32>
      %max3A_483 = arith.maxsi %sub3A_480, %broadcast_in_dim3A_482 : vector<16xi32>
      %gather3A_484 = tpu.vector_load_idx %arg14[%max3A_483] : memref<16xf32, #tpu.memory_space<vmem>>[vector<16xi32>], vector<16xf32>,
      %iota3A_485 = tpu.iota {dimensions = array<i32: 0>} : vector<16xi32>
      %broadcast_in_dim3A_486 = arith.constant 4 : i32
      %broadcast_in_dim3A_487 = vector.broadcast %broadcast_in_dim3A_486 : i32 to vector<16xi32>
      %ge3A_488 = arith.cmpi sge, %iota3A_485, %broadcast_in_dim3A_487 : vector<16xi32>
      %broadcast_in_dim3A_489 = arith.constant 0.000000e+00 : f32
      %broadcast_in_dim3A_490 = vector.broadcast %broadcast_in_dim3A_489 : f32 to vector<16xf32>
      %select_n3A_491 = arith.select %ge3A_488, %gather3A_484, %broadcast_in_dim3A_490 : vector<16xi1>, vector<16xf32>
      %add3A_492 = arith.addf %add3A_474, %select_n3A_491 : vector<16xf32>
      %swap3A_493 = arith.constant 0 : index
      %swap3A_494 = tpu.vector_load %arg14[%swap3A_493] {strides = array<i32>} : memref<16xf32, #tpu.memory_space<vmem>>, vector<16xf32>,
      tpu.vector_store %arg14[%swap3A_493], %add3A_492 {strides = array<i32>} : memref<16xf32, #tpu.memory_space<vmem>>, vector<16xf32>,
      %iota3A_495 = tpu.iota {dimensions = array<i32: 0>} : vector<16xi32>
      %sub3A_496 = arith.constant 8 : i32
      %sub3A_497 = vector.broadcast %sub3A_496 : i32 to vector<16xi32>
      %sub3A_498 = arith.subi %iota3A_495, %sub3A_497 : vector<16xi32>
      %broadcast_in_dim3A_499 = arith.constant 0 : i32
      %broadcast_in_dim3A_500 = vector.broadcast %broadcast_in_dim3A_499 : i32 to vector<16xi32>
      %max3A_501 = arith.maxsi %sub3A_498, %broadcast_in_dim3A_500 : vector<16xi32>
      %gather3A_502 = tpu.vector_load_idx %arg14[%max3A_501] : memref<16xf32, #tpu.memory_space<vmem>>[vector<16xi32>], vector<16xf32>,
      %iota3A_503 = tpu.iota {dimensions = array<i32: 0>} : vector<16xi32>
      %broadcast_in_dim3A_504 = arith.constant 8 : i32
      %broadcast_in_dim3A_505 = vector.broadcast %broadcast_in_dim3A_504 : i32 to vector<16xi32>
      %ge3A_506 = arith.cmpi sge, %iota3A_503, %broadcast_in_dim3A_505 : vector<16xi32>
      %broadcast_in_dim3A_507 = arith.constant 0.000000e+00 : f32
      %broadcast_in_dim3A_508 = vector.broadcast %broadcast_in_dim3A_507 : f32 to vector<16xf32>
      %select_n3A_509 = arith.select %ge3A_506, %gather3A_502, %broadcast_in_dim3A_508 : vector<16xi1>, vector<16xf32>
      %add3A_510 = arith.addf %add3A_492, %select_n3A_509 : vector<16xf32>
      %sub3A_511 = arith.subf %add3A_510, %mul3A_204 : vector<16xf32>
      %add3A_512 = arith.addf %sub3A_511, %add3A_438 : vector<16xf32>
      %slice3A_513 = vector.extract_strided_slice %add3A_510 {offsets = [15], sizes = [1], strides = [1]} : vector<16xf32> to vector<1xf32>
      %squeeze3A_514 = vector.extract %slice3A_513[0] : f32 from vector<1xf32>
      %broadcast_in_dim3A_515 = vector.broadcast %squeeze3A_514 : f32 to vector<16xf32>
      %add3A_516 = arith.addf %add3A_438, %broadcast_in_dim3A_515 : vector<16xf32>
      %lt3A_517 = arith.cmpf olt, %add3A_278, %gather3A_110 : vector<16xf32>
      %lt3A_518 = arith.cmpf olt, %add3A_356, %gather3A_110 : vector<16xf32>
      %lt3A_519 = arith.cmpf olt, %add3A_434, %gather3A_110 : vector<16xf32>
      %lt3A_520 = arith.cmpf olt, %add3A_512, %gather3A_110 : vector<16xf32>
      %slice3A_521 = vector.extract_strided_slice %mul3A_201 {offsets = [0], sizes = [1], strides = [1]} : vector<16xf32> to vector<1xf32>
      %squeeze3A_522 = vector.extract %slice3A_521[0] : f32 from vector<1xf32>
      %broadcast_in_dim3A_523 = vector.broadcast %squeeze3A_522 : f32 to vector<16xf32>
      %mul3A_524 = arith.mulf %gather3A_114, %broadcast_in_dim3A_523 : vector<16xf32>
      %ge3A_525 = arith.cmpf oge, %mul3A_201, %mul3A_524 : vector<16xf32>
      %ge3A_526 = arith.cmpf oge, %mul3A_202, %mul3A_524 : vector<16xf32>
      %ge3A_527 = arith.cmpf oge, %mul3A_203, %mul3A_524 : vector<16xf32>
      %ge3A_528 = arith.cmpf oge, %mul3A_204, %mul3A_524 : vector<16xf32>
      %and3A = arith.andi %lt3A_137, %lt3A_517 : vector<16xi1>
      %and3A_529 = arith.andi %and3A, %ge3A_525 : vector<16xi1>
      %broadcast_in_dim3A_530 = arith.constant 0 : i32
      %broadcast_in_dim3A_531 = vector.broadcast %broadcast_in_dim3A_530 : i32 to vector<16xi32>
      %eq3A = arith.cmpi eq, %add3A_120, %broadcast_in_dim3A_531 : vector<16xi32>
      %or3A = arith.ori %and3A_529, %eq3A : vector<16xi1>
      %and3A_532 = arith.andi %lt3A_138, %lt3A_518 : vector<16xi1>
      %and3A_533 = arith.andi %and3A_532, %ge3A_526 : vector<16xi1>
      %broadcast_in_dim3A_534 = arith.constant 0 : i32
      %broadcast_in_dim3A_535 = vector.broadcast %broadcast_in_dim3A_534 : i32 to vector<16xi32>
      %eq3A_536 = arith.cmpi eq, %add3A_124, %broadcast_in_dim3A_535 : vector<16xi32>
      %or3A_537 = arith.ori %and3A_533, %eq3A_536 : vector<16xi1>
      %and3A_538 = arith.andi %lt3A_139, %lt3A_519 : vector<16xi1>
      %and3A_539 = arith.andi %and3A_538, %ge3A_527 : vector<16xi1>
      %broadcast_in_dim3A_540 = arith.constant 0 : i32
      %broadcast_in_dim3A_541 = vector.broadcast %broadcast_in_dim3A_540 : i32 to vector<16xi32>
      %eq3A_542 = arith.cmpi eq, %add3A_128, %broadcast_in_dim3A_541 : vector<16xi32>
      %or3A_543 = arith.ori %and3A_539, %eq3A_542 : vector<16xi1>
      %and3A_544 = arith.andi %lt3A_140, %lt3A_520 : vector<16xi1>
      %and3A_545 = arith.andi %and3A_544, %ge3A_528 : vector<16xi1>
      %broadcast_in_dim3A_546 = arith.constant 0 : i32
      %broadcast_in_dim3A_547 = vector.broadcast %broadcast_in_dim3A_546 : i32 to vector<16xi32>
      %eq3A_548 = arith.cmpi eq, %add3A_132, %broadcast_in_dim3A_547 : vector<16xi32>
      %or3A_549 = arith.ori %and3A_545, %eq3A_548 : vector<16xi1>
      %broadcast_in_dim3A_550 = arith.constant 0.000000e+00 : f32
      %broadcast_in_dim3A_551 = vector.broadcast %broadcast_in_dim3A_550 : f32 to vector<16xf32>
      %select_n3A_552 = arith.select %or3A, %mul3A_201, %broadcast_in_dim3A_551 : vector<16xi1>, vector<16xf32>
      %broadcast_in_dim3A_553 = arith.constant 0.000000e+00 : f32
      %broadcast_in_dim3A_554 = vector.broadcast %broadcast_in_dim3A_553 : f32 to vector<16xf32>
      %select_n3A_555 = arith.select %or3A_537, %mul3A_202, %broadcast_in_dim3A_554 : vector<16xi1>, vector<16xf32>
      %broadcast_in_dim3A_556 = arith.constant 0.000000e+00 : f32
      %broadcast_in_dim3A_557 = vector.broadcast %broadcast_in_dim3A_556 : f32 to vector<16xf32>
      %select_n3A_558 = arith.select %or3A_543, %mul3A_203, %broadcast_in_dim3A_557 : vector<16xi1>, vector<16xf32>
      %broadcast_in_dim3A_559 = arith.constant 0.000000e+00 : f32
      %broadcast_in_dim3A_560 = vector.broadcast %broadcast_in_dim3A_559 : f32 to vector<16xf32>
      %select_n3A_561 = arith.select %or3A_549, %mul3A_204, %broadcast_in_dim3A_560 : vector<16xi1>, vector<16xf32>
      %add3A_562 = arith.addf %select_n3A_552, %select_n3A_555 : vector<16xf32>
      %add3A_563 = arith.addf %add3A_562, %select_n3A_558 : vector<16xf32>
      %add3A_564 = arith.addf %add3A_563, %select_n3A_561 : vector<16xf32>
      %swap3A_565 = arith.constant 0 : index
      %swap3A_566 = tpu.vector_load %arg14[%swap3A_565] {strides = array<i32>} : memref<16xf32, #tpu.memory_space<vmem>>, vector<16xf32>,
      tpu.vector_store %arg14[%swap3A_565], %add3A_564 {strides = array<i32>} : memref<16xf32, #tpu.memory_space<vmem>>, vector<16xf32>,
      %iota3A_567 = tpu.iota {dimensions = array<i32: 0>} : vector<16xi32>
      %xor3A_568 = arith.constant 8 : i32
      %xor3A_569 = vector.broadcast %xor3A_568 : i32 to vector<16xi32>
      %xor3A_570 = arith.xori %iota3A_567, %xor3A_569 : vector<16xi32>
      %gather3A_571 = tpu.vector_load_idx %arg14[%xor3A_570] : memref<16xf32, #tpu.memory_space<vmem>>[vector<16xi32>], vector<16xf32>,
      %add3A_572 = arith.addf %add3A_564, %gather3A_571 : vector<16xf32>
      %swap3A_573 = arith.constant 0 : index
      %swap3A_574 = tpu.vector_load %arg14[%swap3A_573] {strides = array<i32>} : memref<16xf32, #tpu.memory_space<vmem>>, vector<16xf32>,
      tpu.vector_store %arg14[%swap3A_573], %add3A_572 {strides = array<i32>} : memref<16xf32, #tpu.memory_space<vmem>>, vector<16xf32>,
      %iota3A_575 = tpu.iota {dimensions = array<i32: 0>} : vector<16xi32>
      %xor3A_576 = arith.constant 4 : i32
      %xor3A_577 = vector.broadcast %xor3A_576 : i32 to vector<16xi32>
      %xor3A_578 = arith.xori %iota3A_575, %xor3A_577 : vector<16xi32>
      %gather3A_579 = tpu.vector_load_idx %arg14[%xor3A_578] : memref<16xf32, #tpu.memory_space<vmem>>[vector<16xi32>], vector<16xf32>,
      %add3A_580 = arith.addf %add3A_572, %gather3A_579 : vector<16xf32>
      %swap3A_581 = arith.constant 0 : index
      %swap3A_582 = tpu.vector_load %arg14[%swap3A_581] {strides = array<i32>} : memref<16xf32, #tpu.memory_space<vmem>>, vector<16xf32>,
      tpu.vector_store %arg14[%swap3A_581], %add3A_580 {strides = array<i32>} : memref<16xf32, #tpu.memory_space<vmem>>, vector<16xf32>,
      %iota3A_583 = tpu.iota {dimensions = array<i32: 0>} : vector<16xi32>
      %xor3A_584 = arith.constant 2 : i32
      %xor3A_585 = vector.broadcast %xor3A_584 : i32 to vector<16xi32>
      %xor3A_586 = arith.xori %iota3A_583, %xor3A_585 : vector<16xi32>
      %gather3A_587 = tpu.vector_load_idx %arg14[%xor3A_586] : memref<16xf32, #tpu.memory_space<vmem>>[vector<16xi32>], vector<16xf32>,
      %add3A_588 = arith.addf %add3A_580, %gather3A_587 : vector<16xf32>
      %swap3A_589 = arith.constant 0 : index
      %swap3A_590 = tpu.vector_load %arg14[%swap3A_589] {strides = array<i32>} : memref<16xf32, #tpu.memory_space<vmem>>, vector<16xf32>,
      tpu.vector_store %arg14[%swap3A_589], %add3A_588 {strides = array<i32>} : memref<16xf32, #tpu.memory_space<vmem>>, vector<16xf32>,
      %iota3A_591 = tpu.iota {dimensions = array<i32: 0>} : vector<16xi32>
      %xor3A_592 = arith.constant 1 : i32
      %xor3A_593 = vector.broadcast %xor3A_592 : i32 to vector<16xi32>
      %xor3A_594 = arith.xori %iota3A_591, %xor3A_593 : vector<16xi32>
      %gather3A_595 = tpu.vector_load_idx %arg14[%xor3A_594] : memref<16xf32, #tpu.memory_space<vmem>>[vector<16xi32>], vector<16xf32>,
      %add3A_596 = arith.addf %add3A_588, %gather3A_595 : vector<16xf32>
      %broadcast_in_dim3A_597 = arith.constant 1.000000e+00 : f32
      %broadcast_in_dim3A_598 = vector.broadcast %broadcast_in_dim3A_597 : f32 to vector<16xf32>
      %div3A_599 = arith.divf %broadcast_in_dim3A_598, %add3A_596 : vector<16xf32>
      %mul3A_600 = arith.mulf %select_n3A_552, %div3A_599 : vector<16xf32>
      %mul3A_601 = arith.constant 64 : i32
      %mul3A_602 = arith.muli %scan3A_19, %mul3A_601 : i32
      %add3A_603 = arith.constant 0 : i32
      %add3A_604 = arith.addi %mul3A_602, %add3A_603 : i32
      %swap3A_605 = arith.index_cast %add3A_604 : i32 to index
      %swap3A_606 = tpu.vector_load %arg16[%swap3A_605] {strides = array<i32>} : memref<256xf32, #tpu.memory_space<vmem>>, vector<16xf32>,
      tpu.vector_store %arg16[%swap3A_605], %mul3A_600 {strides = array<i32>} : memref<256xf32, #tpu.memory_space<vmem>>, vector<16xf32>,
      %mul3A_607 = arith.mulf %select_n3A_555, %div3A_599 : vector<16xf32>
      %mul3A_608 = arith.constant 64 : i32
      %mul3A_609 = arith.muli %scan3A_19, %mul3A_608 : i32
      %add3A_610 = arith.constant 16 : i32
      %add3A_611 = arith.addi %mul3A_609, %add3A_610 : i32
      %swap3A_612 = arith.index_cast %add3A_611 : i32 to index
      %swap3A_613 = tpu.vector_load %arg16[%swap3A_612] {strides = array<i32>} : memref<256xf32, #tpu.memory_space<vmem>>, vector<16xf32>,
      tpu.vector_store %arg16[%swap3A_612], %mul3A_607 {strides = array<i32>} : memref<256xf32, #tpu.memory_space<vmem>>, vector<16xf32>,
      %mul3A_614 = arith.mulf %select_n3A_558, %div3A_599 : vector<16xf32>
      %mul3A_615 = arith.constant 64 : i32
      %mul3A_616 = arith.muli %scan3A_19, %mul3A_615 : i32
      %add3A_617 = arith.constant 32 : i32
      %add3A_618 = arith.addi %mul3A_616, %add3A_617 : i32
      %swap3A_619 = arith.index_cast %add3A_618 : i32 to index
      %swap3A_620 = tpu.vector_load %arg16[%swap3A_619] {strides = array<i32>} : memref<256xf32, #tpu.memory_space<vmem>>, vector<16xf32>,
      tpu.vector_store %arg16[%swap3A_619], %mul3A_614 {strides = array<i32>} : memref<256xf32, #tpu.memory_space<vmem>>, vector<16xf32>,
      %mul3A_621 = arith.mulf %select_n3A_561, %div3A_599 : vector<16xf32>
      %mul3A_622 = arith.constant 64 : i32
      %mul3A_623 = arith.muli %scan3A_19, %mul3A_622 : i32
      %add3A_624 = arith.constant 48 : i32
      %add3A_625 = arith.addi %mul3A_623, %add3A_624 : i32
      %swap3A_626 = arith.index_cast %add3A_625 : i32 to index
      %swap3A_627 = tpu.vector_load %arg16[%swap3A_626] {strides = array<i32>} : memref<256xf32, #tpu.memory_space<vmem>>, vector<16xf32>,
      tpu.vector_store %arg16[%swap3A_626], %mul3A_621 {strides = array<i32>} : memref<256xf32, #tpu.memory_space<vmem>>, vector<16xf32>,
      %mul3A_628 = arith.constant 64 : i32
      %mul3A_629 = arith.muli %scan3A_19, %mul3A_628 : i32
      %add3A_630 = arith.constant 0 : i32
      %add3A_631 = arith.addi %mul3A_629, %add3A_630 : i32
      %get3A = arith.index_cast %add3A_631 : i32 to index
      %get3A_632 = tpu.vector_load %arg8[%get3A] {strides = array<i32>} : memref<256xf32, #tpu.memory_space<vmem>>, vector<16xf32>,
      %mul3A_633 = arith.constant 64 : i32
      %mul3A_634 = arith.muli %scan3A_19, %mul3A_633 : i32
      %add3A_635 = arith.constant 16 : i32
      %add3A_636 = arith.addi %mul3A_634, %add3A_635 : i32
      %get3A_637 = arith.index_cast %add3A_636 : i32 to index
      %get3A_638 = tpu.vector_load %arg8[%get3A_637] {strides = array<i32>} : memref<256xf32, #tpu.memory_space<vmem>>, vector<16xf32>,
      %mul3A_639 = arith.constant 64 : i32
      %mul3A_640 = arith.muli %scan3A_19, %mul3A_639 : i32
      %add3A_641 = arith.constant 32 : i32
      %add3A_642 = arith.addi %mul3A_640, %add3A_641 : i32
      %get3A_643 = arith.index_cast %add3A_642 : i32 to index
      %get3A_644 = tpu.vector_load %arg8[%get3A_643] {strides = array<i32>} : memref<256xf32, #tpu.memory_space<vmem>>, vector<16xf32>,
      %mul3A_645 = arith.constant 64 : i32
      %mul3A_646 = arith.muli %scan3A_19, %mul3A_645 : i32
      %add3A_647 = arith.constant 48 : i32
      %add3A_648 = arith.addi %mul3A_646, %add3A_647 : i32
      %get3A_649 = arith.index_cast %add3A_648 : i32 to index
      %get3A_650 = tpu.vector_load %arg8[%get3A_649] {strides = array<i32>} : memref<256xf32, #tpu.memory_space<vmem>>, vector<16xf32>,
      %add3A_651 = arith.addf %select_n3A_144, %get3A_632 : vector<16xf32>
      %broadcast_in_dim3A_652 = arith.constant -1.000000e+30 : f32
      %broadcast_in_dim3A_653 = vector.broadcast %broadcast_in_dim3A_652 : f32 to vector<16xf32>
      %select_n3A_654 = arith.select %or3A, %add3A_651, %broadcast_in_dim3A_653 : vector<16xi1>, vector<16xf32>
      %add3A_655 = arith.addf %select_n3A_148, %get3A_638 : vector<16xf32>
      %broadcast_in_dim3A_656 = arith.constant -1.000000e+30 : f32
      %broadcast_in_dim3A_657 = vector.broadcast %broadcast_in_dim3A_656 : f32 to vector<16xf32>
      %select_n3A_658 = arith.select %or3A_537, %add3A_655, %broadcast_in_dim3A_657 : vector<16xi1>, vector<16xf32>
      %add3A_659 = arith.addf %select_n3A_152, %get3A_644 : vector<16xf32>
      %broadcast_in_dim3A_660 = arith.constant -1.000000e+30 : f32
      %broadcast_in_dim3A_661 = vector.broadcast %broadcast_in_dim3A_660 : f32 to vector<16xf32>
      %select_n3A_662 = arith.select %or3A_543, %add3A_659, %broadcast_in_dim3A_661 : vector<16xi1>, vector<16xf32>
      %add3A_663 = arith.addf %select_n3A_156, %get3A_650 : vector<16xf32>
      %broadcast_in_dim3A_664 = arith.constant -1.000000e+30 : f32
      %broadcast_in_dim3A_665 = vector.broadcast %broadcast_in_dim3A_664 : f32 to vector<16xf32>
      %select_n3A_666 = arith.select %or3A_549, %add3A_663, %broadcast_in_dim3A_665 : vector<16xi1>, vector<16xf32>
      %max3A_667 = arith.maximumf %select_n3A_654, %select_n3A_658 : vector<16xf32>
      %max3A_668 = arith.maximumf %select_n3A_662, %select_n3A_666 : vector<16xf32>
      %max3A_669 = arith.maximumf %max3A_667, %max3A_668 : vector<16xf32>
      %iota3A_670 = tpu.iota {dimensions = array<i32: 0>} : vector<16xi32>
      %masked_sort3A = arith.constant dense<true> : vector<16xi1>
      %masked_sort3A_671, %masked_sort3A_672, %masked_sort3A_673 = tpu.sort %max3A_669, %iota3A_670 masked %masked_sort3A {descending = true} : (vector<16xf32>, vector<16xi32>, vector<16xi1>) -> (vector<16xi1>, vector<16xf32>, vector<16xi32>)
      %slice3A_674 = vector.extract_strided_slice %masked_sort3A_672 {offsets = [0], sizes = [1], strides = [1]} : vector<16xf32> to vector<1xf32>
      %squeeze3A_675 = vector.extract %slice3A_674[0] : f32 from vector<1xf32>
      %broadcast_in_dim3A_676 = vector.broadcast %squeeze3A_675 : f32 to vector<16xf32>
      %eq3A_677 = arith.cmpf oeq, %select_n3A_654, %broadcast_in_dim3A_676 : vector<16xf32>
      %broadcast_in_dim3A_678 = arith.constant 64 : i32
      %broadcast_in_dim3A_679 = vector.broadcast %broadcast_in_dim3A_678 : i32 to vector<16xi32>
      %select_n3A_680 = arith.select %eq3A_677, %add3A_120, %broadcast_in_dim3A_679 : vector<16xi1>, vector<16xi32>
      %eq3A_681 = arith.cmpf oeq, %select_n3A_658, %broadcast_in_dim3A_676 : vector<16xf32>
      %broadcast_in_dim3A_682 = arith.constant 64 : i32
      %broadcast_in_dim3A_683 = vector.broadcast %broadcast_in_dim3A_682 : i32 to vector<16xi32>
      %select_n3A_684 = arith.select %eq3A_681, %add3A_124, %broadcast_in_dim3A_683 : vector<16xi1>, vector<16xi32>
      %eq3A_685 = arith.cmpf oeq, %select_n3A_662, %broadcast_in_dim3A_676 : vector<16xf32>
      %broadcast_in_dim3A_686 = arith.constant 64 : i32
      %broadcast_in_dim3A_687 = vector.broadcast %broadcast_in_dim3A_686 : i32 to vector<16xi32>
      %select_n3A_688 = arith.select %eq3A_685, %add3A_128, %broadcast_in_dim3A_687 : vector<16xi1>, vector<16xi32>
      %eq3A_689 = arith.cmpf oeq, %select_n3A_666, %broadcast_in_dim3A_676 : vector<16xf32>
      %broadcast_in_dim3A_690 = arith.constant 64 : i32
      %broadcast_in_dim3A_691 = vector.broadcast %broadcast_in_dim3A_690 : i32 to vector<16xi32>
      %select_n3A_692 = arith.select %eq3A_689, %add3A_132, %broadcast_in_dim3A_691 : vector<16xi1>, vector<16xi32>
      %min3A = arith.minsi %select_n3A_680, %select_n3A_684 : vector<16xi32>
      %min3A_693 = arith.minsi %select_n3A_688, %select_n3A_692 : vector<16xi32>
      %min3A_694 = arith.minsi %min3A, %min3A_693 : vector<16xi32>
      %iota3A_695 = tpu.iota {dimensions = array<i32: 0>} : vector<16xi32>
      %masked_sort3A_696 = arith.constant dense<true> : vector<16xi1>
      %masked_sort3A_697 = arith.constant -2147483648 : i32
      %masked_sort3A_698 = vector.broadcast %masked_sort3A_697 : i32 to vector<16xi32>
      %masked_sort3A_699 = arith.xori %min3A_694, %masked_sort3A_698 : vector<16xi32>
      %masked_sort3A_700, %masked_sort3A_701, %masked_sort3A_702 = tpu.sort %masked_sort3A_699, %iota3A_695 masked %masked_sort3A_696 : (vector<16xi32>, vector<16xi32>, vector<16xi1>) -> (vector<16xi1>, vector<16xi32>, vector<16xi32>)
      %masked_sort3A_703 = arith.xori %masked_sort3A_701, %masked_sort3A_698 : vector<16xi32>
      %slice3A_704 = vector.extract_strided_slice %masked_sort3A_703 {offsets = [0], sizes = [1], strides = [1]} : vector<16xi32> to vector<1xi32>
      %squeeze3A_705 = vector.extract %slice3A_704[0] : i32 from vector<1xi32>
      %broadcast_in_dim3A_706 = vector.broadcast %squeeze3A_705 : i32 to vector<16xi32>
      %eq3A_707 = arith.cmpi eq, %add3A_120, %broadcast_in_dim3A_706 : vector<16xi32>
      %broadcast_in_dim3A_708 = arith.constant 0 : i32
      %broadcast_in_dim3A_709 = vector.broadcast %broadcast_in_dim3A_708 : i32 to vector<16xi32>
      %select_n3A_710 = arith.select %eq3A_707, %scan3A_100#5, %broadcast_in_dim3A_709 : vector<16xi1>, vector<16xi32>
      %eq3A_711 = arith.cmpi eq, %add3A_124, %broadcast_in_dim3A_706 : vector<16xi32>
      %broadcast_in_dim3A_712 = arith.constant 0 : i32
      %broadcast_in_dim3A_713 = vector.broadcast %broadcast_in_dim3A_712 : i32 to vector<16xi32>
      %select_n3A_714 = arith.select %eq3A_711, %scan3A_100#6, %broadcast_in_dim3A_713 : vector<16xi1>, vector<16xi32>
      %eq3A_715 = arith.cmpi eq, %add3A_128, %broadcast_in_dim3A_706 : vector<16xi32>
      %broadcast_in_dim3A_716 = arith.constant 0 : i32
      %broadcast_in_dim3A_717 = vector.broadcast %broadcast_in_dim3A_716 : i32 to vector<16xi32>
      %select_n3A_718 = arith.select %eq3A_715, %scan3A_100#7, %broadcast_in_dim3A_717 : vector<16xi1>, vector<16xi32>
      %eq3A_719 = arith.cmpi eq, %add3A_132, %broadcast_in_dim3A_706 : vector<16xi32>
      %broadcast_in_dim3A_720 = arith.constant 0 : i32
      %broadcast_in_dim3A_721 = vector.broadcast %broadcast_in_dim3A_720 : i32 to vector<16xi32>
      %select_n3A_722 = arith.select %eq3A_719, %scan3A_100#8, %broadcast_in_dim3A_721 : vector<16xi1>, vector<16xi32>
      %add3A_723 = arith.addi %select_n3A_710, %select_n3A_714 : vector<16xi32>
      %add3A_724 = arith.addi %add3A_723, %select_n3A_718 : vector<16xi32>
      %add3A_725 = arith.addi %add3A_724, %select_n3A_722 : vector<16xi32>
      %swap3A_726 = arith.constant 0 : index
      %swap3A_727 = tpu.vector_load %arg15[%swap3A_726] {strides = array<i32>} : memref<16xi32, #tpu.memory_space<vmem>>, vector<16xi32>,
      tpu.vector_store %arg15[%swap3A_726], %add3A_725 {strides = array<i32>} : memref<16xi32, #tpu.memory_space<vmem>>, vector<16xi32>,
      %iota3A_728 = tpu.iota {dimensions = array<i32: 0>} : vector<16xi32>
      %xor3A_729 = arith.constant 8 : i32
      %xor3A_730 = vector.broadcast %xor3A_729 : i32 to vector<16xi32>
      %xor3A_731 = arith.xori %iota3A_728, %xor3A_730 : vector<16xi32>
      %gather3A_732 = tpu.vector_load_idx %arg15[%xor3A_731] : memref<16xi32, #tpu.memory_space<vmem>>[vector<16xi32>], vector<16xi32>,
      %add3A_733 = arith.addi %add3A_725, %gather3A_732 : vector<16xi32>
      %swap3A_734 = arith.constant 0 : index
      %swap3A_735 = tpu.vector_load %arg15[%swap3A_734] {strides = array<i32>} : memref<16xi32, #tpu.memory_space<vmem>>, vector<16xi32>,
      tpu.vector_store %arg15[%swap3A_734], %add3A_733 {strides = array<i32>} : memref<16xi32, #tpu.memory_space<vmem>>, vector<16xi32>,
      %iota3A_736 = tpu.iota {dimensions = array<i32: 0>} : vector<16xi32>
      %xor3A_737 = arith.constant 4 : i32
      %xor3A_738 = vector.broadcast %xor3A_737 : i32 to vector<16xi32>
      %xor3A_739 = arith.xori %iota3A_736, %xor3A_738 : vector<16xi32>
      %gather3A_740 = tpu.vector_load_idx %arg15[%xor3A_739] : memref<16xi32, #tpu.memory_space<vmem>>[vector<16xi32>], vector<16xi32>,
      %add3A_741 = arith.addi %add3A_733, %gather3A_740 : vector<16xi32>
      %swap3A_742 = arith.constant 0 : index
      %swap3A_743 = tpu.vector_load %arg15[%swap3A_742] {strides = array<i32>} : memref<16xi32, #tpu.memory_space<vmem>>, vector<16xi32>,
      tpu.vector_store %arg15[%swap3A_742], %add3A_741 {strides = array<i32>} : memref<16xi32, #tpu.memory_space<vmem>>, vector<16xi32>,
      %iota3A_744 = tpu.iota {dimensions = array<i32: 0>} : vector<16xi32>
      %xor3A_745 = arith.constant 2 : i32
      %xor3A_746 = vector.broadcast %xor3A_745 : i32 to vector<16xi32>
      %xor3A_747 = arith.xori %iota3A_744, %xor3A_746 : vector<16xi32>
      %gather3A_748 = tpu.vector_load_idx %arg15[%xor3A_747] : memref<16xi32, #tpu.memory_space<vmem>>[vector<16xi32>], vector<16xi32>,
      %add3A_749 = arith.addi %add3A_741, %gather3A_748 : vector<16xi32>
      %swap3A_750 = arith.constant 0 : index
      %swap3A_751 = tpu.vector_load %arg15[%swap3A_750] {strides = array<i32>} : memref<16xi32, #tpu.memory_space<vmem>>, vector<16xi32>,
      tpu.vector_store %arg15[%swap3A_750], %add3A_749 {strides = array<i32>} : memref<16xi32, #tpu.memory_space<vmem>>, vector<16xi32>,
      %iota3A_752 = tpu.iota {dimensions = array<i32: 0>} : vector<16xi32>
      %xor3A_753 = arith.constant 1 : i32
      %xor3A_754 = vector.broadcast %xor3A_753 : i32 to vector<16xi32>
      %xor3A_755 = arith.xori %iota3A_752, %xor3A_754 : vector<16xi32>
      %gather3A_756 = tpu.vector_load_idx %arg15[%xor3A_755] : memref<16xi32, #tpu.memory_space<vmem>>[vector<16xi32>], vector<16xi32>,
      %add3A_757 = arith.addi %add3A_749, %gather3A_756 : vector<16xi32>
      %iota3A_758 = tpu.iota {dimensions = array<i32: 0>} : vector<16xi32>
      %broadcast_in_dim3A_759 = vector.broadcast %scan3A_19 : i32 to vector<16xi32>
      %eq3A_760 = arith.cmpi eq, %iota3A_758, %broadcast_in_dim3A_759 : vector<16xi32>
      %select_n3A_761 = arith.select %eq3A_760, %add3A_757, %scan3A_20 : vector<16xi1>, vector<16xi32>
      scf.yield %select_n3A_761 : vector<16xi32>
    }
    %scan3A_13 = arith.constant 4 : i32
    %swap3A = arith.constant 0 : index
    %swap3A_14 = tpu.vector_load %arg17[%swap3A] {strides = array<i32>} : memref<16xi32, #tpu.memory_space<vmem>>, vector<16xi32>,
    tpu.vector_store %arg17[%swap3A], %scan3A_12 {strides = array<i32>} : memref<16xi32, #tpu.memory_space<vmem>>, vector<16xi32>,
    %mul3A_15 = arith.constant 4 : i32
    %mul3A_16 = arith.muli %add3A, %mul3A_15 : i32
    %mul3A_17 = arith.constant 64 : i32
    %mul3A_18 = arith.muli %mul3A_16, %mul3A_17 : i32
    "tpu.region"() ({
      %run_scoped3A = tpu.sem_alloc : memref<!tpu.dma_semaphore, #tpu.memory_space<semaphore_mem>>
      %dma_start3A_19 = tpu.memref_slice %arg5[%mul3A_18] : memref<8192xf32, #tpu.memory_space<hbm>> -> memref<256xf32, #tpu.memory_space<hbm>>
      %dma_start3A_20 = tpu.memref_slice %arg5[%mul3A_18] : memref<8192xf32, #tpu.memory_space<hbm>> -> memref<256xf32, #tpu.memory_space<hbm>>
      tpu.enqueue_dma source(%arg16 : memref<256xf32, #tpu.memory_space<vmem>>) target(%dma_start3A_20 : memref<256xf32, #tpu.memory_space<hbm>>) target_semaphore(%run_scoped3A : memref<!tpu.dma_semaphore, #tpu.memory_space<semaphore_mem>>)
      %dma_wait3A = tpu.memref_slice %arg5[%mul3A_18] : memref<8192xf32, #tpu.memory_space<hbm>> -> memref<256xf32, #tpu.memory_space<hbm>>
      %dma_wait3A_21 = tpu.memref_slice %arg5[%mul3A_18] : memref<8192xf32, #tpu.memory_space<hbm>> -> memref<256xf32, #tpu.memory_space<hbm>>
      tpu.wait_dma2 semaphore(%run_scoped3A : memref<!tpu.dma_semaphore, #tpu.memory_space<semaphore_mem>>) src(%arg16 : memref<256xf32, #tpu.memory_space<vmem>>) dst(%dma_wait3A_21 : memref<256xf32, #tpu.memory_space<hbm>>)
      tpu.yield
    }) : () -> ()
    "tpu.region"() ({
      %run_scoped3A = tpu.sem_alloc : memref<!tpu.dma_semaphore, #tpu.memory_space<semaphore_mem>>
      %dma_start3A_19 = arith.constant 0 : i32
      %dma_start3A_20 = tpu.memref_slice %arg6[%add3A, %dma_start3A_19] : memref<32x16xi32, #tpu.memory_space<hbm>> -> memref<1x16xi32, #tpu.memory_space<hbm>>
      %dma_start3A_21 = tpu.memref_squeeze %dma_start3A_20 : memref<1x16xi32, #tpu.memory_space<hbm>> -> memref<16xi32, #tpu.memory_space<hbm>>
      %dma_start3A_22 = arith.constant 0 : i32
      %dma_start3A_23 = tpu.memref_slice %arg6[%add3A, %dma_start3A_22] : memref<32x16xi32, #tpu.memory_space<hbm>> -> memref<1x16xi32, #tpu.memory_space<hbm>>
      %dma_start3A_24 = tpu.memref_squeeze %dma_start3A_23 : memref<1x16xi32, #tpu.memory_space<hbm>> -> memref<16xi32, #tpu.memory_space<hbm>>
      tpu.enqueue_dma source(%arg17 : memref<16xi32, #tpu.memory_space<vmem>>) target(%dma_start3A_24 : memref<16xi32, #tpu.memory_space<hbm>>) target_semaphore(%run_scoped3A : memref<!tpu.dma_semaphore, #tpu.memory_space<semaphore_mem>>)
      %dma_wait3A = arith.constant 0 : i32
      %dma_wait3A_25 = tpu.memref_slice %arg6[%add3A, %dma_wait3A] : memref<32x16xi32, #tpu.memory_space<hbm>> -> memref<1x16xi32, #tpu.memory_space<hbm>>
      %dma_wait3A_26 = tpu.memref_squeeze %dma_wait3A_25 : memref<1x16xi32, #tpu.memory_space<hbm>> -> memref<16xi32, #tpu.memory_space<hbm>>
      %dma_wait3A_27 = arith.constant 0 : i32
      %dma_wait3A_28 = tpu.memref_slice %arg6[%add3A, %dma_wait3A_27] : memref<32x16xi32, #tpu.memory_space<hbm>> -> memref<1x16xi32, #tpu.memory_space<hbm>>
      %dma_wait3A_29 = tpu.memref_squeeze %dma_wait3A_28 : memref<1x16xi32, #tpu.memory_space<hbm>> -> memref<16xi32, #tpu.memory_space<hbm>>
      tpu.wait_dma2 semaphore(%run_scoped3A : memref<!tpu.dma_semaphore, #tpu.memory_space<semaphore_mem>>) src(%arg17 : memref<16xi32, #tpu.memory_space<vmem>>) dst(%dma_wait3A_29 : memref<16xi32, #tpu.memory_space<hbm>>)
      tpu.yield
    }) : () -> ()
    return
  }
}

</mosaic_0001>

<sc_bundles>
// kernel: _sc_call.3.cloned.1.call-start
scs
__scs_entry_jumppad:
0x0: {  	(pc) =	sbr.rel $0x88, $3  }
0x1: {  	(tag) =	ssettag $0x0;
	lr =	simm.s32 $0x1  }
0x2: {  	[smem:$0x3F9E] =	sst lr;
	_ =	strace $0xD0000000  }
0x3: {  	_ = 	snop  }
0x4: {  	_ = 	snop  }
0x5: {  	_ = 	snop  }
0x6: {  	_ = 	snop  }
0x7: {  	_ = 	snop  }
__scs_overlays_trampoline_lowered:
0x8: {  	[smem:$0x3FAD] =	sst s0  }
0x9: {  	[smem:$0x3FAE] =	sst s1  }
0xa: {  	[smem:$0x3FAF] =	sst s2  }
0xb: {  	[smem:$0x3FB0] =	sst s3  }
0xc: {  	[smem:$0x3FB1] =	sst s4  }
0xd: {  	[smem:$0x3FB2] =	sst s5  }
0xe: {  	[smem:$0x3FB3] =	sst s6  }
0xf: {  	[smem:$0x3FB4] =	sst s7  }
0x10: {  	[smem:$0x3FB5] =	sst s8  }
0x11: {  	[smem:$0x3FB6] =	sst s9;
	s0 =	simm.s32 @!p0 $0x0  }
0x12: {  	s1 =	sld [smem:$0x3F9C];
	s0 =	simm.s32 @p0 $0x1  }
0x13: {  	[smem:$0x3FB7] =	sst s0;
	s0 =	simm.s32 @!p1 $0x0  }
0x14: {  	s2 =	sld [smem:$0x3F9B];
	s0 =	simm.s32 @p1 $0x1  }
0x15: {  	[smem:$0x3FB8] =	sst s0;
	s0 =	simm.s32 @!p2 $0x0  }
0x16: {  	s3 =	sld [smem:$0x3FDB];
	s0 =	simm.s32 @p2 $0x1  }
0x17: {  	s4 =	simm.s32 $0x1BF5;
	[smem:$0x3FBA] =	sst s0  }
0x18: {  	s0 =	sld [smem:$0x3F9D];
	_ =	swait.ge [sflag:s4], $0x0  }
0x19: {  	s7 =	sld [smem:$0x3F9E]  }
0x1a: {  	s8 =	sadd.s32 $0xFFFFE003, lr  }
0x1b: {  	s9 =	sadd.s32 $0xFFFFFEF7, lr;
	s5 =	simm.s32 $0xFFFFFFFF;
	p2 =	slt.u32 s8, $0xFFFFF086  }
0x1c: {  	p1 =	slt.u32 s9, $0xF7A;
	s5 =	simm.s32 @!p2 $0x0  }
0x1d: {  	s5 =	simm.s32 @p1 $0x1;
	p0 =	seq.s32 s7, s2  }
0x1e: {  	s7 =	smul.u32 @!p0 $0xF7A, s2;
	p2 =	seq.s32 @!p0 s5, $0x0  }
0x1f: {  	s9 =	smul.u32 $0xF7A, s1;
	s8 =	simm.s32 @!p0 $0x1BF5;
	p2 =	por !p2, p0  }
0x20: {  	[sflag:s8] =	ssyncset.s32 @!p0 $0xFFFFF086;
	s6 =	sadd.s32 @!p0 s3, s7;
	s7 =	simm.s32 @!p0 $0x108  }
0x21: {  	s3 =	sadd.s32 s3, s9;
	s6 =	sadd.s32 @!p0 $0x88, s6;
	s7 =	simm.s32 @p2 $0x1082  }
0x22: {  	[simem:s7], [sflag:s8] =	dma.local @!p0 [hbm:s6], $0xF7A  }
0x23: {  	s9 =	sor.u32 $0xD0000000, s2;
	s6 =	simm.s32 $0x108;
	_ =	swait.ge @!p0 [sflag:s8], $0x0  }
0x24: {  	s3 =	sadd.s32 $0x88, s3;
	s6 =	simm.s32 @!p1 $0x1082;
	[sflag:s4] =	ssyncset.s32 $0xFFFFF086  }
0x25: {  	[simem:s6], [sflag:s4] =	dma.local [hbm:s3], $0xF7A  }
0x26: {  	[smem:$0x3F9E] =	sst s1;
	(tag) =	ssettag s2;
	_ =	strace s9  }
0x27: {  	s1 =	sld [smem:$0x3FAE]  }
0x28: {  	s2 =	sld [smem:$0x3FAF]  }
0x29: {  	s4 =	sld [smem:$0x3FB1]  }
0x2a: {  	p0 =	seq.s32 s5, $0x0;
	s5 =	sld [smem:$0x3FB2]  }
0x2b: {  	s6 =	sld [smem:$0x3FB3]  }
0x2c: {  	s7 =	sld [smem:$0x3FB4]  }
0x2d: {  	s3 =	simm.s32 $0x108;
	s8 =	sld [smem:$0x3FB5]  }
0x2e: {  	s3 =	simm.s32 @!p0 $0x1082;
	s9 =	sld [smem:$0x3FB6]  }
0x2f: {  	lr =	sadd.s32 s0, s3;
	s0 =	sld [smem:$0x3FAD]  }
0x30: {  	s3 =	sld [smem:$0x3FB0]  }
0x31: {  	[smem:$0x3FB9] =	sst s10  }
0x32: {  	s10 =	sld [smem:$0x3FB7];
	_ =	sdelay $0x3  }
0x33: {  	p0 =	seq.s32 s10, $0x1;
	s10 =	sld [smem:$0x3FB9];
	_ =	sdelay $0x3  }
0x34: {  	[smem:$0x3FB9] =	sst s10  }
0x35: {  	s10 =	sld [smem:$0x3FB8];
	_ =	sdelay $0x3  }
0x36: {  	p1 =	seq.s32 s10, $0x1;
	s10 =	sld [smem:$0x3FB9];
	_ =	sdelay $0x3  }
0x37: {  	[smem:$0x3FB9] =	sst s10  }
0x38: {  	s10 =	sld [smem:$0x3FBA]  }
0x39: {  	_ = 	snop;
	(pc) =	sbr.ind lr, $3  }
0x3a: {  	_ = 	snop  }
0x3b: {  	_ = 	snop  }
0x3c: {  	p2 =	seq.s32 s10, $0x1;
	s10 =	sld [smem:$0x3FB9]  }
0x3d: {  	_ =	shalt  }
0x3e: {  	_ =	shalt  }
0x3f: {  	_ =	shalt  }
0x40: {  	_ =	shalt  }
0x41: {  	_ =	shalt  }
0x42: {  	_ =	shalt  }
0x43: {  	_ =	shalt  }
0x44: {  	_ =	shalt  }
0x45: {  	_ =	shalt  }
0x46: {  	_ =	shalt  }
0x47: {  	_ =	shalt  }
0x48: {  	_ =	shalt  }
0x49: {  	_ =	shalt  }
0x4a: {  	_ =	shalt  }
0x4b: {  	_ =	shalt  }
0x4c: {  	_ =	shalt  }
0x4d: {  	_ =	shalt  }
0x4e: {  	_ =	shalt  }
0x4f: {  	_ =	shalt  }
0x50: {  	_ =	shalt  }
0x51: {  	_ =	shalt  }
0x52: {  	_ =	shalt  }
0x53: {  	_ =	shalt  }
0x54: {  	_ =	shalt  }
0x55: {  	_ =	shalt  }
0x56: {  	_ =	shalt  }
0x57: {  	_ =	shalt  }
0x58: {  	_ =	shalt  }
0x59: {  	_ =	shalt  }
0x5a: {  	_ =	shalt  }
0x5b: {  	_ =	shalt  }
0x5c: {  	_ =	shalt  }
0x5d: {  	_ =	shalt  }
0x5e: {  	_ =	shalt  }
0x5f: {  	_ =	shalt  }
0x60: {  	_ =	shalt  }
0x61: {  	_ =	shalt  }
0x62: {  	_ =	shalt  }
0x63: {  	_ =	shalt  }
0x64: {  	_ =	shalt  }
0x65: {  	_ =	shalt  }
0x66: {  	_ =	shalt  }
0x67: {  	_ =	shalt  }
0x68: {  	_ =	shalt  }
0x69: {  	_ =	shalt  }
0x6a: {  	_ =	shalt  }
0x6b: {  	_ =	shalt  }
0x6c: {  	_ =	shalt  }
0x6d: {  	_ =	shalt  }
0x6e: {  	_ =	shalt  }
0x6f: {  	_ =	shalt  }
0x70: {  	_ =	shalt  }
0x71: {  	_ =	shalt  }
0x72: {  	_ =	shalt  }
0x73: {  	_ =	shalt  }
0x74: {  	_ =	shalt  }
0x75: {  	_ =	shalt  }
0x76: {  	_ =	shalt  }
0x77: {  	_ =	shalt  }
0x78: {  	_ =	shalt  }
0x79: {  	_ =	shalt  }
0x7a: {  	_ =	shalt  }
0x7b: {  	_ =	shalt  }
0x7c: {  	_ =	shalt  }
0x7d: {  	_ =	shalt  }
0x7e: {  	_ =	shalt  }
0x7f: {  	_ =	shalt  }
0x80: {  	_ =	shalt  }
0x81: {  	_ =	shalt  }
0x82: {  	_ =	shalt  }
0x83: {  	_ =	shalt  }
0x84: {  	_ =	shalt  }
0x85: {  	_ =	shalt  }
0x86: {  	_ =	shalt  }
0x87: {  	_ =	shalt  }
.Lfunc_end0:
.L_simem_size_0:
called_computation_lowered:
.L_overlay_start_0:
0x88: {  	s2 =	sld [smem:$0x3FD9]  }
0x89: {  	s3 =	sld [smem:$0x3FFE];
	_ =	sdelay $0x1  }
0x8a: {  	s1 =	srdreg.scid  }
0x8b: {  	s0 =	sand.u32 $0x1, s1  }
0x8c: {  	s14 =	sshll.u32 s0, $0xA;
	s2 =	sadd.s32 s3, s2  }
0x8d: {  	s2 =	sadd.s32 s2, s14  }
0x8e: {  	[smem:$0x3FC5] =	sst s2  }
0x8f: {  	_ = 	snop  }
0x90: {  	s2 =	sld [smem:$0x3FD0];
	_ =	sdelay $0x1  }
0x91: {  	s15 =	sld [smem:$0x3FC9]  }
0x92: {  	s5 =	simm.s32 $0xA;
	s6 =	simm.s32 $0x10;
	s4 =	sld [smem:$0x3FC7]  }
0x93: {  	[smem:s6], [sflag:s5] =	dma.local [hbm:s2], $0x1  }
0x94: {  	_ =	swait.eq [sflag:s5], $0x1  }
0x95: {  	[sflag:s5] =	ssyncset.done $0x0  }
0x96: {  	[sflag:s5] =	ssyncadd.s32 $0xFFFFFFFF  }
0x97: {  	s16 =	sld [smem:$0x10];
	(tm) =	ssettm $0x1  }
0x98: {  	s17 =	sld [smem:$0x3FFB];
	_ =	sdelay $0x3  }
0x99: {  	_ =	strace s17  }
0x9a: {  	s5 =	sld [smem:$0x3FFC];
	_ =	sdelay $0x3  }
0x9b: {  	_ =	strace s5  }
0x9c: {  	s5 =	sld [smem:$0x3FFD];
	_ =	sdelay $0x3  }
0x9d: {  	_ =	strace s5  }
0x9e: {  	_ =	strace $0x8FFFFFFF  }
0x9f: {  	s18 =	sld [smem:$0x3FDB];
	_ =	sdelay $0x1  }
0xa0: {  	s19 =	simm.s32 $_scs_section_size  }
0xa1: {  	s7 =	simm.s32 $_size__tile_overlayer_lowered;
	s8 =	simm.s32 $_tile_overlayer_lowered  }
0xa2: {  	s22 =	simm.s32 $0x1BFF;
	s21 =	sshll.u32 s8, $0x1;
	s5 =	sadd.s32 s19, s18  }
0xa3: {  	s9 =	simm.s32 $0x0;
	s20 =	sshll.u32 s7, $0x1;
	s7 =	sadd.s32 s21, s5  }
0xa4: {  	[timem:s9], [sflag:s22] =	dma.local [hbm:s7], s20  }
0xa5: {  	_ =	swait.ge [sflag:s22], s20  }
0xa6: {  	s6 =	ssub.s32 $0x0, s20;
	[sflag:s22] =	ssyncset.done $0x0  }
0xa7: {  	[sflag:s22] =	ssyncadd.s32 s6;
	_ =	sdelay $0x1  }
0xa8: {  	s23 =	simm.s32 $0x1B8B  }
0xa9: {  	_ =	swait.ge [sflag:s23], $0x1  }
0xaa: {  	[sflag:s23] =	ssyncset.done $0x0  }
0xab: {  	s25 =	simm.s32 $0x1B8E;
	s24 =	sld [smem:$0x3FFE];
	[sflag:s23] =	ssyncadd.s32 $0xFFFFFFFF  }
0xac: {  	s26 =	simm.s32 $execute0_lowered;
	[smem:$0x3FD2] =	sst s25  }
0xad: {  	s7 =	sshll.u32 s26, $0x1;
	_ =	strace $0x80000046;
	[dreg:$0x1] =	wrdreg $0xFFFFFFFF  }
0xae: {  	s28 =	simm.s32 $_size_execute0_lowered;
	s5 =	sadd.s32 s5, s7;
	[dreg:$0x0] =	wrdreg $0x0  }
0xaf: {  	s7 =	sshll.u32 s28, $0x1;
	[dreg:$0x2] =	wrdreg s5  }
0xb0: {  	[dreg:$0x3] =	wrdreg s7  }
0xb1: {  	[dreg:$0x4] =	wrdreg $0xC0  }
0xb2: {  	_ =	task [dreg:s9], $0x5FFFF  }
0xb3: {  	[dreg:$0x1] =	wrdreg $0xFFFFFFFF  }
0xb4: {  	[dreg:$0x0] =	wrdreg $0x60  }
0xb5: {  	[dreg:$0x2] =	wrdreg s15  }
0xb6: {  	[dreg:$0x3] =	wrdreg s24  }
0xb7: {  	[dreg:$0x4] =	wrdreg s4  }
0xb8: {  	[dreg:$0x5] =	wrdreg s16  }
0xb9: {  	[dreg:$0x6] =	wrdreg $0x9  }
0xba: {  	_ =	task.clear_ibuf [dreg:s9], $0x7FFFF;
	_ =	strace $0x90000046  }
0xbb: {  	s29 =	simm.s32 $0x9;
	_ =	strace $0x80000048  }
0xbc: {  	_ =	swait.ge [sflag:s29], $0x1  }
0xbd: {  	[sflag:s29] =	ssyncadd.s32 $0xFFFFFFFF  }
0xbe: {  	_ =	strace $0x90000048  }
0xbf: {  	_ =	sfence  }
0xc0: {  	s30 =	sld [smem:$0x0];
	_ =	sdelay $0x2  }
0xc1: {  	s31 =	sshll.u32 s1, $0xD;
	s1 =	sshrl.u32 s1, $0x2  }
0xc2: {  	s3 =	sand.u32 $0x4000, s31;
	s1 =	sadd.s32 s1, s30  }
0xc3: {  	s0 =	sor.u32 s3, s0;
	s1 =	sshll.u32 s1, $0x11  }
0xc4: {  	s0 =	sor.u32 s1, s0  }
0xc5: {  	s0 =	sadd.s32 $0x8F2B, s0  }
0xc6: {  	[sflag:s0] =	ssyncadd.remote.s32 $0x1  }
0xc7: {  	_ =	sfence.sel $0xFFFF  }
0xc8: {  	[dreg:$0x0] =	wrdreg $0xFFFFFFFF;
	(pc) =	sbr.abs _section_cstart, $3  }
0xc9: {  	[dreg:$0x1] =	wrdreg $0xFFFFFFFF  }
0xca: {  	_ =	task.clear_ibuf [dreg:s9], $0x2FFFF;
	_ =	strace $0x9FFFFFFF  }
0xcb: {  	(tm) =	ssettm $0x7FFFFFFF  }
tec
execute0_lowered:
.L_overlay_start_1:
0x0: {  	(tag) =	ssettag $0x1  }
0x1: {  	v0 =	vimm.f32 $1.500000000e+01;
	vm14 =	vcmask $0x300;
	vm13 =	vcmask $0x704  }
0x2: {  	vm12 =	vcmask $0xB08;
	vm9 =	vcmask $0xF0C;
	vm7 =	vcmask $0x1310  }
0x3: {  	vm6 =	vcmask $0x1714;
	vm8 =	vcmask $0x1B18;
	vm10 =	vcmask $0x1F1C  }
0x4: {  	vm11 =	vcmask $0x2320;
	vm5 =	vcmask $0x2724;
	v4 =	vimm.f32 $3.100000000e+01  }
0x5: {  	vm4 =	vcmask $0x2B28;
	vm3 =	vcmask $0x2F2C;
	vm2 =	vcmask $0x3330  }
0x6: {  	v5 =	vimm.f32 $4.700000000e+01;
	vm1 =	vcmask $0x3734;
	vm0 =	vcmask $0x3B38  }
0x7: {  	v6 =	vimm.f32 $6.300000000e+01;
	v7 =	vimm.s32 $0x76543210;
	v10 =	vimm.s32 $0x32107654  }
0x8: {  	v11 =	vimm.s32 $0xDCFE98BA;
	v12 =	vimm.s32 $0x54761032;
	v14 =	vimm.s32 $0xDCBA9876  }
0x9: {  	v15 =	vimm.s32 $0x54321000;
	vm15 =	vcmask $0x3F30;
	v0 =	vsel vm14, $0x0, v0  }
0xa: {  	v4 =	vsel vm14, $0x41800000, v4;
	v5 =	vsel vm14, $0x42000000, v5;
	v6 =	vsel vm14, $0x42400000, v6  }
0xb: {  	v10 =	vunpack.c.l.s4.s8 v10;
	v11 =	vunpack.c.l.s4.s8 v11;
	v12 =	vunpack.c.l.s4.s8 v12  }
0xc: {  	v14 =	vunpack.c.l.s4.s8 v14;
	v15 =	vunpack.c.l.s4.s8 v15;
	v0 =	vsel vm13, $0x3F800000, v0  }
0xd: {  	v4 =	vsel vm13, $0x41880000, v4;
	v5 =	vsel vm13, $0x42040000, v5;
	v6 =	vsel vm13, $0x42440000, v6  }
0xe: {  	v0 =	vsel vm12, $0x40000000, v0;
	v4 =	vsel vm12, $0x41900000, v4;
	v5 =	vsel vm12, $0x42080000, v5  }
0xf: {  	v6 =	vsel vm12, $0x42480000, v6;
	v10 =	vunpack.c.0.s8.s32 v10;
	v14 =	vunpack.c.0.s8.s32 v14  }
0x10: {  	v15 =	vunpack.c.0.s8.s32 v15;
	v0 =	vsel vm9, $0x40400000, v0;
	v4 =	vsel vm9, $0x41980000, v4  }
0x11: {  	v5 =	vsel vm9, $0x420C0000, v5;
	v6 =	vsel vm9, $0x424C0000, v6;
	v1 =	vsel vm7, $0x40800000, v0  }
0x12: {  	v0 =	vimm.f32 $-1.000000020e+30;
	v4 =	vsel vm7, $0x41A00000, v4;
	v5 =	vsel vm7, $0x42100000, v5  }
0x13: {  	v6 =	vsel vm7, $0x42500000, v6;
	v2 =	vsel vm6, $0x40A00000, v1;
	v1 =	vimm.s32 $0x0  }
0x14: {  	v4 =	vsel vm6, $0x41A80000, v4;
	v5 =	vsel vm6, $0x42140000, v5;
	v6 =	vsel vm6, $0x42540000, v6  }
0x15: {  	v3 =	vsel vm8, $0x40C00000, v2;
	v2 =	vlaneseq.u32;
	v5 =	vsel vm8, $0x42180000, v5  }
0x16: {  	v4 =	vsel vm8, $0x41B00000, v4;
	v3 =	vsel vm10, $0x40E00000, v3;
	v5 =	vsel vm10, $0x421C0000, v5  }
0x17: {  	v4 =	vsel vm10, $0x41B80000, v4;
	v3 =	vsel vm11, $0x41000000, v3;
	v5 =	vsel vm11, $0x42200000, v5  }
0x18: {  	v4 =	vsel vm11, $0x41C00000, v4;
	v3 =	vsel vm5, $0x41100000, v3;
	v5 =	vsel vm5, $0x42240000, v5  }
0x19: {  	v4 =	vsel vm5, $0x41C80000, v4;
	v3 =	vsel vm4, $0x41200000, v3;
	v5 =	vsel vm4, $0x42280000, v5  }
0x1a: {  	v8 =	vsel vm3, $0x422C0000, v5;
	v5 =	vsel vm8, $0x42580000, v6;
	v6 =	vimm.s32 $0xFEDCBA98  }
0x1b: {  	v4 =	vsel vm4, $0x41D00000, v4;
	v5 =	vsel vm10, $0x425C0000, v5;
	v6 =	vunpack.c.l.s4.s8 v6  }
0x1c: {  	v9 =	vsel vm11, $0x42600000, v5;
	v5 =	vunpack.c.l.s4.s8 v7;
	v7 =	vimm.s32 $0xBA98FEDC  }
0x1d: {  	v3 =	vsel vm3, $0x41300000, v3;
	v6 =	vunpack.c.0.s8.s32 v6;
	v7 =	vunpack.c.l.s4.s8 v7  }
0x1e: {  	v4 =	vsel vm3, $0x41D80000, v4;
	v3 =	vsel vm2, $0x41400000, v3;
	v5 =	vunpack.c.0.s8.s32 v5  }
0x1f: {  	v4 =	vsel vm2, $0x41E00000, v4;
	v6 =	vand.u32 $0xF, v6;
	v7 =	vunpack.c.0.s8.s32 v7  }
0x20: {  	s0 =	rddreg [dreg:$0x0];
	v5 =	vcombine.low v6, v5;
	v6 =	vunpack.c.0.s8.s32 v11;
	v11 =	vunpack.c.0.s8.s32 v12  }
0x21: {  	s1 =	rddreg [dreg:$0x1];
	v12 =	vcombine.low v10, v7;
	v7 =	vimm.s32 $0xEFCDAB89;
	v10 =	vimm.s32 $0x67452301  }
0x22: {  	s2 =	srdreg.scid;
	s5 =	rddreg [dreg:$0x2];
	v13 =	vcombine.low v11, v6;
	v6 =	vunpack.c.l.s4.s8 v7;
	v11 =	vimm.s32 $0xEDCBA987  }
0x23: {  	s4 =	stileid.u32;
	s9 =	rddreg [dreg:$0x3];
	v7 =	vunpack.c.l.s4.s8 v10;
	v10 =	vimm.s32 $0x65432100;
	v11 =	vunpack.c.l.s4.s8 v11  }
0x24: {  	s12 =	simm.s32 $0x3;
	s16 =	simm.s32 $0x1;
	s17 =	simm.s32 $0xC4D0;
	v8 =	vsel vm2, $0x42300000, v8;
	v3 =	vsel vm1, $0x41500000, v3;
	v10 =	vunpack.c.l.s4.s8 v10  }
0x25: {  	s18 =	simm.s32 $0x18880;
	s19 =	simm.s32 $0x18A80;
	s20 =	simm.s32 $0x2;
	v6 =	vunpack.c.0.s8.s32 v6;
	v7 =	vunpack.c.0.s8.s32 v7;
	v11 =	vunpack.c.0.s8.s32 v11  }
0x26: {  	s21 =	simm.s32 $0x18C80;
	s22 =	simm.s32 $0x1B080;
	s23 =	simm.s32 $0x1D480;
	v4 =	vsel vm1, $0x41E80000, v4;
	v3 =	vsel vm0, $0x41600000, v3;
	v10 =	vunpack.c.0.s8.s32 v10  }
0x27: {  	s24 =	simm.s32 $0x1D500;
	s2 =	sand.u32 $0x1, s2;
	s3 =	sshll.u32 s4, $0x1;
	v9 =	vsel vm5, $0x42640000, v9;
	v16 =	vcombine.low v7, v6;
	v6 =	vand.u32 $0xF, v11  }
0x28: {  	s28 =	simm.s32 $0x0;
	s4 =	sshrl.u32 s4, $0x2;
	s7 =	sor.u32 s2, s3;
	v7 =	vand.u32 $0xF, v14;
	v6 =	vcombine.low v10, v6;
	v10 =	vimm.s32 $0xBA987654  }
0x29: {  	s3 =	simm.s32 $0x0;
	s8 =	sshll.u32 s4, $0xA;
	s2 =	ssub.s32 $0x2, s2;
	v14 =	vimm.s32 $0xE40000;
	v11 =	vimm.s32 $0x32100000;
	v10 =	vunpack.c.l.s4.s8 v10  }
0x2a: {  	s4 =	sshll.u32 s4, $0xB;
	s6 =	sshll.u32 s7, $0x7;
	[smem:$0x7FF] =	sst s3;
	v9 =	vsel vm4, $0x42680000, v9;
	v14 =	vunpack.c.l.s2.s4 v14;
	v11 =	vunpack.c.l.s4.s8 v11  }
0x2b: {  	s10 =	sshrl.u32 s2, $0x1;
	s11 =	smul.u32 $0x61A80, s7;
	s31 =	sshll.u32 s7, $0x5;
	v4 =	vsel vm0, $0x41F00000, v4;
	v9 =	vsel vm3, $0x426C0000, v9;
	v10 =	vunpack.c.0.s8.s32 v10  }
0x2c: {  	s6 =	sand.u32 $0x380, s6;
	_ =	strace $0x80000047;
	s2 =	ssub.s32 s2, s10;
	v9 =	vsel vm2, $0x42700000, v9;
	v14 =	vunpack.c.l.s4.s8 v14;
	v11 =	vunpack.c.0.s8.s32 v11  }
0x2d: {  	s9 =	sadd.s32 s9, s31;
	s8 =	sor.u32 s8, s6;
	s6 =	sor.u32 s4, s6;
	v7 =	vcombine.low v15, v7;
	v15 =	vsel vm1, $0x42340000, v8;
	v8 =	vand.u32 $0xF, v10  }
0x2e: {  	s30 =	sshrl.u32 s11, $0x3;
	s8 =	sshrl.u32 s8, $0x3;
	s6 =	sshrl.u32 s6, $0x3;
	v14 =	vunpack.c.0.s8.s32 v14;
	v8 =	vcombine.low v11, v8;
	v11 =	vimm.s32 $0x7060504  }
0x2f: {  	s7 =	sadd.s32 $0xC350, s11;
	s1 =	sadd.s32 s8, s1;
	s5 =	sadd.s32 s5, s6;
	v17 =	vsel vm1, $0x42740000, v9;
	v9 =	vsel vm0, $0x42380000, v15;
	v15 =	vunpack.c.0.s8.s32 v11  }
0x30: {  	s6 =	sadd.s32 s0, s30;
	s8 =	sadd.s32 $0x186A0, s11;
	s29 =	sadd.s32 $0x800, s1;
	v10 =	vsel vm0, $0x42780000, v17;
	v14 =	vand.u32 $0x3, v14;
	v11 =	vand.u32 $0xF, v12  }
0x31: {  	s11 =	smax.u32 s2, $0x1;
	s10 =	sadd.s32 $0xA00, s1;
	[dreg:$0x5] =	wrdreg s29;
	v12 =	vand.u32 $0xF, v13;
	v13 =	vand.u32 $0xF, v16;
	v14 =	vsel vm15, v15, v14  }
.LBB2_1:
0x32: {  	s1 =	rddreg [dreg:$0x5]  }
0x33: {  	[tilespmem:s3], [sflag:$0x3] =	stream.linear.gather [hbm4b:s1+s3], $0x80, $0x38;
	[tilespmem:$0x1D700] =	vst v63  }
0x34: {  	_ =	swait.ge [sflag:s12], $0x80  }
0x35: {  	[sflag:s12] =	ssyncset.done $0x0  }
0x36: {  	s30 =	simm.s32 $0x400;
	s2 =	simm.s32 $0x80;
	[sflag:s12] =	ssyncadd.s32 $0xFFFFFF80  }
0x37: {  	[tilespmem:s2], [sflag:$0x3] =	stream.strided.gather [hbm4b:s5+s2], $0x100, s30, s2, $0x38;
	[tilespmem:$0x1D700] =	vst v63  }
0x38: {  	_ =	swait.ge [sflag:s12], $0x100  }
0x39: {  	[sflag:s12] =	ssyncset.done $0x0  }
0x3a: {  	s31 =	simm.s32 $0x180;
	s29 =	simm.s32 $0x0;
	[sflag:s12] =	ssyncadd.s32 $0xFFFFFF00  }
0x3b: {  	v15 =	vimm.s32 $0x0;
	[tilespmem:s31], [sflag:$0x1] =	stream.linear.gather [hbm4b:s6+s3], $0xC350, $0x38;
	[tilespmem:$0x1D700] =	vst v63  }
.LBB2_2:
0x3c: {  	s1 =	simm.s32 $0x200;
	s2 =	simm.s32 $0x0  }
.LBB2_3:
0x3d: {  	p0 =	sne.s32 s1, $0x8000;
	[tilespmem:s2+$0x18C80] =	vst v0;
	s13 =	smov.u32 s1;
	s1 =	sadd.s32 $0x200, s1  }
.Ltmp0:
0x3e: {  	[tilespmem:s2+$0x1B080] =	vst v1;
	(pc) =	sbr.rel @p0 .LBB2_3-.Ltmp0, $2  }
0x3f: {  	_ =	sdelay $0x2  }
0x40: {  	s2 =	sshra.s32 s13, $0x2  }
0x41: {  	[tilespmem:s2+$0x18C80] =	vst v0;
	s31 =	smul.u32 $0x186A0, s29  }
.Ltmp1:
0x42: {  	[tilespmem:s2+$0x1B080] =	vst v1;
	(pc) =	sbr.rel .LBB2_5-.Ltmp1, $4  }
0x43: {  	s13 =	simm.s32 $0x0;
	_ =	swait.ge [sflag:s16], $0xC350;
	s1 =	sadd.s32 s31, s7  }
0x44: {  	s30 =	simm.f32 $-1.000000020e+30;
	[sflag:s16] =	ssyncset.done $0x0;
	s1 =	sshrl.u32 s1, $0x3  }
0x45: {  	s2 =	simm.s32 $0x0;
	[sflag:s16] =	ssyncadd.s32 $0xFFFF3CB0;
	s1 =	sadd.s32 s0, s1  }
0x46: {  	[tilespmem:s17], [sflag:$0x2] =	stream.linear.gather [hbm4b:s1+s13], $0xC350, $0x38;
	[tilespmem:$0x1D700] =	vst v63  }
.LBB2_11:
0x47: {  	s13 =	ssub.s32 s1, s14  }
0x48: {  	v16 =	vmov s13  }
0x49: {  	vm0 =	vgt.s32 v16, v2  }
0x4a: {  	v16 =	vld.msk [tilespmem:s14+$0x18880], vm0  }
0x4b: {  	v17 =	vld.msk [tilespmem:s14+$0x18A80], vm0;
	_ =	sdelay $0x3  }
0x4c: {  	[tilespmem:s18+$0x0] =	vst.msk vm0, v16  }
0x4d: {  	[tilespmem:s19+$0x0] =	vst.msk vm0, v17  }
.LBB2_12:
0x4e: {  	s2 =	sadd.s32 $0x1, s2  }
0x4f: {  	p0 =	sne.s32 s2, $0x7D  }
.Ltmp2:
0x50: {  	_ = 	snop;
	(pc) =	sbr.rel @!p0 .LBB2_13-.Ltmp2, $1  }
0x51: {  	_ =	sdelay $0x3  }
.LBB2_5:
0x52: {  	s1 =	smul.u32 $0x190, s2;
	_ =	sdelay $0x1  }
0x53: {  	v41 =	vld [tilespmem:s1+$0x180]  }
0x54: {  	v40 =	vld [tilespmem:s1+$0x190]  }
0x55: {  	v39 =	vld [tilespmem:s1+$0x1A0]  }
0x56: {  	v38 =	vld [tilespmem:s1+$0x1B0]  }
0x57: {  	v37 =	vld [tilespmem:s1+$0x1C0]  }
0x58: {  	v36 =	vld [tilespmem:s1+$0x1D0];
	s25 =	sadd.s32 $0x80, s1  }
0x59: {  	v35 =	vld [tilespmem:s1+$0x1E0];
	s26 =	sand.u32 $0x70, s1;
	s14 =	sand.u32 $0x1FF80, s25;
	v16 =	vmax.f32 v41, v40  }
0x5a: {  	v34 =	vld [tilespmem:s1+$0x1F0];
	s14 =	sor.u32 s26, s14;
	v16 =	vmax.f32 v16, v39  }
0x5b: {  	v33 =	vld [tilespmem:s14+$0x180];
	v16 =	vmax.f32 v16, v38  }
0x5c: {  	v32 =	vld [tilespmem:s1+$0x210];
	v16 =	vmax.f32 v16, v37  }
0x5d: {  	v30 =	vld [tilespmem:s1+$0x220];
	v16 =	vmax.f32 v16, v36  }
0x5e: {  	v29 =	vld [tilespmem:s1+$0x230];
	v16 =	vmax.f32 v16, v35  }
0x5f: {  	v28 =	vld [tilespmem:s1+$0x240];
	v16 =	vmax.f32 v16, v34  }
0x60: {  	v27 =	vld [tilespmem:s1+$0x250];
	s15 =	sadd.s32 $0x100, s1;
	v16 =	vmax.f32 v16, v33  }
0x61: {  	v26 =	vld [tilespmem:s1+$0x260];
	s4 =	sand.u32 $0x1FF80, s15;
	v16 =	vmax.f32 v16, v32  }
0x62: {  	v25 =	vld [tilespmem:s1+$0x270];
	s14 =	sor.u32 s26, s4;
	v16 =	vmax.f32 v16, v30  }
0x63: {  	v24 =	vld [tilespmem:s14+$0x180];
	v16 =	vmax.f32 v16, v29  }
0x64: {  	v23 =	vld [tilespmem:s1+$0x290];
	v16 =	vmax.f32 v16, v28  }
0x65: {  	v22 =	vld [tilespmem:s1+$0x2A0];
	v16 =	vmax.f32 v16, v27  }
0x66: {  	v21 =	vld [tilespmem:s1+$0x2B0];
	v16 =	vmax.f32 v16, v26  }
0x67: {  	v20 =	vld [tilespmem:s1+$0x2C0];
	v16 =	vmax.f32 v16, v25  }
0x68: {  	v19 =	vld [tilespmem:s1+$0x2D0];
	s14 =	sadd.s32 $0x180, s1;
	v16 =	vmax.f32 v16, v24  }
0x69: {  	v18 =	vld [tilespmem:s1+$0x2E0];
	s4 =	sand.u32 $0x1FF80, s14;
	v16 =	vmax.f32 v16, v23  }
0x6a: {  	v17 =	vld [tilespmem:s1+$0x2F0];
	s4 =	sor.u32 s26, s4;
	v31 =	vmax.f32 v16, v22  }
0x6b: {  	v16 =	vld [tilespmem:s4+$0x180];
	v31 =	vmax.f32 v31, v21  }
0x6c: {  	v31 =	vmax.f32 v31, v20  }
0x6d: {  	v31 =	vmax.f32 v31, v19  }
0x6e: {  	v31 =	vmax.f32 v31, v18  }
0x6f: {  	v31 =	vmax.f32 v31, v17  }
0x70: {  	v31 =	vmax.f32 v31, v16  }
0x71: {  	vm0 =	vge.f32 v31, s30  }
0x72: {  	v31 =	vmpcnt.ones.xlane vm0;
	_ =	sdelay $0x1  }
0x73: {  	(v2sf) =	vpush v31, $0x0;
	_ =	sdelay $0xe  }
0x74: {  	s26 =	spop (v2sf)  }
0x75: {  	p0 =	slt.s32 s26, $0x1  }
.Ltmp3:
0x76: {  	_ = 	snop;
	(pc) =	sbr.rel @p0 .LBB2_12-.Ltmp3, $1  }
0x77: {  	_ =	sdelay $0x3  }
0x78: {  	v31 =	vmov s30  }
0x79: {  	vm3 =	vge.f32 v41, v31  }
0x7a: {  	v42 =	vmpcnt.ones.xlane vm3  }
0x7b: {  	vm4 =	vge.f32 v40, v31  }
0x7c: {  	v63 =	vmpcnt.ones.xlane vm4;
	(v2sf) =	vpush v42, $0x0  }
0x7d: {  	vm5 =	vge.f32 v39, v31  }
0x7e: {  	v45 =	vmpcnt.ones.xlane vm5;
	(v2sf) =	vpush v63, $0x0  }
0x7f: {  	vm6 =	vge.f32 v38, v31  }
0x80: {  	v46 =	vmpcnt.ones.xlane vm6;
	(v2sf) =	vpush v45, $0x0  }
0x81: {  	vm0 =	vge.f32 v37, v31  }
0x82: {  	v47 =	vmpcnt.ones.xlane vm0;
	(v2sf) =	vpush v46, $0x0  }
0x83: {  	vm1 =	vge.f32 v36, v31  }
0x84: {  	v48 =	vmpcnt.ones.xlane vm1;
	(v2sf) =	vpush v47, $0x0  }
0x85: {  	vm7 =	vge.f32 v35, v31  }
0x86: {  	v49 =	vmpcnt.ones.xlane vm7;
	(v2sf) =	vpush v48, $0x0  }
0x87: {  	vm9 =	vge.f32 v34, v31  }
0x88: {  	v50 =	vmpcnt.ones.xlane vm9;
	(v2sf) =	vpush v49, $0x0  }
0x89: {  	vm8 =	vge.f32 v33, v31  }
0x8a: {  	v51 =	vmpcnt.ones.xlane vm8;
	(v2sf) =	vpush v50, $0x0  }
0x8b: {  	v52 =	vor.u32 s1, v2;
	vm2 =	vge.f32 v32, v31;
	[tilespmem:s13+$0x18880] =	vst.msk vm3, v41;
	s4 =	spop (v2sf)  }
0x8c: {  	s26 =	sadd.s32 $0x10, s1;
	v53 =	vmpcnt.ones.xlane vm2;
	[tilespmem:s13+$0x18A80] =	vst.msk vm3, v52;
	(v2sf) =	vpush v51, $0x0;
	s4 =	sadd.s32 s13, s4  }
0x8d: {  	v54 =	vor.u32 s26, v2;
	vm12 =	vge.f32 v30, v31;
	s26 =	spop (v2sf);
	[tilespmem:s4+$0x18880] =	vst.msk vm4, v40  }
0x8e: {  	v55 =	vmpcnt.ones.xlane vm12;
	(v2sf) =	vpush v53, $0x0;
	[tilespmem:s4+$0x18A80] =	vst.msk vm4, v54;
	s4 =	sadd.s32 s4, s26;
	s26 =	sadd.s32 $0x20, s1  }
0x8f: {  	vm13 =	vge.f32 v29, v31;
	[tilespmem:s4+$0x18880] =	vst.msk vm5, v39;
	v56 =	vor.u32 s26, v2;
	s26 =	spop (v2sf)  }
0x90: {  	v57 =	vmpcnt.ones.xlane vm13;
	(v2sf) =	vpush v55, $0x0;
	[tilespmem:s4+$0x18A80] =	vst.msk vm5, v56;
	s4 =	sadd.s32 s4, s26;
	s26 =	sadd.s32 $0x30, s1  }
0x91: {  	vm14 =	vge.f32 v28, v31;
	[tilespmem:s4+$0x18880] =	vst.msk vm6, v38;
	v58 =	vor.u32 s26, v2;
	s26 =	spop (v2sf)  }
0x92: {  	v59 =	vmpcnt.ones.xlane vm14;
	(v2sf) =	vpush v57, $0x0;
	[tilespmem:s4+$0x18A80] =	vst.msk vm6, v58;
	s4 =	sadd.s32 s4, s26;
	s26 =	sadd.s32 $0x40, s1  }
0x93: {  	vm15 =	vge.f32 v27, v31;
	[tilespmem:s4+$0x18880] =	vst.msk vm0, v37;
	v60 =	vor.u32 s26, v2;
	s26 =	spop (v2sf)  }
0x94: {  	v61 =	vmpcnt.ones.xlane vm15;
	(v2sf) =	vpush v59, $0x0;
	[tilespmem:s4+$0x18A80] =	vst.msk vm0, v60;
	s4 =	sadd.s32 s4, s26;
	s26 =	sadd.s32 $0x50, s1  }
0x95: {  	vm0 =	vge.f32 v26, v31;
	[tilespmem:s4+$0x18880] =	vst.msk vm1, v36;
	v62 =	vor.u32 s26, v2;
	s26 =	spop (v2sf)  }
0x96: {  	(v2sf) =	vpush v61, $0x0;
	v63 =	vmpcnt.ones.xlane vm0;
	[tilespmem:s4+$0x18A80] =	vst.msk vm1, v62;
	s4 =	sadd.s32 s4, s26;
	s26 =	sadd.s32 $0x60, s1  }
0x97: {  	vm1 =	vge.f32 v25, v31;
	[tilespmem:s4+$0x18880] =	vst.msk vm7, v35;
	v37 =	vor.u32 s26, v2;
	s26 =	spop (v2sf)  }
0x98: {  	(v2sf) =	vpush v63, $0x0;
	v38 =	vmpcnt.ones.xlane vm1;
	[tilespmem:s4+$0x18A80] =	vst.msk vm7, v37;
	s4 =	sadd.s32 s4, s26;
	s26 =	sadd.s32 $0x70, s1  }
0x99: {  	vm7 =	vge.f32 v24, v31;
	[tilespmem:s4+$0x18880] =	vst.msk vm9, v34;
	v39 =	vor.u32 s26, v2;
	s26 =	spop (v2sf)  }
0x9a: {  	(v2sf) =	vpush v38, $0x0;
	v40 =	vmpcnt.ones.xlane vm7;
	[tilespmem:s4+$0x18A80] =	vst.msk vm9, v39;
	s4 =	sadd.s32 s4, s26  }
0x9b: {  	v41 =	vor.u32 s25, v2;
	s25 =	spop (v2sf);
	vm9 =	vge.f32 v23, v31;
	[tilespmem:s4+$0x18880] =	vst.msk vm8, v33  }
0x9c: {  	s26 =	sadd.s32 $0x90, s1;
	(v2sf) =	vpush v40, $0x0;
	v42 =	vmpcnt.ones.xlane vm9;
	[tilespmem:s4+$0x18A80] =	vst.msk vm8, v41;
	s4 =	sadd.s32 s4, s25  }
0x9d: {  	v43 =	vor.u32 s26, v2;
	s25 =	spop (v2sf);
	vm8 =	vge.f32 v22, v31;
	[tilespmem:s4+$0x18880] =	vst.msk vm2, v32  }
0x9e: {  	s26 =	sadd.s32 $0xA0, s1;
	(v2sf) =	vpush v42, $0x0;
	v44 =	vmpcnt.ones.xlane vm8;
	[tilespmem:s4+$0x18A80] =	vst.msk vm2, v43;
	s4 =	sadd.s32 s4, s25  }
0x9f: {  	v45 =	vor.u32 s26, v2;
	s25 =	spop (v2sf);
	vm2 =	vge.f32 v21, v31;
	[tilespmem:s4+$0x18880] =	vst.msk vm12, v30  }
0xa0: {  	s26 =	sadd.s32 $0xB0, s1;
	(v2sf) =	vpush v44, $0x0;
	v46 =	vmpcnt.ones.xlane vm2;
	[tilespmem:s4+$0x18A80] =	vst.msk vm12, v45;
	s4 =	sadd.s32 s4, s25  }
0xa1: {  	v47 =	vor.u32 s26, v2;
	s25 =	spop (v2sf);
	vm12 =	vge.f32 v20, v31;
	[tilespmem:s4+$0x18880] =	vst.msk vm13, v29  }
0xa2: {  	s26 =	sadd.s32 $0xC0, s1;
	(v2sf) =	vpush v46, $0x0;
	v48 =	vmpcnt.ones.xlane vm12;
	[tilespmem:s4+$0x18A80] =	vst.msk vm13, v47;
	s4 =	sadd.s32 s4, s25  }
0xa3: {  	v49 =	vor.u32 s26, v2;
	s25 =	spop (v2sf);
	vm13 =	vge.f32 v19, v31;
	[tilespmem:s4+$0x18880] =	vst.msk vm14, v28  }
0xa4: {  	s26 =	sadd.s32 $0xD0, s1;
	(v2sf) =	vpush v48, $0x0;
	v50 =	vmpcnt.ones.xlane vm13;
	[tilespmem:s4+$0x18A80] =	vst.msk vm14, v49;
	s4 =	sadd.s32 s4, s25  }
0xa5: {  	vm10 =	vge.f32 v18, v31;
	v51 =	vor.u32 s26, v2;
	s25 =	spop (v2sf);
	[tilespmem:s4+$0x18880] =	vst.msk vm15, v27  }
0xa6: {  	v52 =	vmpcnt.ones.xlane vm10;
	s26 =	sadd.s32 $0xE0, s1;
	vm14 =	vge.f32 v17, v31;
	(v2sf) =	vpush v50, $0x0;
	[tilespmem:s4+$0x18A80] =	vst.msk vm15, v51;
	s4 =	sadd.s32 s4, s25  }
0xa7: {  	v53 =	vor.u32 s26, v2;
	v54 =	vmpcnt.ones.xlane vm14;
	s25 =	spop (v2sf);
	vm15 =	vge.f32 v16, v31;
	[tilespmem:s4+$0x18880] =	vst.msk vm0, v26  }
0xa8: {  	s26 =	sadd.s32 $0xF0, s1;
	(v2sf) =	vpush v52, $0x0;
	v55 =	vmpcnt.ones.xlane vm15;
	[tilespmem:s4+$0x18A80] =	vst.msk vm0, v53;
	s4 =	sadd.s32 s4, s25  }
0xa9: {  	v56 =	vor.u32 s26, v2;
	(v2sf) =	vpush v54, $0x0;
	s25 =	spop (v2sf);
	[tilespmem:s4+$0x18880] =	vst.msk vm1, v25  }
0xaa: {  	(v2sf) =	vpush v55, $0x0;
	[tilespmem:s4+$0x18A80] =	vst.msk vm1, v56;
	s4 =	sadd.s32 s4, s25  }
0xab: {  	v57 =	vor.u32 s15, v2;
	s26 =	spop (v2sf);
	[tilespmem:s4+$0x18880] =	vst.msk vm7, v24  }
0xac: {  	s15 =	sadd.s32 $0x110, s1;
	[tilespmem:s4+$0x18A80] =	vst.msk vm7, v57;
	s4 =	sadd.s32 s4, s26  }
0xad: {  	v58 =	vor.u32 s15, v2;
	s25 =	spop (v2sf);
	[tilespmem:s4+$0x18880] =	vst.msk vm9, v23  }
0xae: {  	s26 =	sadd.s32 $0x120, s1;
	[tilespmem:s4+$0x18A80] =	vst.msk vm9, v58;
	s4 =	sadd.s32 s4, s25  }
0xaf: {  	v59 =	vor.u32 s26, v2;
	s15 =	spop (v2sf);
	[tilespmem:s4+$0x18880] =	vst.msk vm8, v22  }
0xb0: {  	s25 =	sadd.s32 $0x130, s1;
	[tilespmem:s4+$0x18A80] =	vst.msk vm8, v59;
	s4 =	sadd.s32 s4, s15  }
0xb1: {  	v60 =	vor.u32 s25, v2;
	s26 =	spop (v2sf);
	[tilespmem:s4+$0x18880] =	vst.msk vm2, v21  }
0xb2: {  	s15 =	sadd.s32 $0x140, s1;
	[tilespmem:s4+$0x18A80] =	vst.msk vm2, v60;
	s4 =	sadd.s32 s4, s26  }
0xb3: {  	v61 =	vor.u32 s15, v2;
	s25 =	spop (v2sf);
	[tilespmem:s4+$0x18880] =	vst.msk vm12, v20  }
0xb4: {  	s26 =	sadd.s32 $0x150, s1;
	[tilespmem:s4+$0x18A80] =	vst.msk vm12, v61;
	s4 =	sadd.s32 s4, s25  }
0xb5: {  	v62 =	vor.u32 s26, v2;
	s15 =	spop (v2sf);
	[tilespmem:s4+$0x18880] =	vst.msk vm13, v19  }
0xb6: {  	s25 =	sadd.s32 $0x160, s1;
	[tilespmem:s4+$0x18A80] =	vst.msk vm13, v62;
	s4 =	sadd.s32 s4, s15  }
0xb7: {  	v63 =	vor.u32 s25, v2;
	s26 =	spop (v2sf);
	[tilespmem:s4+$0x18880] =	vst.msk vm10, v18  }
0xb8: {  	s15 =	spop (v2sf);
	[tilespmem:s4+$0x18A80] =	vst.msk vm10, v63;
	s4 =	sadd.s32 s4, s26  }
0xb9: {  	s26 =	spop (v2sf);
	s13 =	sadd.s32 s4, s15  }
0xba: {  	s25 =	sadd.s32 $0x170, s1;
	s1 =	sadd.s32 s13, s26  }
0xbb: {  	p0 =	slt.s32 s1, $0x10  }
.Ltmp4:
0xbc: {  	_ = 	snop;
	(pc) =	sbr.rel @p0 .LBB2_11-.Ltmp4, $4  }
0xbd: {  	[tilespmem:s4+$0x18880] =	vst.msk vm14, v17;
	v17 =	vor.u32 s25, v2  }
0xbe: {  	[tilespmem:s4+$0x18A80] =	vst.msk vm14, v17  }
0xbf: {  	[tilespmem:s13+$0x18880] =	vst.msk vm15, v16;
	v16 =	vor.u32 s14, v2  }
0xc0: {  	s15 =	simm.s32 $0x10;
	s14 =	simm.s32 $0x0;
	[tilespmem:s13+$0x18A80] =	vst.msk vm15, v16  }
.LBB2_7:
0xc1: {  	v16 =	vld [tilespmem:s14+$0x18880]  }
0xc2: {  	v18 =	vld [tilespmem:s14+$0x18A80];
	s13 =	simm.s32 $0x0  }
0xc3: {  	v17 =	vld [tilespmem:s13+$0x18C80]  }
0xc4: {  	v19 =	vld [tilespmem:s13+$0x18D00]  }
0xc5: {  	v20 =	vld [tilespmem:s13+$0x18D80]  }
0xc6: {  	v24 =	vld [tilespmem:s13+$0x1B200]  }
0xc7: {  	v23 =	vld [tilespmem:s13+$0x1B080]  }
0xc8: {  	v25 =	vld [tilespmem:s13+$0x1B100];
	vm0 =	vgt.f32 v16, v17  }
0xc9: {  	v26 =	vld [tilespmem:s13+$0x18E00];
	v21 =	vsel vm0, v16, v17;
	v16 =	vsel vm0, v17, v16  }
0xca: {  	v27 =	vld [tilespmem:s13+$0x1B180];
	vm1 =	vgt.f32 v16, v19  }
0xcb: {  	v17 =	vld [tilespmem:s13+$0x19000];
	v22 =	vsel vm1, v16, v19;
	v19 =	vsel vm1, v19, v16  }
0xcc: {  	[tilespmem:s13+$0x18C80] =	vst v21;
	v21 =	vld [tilespmem:s13+$0x18E80];
	vm2 =	vgt.f32 v19, v20  }
0xcd: {  	v29 =	vsel vm0, v23, v18;
	v16 =	vld [tilespmem:s13+$0x1B280];
	[tilespmem:s13+$0x18D00] =	vst v22;
	v28 =	vsel vm2, v19, v20;
	v30 =	vsel vm2, v20, v19  }
0xce: {  	v22 =	vld [tilespmem:s13+$0x18F00];
	[tilespmem:s13+$0x18D80] =	vst v28;
	v28 =	vsel vm1, v29, v25;
	vm3 =	vgt.f32 v30, v26  }
0xcf: {  	v19 =	vld [tilespmem:s13+$0x1B300];
	v20 =	vsel vm0, v18, v23;
	[tilespmem:s13+$0x1B100] =	vst v28;
	v28 =	vsel vm1, v25, v29;
	v18 =	vsel vm3, v30, v26  }
0xd0: {  	v23 =	vld [tilespmem:s13+$0x18F80];
	v25 =	vsel vm2, v28, v27;
	v28 =	vsel vm2, v27, v28;
	v27 =	vsel vm3, v26, v30  }
0xd1: {  	s14 =	smov.u32 s15;
	s15 =	simm.s32 $0x1000;
	[tilespmem:s13+$0x18E00] =	vst v18;
	v18 =	vsel vm3, v24, v28;
	v26 =	vsel vm3, v28, v24;
	vm0 =	vgt.f32 v27, v21;
	v24 =	vld [tilespmem:s13+$0x1B380]  }
.LBB2_8:
0xd2: {  	s25 =	sshra.s32 s15, $0x2;
	p0 =	sne.s32 s15, $0x7000;
	s15 =	sadd.s32 $0x1000, s15;
	[tilespmem:s13+$0x1B180] =	vst v25;
	v25 =	vsel vm0, v27, v21;
	v21 =	vsel vm0, v21, v27;
	v27 =	vld [tilespmem:s13+$0x1B400]  }
0xd3: {  	v28 =	vld [tilespmem:s25+$0x18D00];
	[tilespmem:s13+$0x18E80] =	vst v25;
	vm1 =	vgt.f32 v21, v22  }
0xd4: {  	v25 =	vld [tilespmem:s25+$0x18C80];
	[tilespmem:s13+$0x1B200] =	vst v26;
	v26 =	vsel vm0, v16, v18;
	v29 =	vsel vm1, v21, v22;
	v21 =	vsel vm1, v22, v21  }
0xd5: {  	v22 =	vld [tilespmem:s25+$0x18D80];
	[tilespmem:s13+$0x18F00] =	vst v29;
	v29 =	vsel vm1, v26, v19;
	v19 =	vsel vm1, v19, v26;
	vm1 =	vgt.f32 v21, v23  }
0xd6: {  	v26 =	vld [tilespmem:s25+$0x1B200];
	[tilespmem:s13+$0x1B080] =	vst v20;
	v20 =	vsel vm1, v21, v23;
	v21 =	vsel vm1, v23, v21;
	v23 =	vsel vm1, v24, v19  }
0xd7: {  	v19 =	vsel vm1, v19, v24;
	v30 =	vld [tilespmem:s25+$0x1B080];
	[tilespmem:s13+$0x18F80] =	vst v20;
	vm1 =	vgt.f32 v21, v17  }
0xd8: {  	v20 =	vld [tilespmem:s25+$0x1B100];
	[tilespmem:s13+$0x1B380] =	vst v19;
	v19 =	vsel vm1, v21, v17;
	v17 =	vsel vm1, v17, v21;
	v24 =	vsel vm1, v27, v23  }
0xd9: {  	vm2 =	vgt.f32 v17, v25;
	v31 =	vld [tilespmem:s25+$0x18E00];
	[tilespmem:s13+$0x19000] =	vst v19;
	v19 =	vsel vm1, v23, v27  }
0xda: {  	v21 =	vsel vm2, v17, v25;
	v23 =	vsel vm2, v25, v17;
	v27 =	vld [tilespmem:s25+$0x1B180];
	[tilespmem:s13+$0x1B400] =	vst v19  }
0xdb: {  	v16 =	vsel vm0, v18, v16;
	[tilespmem:s25+$0x18C80] =	vst v21;
	vm1 =	vgt.f32 v23, v28;
	v17 =	vld [tilespmem:s25+$0x19000]  }
0xdc: {  	v18 =	vsel vm2, v30, v24;
	v19 =	vsel vm1, v23, v28;
	v23 =	vsel vm1, v28, v23;
	v21 =	vld [tilespmem:s25+$0x18E80];
	[tilespmem:s13+$0x1B280] =	vst v16  }
.Ltmp5:
0xdd: {  	[tilespmem:s25+$0x18D00] =	vst v19;
	v28 =	vsel vm1, v18, v20;
	v18 =	vsel vm1, v20, v18;
	vm0 =	vgt.f32 v23, v22;
	v16 =	vld [tilespmem:s25+$0x1B280];
	(pc) =	sbr.rel @p0 .LBB2_8-.Ltmp5, $4  }
0xde: {  	v20 =	vsel vm2, v24, v30;
	v19 =	vsel vm0, v23, v22;
	v23 =	vsel vm0, v22, v23;
	v22 =	vld [tilespmem:s25+$0x18F00];
	[tilespmem:s13+$0x1B300] =	vst v29;
	s13 =	smov.u32 s25  }
0xdf: {  	[tilespmem:s13+$0x18D80] =	vst v19;
	v25 =	vsel vm0, v18, v27;
	v24 =	vsel vm0, v27, v18;
	vm0 =	vgt.f32 v23, v31;
	v19 =	vld [tilespmem:s13+$0x1B300]  }
0xe0: {  	[tilespmem:s13+$0x1B100] =	vst v28;
	v28 =	vsel vm0, v23, v31;
	v27 =	vsel vm0, v31, v23;
	v18 =	vsel vm0, v26, v24;
	v23 =	vld [tilespmem:s13+$0x18F80]  }
0xe1: {  	v26 =	vsel vm0, v24, v26;
	[tilespmem:s13+$0x18E00] =	vst v28;
	vm0 =	vgt.f32 v27, v21;
	v24 =	vld [tilespmem:s13+$0x1B380]  }
0xe2: {  	[tilespmem:s13+$0x1B180] =	vst v25  }
0xe3: {  	v55 =	vsel vm0, v21, v27;
	[tilespmem:s13+$0x1B200] =	vst v26  }
0xe4: {  	v54 =	vsel vm0, v27, v21;
	[tilespmem:s13+$0x1B080] =	vst v20;
	vm1 =	vgt.f32 v55, v22  }
0xe5: {  	v56 =	vld [tilespmem:s13+$0x1B400];
	v58 =	vsel vm0, v16, v18;
	v16 =	vsel vm0, v18, v16;
	[tilespmem:s13+$0x18E80] =	vst v54;
	v21 =	vsel vm1, v22, v55  }
0xe6: {  	s15 =	sadd.s32 $0x10, s14;
	[tilespmem:s13+$0x1B280] =	vst v16;
	v57 =	vsel vm1, v55, v22;
	vm2 =	vgt.f32 v21, v23  }
0xe7: {  	p0 =	sle.s32 s15, s1;
	v59 =	vsel vm1, v19, v58;
	[tilespmem:s13+$0x18F00] =	vst v57;
	v60 =	vsel vm2, v21, v23;
	v21 =	vsel vm2, v23, v21  }
.Ltmp6:
0xe8: {  	v61 =	vsel vm2, v59, v24;
	[tilespmem:s13+$0x18F80] =	vst v60;
	vm3 =	vgt.f32 v21, v17;
	(pc) =	sbr.rel @p0 .LBB2_7-.Ltmp6, $4  }
0xe9: {  	v62 =	vsel vm2, v24, v59;
	[tilespmem:s13+$0x1B380] =	vst v61;
	v17 =	vsel vm3, v21, v17  }
0xea: {  	v63 =	vsel vm3, v62, v56;
	[tilespmem:s13+$0x19000] =	vst v17  }
0xeb: {  	[tilespmem:s13+$0x1B400] =	vst v63;
	v17 =	vsel vm1, v58, v19  }
0xec: {  	[tilespmem:s13+$0x1B300] =	vst v17  }
0xed: {  	v16 =	vld [tilespmem:$0x18E00];
	_ =	sdelay $0x4  }
0xee: {  	(xrf1) =	vsort.ascd.msk.f32 $0xffff, v16, v2;
	_ =	sdelay $0xd  }
0xef: {  	v16, _, _ =	vpop (xrf1)  }
0xf0: {  	(v2sf) =	vpush v16, $0x0;
	_ =	sdelay $0xa  }
.Ltmp7:
0xf1: {  	_ = 	snop;
	(pc) =	sbr.rel .LBB2_11-.Ltmp7, $2  }
0xf2: {  	_ =	sdelay $0x2  }
0xf3: {  	s30 =	spop (v2sf)  }
.LBB2_13:
.Ltmp8:
0xf4: {  	_ =	swait.ge [sflag:s20], $0xC350;
	p0 =	seq.s32 s29, $0x3;
	(pc) =	sbr.rel .LBB2_14-.Ltmp8, $4  }
0xf5: {  	[sflag:s20] =	ssyncset.done $0x0;
	s1 =	sadd.s32 @!p0 s31, s8  }
0xf6: {  	s2 =	simm.s32 @!p0 $0x0;
	s4 =	simm.s32 @!p0 $0x180;
	s1 =	sshrl.u32 @!p0 s1, $0x3  }
0xf7: {  	s31 =	simm.s32 $0x0;
	[sflag:s20] =	ssyncadd.s32 $0xFFFF3CB0;
	s1 =	sadd.s32 @!p0 s0, s1  }
0xf8: {  	[tilespmem:s4], [sflag:$0x1] =	stream.linear.gather @!p0 [hbm4b:s1+s2], $0xC350, $0x38;
	[tilespmem:$0x1D700] =	vst v63  }
.LBB2_20:
0xf9: {  	s13 =	ssub.s32 s1, s14  }
0xfa: {  	v16 =	vmov s13  }
0xfb: {  	vm0 =	vgt.s32 v16, v2  }
0xfc: {  	v16 =	vld.msk [tilespmem:s14+$0x18880], vm0  }
0xfd: {  	v17 =	vld.msk [tilespmem:s14+$0x18A80], vm0;
	_ =	sdelay $0x3  }
0xfe: {  	[tilespmem:s18+$0x0] =	vst.msk vm0, v16  }
0xff: {  	[tilespmem:s19+$0x0] =	vst.msk vm0, v17  }
.LBB2_21:
0x100: {  	s31 =	sadd.s32 $0x1, s31  }
0x101: {  	p0 =	sne.s32 s31, $0x7D  }
.Ltmp9:
0x102: {  	_ = 	snop;
	(pc) =	sbr.rel @!p0 .LBB2_22-.Ltmp9, $1  }
0x103: {  	_ =	sdelay $0x3  }
.LBB2_14:
0x104: {  	s2 =	smul.u32 $0x190, s31;
	_ =	sdelay $0x1  }
0x105: {  	v41 =	vld [tilespmem:s2+$0xC4D0];
	s15 =	sadd.s32 $0xC380, s2  }
0x106: {  	v40 =	vld [tilespmem:s2+$0xC4E0];
	s4 =	sand.u32 $0x70, s2;
	s1 =	sand.u32 $0x1FF80, s15  }
0x107: {  	v39 =	vld [tilespmem:s2+$0xC4F0];
	s1 =	sor.u32 s4, s1  }
0x108: {  	v38 =	vld [tilespmem:s1+$0x180]  }
0x109: {  	v37 =	vld [tilespmem:s2+$0xC510]  }
0x10a: {  	v36 =	vld [tilespmem:s2+$0xC520]  }
0x10b: {  	v35 =	vld [tilespmem:s2+$0xC530];
	v16 =	vmax.f32 v41, v40  }
0x10c: {  	v34 =	vld [tilespmem:s2+$0xC540];
	v16 =	vmax.f32 v16, v39  }
0x10d: {  	v33 =	vld [tilespmem:s2+$0xC550];
	s14 =	sadd.s32 $0xC400, s2;
	v16 =	vmax.f32 v16, v38  }
0x10e: {  	v32 =	vld [tilespmem:s2+$0xC560];
	s25 =	sand.u32 $0x1FF80, s14;
	v16 =	vmax.f32 v16, v37  }
0x10f: {  	v30 =	vld [tilespmem:s2+$0xC570];
	s1 =	sor.u32 s4, s25;
	v16 =	vmax.f32 v16, v36  }
0x110: {  	v29 =	vld [tilespmem:s1+$0x180];
	v16 =	vmax.f32 v16, v35  }
0x111: {  	v28 =	vld [tilespmem:s2+$0xC590];
	v16 =	vmax.f32 v16, v34  }
0x112: {  	v27 =	vld [tilespmem:s2+$0xC5A0];
	v16 =	vmax.f32 v16, v33  }
0x113: {  	v26 =	vld [tilespmem:s2+$0xC5B0];
	v16 =	vmax.f32 v16, v32  }
0x114: {  	v25 =	vld [tilespmem:s2+$0xC5C0];
	v16 =	vmax.f32 v16, v30  }
0x115: {  	v24 =	vld [tilespmem:s2+$0xC5D0];
	s1 =	sadd.s32 $0xC480, s2;
	v16 =	vmax.f32 v16, v29  }
0x116: {  	v23 =	vld [tilespmem:s2+$0xC5E0];
	s25 =	sand.u32 $0x1FF80, s1;
	v16 =	vmax.f32 v16, v28  }
0x117: {  	v22 =	vld [tilespmem:s2+$0xC5F0];
	s4 =	sor.u32 s4, s25;
	v16 =	vmax.f32 v16, v27  }
0x118: {  	v21 =	vld [tilespmem:s4+$0x180];
	v16 =	vmax.f32 v16, v26  }
0x119: {  	v20 =	vld [tilespmem:s2+$0xC610];
	v16 =	vmax.f32 v16, v25  }
0x11a: {  	v19 =	vld [tilespmem:s2+$0xC620];
	v16 =	vmax.f32 v16, v24  }
0x11b: {  	v18 =	vld [tilespmem:s2+$0xC630];
	v16 =	vmax.f32 v16, v23  }
0x11c: {  	v17 =	vld [tilespmem:s2+$0xC640];
	v31 =	vmax.f32 v16, v22  }
0x11d: {  	v16 =	vld [tilespmem:s2+$0xC650];
	v31 =	vmax.f32 v31, v21  }
0x11e: {  	v31 =	vmax.f32 v31, v20  }
0x11f: {  	v31 =	vmax.f32 v31, v19  }
0x120: {  	v31 =	vmax.f32 v31, v18  }
0x121: {  	v31 =	vmax.f32 v31, v17  }
0x122: {  	v31 =	vmax.f32 v31, v16  }
0x123: {  	vm0 =	vge.f32 v31, s30  }
0x124: {  	v31 =	vmpcnt.ones.xlane vm0;
	_ =	sdelay $0x1  }
0x125: {  	(v2sf) =	vpush v31, $0x0;
	_ =	sdelay $0xe  }
0x126: {  	s26 =	spop (v2sf)  }
0x127: {  	p0 =	slt.s32 s26, $0x1  }
.Ltmp10:
0x128: {  	_ = 	snop;
	(pc) =	sbr.rel @p0 .LBB2_21-.Ltmp10, $1  }
0x129: {  	_ =	sdelay $0x3  }
0x12a: {  	v31 =	vmov s30  }
0x12b: {  	vm3 =	vge.f32 v41, v31  }
0x12c: {  	v42 =	vmpcnt.ones.xlane vm3  }
0x12d: {  	vm7 =	vge.f32 v40, v31  }
0x12e: {  	v63 =	vmpcnt.ones.xlane vm7;
	(v2sf) =	vpush v42, $0x0  }
0x12f: {  	vm4 =	vge.f32 v39, v31  }
0x130: {  	v45 =	vmpcnt.ones.xlane vm4;
	(v2sf) =	vpush v63, $0x0  }
0x131: {  	vm5 =	vge.f32 v38, v31  }
0x132: {  	v46 =	vmpcnt.ones.xlane vm5;
	(v2sf) =	vpush v45, $0x0  }
0x133: {  	vm0 =	vge.f32 v37, v31  }
0x134: {  	v47 =	vmpcnt.ones.xlane vm0;
	(v2sf) =	vpush v46, $0x0  }
0x135: {  	vm1 =	vge.f32 v36, v31  }
0x136: {  	v48 =	vmpcnt.ones.xlane vm1;
	(v2sf) =	vpush v47, $0x0  }
0x137: {  	vm6 =	vge.f32 v35, v31  }
0x138: {  	v49 =	vmpcnt.ones.xlane vm6;
	(v2sf) =	vpush v48, $0x0  }
0x139: {  	vm9 =	vge.f32 v34, v31  }
0x13a: {  	v50 =	vmpcnt.ones.xlane vm9;
	(v2sf) =	vpush v49, $0x0  }
0x13b: {  	vm8 =	vge.f32 v33, v31  }
0x13c: {  	s4 =	sadd.s32 $0xC350, s2;
	v51 =	vmpcnt.ones.xlane vm8;
	(v2sf) =	vpush v50, $0x0  }
0x13d: {  	v52 =	vor.u32 s4, v2;
	vm2 =	vge.f32 v32, v31;
	[tilespmem:s13+$0x18880] =	vst.msk vm3, v41;
	s26 =	spop (v2sf)  }
0x13e: {  	s25 =	sadd.s32 $0xC360, s2;
	v53 =	vmpcnt.ones.xlane vm2;
	[tilespmem:s13+$0x18A80] =	vst.msk vm3, v52;
	(v2sf) =	vpush v51, $0x0;
	s4 =	sadd.s32 s13, s26  }
0x13f: {  	v54 =	vor.u32 s25, v2;
	vm12 =	vge.f32 v30, v31;
	s26 =	spop (v2sf);
	[tilespmem:s4+$0x18880] =	vst.msk vm7, v40  }
0x140: {  	s25 =	sadd.s32 $0xC370, s2;
	v55 =	vmpcnt.ones.xlane vm12;
	(v2sf) =	vpush v53, $0x0;
	[tilespmem:s4+$0x18A80] =	vst.msk vm7, v54;
	s4 =	sadd.s32 s4, s26  }
0x141: {  	vm13 =	vge.f32 v29, v31;
	v56 =	vor.u32 s25, v2;
	s26 =	spop (v2sf);
	[tilespmem:s4+$0x18880] =	vst.msk vm4, v39  }
0x142: {  	v57 =	vmpcnt.ones.xlane vm13;
	(v2sf) =	vpush v55, $0x0;
	[tilespmem:s4+$0x18A80] =	vst.msk vm4, v56;
	s4 =	sadd.s32 s4, s26  }
0x143: {  	v58 =	vor.u32 s15, v2;
	vm14 =	vge.f32 v28, v31;
	s15 =	spop (v2sf);
	[tilespmem:s4+$0x18880] =	vst.msk vm5, v38  }
0x144: {  	s25 =	sadd.s32 $0xC390, s2;
	v59 =	vmpcnt.ones.xlane vm14;
	(v2sf) =	vpush v57, $0x0;
	[tilespmem:s4+$0x18A80] =	vst.msk vm5, v58;
	s4 =	sadd.s32 s4, s15  }
0x145: {  	vm15 =	vge.f32 v27, v31;
	v60 =	vor.u32 s25, v2;
	s26 =	spop (v2sf);
	[tilespmem:s4+$0x18880] =	vst.msk vm0, v37  }
0x146: {  	v61 =	vmpcnt.ones.xlane vm15;
	(v2sf) =	vpush v59, $0x0;
	s15 =	sadd.s32 $0xC3A0, s2;
	[tilespmem:s4+$0x18A80] =	vst.msk vm0, v60;
	s4 =	sadd.s32 s4, s26  }
0x147: {  	s25 =	spop (v2sf);
	v62 =	vor.u32 s15, v2;
	vm0 =	vge.f32 v26, v31;
	[tilespmem:s4+$0x18880] =	vst.msk vm1, v36  }
0x148: {  	(v2sf) =	vpush v61, $0x0;
	s26 =	sadd.s32 $0xC3B0, s2;
	v63 =	vmpcnt.ones.xlane vm0;
	[tilespmem:s4+$0x18A80] =	vst.msk vm1, v62;
	s4 =	sadd.s32 s4, s25  }
0x149: {  	s15 =	spop (v2sf);
	v37 =	vor.u32 s26, v2;
	vm1 =	vge.f32 v25, v31;
	[tilespmem:s4+$0x18880] =	vst.msk vm6, v35  }
0x14a: {  	s25 =	sadd.s32 $0xC3C0, s2;
	(v2sf) =	vpush v63, $0x0;
	v38 =	vmpcnt.ones.xlane vm1;
	[tilespmem:s4+$0x18A80] =	vst.msk vm6, v37;
	s4 =	sadd.s32 s4, s15  }
0x14b: {  	s26 =	spop (v2sf);
	v39 =	vor.u32 s25, v2;
	vm6 =	vge.f32 v24, v31;
	[tilespmem:s4+$0x18880] =	vst.msk vm9, v34  }
0x14c: {  	s15 =	sadd.s32 $0xC3D0, s2;
	(v2sf) =	vpush v38, $0x0;
	v40 =	vmpcnt.ones.xlane vm6;
	[tilespmem:s4+$0x18A80] =	vst.msk vm9, v39;
	s4 =	sadd.s32 s4, s26  }
0x14d: {  	v41 =	vor.u32 s15, v2;
	s25 =	spop (v2sf);
	vm9 =	vge.f32 v23, v31;
	[tilespmem:s4+$0x18880] =	vst.msk vm8, v33  }
0x14e: {  	s26 =	sadd.s32 $0xC3E0, s2;
	(v2sf) =	vpush v40, $0x0;
	v42 =	vmpcnt.ones.xlane vm9;
	[tilespmem:s4+$0x18A80] =	vst.msk vm8, v41;
	s4 =	sadd.s32 s4, s25  }
0x14f: {  	v43 =	vor.u32 s26, v2;
	s15 =	spop (v2sf);
	vm8 =	vge.f32 v22, v31;
	[tilespmem:s4+$0x18880] =	vst.msk vm2, v32  }
0x150: {  	s25 =	sadd.s32 $0xC3F0, s2;
	(v2sf) =	vpush v42, $0x0;
	v44 =	vmpcnt.ones.xlane vm8;
	[tilespmem:s4+$0x18A80] =	vst.msk vm2, v43;
	s4 =	sadd.s32 s4, s15  }
0x151: {  	v45 =	vor.u32 s25, v2;
	s26 =	spop (v2sf);
	vm2 =	vge.f32 v21, v31;
	[tilespmem:s4+$0x18880] =	vst.msk vm12, v30  }
0x152: {  	(v2sf) =	vpush v44, $0x0;
	v46 =	vmpcnt.ones.xlane vm2;
	[tilespmem:s4+$0x18A80] =	vst.msk vm12, v45;
	s4 =	sadd.s32 s4, s26  }
0x153: {  	v47 =	vor.u32 s14, v2;
	s15 =	spop (v2sf);
	vm12 =	vge.f32 v20, v31;
	[tilespmem:s4+$0x18880] =	vst.msk vm13, v29  }
0x154: {  	s25 =	sadd.s32 $0xC410, s2;
	(v2sf) =	vpush v46, $0x0;
	v48 =	vmpcnt.ones.xlane vm12;
	[tilespmem:s4+$0x18A80] =	vst.msk vm13, v47;
	s4 =	sadd.s32 s4, s15  }
0x155: {  	v49 =	vor.u32 s25, v2;
	s26 =	spop (v2sf);
	vm13 =	vge.f32 v19, v31;
	[tilespmem:s4+$0x18880] =	vst.msk vm14, v28  }
0x156: {  	s14 =	sadd.s32 $0xC420, s2;
	(v2sf) =	vpush v48, $0x0;
	v50 =	vmpcnt.ones.xlane vm13;
	[tilespmem:s4+$0x18A80] =	vst.msk vm14, v49;
	s4 =	sadd.s32 s4, s26  }
0x157: {  	vm10 =	vge.f32 v18, v31;
	v51 =	vor.u32 s14, v2;
	s15 =	spop (v2sf);
	[tilespmem:s4+$0x18880] =	vst.msk vm15, v27  }
0x158: {  	v52 =	vmpcnt.ones.xlane vm10;
	s25 =	sadd.s32 $0xC430, s2;
	vm14 =	vge.f32 v17, v31;
	(v2sf) =	vpush v50, $0x0;
	[tilespmem:s4+$0x18A80] =	vst.msk vm15, v51;
	s4 =	sadd.s32 s4, s15  }
0x159: {  	v53 =	vor.u32 s25, v2;
	v54 =	vmpcnt.ones.xlane vm14;
	s26 =	spop (v2sf);
	vm15 =	vge.f32 v16, v31;
	[tilespmem:s4+$0x18880] =	vst.msk vm0, v26  }
0x15a: {  	s14 =	sadd.s32 $0xC440, s2;
	(v2sf) =	vpush v52, $0x0;
	v55 =	vmpcnt.ones.xlane vm15;
	[tilespmem:s4+$0x18A80] =	vst.msk vm0, v53;
	s4 =	sadd.s32 s4, s26  }
0x15b: {  	v56 =	vor.u32 s14, v2;
	(v2sf) =	vpush v54, $0x0;
	s15 =	spop (v2sf);
	[tilespmem:s4+$0x18880] =	vst.msk vm1, v25  }
0x15c: {  	s25 =	sadd.s32 $0xC450, s2;
	(v2sf) =	vpush v55, $0x0;
	[tilespmem:s4+$0x18A80] =	vst.msk vm1, v56;
	s4 =	sadd.s32 s4, s15  }
0x15d: {  	v57 =	vor.u32 s25, v2;
	s26 =	spop (v2sf);
	[tilespmem:s4+$0x18880] =	vst.msk vm6, v24  }
0x15e: {  	s14 =	sadd.s32 $0xC460, s2;
	[tilespmem:s4+$0x18A80] =	vst.msk vm6, v57;
	s4 =	sadd.s32 s4, s26  }
0x15f: {  	v58 =	vor.u32 s14, v2;
	s15 =	spop (v2sf);
	[tilespmem:s4+$0x18880] =	vst.msk vm9, v23  }
0x160: {  	s25 =	sadd.s32 $0xC470, s2;
	[tilespmem:s4+$0x18A80] =	vst.msk vm9, v58;
	s4 =	sadd.s32 s4, s15  }
0x161: {  	v59 =	vor.u32 s25, v2;
	s26 =	spop (v2sf);
	[tilespmem:s4+$0x18880] =	vst.msk vm8, v22  }
0x162: {  	[tilespmem:s4+$0x18A80] =	vst.msk vm8, v59;
	s4 =	sadd.s32 s4, s26  }
0x163: {  	v60 =	vor.u32 s1, v2;
	s14 =	spop (v2sf);
	[tilespmem:s4+$0x18880] =	vst.msk vm2, v21  }
0x164: {  	s15 =	sadd.s32 $0xC490, s2;
	[tilespmem:s4+$0x18A80] =	vst.msk vm2, v60;
	s4 =	sadd.s32 s4, s14  }
0x165: {  	v61 =	vor.u32 s15, v2;
	s25 =	spop (v2sf);
	[tilespmem:s4+$0x18880] =	vst.msk vm12, v20  }
0x166: {  	s26 =	sadd.s32 $0xC4A0, s2;
	[tilespmem:s4+$0x18A80] =	vst.msk vm12, v61;
	s4 =	sadd.s32 s4, s25  }
0x167: {  	v62 =	vor.u32 s26, v2;
	s14 =	spop (v2sf);
	[tilespmem:s4+$0x18880] =	vst.msk vm13, v19  }
0x168: {  	s15 =	sadd.s32 $0xC4B0, s2;
	[tilespmem:s4+$0x18A80] =	vst.msk vm13, v62;
	s4 =	sadd.s32 s4, s14  }
0x169: {  	v63 =	vor.u32 s15, v2;
	s25 =	spop (v2sf);
	[tilespmem:s4+$0x18880] =	vst.msk vm10, v18  }
0x16a: {  	s26 =	spop (v2sf);
	[tilespmem:s4+$0x18A80] =	vst.msk vm10, v63;
	s4 =	sadd.s32 s4, s25  }
0x16b: {  	s25 =	spop (v2sf);
	s15 =	sadd.s32 s4, s26  }
0x16c: {  	s1 =	sadd.s32 s15, s25  }
0x16d: {  	p0 =	slt.s32 s1, $0x10  }
.Ltmp11:
0x16e: {  	s14 =	sadd.s32 $0xC4C0, s2;
	(pc) =	sbr.rel @p0 .LBB2_20-.Ltmp11, $4  }
0x16f: {  	[tilespmem:s4+$0x18880] =	vst.msk vm14, v17;
	v17 =	vor.u32 s14, v2  }
0x170: {  	s26 =	sadd.s32 $0xC4D0, s2;
	[tilespmem:s4+$0x18A80] =	vst.msk vm14, v17  }
0x171: {  	[tilespmem:s15+$0x18880] =	vst.msk vm15, v16;
	v16 =	vor.u32 s26, v2  }
0x172: {  	s13 =	simm.s32 $0x10;
	s14 =	simm.s32 $0x0;
	[tilespmem:s15+$0x18A80] =	vst.msk vm15, v16  }
.LBB2_16:
0x173: {  	v16 =	vld [tilespmem:s14+$0x18880]  }
0x174: {  	v18 =	vld [tilespmem:s14+$0x18A80];
	s2 =	simm.s32 $0x0  }
0x175: {  	v17 =	vld [tilespmem:s2+$0x18C80]  }
0x176: {  	v19 =	vld [tilespmem:s2+$0x18D00]  }
0x177: {  	v20 =	vld [tilespmem:s2+$0x18D80]  }
0x178: {  	v24 =	vld [tilespmem:s2+$0x1B200]  }
0x179: {  	v23 =	vld [tilespmem:s2+$0x1B080]  }
0x17a: {  	v25 =	vld [tilespmem:s2+$0x1B100];
	vm0 =	vgt.f32 v16, v17  }
0x17b: {  	v26 =	vld [tilespmem:s2+$0x18E00];
	v21 =	vsel vm0, v16, v17;
	v16 =	vsel vm0, v17, v16  }
0x17c: {  	v27 =	vld [tilespmem:s2+$0x1B180];
	vm1 =	vgt.f32 v16, v19  }
0x17d: {  	v17 =	vld [tilespmem:s2+$0x19000];
	v22 =	vsel vm1, v16, v19;
	v19 =	vsel vm1, v19, v16  }
0x17e: {  	[tilespmem:s2+$0x18C80] =	vst v21;
	v21 =	vld [tilespmem:s2+$0x18E80];
	vm2 =	vgt.f32 v19, v20  }
0x17f: {  	v29 =	vsel vm0, v23, v18;
	v16 =	vld [tilespmem:s2+$0x1B280];
	[tilespmem:s2+$0x18D00] =	vst v22;
	v28 =	vsel vm2, v19, v20;
	v30 =	vsel vm2, v20, v19  }
0x180: {  	v22 =	vld [tilespmem:s2+$0x18F00];
	[tilespmem:s2+$0x18D80] =	vst v28;
	v28 =	vsel vm1, v29, v25;
	vm3 =	vgt.f32 v30, v26  }
0x181: {  	v19 =	vld [tilespmem:s2+$0x1B300];
	v20 =	vsel vm0, v18, v23;
	[tilespmem:s2+$0x1B100] =	vst v28;
	v28 =	vsel vm1, v25, v29;
	v18 =	vsel vm3, v30, v26  }
0x182: {  	v23 =	vld [tilespmem:s2+$0x18F80];
	v25 =	vsel vm2, v28, v27;
	v28 =	vsel vm2, v27, v28;
	v27 =	vsel vm3, v26, v30  }
0x183: {  	s14 =	smov.u32 s13;
	s13 =	simm.s32 $0x1000;
	[tilespmem:s2+$0x18E00] =	vst v18;
	v18 =	vsel vm3, v24, v28;
	v26 =	vsel vm3, v28, v24;
	vm0 =	vgt.f32 v27, v21;
	v24 =	vld [tilespmem:s2+$0x1B380]  }
.LBB2_17:
0x184: {  	s15 =	sshra.s32 s13, $0x2;
	p0 =	sne.s32 s13, $0x7000;
	s13 =	sadd.s32 $0x1000, s13;
	[tilespmem:s2+$0x1B180] =	vst v25;
	v25 =	vsel vm0, v27, v21;
	v21 =	vsel vm0, v21, v27;
	v27 =	vld [tilespmem:s2+$0x1B400]  }
0x185: {  	v28 =	vld [tilespmem:s15+$0x18D00];
	[tilespmem:s2+$0x18E80] =	vst v25;
	vm1 =	vgt.f32 v21, v22  }
0x186: {  	v25 =	vld [tilespmem:s15+$0x18C80];
	[tilespmem:s2+$0x1B200] =	vst v26;
	v26 =	vsel vm0, v16, v18;
	v29 =	vsel vm1, v21, v22;
	v21 =	vsel vm1, v22, v21  }
0x187: {  	v22 =	vld [tilespmem:s15+$0x18D80];
	[tilespmem:s2+$0x18F00] =	vst v29;
	v29 =	vsel vm1, v26, v19;
	v19 =	vsel vm1, v19, v26;
	vm1 =	vgt.f32 v21, v23  }
0x188: {  	v26 =	vld [tilespmem:s15+$0x1B200];
	[tilespmem:s2+$0x1B080] =	vst v20;
	v20 =	vsel vm1, v21, v23;
	v21 =	vsel vm1, v23, v21;
	v23 =	vsel vm1, v24, v19  }
0x189: {  	v19 =	vsel vm1, v19, v24;
	v30 =	vld [tilespmem:s15+$0x1B080];
	[tilespmem:s2+$0x18F80] =	vst v20;
	vm1 =	vgt.f32 v21, v17  }
0x18a: {  	v20 =	vld [tilespmem:s15+$0x1B100];
	[tilespmem:s2+$0x1B380] =	vst v19;
	v19 =	vsel vm1, v21, v17;
	v17 =	vsel vm1, v17, v21;
	v24 =	vsel vm1, v27, v23  }
0x18b: {  	vm2 =	vgt.f32 v17, v25;
	v31 =	vld [tilespmem:s15+$0x18E00];
	[tilespmem:s2+$0x19000] =	vst v19;
	v19 =	vsel vm1, v23, v27  }
0x18c: {  	v21 =	vsel vm2, v17, v25;
	v23 =	vsel vm2, v25, v17;
	v27 =	vld [tilespmem:s15+$0x1B180];
	[tilespmem:s2+$0x1B400] =	vst v19  }
0x18d: {  	v16 =	vsel vm0, v18, v16;
	[tilespmem:s15+$0x18C80] =	vst v21;
	vm1 =	vgt.f32 v23, v28;
	v17 =	vld [tilespmem:s15+$0x19000]  }
0x18e: {  	v18 =	vsel vm2, v30, v24;
	v19 =	vsel vm1, v23, v28;
	v23 =	vsel vm1, v28, v23;
	v21 =	vld [tilespmem:s15+$0x18E80];
	[tilespmem:s2+$0x1B280] =	vst v16  }
.Ltmp12:
0x18f: {  	[tilespmem:s15+$0x18D00] =	vst v19;
	v28 =	vsel vm1, v18, v20;
	v18 =	vsel vm1, v20, v18;
	vm0 =	vgt.f32 v23, v22;
	v16 =	vld [tilespmem:s15+$0x1B280];
	(pc) =	sbr.rel @p0 .LBB2_17-.Ltmp12, $4  }
0x190: {  	v20 =	vsel vm2, v24, v30;
	v19 =	vsel vm0, v23, v22;
	v23 =	vsel vm0, v22, v23;
	v22 =	vld [tilespmem:s15+$0x18F00];
	[tilespmem:s2+$0x1B300] =	vst v29;
	s2 =	smov.u32 s15  }
0x191: {  	[tilespmem:s2+$0x18D80] =	vst v19;
	v25 =	vsel vm0, v18, v27;
	v24 =	vsel vm0, v27, v18;
	vm0 =	vgt.f32 v23, v31;
	v19 =	vld [tilespmem:s2+$0x1B300]  }
0x192: {  	[tilespmem:s2+$0x1B100] =	vst v28;
	v28 =	vsel vm0, v23, v31;
	v27 =	vsel vm0, v31, v23;
	v18 =	vsel vm0, v26, v24;
	v23 =	vld [tilespmem:s2+$0x18F80]  }
0x193: {  	v26 =	vsel vm0, v24, v26;
	[tilespmem:s2+$0x18E00] =	vst v28;
	vm0 =	vgt.f32 v27, v21;
	v24 =	vld [tilespmem:s2+$0x1B380]  }
0x194: {  	[tilespmem:s2+$0x1B180] =	vst v25  }
0x195: {  	v55 =	vsel vm0, v21, v27;
	[tilespmem:s2+$0x1B200] =	vst v26  }
0x196: {  	v54 =	vsel vm0, v27, v21;
	[tilespmem:s2+$0x1B080] =	vst v20;
	vm1 =	vgt.f32 v55, v22  }
0x197: {  	v56 =	vld [tilespmem:s2+$0x1B400];
	v58 =	vsel vm0, v16, v18;
	v16 =	vsel vm0, v18, v16;
	[tilespmem:s2+$0x18E80] =	vst v54;
	v21 =	vsel vm1, v22, v55  }
0x198: {  	s13 =	sadd.s32 $0x10, s14;
	[tilespmem:s2+$0x1B280] =	vst v16;
	v57 =	vsel vm1, v55, v22;
	vm2 =	vgt.f32 v21, v23  }
0x199: {  	p0 =	sle.s32 s13, s1;
	v59 =	vsel vm1, v19, v58;
	[tilespmem:s2+$0x18F00] =	vst v57;
	v60 =	vsel vm2, v21, v23;
	v21 =	vsel vm2, v23, v21  }
.Ltmp13:
0x19a: {  	v61 =	vsel vm2, v59, v24;
	[tilespmem:s2+$0x18F80] =	vst v60;
	vm3 =	vgt.f32 v21, v17;
	(pc) =	sbr.rel @p0 .LBB2_16-.Ltmp13, $4  }
0x19b: {  	v62 =	vsel vm2, v24, v59;
	[tilespmem:s2+$0x1B380] =	vst v61;
	v17 =	vsel vm3, v21, v17  }
0x19c: {  	v63 =	vsel vm3, v62, v56;
	[tilespmem:s2+$0x19000] =	vst v17  }
0x19d: {  	[tilespmem:s2+$0x1B400] =	vst v63;
	v17 =	vsel vm1, v58, v19  }
0x19e: {  	[tilespmem:s2+$0x1B300] =	vst v17  }
0x19f: {  	v16 =	vld [tilespmem:$0x18E00];
	_ =	sdelay $0x4  }
0x1a0: {  	(xrf1) =	vsort.ascd.msk.f32 $0xffff, v16, v2;
	_ =	sdelay $0xd  }
0x1a1: {  	v16, _, _ =	vpop (xrf1)  }
0x1a2: {  	(v2sf) =	vpush v16, $0x0;
	_ =	sdelay $0xa  }
.Ltmp14:
0x1a3: {  	_ = 	snop;
	(pc) =	sbr.rel .LBB2_20-.Ltmp14, $2  }
0x1a4: {  	_ =	sdelay $0x2  }
0x1a5: {  	s30 =	spop (v2sf)  }
.LBB2_22:
0x1a6: {  	v16 =	vmov s13;
	s2 =	simm.s32 $0x0  }
0x1a7: {  	vm0 =	vgt.s32 v16, v2;
	v19 =	vld [tilespmem:s2+$0x18D00]  }
0x1a8: {  	v16 =	vld.msk [tilespmem:$0x18880], vm0  }
0x1a9: {  	v17 =	vld [tilespmem:s2+$0x18C80]  }
0x1aa: {  	v20 =	vld [tilespmem:s2+$0x18D80]  }
0x1ab: {  	v24 =	vld [tilespmem:s2+$0x1B200]  }
0x1ac: {  	v23 =	vld [tilespmem:s2+$0x1B080]  }
0x1ad: {  	v18 =	vld.msk [tilespmem:$0x18A80], vm0;
	v16 =	vnsel vm0, $0xF149F2CA, v16  }
0x1ae: {  	v25 =	vld [tilespmem:s2+$0x1B100];
	vm1 =	vgt.f32 v16, v17  }
0x1af: {  	v26 =	vld [tilespmem:s2+$0x18E00];
	v21 =	vsel vm1, v16, v17;
	v16 =	vsel vm1, v17, v16  }
0x1b0: {  	v27 =	vld [tilespmem:s2+$0x1B180];
	vm2 =	vgt.f32 v16, v19  }
0x1b1: {  	v17 =	vld [tilespmem:s2+$0x19000];
	v22 =	vsel vm2, v16, v19;
	v19 =	vsel vm2, v19, v16  }
0x1b2: {  	v18 =	vnsel vm0, $0x0, v18;
	[tilespmem:s2+$0x18C80] =	vst v21;
	v21 =	vld [tilespmem:s2+$0x18E80];
	vm3 =	vgt.f32 v19, v20  }
0x1b3: {  	v29 =	vsel vm1, v23, v18;
	v16 =	vld [tilespmem:s2+$0x1B280];
	[tilespmem:s2+$0x18D00] =	vst v22;
	v28 =	vsel vm3, v19, v20;
	v30 =	vsel vm3, v20, v19  }
0x1b4: {  	v22 =	vld [tilespmem:s2+$0x18F00];
	[tilespmem:s2+$0x18D80] =	vst v28;
	v28 =	vsel vm2, v29, v25;
	vm0 =	vgt.f32 v30, v26  }
0x1b5: {  	v20 =	vld [tilespmem:s2+$0x1B300];
	v19 =	vsel vm1, v18, v23;
	[tilespmem:s2+$0x1B100] =	vst v28;
	v28 =	vsel vm2, v25, v29;
	v18 =	vsel vm0, v30, v26  }
0x1b6: {  	v23 =	vld [tilespmem:s2+$0x18F80];
	v25 =	vsel vm3, v28, v27;
	v28 =	vsel vm3, v27, v28;
	v27 =	vsel vm0, v26, v30  }
0x1b7: {  	s1 =	simm.s32 $0x0;
	s13 =	simm.s32 $0x1000;
	[tilespmem:s2+$0x18E00] =	vst v18;
	v18 =	vsel vm0, v24, v28;
	v26 =	vsel vm0, v28, v24;
	vm0 =	vgt.f32 v27, v21;
	v24 =	vld [tilespmem:s2+$0x1B380]  }
.LBB2_23:
0x1b8: {  	s14 =	sshra.s32 s13, $0x2;
	p0 =	sne.s32 s13, $0x7000;
	s13 =	sadd.s32 $0x1000, s13;
	[tilespmem:s2+$0x1B180] =	vst v25;
	v25 =	vsel vm0, v27, v21;
	v21 =	vsel vm0, v21, v27;
	v27 =	vld [tilespmem:s2+$0x1B400]  }
0x1b9: {  	v28 =	vld [tilespmem:s14+$0x18D00];
	[tilespmem:s2+$0x18E80] =	vst v25;
	vm1 =	vgt.f32 v21, v22  }
0x1ba: {  	v25 =	vld [tilespmem:s14+$0x18C80];
	[tilespmem:s2+$0x1B200] =	vst v26;
	v26 =	vsel vm0, v16, v18;
	v29 =	vsel vm1, v21, v22;
	v21 =	vsel vm1, v22, v21  }
0x1bb: {  	v22 =	vld [tilespmem:s14+$0x18D80];
	[tilespmem:s2+$0x18F00] =	vst v29;
	v29 =	vsel vm1, v26, v20;
	v20 =	vsel vm1, v20, v26;
	vm1 =	vgt.f32 v21, v23  }
0x1bc: {  	v26 =	vld [tilespmem:s14+$0x1B200];
	[tilespmem:s2+$0x1B080] =	vst v19;
	v19 =	vsel vm1, v21, v23;
	v21 =	vsel vm1, v23, v21;
	v23 =	vsel vm1, v24, v20  }
0x1bd: {  	v30 =	vld [tilespmem:s14+$0x1B080];
	[tilespmem:s2+$0x18F80] =	vst v19;
	v19 =	vsel vm1, v20, v24;
	vm1 =	vgt.f32 v21, v17  }
0x1be: {  	v20 =	vld [tilespmem:s14+$0x1B100];
	[tilespmem:s2+$0x1B380] =	vst v19;
	v19 =	vsel vm1, v21, v17;
	v17 =	vsel vm1, v17, v21;
	v24 =	vsel vm1, v27, v23  }
0x1bf: {  	vm2 =	vgt.f32 v17, v25;
	v31 =	vld [tilespmem:s14+$0x18E00];
	[tilespmem:s2+$0x19000] =	vst v19;
	v19 =	vsel vm1, v23, v27  }
0x1c0: {  	v21 =	vsel vm2, v17, v25;
	v23 =	vsel vm2, v25, v17;
	v27 =	vld [tilespmem:s14+$0x1B180];
	[tilespmem:s2+$0x1B400] =	vst v19  }
0x1c1: {  	v16 =	vsel vm0, v18, v16;
	[tilespmem:s14+$0x18C80] =	vst v21;
	vm1 =	vgt.f32 v23, v28;
	v17 =	vld [tilespmem:s14+$0x19000]  }
0x1c2: {  	v18 =	vsel vm2, v30, v24;
	v19 =	vsel vm1, v23, v28;
	v23 =	vsel vm1, v28, v23;
	v21 =	vld [tilespmem:s14+$0x18E80];
	[tilespmem:s2+$0x1B280] =	vst v16  }
.Ltmp15:
0x1c3: {  	[tilespmem:s14+$0x18D00] =	vst v19;
	v28 =	vsel vm1, v18, v20;
	v18 =	vsel vm1, v20, v18;
	vm0 =	vgt.f32 v23, v22;
	v16 =	vld [tilespmem:s14+$0x1B280];
	(pc) =	sbr.rel @p0 .LBB2_23-.Ltmp15, $4  }
0x1c4: {  	v19 =	vsel vm2, v24, v30;
	v20 =	vsel vm0, v23, v22;
	v23 =	vsel vm0, v22, v23;
	v22 =	vld [tilespmem:s14+$0x18F00];
	[tilespmem:s2+$0x1B300] =	vst v29;
	s2 =	smov.u32 s14  }
0x1c5: {  	[tilespmem:s2+$0x18D80] =	vst v20;
	v25 =	vsel vm0, v18, v27;
	v24 =	vsel vm0, v27, v18;
	vm0 =	vgt.f32 v23, v31;
	v20 =	vld [tilespmem:s2+$0x1B300]  }
0x1c6: {  	[tilespmem:s2+$0x1B100] =	vst v28;
	v28 =	vsel vm0, v23, v31;
	v27 =	vsel vm0, v31, v23;
	v18 =	vsel vm0, v26, v24;
	v23 =	vld [tilespmem:s2+$0x18F80]  }
0x1c7: {  	v26 =	vsel vm0, v24, v26;
	[tilespmem:s2+$0x18E00] =	vst v28;
	vm0 =	vgt.f32 v27, v21;
	v24 =	vld [tilespmem:s2+$0x1B380]  }
0x1c8: {  	[tilespmem:s2+$0x1B180] =	vst v25  }
0x1c9: {  	v25 =	vsel vm0, v27, v21;
	v21 =	vsel vm0, v21, v27;
	[tilespmem:s2+$0x1B200] =	vst v26  }
0x1ca: {  	[tilespmem:s2+$0x1B080] =	vst v19;
	vm1 =	vgt.f32 v21, v22  }
0x1cb: {  	[tilespmem:s2+$0x18E80] =	vst v25;
	v25 =	vsel vm1, v21, v22;
	v21 =	vsel vm1, v22, v21;
	v22 =	vsel vm0, v16, v18  }
0x1cc: {  	v27 =	vld [tilespmem:s2+$0x1B400];
	v18 =	vsel vm0, v18, v16;
	v16 =	vimm.s32 $0x0;
	[tilespmem:s2+$0x18F00] =	vst v25;
	vm2 =	vgt.f32 v21, v23  }
0x1cd: {  	v25 =	vsel vm1, v20, v22;
	v20 =	vsel vm1, v22, v20;
	[tilespmem:s2+$0x1B280] =	vst v18;
	v18 =	vimm.s32 $0x0  }
0x1ce: {  	v19 =	vsel vm2, v21, v23;
	v21 =	vsel vm2, v23, v21;
	v22 =	vsel vm2, v24, v25;
	[tilespmem:s2+$0x1B300] =	vst v20  }
0x1cf: {  	v23 =	vimm.f32 $-1.000000020e+30;
	[tilespmem:s2+$0x18F80] =	vst v19;
	v19 =	vsel vm2, v25, v24;
	vm3 =	vgt.f32 v21, v17  }
0x1d0: {  	v20 =	vimm.s32 $0x0;
	v25 =	vimm.f32 $-1.000000020e+30;
	[tilespmem:s2+$0x1B380] =	vst v19;
	v17 =	vsel vm3, v21, v17  }
0x1d1: {  	v24 =	vimm.f32 $-1.000000020e+30;
	v21 =	vshll.u32 v16, $0x7;
	[tilespmem:s2+$0x19000] =	vst v17;
	v17 =	vsel vm3, v22, v27  }
0x1d2: {  	v19 =	vimm.s32 $0x0;
	v22 =	vimm.f32 $-1.000000020e+30;
	[tilespmem:s2+$0x1B400] =	vst v17;
	v17 =	vimm.s32 $0x0;
	s2 =	simm.s32 $0x1  }
.LBB2_25:
0x1d3: {  	p0 =	sne.s32 s2, $0x3F;
	v21 =	vor.u32 v2, v21;
	_ =	sdelay $0x4  }
0x1d4: {  	v26 =	vld.idx.msk [tilespmem:v21+s22+$0x0], $0xffff;
	_ =	sdelay $0x1  }
0x1d5: {  	v21 =	vld.idx.msk [tilespmem:v21+s21+$0x0], $0xffff;
	_ =	sdelay $0x3  }
0x1d6: {  	v26 =	vshll.u32 v26, $0x4  }
0x1d7: {  	v26 =	vor.u32 v2, v26  }
0x1d8: {  	(xrf1) =	vsort.dscd.msk.f32 $0xffff, v21, v26;
	_ =	sdelay $0xc  }
0x1d9: {  	s4 =	sadd.s32 $0xFFFFFFF0, s1;
	s13 =	sadd.s32 $0xFFFFFFE0, s1;
	v21 =	vmov s1  }
0x1da: {  	v26 =	vmov s13;
	vm0 =	veq.s32 v21, v2;
	v21 =	vmov s4;
	s4 =	sadd.s32 $0xFFFFFFD0, s1;
	s1 =	smov.u32 s2;
	v27, v28, _ =	vpop (xrf1)  }
0x1db: {  	v29 =	vmov s4;
	v27 =	vbroadcast v27, $0x0;
	(v2sf) =	vpush v28, $0x0  }
0x1dc: {  	vm2 =	veq.s32 v26, v2;
	vm1 =	veq.s32 v21, v2;
	vm3 =	veq.s32 v29, v2  }
0x1dd: {  	v25 =	vsel vm0, v27, v25;
	v22 =	vsel vm1, v27, v22;
	v23 =	vsel vm2, v27, v23  }
0x1de: {  	v24 =	vsel vm3, v27, v24;
	_ =	sdelay $0xb  }
0x1df: {  	s4 =	spop (v2sf)  }
0x1e0: {  	s13 =	sshrl.u32 s4, $0x4;
	s14 =	sshra.s32 s4, $0x1F  }
0x1e1: {  	s14 =	sshrl.u32 s14, $0x1C;
	v16 =	vsel vm0, s13, v16;
	v17 =	vsel vm1, s13, v17;
	v18 =	vsel vm2, s13, v18  }
0x1e2: {  	v19 =	vsel vm3, s13, v19;
	s14 =	sadd.s32 s14, s4  }
0x1e3: {  	s13 =	sand.u32 $0xFFFFFFF0, s14  }
0x1e4: {  	s4 =	ssub.s32 s4, s13  }
0x1e5: {  	v21 =	vmov s4  }
0x1e6: {  	vm0 =	veq.s32 v21, v2  }
.Ltmp16:
0x1e7: {  	v21 =	vsel vm0, $0x1, v1;
	(pc) =	sbr.rel @p0 .LBB2_25-.Ltmp16, $4  }
0x1e8: {  	v20 =	vadd.s32 v21, v20  }
0x1e9: {  	vm0 =	vlt.s32 v20, $0x40  }
0x1ea: {  	v20 =	vnsel vm0, $0x40, v20  }
0x1eb: {  	s2 =	sadd.s32 $0x1, s2;
	v21 =	vshll.u32 v20, $0x7  }
0x1ec: {  	v20 =	vor.u32 v2, v21;
	_ =	sdelay $0x4  }
0x1ed: {  	v21 =	vld.idx.msk [tilespmem:v20+s22+$0x0], $0xffff;
	_ =	sdelay $0x1  }
0x1ee: {  	v26 =	vld.idx.msk [tilespmem:v20+s21+$0x0], $0xffff;
	_ =	sdelay $0x2  }
0x1ef: {  	v20 =	vmov s29;
	v21 =	vshll.u32 v21, $0x4  }
0x1f0: {  	v21 =	vor.u32 v2, v21  }
0x1f1: {  	(xrf1) =	vsort.dscd.msk.f32 $0xffff, v26, v21;
	_ =	sdelay $0x2  }
0x1f2: {  	v53 =	vld.idx.msk [tilespmem:v20+s3+$0x0], $0xffff;
	_ =	sdelay $0x4  }
0x1f3: {  	s2 =	sor.u32 $0x4, s29;
	(erf) = vrcp.f32 v53  }
0x1f4: {  	v54 =	vmov s2;
	_ =	sdelay $0x4  }
0x1f5: {  	v26 =	vld.idx.msk [tilespmem:v54+s3+$0x0], $0xffff;
	v27, v21, _ =	vpop (xrf1)  }
0x1f6: {  	v28 =	vmov s1;
	v27 =	vbroadcast v27, $0x0  }
0x1f7: {  	vm0 =	veq.s32 v28, v2  }
0x1f8: {  	s31 =	sadd.s32 $0xFFFFFFF0, s1;
	v55 =	vpop (erf);
	v25 =	vsel vm0, v27, v25  }
0x1f9: {  	s4 =	sadd.s32 $0xFFFFFFE0, s1;
	v29 =	vmov s31;
	v25 =	vmul.f32 v55, v25  }
0x1fa: {  	s13 =	sadd.s32 $0xFFFFFFD0, s1;
	v30 =	vmov s4;
	vm1 =	veq.s32 v29, v2;
	vm4 =	vgt.f32 v26, v3  }
0x1fb: {  	v56 =	vmov s13;
	v31 =	vsel vm1, v27, v22;
	v22 =	vnsel vm4, $0xF149F2CA, v25  }
0x1fc: {  	vm2 =	veq.s32 v30, v2;
	v57 =	vmul.f32 v55, v31;
	v58 =	vbroadcast v22, $0x0  }
0x1fd: {  	vm3 =	veq.s32 v56, v2;
	vm5 =	vgt.f32 v26, v4;
	v59 =	vsel vm2, v27, v23  }
0x1fe: {  	v60 =	vmul.f32 v55, v59;
	v23 =	vnsel vm5, $0xF149F2CA, v57;
	v61 =	vsub.f32 v22, v58  }
0x1ff: {  	vm6 =	vgt.f32 v26, v9;
	v27 =	vsel vm3, v27, v24;
	v62 =	vsub.f32 v23, v58  }
0x200: {  	v63 =	vmul.f32 v55, v27;
	v24 =	vnsel vm6, $0xF149F2CA, v60;
	v32 =	vmul.f32 $1.442695020e+00, v61  }
0x201: {  	vm7 =	vgt.f32 v26, v10;
	v34 =	vsub.f32 v24, v58;
	v33 =	vmul.f32 $1.442695020e+00, v62  }
0x202: {  	v25 =	vnsel vm7, $0xF149F2CA, v63;
	(erf) = vpow2.f32 v32  }
0x203: {  	v36 =	vsub.f32 v25, v58;
	v35 =	vmul.f32 $1.442695020e+00, v34;
	(erf) = vpow2.f32 v33;
	_ =	sdelay $0x1  }
0x204: {  	v37 =	vmul.f32 $1.442695020e+00, v36;
	(erf) = vpow2.f32 v35;
	_ =	sdelay $0x1  }
0x205: {  	(erf) = vpow2.f32 v37;
	_ =	sdelay $0x3  }
0x206: {  	v38 =	vpop (erf)  }
0x207: {  	s14 =	sor.u32 $0x8, s29;
	v39 =	vpop (erf)  }
0x208: {  	s15 =	sor.u32 $0xC, s29;
	v40 =	vmov s14;
	v42 =	vadd.f32 v39, v38  }
0x209: {  	v41 =	vmov s15;
	v43 =	vpop (erf)  }
0x20a: {  	v30 =	vadd.f32 v42, v43  }
0x20b: {  	v32 =	vpop (erf)  }
0x20c: {  	v30 =	vadd.f32 v30, v32  }
0x20d: {  	v28 =	vld.idx.msk [tilespmem:v40+s3+$0x0], $0xffff  }
0x20e: {  	v29 =	vld.idx.msk [tilespmem:v41+s3+$0x0], $0xffff;
	[tilespmem:$0x1D480] =	vst v30  }
0x20f: {  	v33 =	vld.idx.msk [tilespmem:v5+s23+$0x0], $0xffff;
	_ =	sdelay $0x4  }
0x210: {  	v30 =	vadd.f32 v30, v33;
	_ =	sdelay $0x1  }
0x211: {  	[tilespmem:$0x1D480] =	vst v30  }
0x212: {  	v44 =	vld.idx.msk [tilespmem:v11+s23+$0x0], $0xffff;
	_ =	sdelay $0x4  }
0x213: {  	v30 =	vadd.f32 v30, v44;
	_ =	sdelay $0x1  }
0x214: {  	[tilespmem:$0x1D480] =	vst v30  }
0x215: {  	v45 =	vld.idx.msk [tilespmem:v12+s23+$0x0], $0xffff;
	_ =	sdelay $0x4  }
0x216: {  	v30 =	vadd.f32 v30, v45;
	_ =	sdelay $0x1  }
0x217: {  	[tilespmem:$0x1D480] =	vst v30  }
0x218: {  	v46 =	vld.idx.msk [tilespmem:v13+s23+$0x0], $0xffff;
	_ =	sdelay $0x4  }
0x219: {  	v30 =	vadd.f32 v30, v46;
	_ =	sdelay $0x1  }
0x21a: {  	(erf) = vrcp.f32 v30;
	_ =	sdelay $0x8  }
0x21b: {  	v30 =	vpop (erf)  }
0x21c: {  	v26 =	vmul.f32 v30, v38;
	_ =	sdelay $0x1  }
0x21d: {  	[tilespmem:$0x1D480] =	vst v26  }
0x21e: {  	v47 =	vld.idx.msk [tilespmem:v6+s23+$0x0], $0xffff;
	_ =	sdelay $0x3  }
0x21f: {  	vm8 =	veq.s32 v2, $0x0  }
0x220: {  	v33 =	vsel vm8, $0x0, v47  }
0x221: {  	v33 =	vadd.f32 v26, v33;
	_ =	sdelay $0x1  }
0x222: {  	[tilespmem:$0x1D480] =	vst v33  }
0x223: {  	v34 =	vld.idx.msk [tilespmem:v7+s23+$0x0], $0xffff;
	_ =	sdelay $0x3  }
0x224: {  	vm9 =	vmmov $0x3  }
0x225: {  	v34 =	vsel vm9, $0x0, v34  }
0x226: {  	v33 =	vadd.f32 v33, v34;
	_ =	sdelay $0x1  }
0x227: {  	[tilespmem:$0x1D480] =	vst v33  }
0x228: {  	v48 =	vld.idx.msk [tilespmem:v8+s23+$0x0], $0xffff;
	_ =	sdelay $0x3  }
0x229: {  	vm10 =	vmmov $0xf  }
0x22a: {  	v34 =	vsel vm10, $0x0, v48  }
0x22b: {  	v33 =	vadd.f32 v34, v33  }
0x22c: {  	v27 =	vmul.f32 v30, v39  }
0x22d: {  	[tilespmem:$0x1D480] =	vst v33  }
0x22e: {  	v49 =	vld.idx.msk [tilespmem:v14+s23+$0x0], $0xffff;
	[tilespmem:$0x1D480] =	vst v27  }
0x22f: {  	v35 =	vld.idx.msk [tilespmem:v6+s23+$0x0], $0xffff;
	_ =	sdelay $0x4  }
0x230: {  	v35 =	vsel vm8, $0x0, v35  }
0x231: {  	v35 =	vadd.f32 v35, v27;
	_ =	sdelay $0x1  }
0x232: {  	[tilespmem:$0x1D480] =	vst v35  }
0x233: {  	v36 =	vld.idx.msk [tilespmem:v7+s23+$0x0], $0xffff;
	_ =	sdelay $0x4  }
0x234: {  	v36 =	vsel vm9, $0x0, v36  }
0x235: {  	v35 =	vadd.f32 v36, v35;
	_ =	sdelay $0x1  }
0x236: {  	[tilespmem:$0x1D480] =	vst v35  }
0x237: {  	v50 =	vld.idx.msk [tilespmem:v8+s23+$0x0], $0xffff;
	_ =	sdelay $0x4  }
0x238: {  	v36 =	vsel vm10, $0x0, v50  }
0x239: {  	v35 =	vadd.f32 v36, v35  }
0x23a: {  	v31 =	vmul.f32 v30, v43  }
0x23b: {  	[tilespmem:$0x1D480] =	vst v35  }
0x23c: {  	v51 =	vld.idx.msk [tilespmem:v14+s23+$0x0], $0xffff;
	[tilespmem:$0x1D480] =	vst v31  }
0x23d: {  	v37 =	vld.idx.msk [tilespmem:v6+s23+$0x0], $0xffff;
	_ =	sdelay $0x4  }
0x23e: {  	v37 =	vsel vm8, $0x0, v37  }
0x23f: {  	v37 =	vadd.f32 v37, v31;
	_ =	sdelay $0x1  }
0x240: {  	[tilespmem:$0x1D480] =	vst v37  }
0x241: {  	v38 =	vld.idx.msk [tilespmem:v7+s23+$0x0], $0xffff;
	_ =	sdelay $0x4  }
0x242: {  	v38 =	vsel vm9, $0x0, v38  }
0x243: {  	v37 =	vadd.f32 v38, v37;
	_ =	sdelay $0x1  }
0x244: {  	[tilespmem:$0x1D480] =	vst v37  }
0x245: {  	v52 =	vld.idx.msk [tilespmem:v8+s23+$0x0], $0xffff;
	_ =	sdelay $0x4  }
0x246: {  	v38 =	vsel vm10, $0x0, v52  }
0x247: {  	v37 =	vadd.f32 v38, v37  }
0x248: {  	v30 =	vmul.f32 v30, v32  }
0x249: {  	[tilespmem:$0x1D480] =	vst v37  }
0x24a: {  	v53 =	vld.idx.msk [tilespmem:v14+s23+$0x0], $0xffff;
	[tilespmem:$0x1D480] =	vst v30  }
0x24b: {  	v54 =	vld.idx.msk [tilespmem:v6+s23+$0x0], $0xffff;
	_ =	sdelay $0x4  }
0x24c: {  	v38 =	vsel vm8, $0x0, v54  }
0x24d: {  	v38 =	vadd.f32 v38, v30;
	_ =	sdelay $0x1  }
0x24e: {  	[tilespmem:$0x1D480] =	vst v38  }
0x24f: {  	v39 =	vld.idx.msk [tilespmem:v7+s23+$0x0], $0xffff;
	_ =	sdelay $0x4  }
0x250: {  	v39 =	vsel vm9, $0x0, v39  }
0x251: {  	v38 =	vadd.f32 v39, v38;
	_ =	sdelay $0x1  }
0x252: {  	[tilespmem:$0x1D480] =	vst v38  }
0x253: {  	v55 =	vld.idx.msk [tilespmem:v8+s23+$0x0], $0xffff;
	_ =	sdelay $0x3  }
0x254: {  	vm14 =	vmmov $0xff  }
0x255: {  	v34 =	vsel vm14, $0x0, v49;
	v39 =	vsel vm10, $0x0, v55  }
0x256: {  	v33 =	vadd.f32 v34, v33;
	v38 =	vadd.f32 v39, v38;
	_ =	sdelay $0x1  }
0x257: {  	v61 =	vbroadcast v26, $0x0;
	v58 =	vadd.f32 $0.0e+00, v33;
	v57 =	vsel vm14, $0x0, v51;
	[tilespmem:$0x1D480] =	vst v38  }
0x258: {  	v34 =	vadd.f32 v57, v35;
	v56 =	vld.idx.msk [tilespmem:v14+s23+$0x0], $0xffff  }
0x259: {  	v29 =	vmul.f32 v61, v29;
	v33 =	vsub.f32 v33, v26;
	v35 =	vbroadcast v58, $0xF  }
0x25a: {  	v59 =	vadd.f32 v34, v58;
	v34 =	vsub.f32 v34, v27;
	v32 =	vsel vm14, $0x0, v53  }
0x25b: {  	vm12 =	vge.f32 v26, v29;
	vm15 =	vlt.f32 v33, v28;
	v32 =	vadd.f32 v32, v37  }
0x25c: {  	v36 =	vbroadcast v59, $0xF;
	v34 =	vadd.f32 v34, v35;
	vm8 =	vmand vm12, vm15  }
0x25d: {  	vm12 =	vmmov $0x1;
	v62 =	vadd.f32 v32, v59;
	v60 =	vsel vm14, $0x0, v56  }
0x25e: {  	vm4 =	vmand vm4, vm8;
	v32 =	vsub.f32 v32, v31;
	v37 =	vadd.f32 v60, v38  }
0x25f: {  	vm11 =	vge.f32 v27, v29;
	vm13 =	vlt.f32 v34, v28;
	vm4 =	vmor vm4, vm12  }
0x260: {  	v63 =	vbroadcast v62, $0xF;
	v32 =	vadd.f32 v32, v36;
	v37 =	vsub.f32 v37, v30  }
0x261: {  	v26 =	vnsel vm4, $0x0, v26;
	vm10 =	vmand vm11, vm13;
	vm13 =	vge.f32 v31, v29  }
0x262: {  	vm5 =	vmand vm5, vm10;
	vm14 =	vlt.f32 v32, v28;
	v37 =	vadd.f32 v37, v63  }
0x263: {  	v27 =	vnsel vm5, $0x0, v27;
	vm9 =	vmand vm13, vm14;
	vm14 =	vge.f32 v30, v29  }
0x264: {  	v38 =	vadd.f32 v27, v26;
	vm6 =	vmand vm6, vm9;
	vm15 =	vlt.f32 v37, v28  }
0x265: {  	v39 =	vnsel vm6, $0x0, v31;
	vm8 =	vmand vm14, vm15  }
0x266: {  	v28 =	vadd.f32 v39, v38;
	vm7 =	vmand vm7, vm8  }
0x267: {  	v30 =	vnsel vm7, $0x0, v30  }
0x268: {  	v28 =	vadd.f32 v30, v28;
	_ =	sdelay $0x1  }
0x269: {  	[tilespmem:$0x1D480] =	vst v28  }
0x26a: {  	v40 =	vld.idx.msk [tilespmem:v5+s23+$0x0], $0xffff;
	_ =	sdelay $0x4  }
0x26b: {  	v28 =	vadd.f32 v28, v40;
	_ =	sdelay $0x1  }
0x26c: {  	[tilespmem:$0x1D480] =	vst v28  }
0x26d: {  	v41 =	vld.idx.msk [tilespmem:v11+s23+$0x0], $0xffff;
	_ =	sdelay $0x4  }
0x26e: {  	v28 =	vadd.f32 v28, v41;
	_ =	sdelay $0x1  }
0x26f: {  	[tilespmem:$0x1D480] =	vst v28  }
0x270: {  	v42 =	vld.idx.msk [tilespmem:v12+s23+$0x0], $0xffff;
	_ =	sdelay $0x4  }
0x271: {  	v28 =	vadd.f32 v28, v42;
	_ =	sdelay $0x1  }
0x272: {  	s25 =	sshll.u32 s29, $0x6;
	[tilespmem:$0x1D480] =	vst v28  }
0x273: {  	v43 =	vld [tilespmem:s25+$0x80]  }
0x274: {  	v44 =	vld [tilespmem:s25+$0x90]  }
0x275: {  	v45 =	vld [tilespmem:s25+$0xA0]  }
0x276: {  	v46 =	vld [tilespmem:s25+$0xB0];
	_ =	sdelay $0x3  }
0x277: {  	v22 =	vadd.f32 v43, v22;
	v23 =	vadd.f32 v44, v23  }
0x278: {  	v24 =	vadd.f32 v45, v24;
	v25 =	vadd.f32 v46, v25  }
0x279: {  	v22 =	vnsel vm4, $0xF149F2CA, v22  }
0x27a: {  	v23 =	vnsel vm5, $0xF149F2CA, v23;
	v24 =	vnsel vm6, $0xF149F2CA, v24;
	v25 =	vnsel vm7, $0xF149F2CA, v25  }
0x27b: {  	v47 =	vmax.f32 v22, v23;
	v48 =	vmax.f32 v24, v25  }
0x27c: {  	v31 =	vmax.f32 v47, v48  }
0x27d: {  	(xrf1) =	vsort.dscd.msk.f32 $0xffff, v31, v2;
	_ =	sdelay $0xd  }
0x27e: {  	v31, _, _ =	vpop (xrf1)  }
0x27f: {  	v31 =	vbroadcast v31, $0x0;
	_ =	sdelay $0x1  }
0x280: {  	v49 =	vor.u32 $0x80000030, v2;
	vm15 =	veq.f32 v25, v31  }
0x281: {  	v51 =	vor.u32 $0x80000020, v2;
	vm8 =	veq.f32 v24, v31;
	v50 =	vnsel vm15, $0x80000040, v49  }
0x282: {  	v53 =	vor.u32 $0x80000010, v2;
	vm9 =	veq.f32 v23, v31;
	v52 =	vsel vm8, v51, v50  }
0x283: {  	v55 =	vor.u32 $0x80000000, v2;
	vm10 =	veq.f32 v22, v31;
	v54 =	vsel vm9, v53, v52  }
0x284: {  	v22 =	vsel vm10, v55, v54  }
0x285: {  	(xrf1) =	vsort.ascd.msk.u32 $0xffff, v22, v2;
	_ =	sdelay $0xb  }
0x286: {  	(v2sf) =	vpush v21, $0x0;
	_ =	sdelay $0x1  }
0x287: {  	v56 =	vld.idx.msk [tilespmem:v13+s23+$0x0], $0xffff;
	v22, _, _ =	vpop (xrf1)  }
0x288: {  	(v2sf) =	vpush v22, $0x0;
	_ =	sdelay $0x3  }
0x289: {  	v21 =	vadd.f32 v28, v56;
	_ =	sdelay $0x1  }
0x28a: {  	(erf) = vrcp.f32 v21;
	_ =	sdelay $0x5  }
0x28b: {  	s26 =	spop (v2sf)  }
0x28c: {  	s2 =	sshrl.u32 s26, $0x4  }
0x28d: {  	v16 =	vsel vm0, s2, v16;
	v17 =	vsel vm1, s2, v17  }
0x28e: {  	v18 =	vsel vm2, s2, v18;
	v19 =	vsel vm3, s2, v19;
	v61 =	vor.u32 $0x10, v2;
	v21 =	vpop (erf);
	s30 =	spop (v2sf)  }
0x28f: {  	v62 =	vor.u32 $0x20, v2;
	v63 =	vor.u32 $0x30, v2;
	v57 =	vmul.f32 v21, v26;
	s31 =	sxor.u32 $0x80000000, s30  }
0x290: {  	v58 =	vmul.f32 v21, v27;
	v59 =	vmul.f32 v21, v39;
	v60 =	vmov s31  }
0x291: {  	v21 =	vmul.f32 v21, v30;
	vm11 =	veq.s32 v60, v2;
	vm12 =	veq.s32 v60, v61  }
0x292: {  	[tilespmem:s25+$0x1D580] =	vst v57;
	vm13 =	veq.s32 v60, v62;
	v16 =	vnsel vm11, $0x0, v16;
	v17 =	vnsel vm12, $0x0, v17  }
0x293: {  	[tilespmem:s25+$0x1D590] =	vst v58;
	vm14 =	veq.s32 v60, v63;
	v18 =	vnsel vm13, $0x0, v18;
	v16 =	vadd.s32 v17, v16  }
0x294: {  	[tilespmem:s25+$0x1D5A0] =	vst v59;
	v17 =	vnsel vm14, $0x0, v19;
	v16 =	vadd.s32 v18, v16  }
0x295: {  	[tilespmem:s25+$0x1D5B0] =	vst v21;
	v16 =	vadd.s32 v17, v16  }
0x296: {  	[tilespmem:$0x1D500] =	vst v16  }
0x297: {  	v17 =	vld.idx.msk [tilespmem:v5+s24+$0x0], $0xffff;
	_ =	sdelay $0x4  }
0x298: {  	v16 =	vadd.s32 v17, v16  }
0x299: {  	[tilespmem:$0x1D500] =	vst v16  }
0x29a: {  	v17 =	vld.idx.msk [tilespmem:v11+s24+$0x0], $0xffff;
	_ =	sdelay $0x4  }
0x29b: {  	v16 =	vadd.s32 v17, v16  }
0x29c: {  	[tilespmem:$0x1D500] =	vst v16  }
0x29d: {  	v17 =	vld.idx.msk [tilespmem:v12+s24+$0x0], $0xffff;
	_ =	sdelay $0x4  }
0x29e: {  	v16 =	vadd.s32 v17, v16  }
0x29f: {  	[tilespmem:$0x1D500] =	vst v16  }
0x2a0: {  	s29 =	sadd.s32 $0x1, s29;
	v17 =	vld.idx.msk [tilespmem:v13+s24+$0x0], $0xffff  }
0x2a1: {  	p0 =	sne.s32 s29, $0x4  }
.Ltmp17:
0x2a2: {  	_ = 	snop;
	(pc) =	sbr.rel @p0 .LBB2_2-.Ltmp17, $3  }
0x2a3: {  	_ =	sdelay $0x1  }
0x2a4: {  	vm15 =	veq.s32 v20, v2;
	v16 =	vadd.s32 v17, v16  }
0x2a5: {  	v15 =	vsel vm15, v16, v15  }
0x2a6: {  	[tilespmem:$0x1D680] =	vst v15;
	s1 =	simm.s32 $0x1D580  }
0x2a7: {  	[hbm4b:s9+s3] =	stream.linear.scatter [tilespmem:s1], [sflag:$0x3], $0x100, $0x38;
	[tilespmem:$0x1D700] =	vst v63  }
0x2a8: {  	s28 =	sadd.s32 $0x1, s28;
	_ =	swait.ge [sflag:s12], $0x100  }
0x2a9: {  	p0 =	sne.s32 s28, s11;
	[sflag:s12] =	ssyncset.done $0x0  }
.Ltmp18:
0x2aa: {  	s31 =	simm.s32 $0x1D680;
	[sflag:s12] =	ssyncadd.s32 $0xFFFFFF00;
	(pc) =	sbr.rel @p0 .LBB2_1-.Ltmp18, $4  }
0x2ab: {  	[hbm4b:s10+s3] =	stream.linear.scatter [tilespmem:s31], [sflag:$0x3], $0x80, $0x38;
	[tilespmem:$0x1D700] =	vst v63  }
0x2ac: {  	_ =	swait.ge [sflag:s12], $0x80  }
0x2ad: {  	[sflag:s12] =	ssyncset.done $0x0  }
0x2ae: {  	[sflag:s12] =	ssyncadd.s32 $0xFFFFFF80  }
0x2af: {  	_ =	sfence.sel $0x180000  }
0x2b0: {  	[bflag:$0x0] =	sbarrier.arrive $0xFFFF  }
0x2b1: {  	_ =	strace $0x90000047  }
0x2b2: {  	s0 =	stileid.u32;
	[bflag:$0x2] =	sbarrier.arrive $0xFFFF  }
0x2b3: {  	p0 =	sne.s32 s0, $0x0;
	s0 =	rddreg [dreg:$0x4]  }
0x2b4: {  	s0 =	sadd.s32 @!p0 $0x100000, s0  }
0x2b5: {  	[sflag:s0] =	ssyncadd.tile.s32 @!p0 $0x1;
	_ =	shalt  }
.Lfunc_end2:
_tile_overlayer_lowered:
.L_overlay_start_2:
0x2b6: {  	(tag) =	ssettag $0x2  }
0x2b7: {  	s0 =	rddreg [dreg:$0x0];
	s2 =	stileid.u32  }
0x2b8: {  	s1 =	rddreg [dreg:$0x1];
	p0 =	sne.s32 s2, $0x0  }
0x2b9: {  	s3 =	rddreg [dreg:$0x2];
	[bflag:$0x3] =	sbarrier.arrive $0xFFFF;
	s2 =	simm.s32 @!p0 $0x1C03  }
0x2ba: {  	[timem:s3], [sflag:s2] =	dma.local @!p0 [hbm:s0], s1  }
0x2bb: {  	s0 =	simm.s32 @!p0 $0x3  }
0x2bc: {  	_ =	swait.ge @!p0 [sflag:s0], s1  }
0x2bd: {  	s1 =	ssub.s32 @!p0 $0x0, s1;
	[sflag:s0] =	ssyncset.done @!p0 $0x0  }
0x2be: {  	[sflag:s0] =	ssyncadd.s32 @!p0 s1  }
0x2bf: {  	[bflag:$0x3] =	sbarrier.arrive $0xFFFF  }
0x2c0: {  	_ =	shalt  }

</sc_bundles>
